<compile_context>
chip_gen: v7x
topology: tpu7x:2x2x1
jax: 0.10.2.dev20260603
libtpu: 0.0.44.dev20260713+nightly
codegen_flags: <defaults>
</compile_context>

<pallas_src>
import functools

import jax
import jax.numpy as jnp
from jax import lax
from jax.experimental import pallas as pl
from jax.experimental.pallas import tpu as pltpu
from jax.experimental.pallas import tpu_sc as plsc

_N = 10000
_E = 160000
_G = 64
_EPS = 1e-5
_ROWS = 1000

_NSUB = 16
_BLK = 128
_NBLK = 80
_EPAD = _NSUB * _NBLK * _BLK
_ACCROWS = _N + 16
_DEGROWS = 10240


def _deg_sc(dstp):
    mesh = plsc.VectorSubcoreMesh(core_axis_name="c", subcore_axis_name="s")

    @functools.partial(
        pl.kernel, mesh=mesh,
        compiler_params=pltpu.CompilerParams(needs_layout_passes=False),
        out_type=jax.ShapeDtypeStruct((2, _DEGROWS), jnp.float32),
        scratch_types=[
            pltpu.VMEM((_NBLK // 2, _BLK), jnp.int32),
            pltpu.VMEM((_DEGROWS,), jnp.float32),
            pltpu.VMEM((_NSUB, 640), jnp.float32),
            pltpu.VMEM_SHARED((_NSUB, _DEGROWS), jnp.float32),
        ])
    def k(dst_h, out_h, idx_v, part, red, shp):
        cid = lax.axis_index("c")
        sid = lax.axis_index("s")
        pltpu.sync_copy(dst_h.at[sid].at[pl.ds(cid * (_NBLK // 2),
                                               _NBLK // 2)], idx_v)

        @pl.loop(0, _DEGROWS, step=16)
        def _(r):
            part[pl.ds(r, 16)] = jnp.zeros((16,), jnp.float32)

        ones = jnp.ones((16,), jnp.float32)

        @pl.loop(0, _NBLK // 2)
        def _(j):
            @pl.loop(0, _BLK, step=16)
            def _(l):
                plsc.addupdate_scatter(part, [idx_v[j, pl.ds(l, 16)]], ones)

        pltpu.sync_copy(part, shp.at[sid])
        plsc.subcore_barrier()
        pltpu.sync_copy(shp.at[:, pl.ds(sid * 640, 640)], red)

        @pl.loop(0, 640, step=16)
        def _(l):
            acc16 = red[0, pl.ds(l, 16)]
            for t in range(1, _NSUB):
                acc16 = acc16 + red[t, pl.ds(l, 16)]
            red[0, pl.ds(l, 16)] = acc16

        pltpu.sync_copy(red.at[0], out_h.at[cid].at[pl.ds(sid * 640, 640)])

    return k(dstp)


def _seg_sum(vals, srcp, dstp):
    C = vals.shape[0]
    cpc = C // 2
    mesh = plsc.VectorSubcoreMesh(core_axis_name="c", subcore_axis_name="s")

    @functools.partial(
        pl.kernel, mesh=mesh,
        out_type=jax.ShapeDtypeStruct((C, _N, 128), jnp.float32),
        scratch_types=[
            pltpu.VMEM((_NBLK, _BLK), jnp.int32),
            pltpu.VMEM((_NBLK // 2, _BLK), jnp.int32),
            pltpu.VMEM((_BLK, 128), jnp.float32),
            pltpu.VMEM((_BLK, 128), jnp.float32),
            pltpu.VMEM_SHARED((_ACCROWS, 128), jnp.float32),
            pltpu.SemaphoreType.DMA,
            pltpu.SemaphoreType.DMA,
            pltpu.SemaphoreType.DMA,
            pltpu.SemaphoreType.DMA,
        ])
    def k(vals_h, src_h, dst_h, out_h, src_v, dst_v, g0, g1, acc,
          sem0, sem1, ssem0, ssem1):
        cid = lax.axis_index("c")
        sid = lax.axis_index("s")

        pltpu.sync_copy(src_h.at[sid], src_v)
        half = _NBLK // 2

        for t in range(cpc):
            chunk = cid * cpc + t
            vc = vals_h.at[chunk]

            @pl.loop(0, _BLK)
            def _(r):
                @pl.loop(0, 128, step=16)
                def _(l):
                    g0[r, pl.ds(l, 16)] = jnp.zeros((16,), jnp.float32)

            @pl.loop(0, 4)
            def _(z):
                pltpu.sync_copy(g0, acc.at[pl.ds(sid * 626 + z * 128, 128)])

            pltpu.sync_copy(g0.at[pl.ds(0, 114)],
                            acc.at[pl.ds(sid * 626 + 512, 114)])
            plsc.subcore_barrier()

            for gi in range(2):
                base = gi * half
                pltpu.sync_copy(dst_h.at[sid].at[pl.ds(base, half)], dst_v)
                pltpu.async_copy(vc.at[src_v.at[base]], g0, sem0)
                pltpu.async_copy(vc.at[src_v.at[base + 1]], g1, sem1)

                @pl.loop(0, half - 2, step=2)
                def _(j):
                    pltpu.make_async_copy(
                        vc.at[src_v.at[base + j]], g0, sem0).wait()
                    pltpu.async_copy(g0, acc.at[dst_v.at[j]], ssem0,
                                     add=True)
                    pltpu.make_async_copy(
                        vc.at[src_v.at[base + j + 1]], g1, sem1).wait()
                    pltpu.async_copy(g1, acc.at[dst_v.at[j + 1]], ssem1,
                                     add=True)
                    pltpu.make_async_copy(g0, acc.at[dst_v.at[j]],
                                          ssem0).wait()
                    pltpu.async_copy(vc.at[src_v.at[base + j + 2]], g0, sem0)
                    pltpu.make_async_copy(g1, acc.at[dst_v.at[j + 1]],
                                          ssem1).wait()
                    pltpu.async_copy(vc.at[src_v.at[base + j + 3]], g1, sem1)

                pltpu.make_async_copy(
                    vc.at[src_v.at[base + half - 2]], g0, sem0).wait()
                pltpu.sync_copy(g0, acc.at[dst_v.at[half - 2]], add=True)
                pltpu.make_async_copy(
                    vc.at[src_v.at[base + half - 1]], g1, sem1).wait()
                pltpu.sync_copy(g1, acc.at[dst_v.at[half - 1]], add=True)

            plsc.subcore_barrier()
            pltpu.sync_copy(acc.at[pl.ds(sid * 624, 624)],
                            out_h.at[chunk].at[pl.ds(sid * 624, 624)])

            @pl.when(sid == 0)
            def _():
                pltpu.sync_copy(acc.at[pl.ds(9984, 16)],
                                out_h.at[chunk].at[pl.ds(9984, 16)])

            plsc.subcore_barrier()

    return k(vals, srcp, dstp)



def _scale_split_body(x_ref, dis_ref, o_ref):
    xd = x_ref[...] * dis_ref[...]
    o_ref[0] = xd[:, 0:128]
    o_ref[1] = xd[:, 128:256]


def _scale_split(x, dis):
    return pl.pallas_call(
        _scale_split_body,
        grid=(_N // _ROWS,),
        in_specs=[
            pl.BlockSpec((_ROWS, 256), lambda i: (i, 0)),
            pl.BlockSpec((_ROWS, 1), lambda i: (i, 0)),
        ],
        out_specs=pl.BlockSpec((2, _ROWS, 128), lambda i: (0, i, 0)),
        out_shape=jax.ShapeDtypeStruct((2, _N, 128), jnp.float32),
    )(x, dis)


def _mm_stats_body(agg_ref, xd_ref, dis_ref, w_ref, b_ref, y_ref, acc_ref):
    a = jnp.concatenate(
        [agg_ref[0] + xd_ref[0], agg_ref[1] + xd_ref[1]], axis=1)
    a = a * dis_ref[...]
    y = jnp.dot(a, w_ref[...], preferred_element_type=jnp.float32)
    y = y + b_ref[...][None, :]
    y_ref[...] = y

    @pl.when(pl.program_id(0) == 0)
    def _():
        acc_ref[...] = jnp.zeros_like(acc_ref)

    acc_ref[0:1, :] += jnp.sum(y, axis=0, keepdims=True)
    acc_ref[1:2, :] += jnp.sum(y * y, axis=0, keepdims=True)


def _mm_stats(agg, xd, dis, w, b):
    d = w.shape[1]
    return pl.pallas_call(
        _mm_stats_body,
        grid=(_N // _ROWS,),
        in_specs=[
            pl.BlockSpec((2, _ROWS, 128), lambda i: (0, i, 0)),
            pl.BlockSpec((2, _ROWS, 128), lambda i: (0, i, 0)),
            pl.BlockSpec((_ROWS, 1), lambda i: (i, 0)),
            pl.BlockSpec((256, d), lambda i: (0, 0)),
            pl.BlockSpec((d,), lambda i: (0,)),
        ],
        out_specs=[
            pl.BlockSpec((_ROWS, d), lambda i: (i, 0)),
            pl.BlockSpec((8, d), lambda i: (0, 0)),
        ],
        out_shape=[
            jax.ShapeDtypeStruct((_N, d), jnp.float32),
            jax.ShapeDtypeStruct((8, d), jnp.float32),
        ],
    )(agg, xd, dis, w, b)


def _bn_tanh_mm_body(y_ref, acc_ref, g_ref, be_ref, dis_ref, w_ref, p_ref):
    m = acc_ref[0:1, :] / _N
    v = acc_ref[1:2, :] / _N - m * m
    h = jnp.tanh((y_ref[...] - m) * lax.rsqrt(v + _EPS) * g_ref[...][None, :]
                 + be_ref[...][None, :])
    hd = h * dis_ref[...]
    p = jnp.dot(hd, w_ref[...], preferred_element_type=jnp.float32)
    for c in range(4):
        p_ref[c] = p[:, c * 128:(c + 1) * 128]


def _bn_tanh_mm(y, acc, g, be, dis, w):
    d = y.shape[1]
    do = w.shape[1]
    return pl.pallas_call(
        _bn_tanh_mm_body,
        grid=(_N // _ROWS,),
        in_specs=[
            pl.BlockSpec((_ROWS, d), lambda i: (i, 0)),
            pl.BlockSpec((8, d), lambda i: (0, 0)),
            pl.BlockSpec((d,), lambda i: (0,)),
            pl.BlockSpec((d,), lambda i: (0,)),
            pl.BlockSpec((_ROWS, 1), lambda i: (i, 0)),
            pl.BlockSpec((d, do), lambda i: (0, 0)),
        ],
        out_specs=pl.BlockSpec((4, _ROWS, 128), lambda i: (0, i, 0)),
        out_shape=jax.ShapeDtypeStruct((4, _N, 128), jnp.float32),
    )(y, acc, g, be, dis, w)


def _combine_stats_body(agg_ref, p_ref, dis_ref, b_ref, y_ref, acc_ref):
    y = jnp.concatenate([agg_ref[c] + p_ref[c] for c in range(4)], axis=1)
    y = y * dis_ref[...] + b_ref[...][None, :]
    y_ref[...] = y

    @pl.when(pl.program_id(0) == 0)
    def _():
        acc_ref[...] = jnp.zeros_like(acc_ref)

    acc_ref[0:1, :] += jnp.sum(y, axis=0, keepdims=True)
    acc_ref[1:2, :] += jnp.sum(y * y, axis=0, keepdims=True)


def _combine_stats(agg, p, dis, b):
    d = b.shape[0]
    return pl.pallas_call(
        _combine_stats_body,
        grid=(_N // _ROWS,),
        in_specs=[
            pl.BlockSpec((4, _ROWS, 128), lambda i: (0, i, 0)),
            pl.BlockSpec((4, _ROWS, 128), lambda i: (0, i, 0)),
            pl.BlockSpec((_ROWS, 1), lambda i: (i, 0)),
            pl.BlockSpec((d,), lambda i: (0,)),
        ],
        out_specs=[
            pl.BlockSpec((_ROWS, d), lambda i: (i, 0)),
            pl.BlockSpec((8, d), lambda i: (0, 0)),
        ],
        out_shape=[
            jax.ShapeDtypeStruct((_N, d), jnp.float32),
            jax.ShapeDtypeStruct((8, d), jnp.float32),
        ],
    )(agg, p, dis, b)


def _bn_tanh_pool_body(y_ref, acc_ref, g_ref, be_ref, batch_ref, s_ref,
                       cnt_ref):
    m = acc_ref[0:1, :] / _N
    v = acc_ref[1:2, :] / _N - m * m
    h = jnp.tanh((y_ref[...] - m) * lax.rsqrt(v + _EPS) * g_ref[...][None, :]
                 + be_ref[...][None, :])
    onehot = (batch_ref[...] ==
              jax.lax.broadcasted_iota(jnp.int32, (1, _G), 1)).astype(jnp.float32)

    @pl.when(pl.program_id(0) == 0)
    def _():
        s_ref[...] = jnp.zeros_like(s_ref)
        cnt_ref[...] = jnp.zeros_like(cnt_ref)

    dims = (((0,), (0,)), ((), ()))
    s_ref[...] += jax.lax.dot_general(onehot, h, dims,
                                      preferred_element_type=jnp.float32)
    cnt_ref[...] += jax.lax.dot_general(
        onehot, jnp.ones((onehot.shape[0], 128), jnp.float32), dims,
        preferred_element_type=jnp.float32)


def _bn_tanh_pool(y, acc, g, be, batch):
    d = y.shape[1]
    return pl.pallas_call(
        _bn_tanh_pool_body,
        grid=(_N // _ROWS,),
        in_specs=[
            pl.BlockSpec((_ROWS, d), lambda i: (i, 0)),
            pl.BlockSpec((8, d), lambda i: (0, 0)),
            pl.BlockSpec((d,), lambda i: (0,)),
            pl.BlockSpec((d,), lambda i: (0,)),
            pl.BlockSpec((_ROWS, 1), lambda i: (i, 0)),
        ],
        out_specs=[
            pl.BlockSpec((_G, d), lambda i: (0, 0)),
            pl.BlockSpec((_G, 128), lambda i: (0, 0)),
        ],
        out_shape=[
            jax.ShapeDtypeStruct((_G, d), jnp.float32),
            jax.ShapeDtypeStruct((_G, 128), jnp.float32),
        ],
    )(y, acc, g, be, batch)


def _head_body(s_ref, cnt_ref, wl_ref, bl_ref, gl_ref, bel_ref,
               wf_ref, bf_ref, gf_ref, bef_ref, o_ref):
    p = s_ref[...] / jnp.maximum(cnt_ref[:, 0:1], 1.0)
    y = jnp.dot(p, wl_ref[...], preferred_element_type=jnp.float32)
    y = y + bl_ref[...][None, :]
    m = jnp.mean(y, axis=0, keepdims=True)
    v = jnp.mean(y * y, axis=0, keepdims=True) - m * m
    z = jnp.tanh((y - m) * lax.rsqrt(v + _EPS) * gl_ref[...][None, :]
                 + bel_ref[...][None, :])
    o = jnp.dot(z, wf_ref[...], preferred_element_type=jnp.float32)
    o = o + bf_ref[...][None, :]
    m2 = jnp.mean(o, axis=0, keepdims=True)
    v2 = jnp.mean(o * o, axis=0, keepdims=True) - m2 * m2
    o = (o - m2) * lax.rsqrt(v2 + _EPS) * gf_ref[...][None, :] + bef_ref[...][None, :]
    o = o - jnp.max(o, axis=1, keepdims=True)
    o_ref[...] = o - jnp.log(jnp.sum(jnp.exp(o), axis=1, keepdims=True))


def _head(s, cnt, Wl, bl, gl, bel, Wf, bf, gf, bef):
    args = (s, cnt, Wl, bl, gl, bel, Wf, bf, gf, bef)
    return pl.pallas_call(
        _head_body,
        in_specs=[pl.BlockSpec(a.shape, (lambda *_, nd=a.ndim: (0,) * nd))
                  for a in args],
        out_specs=pl.BlockSpec((_G, Wf.shape[1]), lambda: (0, 0)),
        out_shape=jax.ShapeDtypeStruct((_G, Wf.shape[1]), jnp.float32),
    )(*args)


def kernel(x, edge_index, batch, W1, b1, g1, be1, W2, b2, g2, be2,
           Wl, bl, gl, bel, Wf, bf, gf, bef):
    src = edge_index[0]
    dst = edge_index[1]
    batch2 = batch[:, None]

    pad = _EPAD - _E
    srcp = jnp.concatenate([src, jnp.zeros((pad,), jnp.int32)]
                           ).reshape(_NSUB, _NBLK, _BLK)
    dstp = jnp.concatenate([dst, jnp.full((pad,), _N, jnp.int32)]
                           ).reshape(_NSUB, _NBLK, _BLK)

    degp = _deg_sc(dstp)
    deg = 1.0 + degp[0, :_N] + degp[1, :_N]
    dis2 = lax.rsqrt(deg)[:, None]

    xd = _scale_split(x, dis2)
    aggx = _seg_sum(xd, srcp, dstp)
    y1, acc1 = _mm_stats(aggx, xd, dis2, W1, b1)
    p2 = _bn_tanh_mm(y1, acc1, g1, be1, dis2, W2)
    agg2 = _seg_sum(p2, srcp, dstp)
    y2, acc2 = _combine_stats(agg2, p2, dis2, b2)
    s, cnt = _bn_tanh_pool(y2, acc2, g2, be2, batch2)
    return _head(s, cnt, Wl, bl, gl, bel, Wf, bf, gf, bef)

# --- scband reference (transcript-rebuilt; emitter-appended) ---
"""Pipeline reference for scband-graph-conv-network-10247791968799 (READ-ONLY COPY).

The authoritative reference and input builder live on the scoring server;
editing this copy changes nothing except your own understanding.
"""

import jax, jax.numpy as jnp
import numpy as np

N = 10000
E = 160000
NUM_GRAPHS = 64
D_IN = 256
D_H = 512
D_LIN = 256
D_OUT = 10


def setup_inputs(seed: int = 0):
    key = jax.random.key(seed)
    ks = jax.random.split(key, 20)
    inp = {}
    inp['x'] = jax.random.normal(ks[0], (N, D_IN), dtype=jnp.float32)
    inp['edge_index'] = jax.random.randint(ks[1], (2, E), 0, N, dtype=jnp.int32)
    inp['batch'] = jnp.sort(jax.random.randint(ks[2], (N,), 0, NUM_GRAPHS, dtype=jnp.int32))
    # conv layer 1 (GCNConv 256->512 + BN)
    inp['W1'] = jax.random.normal(ks[3], (D_IN, D_H), dtype=jnp.float32) * 0.05
    inp['b1'] = jnp.zeros((D_H,), dtype=jnp.float32)
    inp['g1'] = jnp.ones((D_H,), dtype=jnp.float32)
    inp['be1'] = jnp.zeros((D_H,), dtype=jnp.float32)
    # conv layer 2 (GCNConv 512->512 + BN)
    inp['W2'] = jax.random.normal(ks[4], (D_H, D_H), dtype=jnp.float32) * 0.05
    inp['b2'] = jnp.zeros((D_H,), dtype=jnp.float32)
    inp['g2'] = jnp.ones((D_H,), dtype=jnp.float32)
    inp['be2'] = jnp.zeros((D_H,), dtype=jnp.float32)
    # BnLinear 512->256
    inp['Wl'] = jax.random.normal(ks[5], (D_H, D_LIN), dtype=jnp.float32) * 0.05
    inp['bl'] = jnp.zeros((D_LIN,), dtype=jnp.float32)
    inp['gl'] = jnp.ones((D_LIN,), dtype=jnp.float32)
    inp['bel'] = jnp.zeros((D_LIN,), dtype=jnp.float32)
    # final BnLinear 256->10
    inp['Wf'] = jax.random.normal(ks[6], (D_LIN, D_OUT), dtype=jnp.float32) * 0.05
    inp['bf'] = jnp.zeros((D_OUT,), dtype=jnp.float32)
    inp['gf'] = jnp.ones((D_OUT,), dtype=jnp.float32)
    inp['bef'] = jnp.zeros((D_OUT,), dtype=jnp.float32)
    return inp


def _bn(x, g, b, eps=1e-5):
    m = jnp.mean(x, axis=0)
    v = jnp.var(x, axis=0)
    return (x - m) / jnp.sqrt(v + eps) * g + b


def _gcn_conv(x, edge_index, W, b):
    n = x.shape[0]
    loop = jnp.arange(n, dtype=edge_index.dtype)
    src = jnp.concatenate([edge_index[0], loop])
    dst = jnp.concatenate([edge_index[1], loop])
    deg = jnp.zeros((n,), dtype=x.dtype).at[dst].add(1.0)
    dis = 1.0 / jnp.sqrt(jnp.maximum(deg, 1e-12))
    norm = dis[src] * dis[dst]
    h = x @ W
    msg = h[src] * norm[:, None]
    out = jnp.zeros((n, W.shape[1]), dtype=x.dtype).at[dst].add(msg)
    return out + b


def reference(x, edge_index, batch, W1, b1, g1, be1, W2, b2, g2, be2, Wl, bl, gl, bel, Wf, bf, gf, bef):
    h = _gcn_conv(x, edge_index, W1, b1)
    h = jnp.tanh(_bn(h, g1, be1))
    h = _gcn_conv(h, edge_index, W2, b2)
    h = jnp.tanh(_bn(h, g2, be2))
    # global mean pool over graph ids
    s = jax.ops.segment_sum(h, batch, num_segments=NUM_GRAPHS)
    cnt = jax.ops.segment_sum(jnp.ones((h.shape[0], 1), dtype=h.dtype), batch, num_segments=NUM_GRAPHS)
    p = s / jnp.maximum(cnt, 1.0)
    # BnLinear hidden layer + tanh (dropout omitted: eval determinism)
    z = jnp.tanh(_bn(p @ Wl + bl, gl, bel))
    out = _bn(z @ Wf + bf, gf, bef)
    return jax.nn.log_softmax(out, axis=1)

if __name__ == "__main__":
    import jax
    _d = setup_inputs()
    print(jax.jit(kernel)(*tuple(_d.values())))

</pallas_src>

<mosaic_0001>
#map = affine_map<(d0, d1) -> (0, 0, 0)>
module attributes {stable_mosaic.version = 14 : i64} {
  func.func @k(%arg0: i32, %arg1: i32, %arg2: memref<4x10000x128xf32, #tpu.memory_space<hbm>>, %arg3: memref<16x80x128xi32, #tpu.memory_space<hbm>>, %arg4: memref<16x80x128xi32, #tpu.memory_space<hbm>>, %arg5: memref<4x10000x128xf32, #tpu.memory_space<hbm>>, %arg6: memref<80x128xi32, #tpu.memory_space<vmem>>, %arg7: memref<40x128xi32, #tpu.memory_space<vmem>>, %arg8: memref<128x128xf32, #tpu.memory_space<vmem>>, %arg9: memref<128x128xf32, #tpu.memory_space<vmem>>, %arg10: memref<10016x128xf32, #tpu.memory_space<vmem_shared>>, %arg11: memref<!tpu.dma_semaphore, #tpu.memory_space<semaphore_mem>>, %arg12: memref<!tpu.dma_semaphore, #tpu.memory_space<semaphore_mem>>, %arg13: memref<!tpu.dma_semaphore, #tpu.memory_space<semaphore_mem>>, %arg14: memref<!tpu.dma_semaphore, #tpu.memory_space<semaphore_mem>>) attributes {dimension_semantics = [#tpu.dimension_semantics<core_parallel>, #tpu.dimension_semantics<subcore_parallel>], iteration_bounds = array<i64: 2, 16>, scalar_prefetch = 0 : i64, scratch_operands = 9 : i64, tpu.core_type = #tpu.core_type<sc_vector_subcore>, window_params = [{transform_indices = #map}, {transform_indices = #map}, {transform_indices = #map}, {transform_indices = #map}]} {
    "tpu.region"() ({
      %run_scoped3A_254 = tpu.sem_alloc : memref<!tpu.dma_semaphore, #tpu.memory_space<semaphore_mem>>
      %dma_start3A_255 = arith.constant 0 : i32
      %dma_start3A_256 = arith.constant 0 : i32
      %dma_start3A_257 = tpu.memref_slice %arg3[%arg1, %dma_start3A_255, %dma_start3A_256] : memref<16x80x128xi32, #tpu.memory_space<hbm>> -> memref<1x80x128xi32, #tpu.memory_space<hbm>>
      %dma_start3A_258 = tpu.memref_squeeze %dma_start3A_257 : memref<1x80x128xi32, #tpu.memory_space<hbm>> -> memref<80x128xi32, #tpu.memory_space<hbm>>
      %dma_start3A_259 = arith.constant 0 : i32
      %dma_start3A_260 = arith.constant 0 : i32
      %dma_start3A_261 = tpu.memref_slice %arg3[%arg1, %dma_start3A_259, %dma_start3A_260] : memref<16x80x128xi32, #tpu.memory_space<hbm>> -> memref<1x80x128xi32, #tpu.memory_space<hbm>>
      %dma_start3A_262 = tpu.memref_squeeze %dma_start3A_261 : memref<1x80x128xi32, #tpu.memory_space<hbm>> -> memref<80x128xi32, #tpu.memory_space<hbm>>
      tpu.enqueue_dma source(%dma_start3A_262 : memref<80x128xi32, #tpu.memory_space<hbm>>) target(%arg6 : memref<80x128xi32, #tpu.memory_space<vmem>>) target_semaphore(%run_scoped3A_254 : memref<!tpu.dma_semaphore, #tpu.memory_space<semaphore_mem>>)
      %dma_wait3A_263 = arith.constant 0 : i32
      %dma_wait3A_264 = arith.constant 0 : i32
      %dma_wait3A_265 = tpu.memref_slice %arg3[%arg1, %dma_wait3A_263, %dma_wait3A_264] : memref<16x80x128xi32, #tpu.memory_space<hbm>> -> memref<1x80x128xi32, #tpu.memory_space<hbm>>
      %dma_wait3A_266 = tpu.memref_squeeze %dma_wait3A_265 : memref<1x80x128xi32, #tpu.memory_space<hbm>> -> memref<80x128xi32, #tpu.memory_space<hbm>>
      %dma_wait3A_267 = arith.constant 0 : i32
      %dma_wait3A_268 = arith.constant 0 : i32
      %dma_wait3A_269 = tpu.memref_slice %arg3[%arg1, %dma_wait3A_267, %dma_wait3A_268] : memref<16x80x128xi32, #tpu.memory_space<hbm>> -> memref<1x80x128xi32, #tpu.memory_space<hbm>>
      %dma_wait3A_270 = tpu.memref_squeeze %dma_wait3A_269 : memref<1x80x128xi32, #tpu.memory_space<hbm>> -> memref<80x128xi32, #tpu.memory_space<hbm>>
      tpu.wait_dma2 semaphore(%run_scoped3A_254 : memref<!tpu.dma_semaphore, #tpu.memory_space<semaphore_mem>>) src(%dma_wait3A_270 : memref<80x128xi32, #tpu.memory_space<hbm>>) dst(%arg6 : memref<80x128xi32, #tpu.memory_space<vmem>>)
      tpu.yield
    }) : () -> ()
    %mul3A = arith.constant 2 : i32
    %mul3A_0 = arith.muli %arg0, %mul3A : i32
    %add3A = arith.constant 0 : i32
    %add3A_1 = arith.addi %mul3A_0, %add3A : i32
    %scan3A = arith.constant 0 : i32
    %scan3A_2 = arith.constant 128 : i32
    %scan3A_3 = arith.addi %scan3A, %scan3A_2 : i32
    %scan3A_4 = arith.constant 1 : i32
    scf.for %scan3A_254 = %scan3A to %scan3A_3 step %scan3A_4  : i32 {
      %mul3A_255 = arith.constant 1 : i32
      %mul3A_256 = arith.muli %scan3A_254, %mul3A_255 : i32
      %add3A_257 = arith.constant 0 : i32
      %add3A_258 = arith.addi %add3A_257, %mul3A_256 : i32
      %scan3A_259 = arith.constant 0 : i32
      %scan3A_260 = arith.constant 8 : i32
      %scan3A_261 = arith.addi %scan3A_259, %scan3A_260 : i32
      %scan3A_262 = arith.constant 1 : i32
      scf.for %scan3A_264 = %scan3A_259 to %scan3A_261 step %scan3A_262  : i32 {
        %mul3A_265 = arith.constant 16 : i32
        %mul3A_266 = arith.muli %scan3A_264, %mul3A_265 : i32
        %add3A_267 = arith.constant 0 : i32
        %add3A_268 = arith.addi %add3A_267, %mul3A_266 : i32
        %broadcast_in_dim3A = arith.constant 0.000000e+00 : f32
        %broadcast_in_dim3A_269 = vector.broadcast %broadcast_in_dim3A : f32 to vector<16xf32>
        %swap3A = arith.index_cast %add3A_258 : i32 to index
        %swap3A_270 = arith.index_cast %add3A_268 : i32 to index
        %swap3A_271 = tpu.vector_load %arg8[%swap3A, %swap3A_270] {strides = array<i32>} : memref<128x128xf32, #tpu.memory_space<vmem>>, vector<1x16xf32>,
        %swap3A_272 = vector.shape_cast %swap3A_271 : vector<1x16xf32> to vector<16xf32>
        %swap3A_273 = vector.shape_cast %broadcast_in_dim3A_269 : vector<16xf32> to vector<1x16xf32>
        tpu.vector_store %arg8[%swap3A, %swap3A_270], %swap3A_273 {strides = array<i32>} : memref<128x128xf32, #tpu.memory_space<vmem>>, vector<1x16xf32>,
      }
      %scan3A_263 = arith.constant 8 : i32
    }
    %scan3A_5 = arith.constant 128 : i32
    %scan3A_6 = arith.constant 0 : i32
    %scan3A_7 = arith.constant 4 : i32
    %scan3A_8 = arith.addi %scan3A_6, %scan3A_7 : i32
    %scan3A_9 = arith.constant 1 : i32
    scf.for %scan3A_254 = %scan3A_6 to %scan3A_8 step %scan3A_9  : i32 {
      %mul3A_255 = arith.constant 1 : i32
      %mul3A_256 = arith.muli %scan3A_254, %mul3A_255 : i32
      %add3A_257 = arith.constant 0 : i32
      %add3A_258 = arith.addi %add3A_257, %mul3A_256 : i32
      %mul3A_259 = arith.constant 626 : i32
      %mul3A_260 = arith.muli %arg1, %mul3A_259 : i32
      %mul3A_261 = arith.constant 128 : i32
      %mul3A_262 = arith.muli %add3A_258, %mul3A_261 : i32
      %add3A_263 = arith.addi %mul3A_260, %mul3A_262 : i32
      "tpu.region"() ({
        %run_scoped3A_264 = tpu.sem_alloc : memref<!tpu.dma_semaphore, #tpu.memory_space<semaphore_mem>>
        %dma_start3A_265 = arith.constant 0 : i32
        %dma_start3A_266 = tpu.memref_slice %arg10[%add3A_263, %dma_start3A_265] : memref<10016x128xf32, #tpu.memory_space<vmem_shared>> -> memref<128x128xf32, #tpu.memory_space<vmem_shared>>
        %dma_start3A_267 = arith.constant 0 : i32
        %dma_start3A_268 = tpu.memref_slice %arg10[%add3A_263, %dma_start3A_267] : memref<10016x128xf32, #tpu.memory_space<vmem_shared>> -> memref<128x128xf32, #tpu.memory_space<vmem_shared>>
        tpu.enqueue_dma source(%arg8 : memref<128x128xf32, #tpu.memory_space<vmem>>) target(%dma_start3A_268 : memref<128x128xf32, #tpu.memory_space<vmem_shared>>) target_semaphore(%run_scoped3A_264 : memref<!tpu.dma_semaphore, #tpu.memory_space<semaphore_mem>>)
        %dma_wait3A_269 = arith.constant 0 : i32
        %dma_wait3A_270 = tpu.memref_slice %arg10[%add3A_263, %dma_wait3A_269] : memref<10016x128xf32, #tpu.memory_space<vmem_shared>> -> memref<128x128xf32, #tpu.memory_space<vmem_shared>>
        %dma_wait3A_271 = arith.constant 0 : i32
        %dma_wait3A_272 = tpu.memref_slice %arg10[%add3A_263, %dma_wait3A_271] : memref<10016x128xf32, #tpu.memory_space<vmem_shared>> -> memref<128x128xf32, #tpu.memory_space<vmem_shared>>
        tpu.wait_dma2 semaphore(%run_scoped3A_264 : memref<!tpu.dma_semaphore, #tpu.memory_space<semaphore_mem>>) src(%arg8 : memref<128x128xf32, #tpu.memory_space<vmem>>) dst(%dma_wait3A_272 : memref<128x128xf32, #tpu.memory_space<vmem_shared>>)
        tpu.yield
      }) : () -> ()
    }
    %scan3A_10 = arith.constant 4 : i32
    %mul3A_11 = arith.constant 626 : i32
    %mul3A_12 = arith.muli %arg1, %mul3A_11 : i32
    %add3A_13 = arith.constant 512 : i32
    %add3A_14 = arith.addi %mul3A_12, %add3A_13 : i32
    "tpu.region"() ({
      %run_scoped3A_254 = tpu.sem_alloc : memref<!tpu.dma_semaphore, #tpu.memory_space<semaphore_mem>>
      %dma_start3A_255 = arith.constant 0 : i32
      %dma_start3A_256 = arith.constant 0 : i32
      %dma_start3A_257 = tpu.memref_slice %arg8[%dma_start3A_255, %dma_start3A_256] : memref<128x128xf32, #tpu.memory_space<vmem>> -> memref<114x128xf32, #tpu.memory_space<vmem>>
      %dma_start3A_258 = arith.constant 0 : i32
      %dma_start3A_259 = tpu.memref_slice %arg10[%add3A_14, %dma_start3A_258] : memref<10016x128xf32, #tpu.memory_space<vmem_shared>> -> memref<114x128xf32, #tpu.memory_space<vmem_shared>>
      %dma_start3A_260 = arith.constant 0 : i32
      %dma_start3A_261 = tpu.memref_slice %arg10[%add3A_14, %dma_start3A_260] : memref<10016x128xf32, #tpu.memory_space<vmem_shared>> -> memref<114x128xf32, #tpu.memory_space<vmem_shared>>
      %dma_start3A_262 = arith.constant 0 : i32
      %dma_start3A_263 = arith.constant 0 : i32
      %dma_start3A_264 = tpu.memref_slice %arg8[%dma_start3A_262, %dma_start3A_263] : memref<128x128xf32, #tpu.memory_space<vmem>> -> memref<114x128xf32, #tpu.memory_space<vmem>>
      tpu.enqueue_dma source(%dma_start3A_264 : memref<114x128xf32, #tpu.memory_space<vmem>>) target(%dma_start3A_261 : memref<114x128xf32, #tpu.memory_space<vmem_shared>>) target_semaphore(%run_scoped3A_254 : memref<!tpu.dma_semaphore, #tpu.memory_space<semaphore_mem>>)
      %dma_wait3A_265 = arith.constant 0 : i32
      %dma_wait3A_266 = arith.constant 0 : i32
      %dma_wait3A_267 = tpu.memref_slice %arg8[%dma_wait3A_265, %dma_wait3A_266] : memref<128x128xf32, #tpu.memory_space<vmem>> -> memref<114x128xf32, #tpu.memory_space<vmem>>
      %dma_wait3A_268 = arith.constant 0 : i32
      %dma_wait3A_269 = tpu.memref_slice %arg10[%add3A_14, %dma_wait3A_268] : memref<10016x128xf32, #tpu.memory_space<vmem_shared>> -> memref<114x128xf32, #tpu.memory_space<vmem_shared>>
      %dma_wait3A_270 = arith.constant 0 : i32
      %dma_wait3A_271 = tpu.memref_slice %arg10[%add3A_14, %dma_wait3A_270] : memref<10016x128xf32, #tpu.memory_space<vmem_shared>> -> memref<114x128xf32, #tpu.memory_space<vmem_shared>>
      %dma_wait3A_272 = arith.constant 0 : i32
      %dma_wait3A_273 = arith.constant 0 : i32
      %dma_wait3A_274 = tpu.memref_slice %arg8[%dma_wait3A_272, %dma_wait3A_273] : memref<128x128xf32, #tpu.memory_space<vmem>> -> memref<114x128xf32, #tpu.memory_space<vmem>>
      tpu.wait_dma2 semaphore(%run_scoped3A_254 : memref<!tpu.dma_semaphore, #tpu.memory_space<semaphore_mem>>) src(%dma_wait3A_274 : memref<114x128xf32, #tpu.memory_space<vmem>>) dst(%dma_wait3A_271 : memref<114x128xf32, #tpu.memory_space<vmem_shared>>)
      tpu.yield
    }) : () -> ()
    %barrier3A = arith.constant 0 : index
    tpu.barrier barrier_id(%barrier3A)
    "tpu.region"() ({
      %run_scoped3A_254 = tpu.sem_alloc : memref<!tpu.dma_semaphore, #tpu.memory_space<semaphore_mem>>
      %dma_start3A_255 = arith.constant 0 : i32
      %dma_start3A_256 = arith.constant 0 : i32
      %dma_start3A_257 = tpu.memref_slice %arg4[%arg1, %dma_start3A_255, %dma_start3A_256] : memref<16x80x128xi32, #tpu.memory_space<hbm>> -> memref<1x80x128xi32, #tpu.memory_space<hbm>>
      %dma_start3A_258 = tpu.memref_squeeze %dma_start3A_257 : memref<1x80x128xi32, #tpu.memory_space<hbm>> -> memref<80x128xi32, #tpu.memory_space<hbm>>
      %dma_start3A_259 = arith.constant 0 : i32
      %dma_start3A_260 = arith.constant 0 : i32
      %dma_start3A_261 = tpu.memref_slice %dma_start3A_258[%dma_start3A_259, %dma_start3A_260] : memref<80x128xi32, #tpu.memory_space<hbm>> -> memref<40x128xi32, #tpu.memory_space<hbm>>
      %dma_start3A_262 = arith.constant 0 : i32
      %dma_start3A_263 = arith.constant 0 : i32
      %dma_start3A_264 = tpu.memref_slice %arg4[%arg1, %dma_start3A_262, %dma_start3A_263] : memref<16x80x128xi32, #tpu.memory_space<hbm>> -> memref<1x80x128xi32, #tpu.memory_space<hbm>>
      %dma_start3A_265 = tpu.memref_squeeze %dma_start3A_264 : memref<1x80x128xi32, #tpu.memory_space<hbm>> -> memref<80x128xi32, #tpu.memory_space<hbm>>
      %dma_start3A_266 = arith.constant 0 : i32
      %dma_start3A_267 = arith.constant 0 : i32
      %dma_start3A_268 = tpu.memref_slice %dma_start3A_265[%dma_start3A_266, %dma_start3A_267] : memref<80x128xi32, #tpu.memory_space<hbm>> -> memref<40x128xi32, #tpu.memory_space<hbm>>
      tpu.enqueue_dma source(%dma_start3A_268 : memref<40x128xi32, #tpu.memory_space<hbm>>) target(%arg7 : memref<40x128xi32, #tpu.memory_space<vmem>>) target_semaphore(%run_scoped3A_254 : memref<!tpu.dma_semaphore, #tpu.memory_space<semaphore_mem>>)
      %dma_wait3A_269 = arith.constant 0 : i32
      %dma_wait3A_270 = arith.constant 0 : i32
      %dma_wait3A_271 = tpu.memref_slice %arg4[%arg1, %dma_wait3A_269, %dma_wait3A_270] : memref<16x80x128xi32, #tpu.memory_space<hbm>> -> memref<1x80x128xi32, #tpu.memory_space<hbm>>
      %dma_wait3A_272 = tpu.memref_squeeze %dma_wait3A_271 : memref<1x80x128xi32, #tpu.memory_space<hbm>> -> memref<80x128xi32, #tpu.memory_space<hbm>>
      %dma_wait3A_273 = arith.constant 0 : i32
      %dma_wait3A_274 = arith.constant 0 : i32
      %dma_wait3A_275 = tpu.memref_slice %dma_wait3A_272[%dma_wait3A_273, %dma_wait3A_274] : memref<80x128xi32, #tpu.memory_space<hbm>> -> memref<40x128xi32, #tpu.memory_space<hbm>>
      %dma_wait3A_276 = arith.constant 0 : i32
      %dma_wait3A_277 = arith.constant 0 : i32
      %dma_wait3A_278 = tpu.memref_slice %arg4[%arg1, %dma_wait3A_276, %dma_wait3A_277] : memref<16x80x128xi32, #tpu.memory_space<hbm>> -> memref<1x80x128xi32, #tpu.memory_space<hbm>>
      %dma_wait3A_279 = tpu.memref_squeeze %dma_wait3A_278 : memref<1x80x128xi32, #tpu.memory_space<hbm>> -> memref<80x128xi32, #tpu.memory_space<hbm>>
      %dma_wait3A_280 = arith.constant 0 : i32
      %dma_wait3A_281 = arith.constant 0 : i32
      %dma_wait3A_282 = tpu.memref_slice %dma_wait3A_279[%dma_wait3A_280, %dma_wait3A_281] : memref<80x128xi32, #tpu.memory_space<hbm>> -> memref<40x128xi32, #tpu.memory_space<hbm>>
      tpu.wait_dma2 semaphore(%run_scoped3A_254 : memref<!tpu.dma_semaphore, #tpu.memory_space<semaphore_mem>>) src(%dma_wait3A_282 : memref<40x128xi32, #tpu.memory_space<hbm>>) dst(%arg7 : memref<40x128xi32, #tpu.memory_space<vmem>>)
      tpu.yield
    }) : () -> ()
    %dma_start3A = arith.constant 0 : i32
    %dma_start3A_15 = arith.constant 0 : i32
    %dma_start3A_16 = tpu.memref_slice %arg6[%dma_start3A, %dma_start3A_15] : memref<80x128xi32, #tpu.memory_space<vmem>> -> memref<1x128xi32, #tpu.memory_space<vmem>>
    %dma_start3A_17 = tpu.memref_squeeze %dma_start3A_16 : memref<1x128xi32, #tpu.memory_space<vmem>> -> memref<128xi32, #tpu.memory_space<vmem>>
    %dma_start3A_18 = arith.constant 0 : i32
    %dma_start3A_19 = arith.constant 0 : i32
    %dma_start3A_20 = tpu.memref_slice %arg2[%add3A_1, %dma_start3A_18, %dma_start3A_19] : memref<4x10000x128xf32, #tpu.memory_space<hbm>> -> memref<1x10000x128xf32, #tpu.memory_space<hbm>>
    %dma_start3A_21 = tpu.memref_squeeze %dma_start3A_20 : memref<1x10000x128xf32, #tpu.memory_space<hbm>> -> memref<10000x128xf32, #tpu.memory_space<hbm>>
    %dma_start3A_22 = arith.constant 0 : i32
    %dma_start3A_23 = arith.constant 0 : i32
    %dma_start3A_24 = tpu.memref_slice %dma_start3A_21[%dma_start3A_22, %dma_start3A_23] : memref<10000x128xf32, #tpu.memory_space<hbm>> -> memref<10000x128xf32, #tpu.memory_space<hbm>>
    tpu.enqueue_indirect_dma source(%dma_start3A_24 : memref<10000x128xf32, #tpu.memory_space<hbm>>) target(%arg8 : memref<128x128xf32, #tpu.memory_space<vmem>>) offsets(%dma_start3A_17 : memref<128xi32, #tpu.memory_space<vmem>>) semaphore(%arg11 : memref<!tpu.dma_semaphore, #tpu.memory_space<semaphore_mem>>)
    %dma_start3A_25 = arith.constant 1 : i32
    %dma_start3A_26 = arith.constant 0 : i32
    %dma_start3A_27 = tpu.memref_slice %arg6[%dma_start3A_25, %dma_start3A_26] : memref<80x128xi32, #tpu.memory_space<vmem>> -> memref<1x128xi32, #tpu.memory_space<vmem>>
    %dma_start3A_28 = tpu.memref_squeeze %dma_start3A_27 : memref<1x128xi32, #tpu.memory_space<vmem>> -> memref<128xi32, #tpu.memory_space<vmem>>
    %dma_start3A_29 = arith.constant 0 : i32
    %dma_start3A_30 = arith.constant 0 : i32
    %dma_start3A_31 = tpu.memref_slice %arg2[%add3A_1, %dma_start3A_29, %dma_start3A_30] : memref<4x10000x128xf32, #tpu.memory_space<hbm>> -> memref<1x10000x128xf32, #tpu.memory_space<hbm>>
    %dma_start3A_32 = tpu.memref_squeeze %dma_start3A_31 : memref<1x10000x128xf32, #tpu.memory_space<hbm>> -> memref<10000x128xf32, #tpu.memory_space<hbm>>
    %dma_start3A_33 = arith.constant 0 : i32
    %dma_start3A_34 = arith.constant 0 : i32
    %dma_start3A_35 = tpu.memref_slice %dma_start3A_32[%dma_start3A_33, %dma_start3A_34] : memref<10000x128xf32, #tpu.memory_space<hbm>> -> memref<10000x128xf32, #tpu.memory_space<hbm>>
    tpu.enqueue_indirect_dma source(%dma_start3A_35 : memref<10000x128xf32, #tpu.memory_space<hbm>>) target(%arg9 : memref<128x128xf32, #tpu.memory_space<vmem>>) offsets(%dma_start3A_28 : memref<128xi32, #tpu.memory_space<vmem>>) semaphore(%arg12 : memref<!tpu.dma_semaphore, #tpu.memory_space<semaphore_mem>>)
    %scan3A_36 = arith.constant 0 : i32
    %scan3A_37 = arith.constant 19 : i32
    %scan3A_38 = arith.addi %scan3A_36, %scan3A_37 : i32
    %scan3A_39 = arith.constant 1 : i32
    scf.for %scan3A_254 = %scan3A_36 to %scan3A_38 step %scan3A_39  : i32 {
      %mul3A_255 = arith.constant 2 : i32
      %mul3A_256 = arith.muli %scan3A_254, %mul3A_255 : i32
      %add3A_257 = arith.constant 0 : i32
      %add3A_258 = arith.addi %add3A_257, %mul3A_256 : i32
      %add3A_259 = arith.constant 0 : i32
      %add3A_260 = arith.addi %add3A_259, %add3A_258 : i32
      %dma_wait3A_261 = arith.constant 0 : i32
      %dma_wait3A_262 = tpu.memref_slice %arg6[%add3A_260, %dma_wait3A_261] : memref<80x128xi32, #tpu.memory_space<vmem>> -> memref<1x128xi32, #tpu.memory_space<vmem>>
      %dma_wait3A_263 = tpu.memref_squeeze %dma_wait3A_262 : memref<1x128xi32, #tpu.memory_space<vmem>> -> memref<128xi32, #tpu.memory_space<vmem>>
      %dma_wait3A_264 = arith.constant 0 : i32
      %dma_wait3A_265 = arith.constant 0 : i32
      %dma_wait3A_266 = tpu.memref_slice %arg2[%add3A_1, %dma_wait3A_264, %dma_wait3A_265] : memref<4x10000x128xf32, #tpu.memory_space<hbm>> -> memref<1x10000x128xf32, #tpu.memory_space<hbm>>
      %dma_wait3A_267 = tpu.memref_squeeze %dma_wait3A_266 : memref<1x10000x128xf32, #tpu.memory_space<hbm>> -> memref<10000x128xf32, #tpu.memory_space<hbm>>
      %dma_wait3A_268 = arith.constant 0 : i32
      %dma_wait3A_269 = arith.constant 0 : i32
      %dma_wait3A_270 = tpu.memref_slice %dma_wait3A_267[%dma_wait3A_268, %dma_wait3A_269] : memref<10000x128xf32, #tpu.memory_space<hbm>> -> memref<10000x128xf32, #tpu.memory_space<hbm>>
      tpu.wait_indirect_dma semaphore(%arg11 : memref<!tpu.dma_semaphore, #tpu.memory_space<semaphore_mem>>) src(%dma_wait3A_270 : memref<10000x128xf32, #tpu.memory_space<hbm>>) dst(%arg8 : memref<128x128xf32, #tpu.memory_space<vmem>>)
      %dma_start3A_271 = arith.constant 0 : i32
      %dma_start3A_272 = tpu.memref_slice %arg7[%add3A_258, %dma_start3A_271] : memref<40x128xi32, #tpu.memory_space<vmem>> -> memref<1x128xi32, #tpu.memory_space<vmem>>
      %dma_start3A_273 = tpu.memref_squeeze %dma_start3A_272 : memref<1x128xi32, #tpu.memory_space<vmem>> -> memref<128xi32, #tpu.memory_space<vmem>>
      %dma_start3A_274 = arith.constant 0 : i32
      %dma_start3A_275 = arith.constant 0 : i32
      %dma_start3A_276 = tpu.memref_slice %arg10[%dma_start3A_274, %dma_start3A_275] : memref<10016x128xf32, #tpu.memory_space<vmem_shared>> -> memref<10016x128xf32, #tpu.memory_space<vmem_shared>>
      tpu.enqueue_indirect_dma source(%arg8 : memref<128x128xf32, #tpu.memory_space<vmem>>) target(%dma_start3A_276 : memref<10016x128xf32, #tpu.memory_space<vmem_shared>>) offsets(%dma_start3A_273 : memref<128xi32, #tpu.memory_space<vmem>>) semaphore(%arg13 : memref<!tpu.dma_semaphore, #tpu.memory_space<semaphore_mem>>) {add = true}
      %add3A_277 = arith.constant 0 : i32
      %add3A_278 = arith.addi %add3A_277, %add3A_258 : i32
      %add3A_279 = arith.constant 1 : i32
      %add3A_280 = arith.addi %add3A_278, %add3A_279 : i32
      %dma_wait3A_281 = arith.constant 0 : i32
      %dma_wait3A_282 = tpu.memref_slice %arg6[%add3A_280, %dma_wait3A_281] : memref<80x128xi32, #tpu.memory_space<vmem>> -> memref<1x128xi32, #tpu.memory_space<vmem>>
      %dma_wait3A_283 = tpu.memref_squeeze %dma_wait3A_282 : memref<1x128xi32, #tpu.memory_space<vmem>> -> memref<128xi32, #tpu.memory_space<vmem>>
      %dma_wait3A_284 = arith.constant 0 : i32
      %dma_wait3A_285 = arith.constant 0 : i32
      %dma_wait3A_286 = tpu.memref_slice %arg2[%add3A_1, %dma_wait3A_284, %dma_wait3A_285] : memref<4x10000x128xf32, #tpu.memory_space<hbm>> -> memref<1x10000x128xf32, #tpu.memory_space<hbm>>
      %dma_wait3A_287 = tpu.memref_squeeze %dma_wait3A_286 : memref<1x10000x128xf32, #tpu.memory_space<hbm>> -> memref<10000x128xf32, #tpu.memory_space<hbm>>
      %dma_wait3A_288 = arith.constant 0 : i32
      %dma_wait3A_289 = arith.constant 0 : i32
      %dma_wait3A_290 = tpu.memref_slice %dma_wait3A_287[%dma_wait3A_288, %dma_wait3A_289] : memref<10000x128xf32, #tpu.memory_space<hbm>> -> memref<10000x128xf32, #tpu.memory_space<hbm>>
      tpu.wait_indirect_dma semaphore(%arg12 : memref<!tpu.dma_semaphore, #tpu.memory_space<semaphore_mem>>) src(%dma_wait3A_290 : memref<10000x128xf32, #tpu.memory_space<hbm>>) dst(%arg9 : memref<128x128xf32, #tpu.memory_space<vmem>>)
      %add3A_291 = arith.constant 1 : i32
      %add3A_292 = arith.addi %add3A_258, %add3A_291 : i32
      %dma_start3A_293 = arith.constant 0 : i32
      %dma_start3A_294 = tpu.memref_slice %arg7[%add3A_292, %dma_start3A_293] : memref<40x128xi32, #tpu.memory_space<vmem>> -> memref<1x128xi32, #tpu.memory_space<vmem>>
      %dma_start3A_295 = tpu.memref_squeeze %dma_start3A_294 : memref<1x128xi32, #tpu.memory_space<vmem>> -> memref<128xi32, #tpu.memory_space<vmem>>
      %dma_start3A_296 = arith.constant 0 : i32
      %dma_start3A_297 = arith.constant 0 : i32
      %dma_start3A_298 = tpu.memref_slice %arg10[%dma_start3A_296, %dma_start3A_297] : memref<10016x128xf32, #tpu.memory_space<vmem_shared>> -> memref<10016x128xf32, #tpu.memory_space<vmem_shared>>
      tpu.enqueue_indirect_dma source(%arg9 : memref<128x128xf32, #tpu.memory_space<vmem>>) target(%dma_start3A_298 : memref<10016x128xf32, #tpu.memory_space<vmem_shared>>) offsets(%dma_start3A_295 : memref<128xi32, #tpu.memory_space<vmem>>) semaphore(%arg14 : memref<!tpu.dma_semaphore, #tpu.memory_space<semaphore_mem>>) {add = true}
      %dma_wait3A_299 = arith.constant 0 : i32
      %dma_wait3A_300 = tpu.memref_slice %arg7[%add3A_258, %dma_wait3A_299] : memref<40x128xi32, #tpu.memory_space<vmem>> -> memref<1x128xi32, #tpu.memory_space<vmem>>
      %dma_wait3A_301 = tpu.memref_squeeze %dma_wait3A_300 : memref<1x128xi32, #tpu.memory_space<vmem>> -> memref<128xi32, #tpu.memory_space<vmem>>
      %dma_wait3A_302 = arith.constant 0 : i32
      %dma_wait3A_303 = arith.constant 0 : i32
      %dma_wait3A_304 = tpu.memref_slice %arg10[%dma_wait3A_302, %dma_wait3A_303] : memref<10016x128xf32, #tpu.memory_space<vmem_shared>> -> memref<10016x128xf32, #tpu.memory_space<vmem_shared>>
      tpu.wait_indirect_dma semaphore(%arg13 : memref<!tpu.dma_semaphore, #tpu.memory_space<semaphore_mem>>) src(%arg8 : memref<128x128xf32, #tpu.memory_space<vmem>>) dst(%dma_wait3A_304 : memref<10016x128xf32, #tpu.memory_space<vmem_shared>>)
      %add3A_305 = arith.constant 0 : i32
      %add3A_306 = arith.addi %add3A_305, %add3A_258 : i32
      %add3A_307 = arith.constant 2 : i32
      %add3A_308 = arith.addi %add3A_306, %add3A_307 : i32
      %dma_start3A_309 = arith.constant 0 : i32
      %dma_start3A_310 = tpu.memref_slice %arg6[%add3A_308, %dma_start3A_309] : memref<80x128xi32, #tpu.memory_space<vmem>> -> memref<1x128xi32, #tpu.memory_space<vmem>>
      %dma_start3A_311 = tpu.memref_squeeze %dma_start3A_310 : memref<1x128xi32, #tpu.memory_space<vmem>> -> memref<128xi32, #tpu.memory_space<vmem>>
      %dma_start3A_312 = arith.constant 0 : i32
      %dma_start3A_313 = arith.constant 0 : i32
      %dma_start3A_314 = tpu.memref_slice %arg2[%add3A_1, %dma_start3A_312, %dma_start3A_313] : memref<4x10000x128xf32, #tpu.memory_space<hbm>> -> memref<1x10000x128xf32, #tpu.memory_space<hbm>>
      %dma_start3A_315 = tpu.memref_squeeze %dma_start3A_314 : memref<1x10000x128xf32, #tpu.memory_space<hbm>> -> memref<10000x128xf32, #tpu.memory_space<hbm>>
      %dma_start3A_316 = arith.constant 0 : i32
      %dma_start3A_317 = arith.constant 0 : i32
      %dma_start3A_318 = tpu.memref_slice %dma_start3A_315[%dma_start3A_316, %dma_start3A_317] : memref<10000x128xf32, #tpu.memory_space<hbm>> -> memref<10000x128xf32, #tpu.memory_space<hbm>>
      tpu.enqueue_indirect_dma source(%dma_start3A_318 : memref<10000x128xf32, #tpu.memory_space<hbm>>) target(%arg8 : memref<128x128xf32, #tpu.memory_space<vmem>>) offsets(%dma_start3A_311 : memref<128xi32, #tpu.memory_space<vmem>>) semaphore(%arg11 : memref<!tpu.dma_semaphore, #tpu.memory_space<semaphore_mem>>)
      %add3A_319 = arith.constant 1 : i32
      %add3A_320 = arith.addi %add3A_258, %add3A_319 : i32
      %dma_wait3A_321 = arith.constant 0 : i32
      %dma_wait3A_322 = tpu.memref_slice %arg7[%add3A_320, %dma_wait3A_321] : memref<40x128xi32, #tpu.memory_space<vmem>> -> memref<1x128xi32, #tpu.memory_space<vmem>>
      %dma_wait3A_323 = tpu.memref_squeeze %dma_wait3A_322 : memref<1x128xi32, #tpu.memory_space<vmem>> -> memref<128xi32, #tpu.memory_space<vmem>>
      %dma_wait3A_324 = arith.constant 0 : i32
      %dma_wait3A_325 = arith.constant 0 : i32
      %dma_wait3A_326 = tpu.memref_slice %arg10[%dma_wait3A_324, %dma_wait3A_325] : memref<10016x128xf32, #tpu.memory_space<vmem_shared>> -> memref<10016x128xf32, #tpu.memory_space<vmem_shared>>
      tpu.wait_indirect_dma semaphore(%arg14 : memref<!tpu.dma_semaphore, #tpu.memory_space<semaphore_mem>>) src(%arg9 : memref<128x128xf32, #tpu.memory_space<vmem>>) dst(%dma_wait3A_326 : memref<10016x128xf32, #tpu.memory_space<vmem_shared>>)
      %add3A_327 = arith.constant 0 : i32
      %add3A_328 = arith.addi %add3A_327, %add3A_258 : i32
      %add3A_329 = arith.constant 3 : i32
      %add3A_330 = arith.addi %add3A_328, %add3A_329 : i32
      %dma_start3A_331 = arith.constant 0 : i32
      %dma_start3A_332 = tpu.memref_slice %arg6[%add3A_330, %dma_start3A_331] : memref<80x128xi32, #tpu.memory_space<vmem>> -> memref<1x128xi32, #tpu.memory_space<vmem>>
      %dma_start3A_333 = tpu.memref_squeeze %dma_start3A_332 : memref<1x128xi32, #tpu.memory_space<vmem>> -> memref<128xi32, #tpu.memory_space<vmem>>
      %dma_start3A_334 = arith.constant 0 : i32
      %dma_start3A_335 = arith.constant 0 : i32
      %dma_start3A_336 = tpu.memref_slice %arg2[%add3A_1, %dma_start3A_334, %dma_start3A_335] : memref<4x10000x128xf32, #tpu.memory_space<hbm>> -> memref<1x10000x128xf32, #tpu.memory_space<hbm>>
      %dma_start3A_337 = tpu.memref_squeeze %dma_start3A_336 : memref<1x10000x128xf32, #tpu.memory_space<hbm>> -> memref<10000x128xf32, #tpu.memory_space<hbm>>
      %dma_start3A_338 = arith.constant 0 : i32
      %dma_start3A_339 = arith.constant 0 : i32
      %dma_start3A_340 = tpu.memref_slice %dma_start3A_337[%dma_start3A_338, %dma_start3A_339] : memref<10000x128xf32, #tpu.memory_space<hbm>> -> memref<10000x128xf32, #tpu.memory_space<hbm>>
      tpu.enqueue_indirect_dma source(%dma_start3A_340 : memref<10000x128xf32, #tpu.memory_space<hbm>>) target(%arg9 : memref<128x128xf32, #tpu.memory_space<vmem>>) offsets(%dma_start3A_333 : memref<128xi32, #tpu.memory_space<vmem>>) semaphore(%arg12 : memref<!tpu.dma_semaphore, #tpu.memory_space<semaphore_mem>>)
    }
    %scan3A_40 = arith.constant 19 : i32
    %dma_wait3A = arith.constant 38 : i32
    %dma_wait3A_41 = arith.constant 0 : i32
    %dma_wait3A_42 = tpu.memref_slice %arg6[%dma_wait3A, %dma_wait3A_41] : memref<80x128xi32, #tpu.memory_space<vmem>> -> memref<1x128xi32, #tpu.memory_space<vmem>>
    %dma_wait3A_43 = tpu.memref_squeeze %dma_wait3A_42 : memref<1x128xi32, #tpu.memory_space<vmem>> -> memref<128xi32, #tpu.memory_space<vmem>>
    %dma_wait3A_44 = arith.constant 0 : i32
    %dma_wait3A_45 = arith.constant 0 : i32
    %dma_wait3A_46 = tpu.memref_slice %arg2[%add3A_1, %dma_wait3A_44, %dma_wait3A_45] : memref<4x10000x128xf32, #tpu.memory_space<hbm>> -> memref<1x10000x128xf32, #tpu.memory_space<hbm>>
    %dma_wait3A_47 = tpu.memref_squeeze %dma_wait3A_46 : memref<1x10000x128xf32, #tpu.memory_space<hbm>> -> memref<10000x128xf32, #tpu.memory_space<hbm>>
    %dma_wait3A_48 = arith.constant 0 : i32
    %dma_wait3A_49 = arith.constant 0 : i32
    %dma_wait3A_50 = tpu.memref_slice %dma_wait3A_47[%dma_wait3A_48, %dma_wait3A_49] : memref<10000x128xf32, #tpu.memory_space<hbm>> -> memref<10000x128xf32, #tpu.memory_space<hbm>>
    tpu.wait_indirect_dma semaphore(%arg11 : memref<!tpu.dma_semaphore, #tpu.memory_space<semaphore_mem>>) src(%dma_wait3A_50 : memref<10000x128xf32, #tpu.memory_space<hbm>>) dst(%arg8 : memref<128x128xf32, #tpu.memory_space<vmem>>)
    %run_scoped3A = arith.constant 38 : i32
    "tpu.region"() ({
      %run_scoped3A_254 = tpu.sem_alloc : memref<!tpu.dma_semaphore, #tpu.memory_space<semaphore_mem>>
      %dma_start3A_255 = arith.constant 0 : i32
      %dma_start3A_256 = tpu.memref_slice %arg7[%run_scoped3A, %dma_start3A_255] : memref<40x128xi32, #tpu.memory_space<vmem>> -> memref<1x128xi32, #tpu.memory_space<vmem>>
      %dma_start3A_257 = tpu.memref_squeeze %dma_start3A_256 : memref<1x128xi32, #tpu.memory_space<vmem>> -> memref<128xi32, #tpu.memory_space<vmem>>
      %dma_start3A_258 = arith.constant 0 : i32
      %dma_start3A_259 = arith.constant 0 : i32
      %dma_start3A_260 = tpu.memref_slice %arg10[%dma_start3A_258, %dma_start3A_259] : memref<10016x128xf32, #tpu.memory_space<vmem_shared>> -> memref<10016x128xf32, #tpu.memory_space<vmem_shared>>
      tpu.enqueue_indirect_dma source(%arg8 : memref<128x128xf32, #tpu.memory_space<vmem>>) target(%dma_start3A_260 : memref<10016x128xf32, #tpu.memory_space<vmem_shared>>) offsets(%dma_start3A_257 : memref<128xi32, #tpu.memory_space<vmem>>) semaphore(%run_scoped3A_254 : memref<!tpu.dma_semaphore, #tpu.memory_space<semaphore_mem>>) {add = true}
      %dma_wait3A_261 = arith.constant 0 : i32
      %dma_wait3A_262 = tpu.memref_slice %arg7[%run_scoped3A, %dma_wait3A_261] : memref<40x128xi32, #tpu.memory_space<vmem>> -> memref<1x128xi32, #tpu.memory_space<vmem>>
      %dma_wait3A_263 = tpu.memref_squeeze %dma_wait3A_262 : memref<1x128xi32, #tpu.memory_space<vmem>> -> memref<128xi32, #tpu.memory_space<vmem>>
      %dma_wait3A_264 = arith.constant 0 : i32
      %dma_wait3A_265 = arith.constant 0 : i32
      %dma_wait3A_266 = tpu.memref_slice %arg10[%dma_wait3A_264, %dma_wait3A_265] : memref<10016x128xf32, #tpu.memory_space<vmem_shared>> -> memref<10016x128xf32, #tpu.memory_space<vmem_shared>>
      tpu.wait_indirect_dma semaphore(%run_scoped3A_254 : memref<!tpu.dma_semaphore, #tpu.memory_space<semaphore_mem>>) src(%arg8 : memref<128x128xf32, #tpu.memory_space<vmem>>) dst(%dma_wait3A_266 : memref<10016x128xf32, #tpu.memory_space<vmem_shared>>)
      tpu.yield
    }) : () -> ()
    %dma_wait3A_51 = arith.constant 39 : i32
    %dma_wait3A_52 = arith.constant 0 : i32
    %dma_wait3A_53 = tpu.memref_slice %arg6[%dma_wait3A_51, %dma_wait3A_52] : memref<80x128xi32, #tpu.memory_space<vmem>> -> memref<1x128xi32, #tpu.memory_space<vmem>>
    %dma_wait3A_54 = tpu.memref_squeeze %dma_wait3A_53 : memref<1x128xi32, #tpu.memory_space<vmem>> -> memref<128xi32, #tpu.memory_space<vmem>>
    %dma_wait3A_55 = arith.constant 0 : i32
    %dma_wait3A_56 = arith.constant 0 : i32
    %dma_wait3A_57 = tpu.memref_slice %arg2[%add3A_1, %dma_wait3A_55, %dma_wait3A_56] : memref<4x10000x128xf32, #tpu.memory_space<hbm>> -> memref<1x10000x128xf32, #tpu.memory_space<hbm>>
    %dma_wait3A_58 = tpu.memref_squeeze %dma_wait3A_57 : memref<1x10000x128xf32, #tpu.memory_space<hbm>> -> memref<10000x128xf32, #tpu.memory_space<hbm>>
    %dma_wait3A_59 = arith.constant 0 : i32
    %dma_wait3A_60 = arith.constant 0 : i32
    %dma_wait3A_61 = tpu.memref_slice %dma_wait3A_58[%dma_wait3A_59, %dma_wait3A_60] : memref<10000x128xf32, #tpu.memory_space<hbm>> -> memref<10000x128xf32, #tpu.memory_space<hbm>>
    tpu.wait_indirect_dma semaphore(%arg12 : memref<!tpu.dma_semaphore, #tpu.memory_space<semaphore_mem>>) src(%dma_wait3A_61 : memref<10000x128xf32, #tpu.memory_space<hbm>>) dst(%arg9 : memref<128x128xf32, #tpu.memory_space<vmem>>)
    %run_scoped3A_62 = arith.constant 39 : i32
    "tpu.region"() ({
      %run_scoped3A_254 = tpu.sem_alloc : memref<!tpu.dma_semaphore, #tpu.memory_space<semaphore_mem>>
      %dma_start3A_255 = arith.constant 0 : i32
      %dma_start3A_256 = tpu.memref_slice %arg7[%run_scoped3A_62, %dma_start3A_255] : memref<40x128xi32, #tpu.memory_space<vmem>> -> memref<1x128xi32, #tpu.memory_space<vmem>>
      %dma_start3A_257 = tpu.memref_squeeze %dma_start3A_256 : memref<1x128xi32, #tpu.memory_space<vmem>> -> memref<128xi32, #tpu.memory_space<vmem>>
      %dma_start3A_258 = arith.constant 0 : i32
      %dma_start3A_259 = arith.constant 0 : i32
      %dma_start3A_260 = tpu.memref_slice %arg10[%dma_start3A_258, %dma_start3A_259] : memref<10016x128xf32, #tpu.memory_space<vmem_shared>> -> memref<10016x128xf32, #tpu.memory_space<vmem_shared>>
      tpu.enqueue_indirect_dma source(%arg9 : memref<128x128xf32, #tpu.memory_space<vmem>>) target(%dma_start3A_260 : memref<10016x128xf32, #tpu.memory_space<vmem_shared>>) offsets(%dma_start3A_257 : memref<128xi32, #tpu.memory_space<vmem>>) semaphore(%run_scoped3A_254 : memref<!tpu.dma_semaphore, #tpu.memory_space<semaphore_mem>>) {add = true}
      %dma_wait3A_261 = arith.constant 0 : i32
      %dma_wait3A_262 = tpu.memref_slice %arg7[%run_scoped3A_62, %dma_wait3A_261] : memref<40x128xi32, #tpu.memory_space<vmem>> -> memref<1x128xi32, #tpu.memory_space<vmem>>
      %dma_wait3A_263 = tpu.memref_squeeze %dma_wait3A_262 : memref<1x128xi32, #tpu.memory_space<vmem>> -> memref<128xi32, #tpu.memory_space<vmem>>
      %dma_wait3A_264 = arith.constant 0 : i32
      %dma_wait3A_265 = arith.constant 0 : i32
      %dma_wait3A_266 = tpu.memref_slice %arg10[%dma_wait3A_264, %dma_wait3A_265] : memref<10016x128xf32, #tpu.memory_space<vmem_shared>> -> memref<10016x128xf32, #tpu.memory_space<vmem_shared>>
      tpu.wait_indirect_dma semaphore(%run_scoped3A_254 : memref<!tpu.dma_semaphore, #tpu.memory_space<semaphore_mem>>) src(%arg9 : memref<128x128xf32, #tpu.memory_space<vmem>>) dst(%dma_wait3A_266 : memref<10016x128xf32, #tpu.memory_space<vmem_shared>>)
      tpu.yield
    }) : () -> ()
    "tpu.region"() ({
      %run_scoped3A_254 = tpu.sem_alloc : memref<!tpu.dma_semaphore, #tpu.memory_space<semaphore_mem>>
      %dma_start3A_255 = arith.constant 0 : i32
      %dma_start3A_256 = arith.constant 0 : i32
      %dma_start3A_257 = tpu.memref_slice %arg4[%arg1, %dma_start3A_255, %dma_start3A_256] : memref<16x80x128xi32, #tpu.memory_space<hbm>> -> memref<1x80x128xi32, #tpu.memory_space<hbm>>
      %dma_start3A_258 = tpu.memref_squeeze %dma_start3A_257 : memref<1x80x128xi32, #tpu.memory_space<hbm>> -> memref<80x128xi32, #tpu.memory_space<hbm>>
      %dma_start3A_259 = arith.constant 40 : i32
      %dma_start3A_260 = arith.constant 0 : i32
      %dma_start3A_261 = tpu.memref_slice %dma_start3A_258[%dma_start3A_259, %dma_start3A_260] : memref<80x128xi32, #tpu.memory_space<hbm>> -> memref<40x128xi32, #tpu.memory_space<hbm>>
      %dma_start3A_262 = arith.constant 0 : i32
      %dma_start3A_263 = arith.constant 0 : i32
      %dma_start3A_264 = tpu.memref_slice %arg4[%arg1, %dma_start3A_262, %dma_start3A_263] : memref<16x80x128xi32, #tpu.memory_space<hbm>> -> memref<1x80x128xi32, #tpu.memory_space<hbm>>
      %dma_start3A_265 = tpu.memref_squeeze %dma_start3A_264 : memref<1x80x128xi32, #tpu.memory_space<hbm>> -> memref<80x128xi32, #tpu.memory_space<hbm>>
      %dma_start3A_266 = arith.constant 40 : i32
      %dma_start3A_267 = arith.constant 0 : i32
      %dma_start3A_268 = tpu.memref_slice %dma_start3A_265[%dma_start3A_266, %dma_start3A_267] : memref<80x128xi32, #tpu.memory_space<hbm>> -> memref<40x128xi32, #tpu.memory_space<hbm>>
      tpu.enqueue_dma source(%dma_start3A_268 : memref<40x128xi32, #tpu.memory_space<hbm>>) target(%arg7 : memref<40x128xi32, #tpu.memory_space<vmem>>) target_semaphore(%run_scoped3A_254 : memref<!tpu.dma_semaphore, #tpu.memory_space<semaphore_mem>>)
      %dma_wait3A_269 = arith.constant 0 : i32
      %dma_wait3A_270 = arith.constant 0 : i32
      %dma_wait3A_271 = tpu.memref_slice %arg4[%arg1, %dma_wait3A_269, %dma_wait3A_270] : memref<16x80x128xi32, #tpu.memory_space<hbm>> -> memref<1x80x128xi32, #tpu.memory_space<hbm>>
      %dma_wait3A_272 = tpu.memref_squeeze %dma_wait3A_271 : memref<1x80x128xi32, #tpu.memory_space<hbm>> -> memref<80x128xi32, #tpu.memory_space<hbm>>
      %dma_wait3A_273 = arith.constant 40 : i32
      %dma_wait3A_274 = arith.constant 0 : i32
      %dma_wait3A_275 = tpu.memref_slice %dma_wait3A_272[%dma_wait3A_273, %dma_wait3A_274] : memref<80x128xi32, #tpu.memory_space<hbm>> -> memref<40x128xi32, #tpu.memory_space<hbm>>
      %dma_wait3A_276 = arith.constant 0 : i32
      %dma_wait3A_277 = arith.constant 0 : i32
      %dma_wait3A_278 = tpu.memref_slice %arg4[%arg1, %dma_wait3A_276, %dma_wait3A_277] : memref<16x80x128xi32, #tpu.memory_space<hbm>> -> memref<1x80x128xi32, #tpu.memory_space<hbm>>
      %dma_wait3A_279 = tpu.memref_squeeze %dma_wait3A_278 : memref<1x80x128xi32, #tpu.memory_space<hbm>> -> memref<80x128xi32, #tpu.memory_space<hbm>>
      %dma_wait3A_280 = arith.constant 40 : i32
      %dma_wait3A_281 = arith.constant 0 : i32
      %dma_wait3A_282 = tpu.memref_slice %dma_wait3A_279[%dma_wait3A_280, %dma_wait3A_281] : memref<80x128xi32, #tpu.memory_space<hbm>> -> memref<40x128xi32, #tpu.memory_space<hbm>>
      tpu.wait_dma2 semaphore(%run_scoped3A_254 : memref<!tpu.dma_semaphore, #tpu.memory_space<semaphore_mem>>) src(%dma_wait3A_282 : memref<40x128xi32, #tpu.memory_space<hbm>>) dst(%arg7 : memref<40x128xi32, #tpu.memory_space<vmem>>)
      tpu.yield
    }) : () -> ()
    %dma_start3A_63 = arith.constant 40 : i32
    %dma_start3A_64 = arith.constant 0 : i32
    %dma_start3A_65 = tpu.memref_slice %arg6[%dma_start3A_63, %dma_start3A_64] : memref<80x128xi32, #tpu.memory_space<vmem>> -> memref<1x128xi32, #tpu.memory_space<vmem>>
    %dma_start3A_66 = tpu.memref_squeeze %dma_start3A_65 : memref<1x128xi32, #tpu.memory_space<vmem>> -> memref<128xi32, #tpu.memory_space<vmem>>
    %dma_start3A_67 = arith.constant 0 : i32
    %dma_start3A_68 = arith.constant 0 : i32
    %dma_start3A_69 = tpu.memref_slice %arg2[%add3A_1, %dma_start3A_67, %dma_start3A_68] : memref<4x10000x128xf32, #tpu.memory_space<hbm>> -> memref<1x10000x128xf32, #tpu.memory_space<hbm>>
    %dma_start3A_70 = tpu.memref_squeeze %dma_start3A_69 : memref<1x10000x128xf32, #tpu.memory_space<hbm>> -> memref<10000x128xf32, #tpu.memory_space<hbm>>
    %dma_start3A_71 = arith.constant 0 : i32
    %dma_start3A_72 = arith.constant 0 : i32
    %dma_start3A_73 = tpu.memref_slice %dma_start3A_70[%dma_start3A_71, %dma_start3A_72] : memref<10000x128xf32, #tpu.memory_space<hbm>> -> memref<10000x128xf32, #tpu.memory_space<hbm>>
    tpu.enqueue_indirect_dma source(%dma_start3A_73 : memref<10000x128xf32, #tpu.memory_space<hbm>>) target(%arg8 : memref<128x128xf32, #tpu.memory_space<vmem>>) offsets(%dma_start3A_66 : memref<128xi32, #tpu.memory_space<vmem>>) semaphore(%arg11 : memref<!tpu.dma_semaphore, #tpu.memory_space<semaphore_mem>>)
    %dma_start3A_74 = arith.constant 41 : i32
    %dma_start3A_75 = arith.constant 0 : i32
    %dma_start3A_76 = tpu.memref_slice %arg6[%dma_start3A_74, %dma_start3A_75] : memref<80x128xi32, #tpu.memory_space<vmem>> -> memref<1x128xi32, #tpu.memory_space<vmem>>
    %dma_start3A_77 = tpu.memref_squeeze %dma_start3A_76 : memref<1x128xi32, #tpu.memory_space<vmem>> -> memref<128xi32, #tpu.memory_space<vmem>>
    %dma_start3A_78 = arith.constant 0 : i32
    %dma_start3A_79 = arith.constant 0 : i32
    %dma_start3A_80 = tpu.memref_slice %arg2[%add3A_1, %dma_start3A_78, %dma_start3A_79] : memref<4x10000x128xf32, #tpu.memory_space<hbm>> -> memref<1x10000x128xf32, #tpu.memory_space<hbm>>
    %dma_start3A_81 = tpu.memref_squeeze %dma_start3A_80 : memref<1x10000x128xf32, #tpu.memory_space<hbm>> -> memref<10000x128xf32, #tpu.memory_space<hbm>>
    %dma_start3A_82 = arith.constant 0 : i32
    %dma_start3A_83 = arith.constant 0 : i32
    %dma_start3A_84 = tpu.memref_slice %dma_start3A_81[%dma_start3A_82, %dma_start3A_83] : memref<10000x128xf32, #tpu.memory_space<hbm>> -> memref<10000x128xf32, #tpu.memory_space<hbm>>
    tpu.enqueue_indirect_dma source(%dma_start3A_84 : memref<10000x128xf32, #tpu.memory_space<hbm>>) target(%arg9 : memref<128x128xf32, #tpu.memory_space<vmem>>) offsets(%dma_start3A_77 : memref<128xi32, #tpu.memory_space<vmem>>) semaphore(%arg12 : memref<!tpu.dma_semaphore, #tpu.memory_space<semaphore_mem>>)
    %scan3A_85 = arith.constant 0 : i32
    %scan3A_86 = arith.constant 19 : i32
    %scan3A_87 = arith.addi %scan3A_85, %scan3A_86 : i32
    %scan3A_88 = arith.constant 1 : i32
    scf.for %scan3A_254 = %scan3A_85 to %scan3A_87 step %scan3A_88  : i32 {
      %mul3A_255 = arith.constant 2 : i32
      %mul3A_256 = arith.muli %scan3A_254, %mul3A_255 : i32
      %add3A_257 = arith.constant 0 : i32
      %add3A_258 = arith.addi %add3A_257, %mul3A_256 : i32
      %add3A_259 = arith.constant 40 : i32
      %add3A_260 = arith.addi %add3A_259, %add3A_258 : i32
      %dma_wait3A_261 = arith.constant 0 : i32
      %dma_wait3A_262 = tpu.memref_slice %arg6[%add3A_260, %dma_wait3A_261] : memref<80x128xi32, #tpu.memory_space<vmem>> -> memref<1x128xi32, #tpu.memory_space<vmem>>
      %dma_wait3A_263 = tpu.memref_squeeze %dma_wait3A_262 : memref<1x128xi32, #tpu.memory_space<vmem>> -> memref<128xi32, #tpu.memory_space<vmem>>
      %dma_wait3A_264 = arith.constant 0 : i32
      %dma_wait3A_265 = arith.constant 0 : i32
      %dma_wait3A_266 = tpu.memref_slice %arg2[%add3A_1, %dma_wait3A_264, %dma_wait3A_265] : memref<4x10000x128xf32, #tpu.memory_space<hbm>> -> memref<1x10000x128xf32, #tpu.memory_space<hbm>>
      %dma_wait3A_267 = tpu.memref_squeeze %dma_wait3A_266 : memref<1x10000x128xf32, #tpu.memory_space<hbm>> -> memref<10000x128xf32, #tpu.memory_space<hbm>>
      %dma_wait3A_268 = arith.constant 0 : i32
      %dma_wait3A_269 = arith.constant 0 : i32
      %dma_wait3A_270 = tpu.memref_slice %dma_wait3A_267[%dma_wait3A_268, %dma_wait3A_269] : memref<10000x128xf32, #tpu.memory_space<hbm>> -> memref<10000x128xf32, #tpu.memory_space<hbm>>
      tpu.wait_indirect_dma semaphore(%arg11 : memref<!tpu.dma_semaphore, #tpu.memory_space<semaphore_mem>>) src(%dma_wait3A_270 : memref<10000x128xf32, #tpu.memory_space<hbm>>) dst(%arg8 : memref<128x128xf32, #tpu.memory_space<vmem>>)
      %dma_start3A_271 = arith.constant 0 : i32
      %dma_start3A_272 = tpu.memref_slice %arg7[%add3A_258, %dma_start3A_271] : memref<40x128xi32, #tpu.memory_space<vmem>> -> memref<1x128xi32, #tpu.memory_space<vmem>>
      %dma_start3A_273 = tpu.memref_squeeze %dma_start3A_272 : memref<1x128xi32, #tpu.memory_space<vmem>> -> memref<128xi32, #tpu.memory_space<vmem>>
      %dma_start3A_274 = arith.constant 0 : i32
      %dma_start3A_275 = arith.constant 0 : i32
      %dma_start3A_276 = tpu.memref_slice %arg10[%dma_start3A_274, %dma_start3A_275] : memref<10016x128xf32, #tpu.memory_space<vmem_shared>> -> memref<10016x128xf32, #tpu.memory_space<vmem_shared>>
      tpu.enqueue_indirect_dma source(%arg8 : memref<128x128xf32, #tpu.memory_space<vmem>>) target(%dma_start3A_276 : memref<10016x128xf32, #tpu.memory_space<vmem_shared>>) offsets(%dma_start3A_273 : memref<128xi32, #tpu.memory_space<vmem>>) semaphore(%arg13 : memref<!tpu.dma_semaphore, #tpu.memory_space<semaphore_mem>>) {add = true}
      %add3A_277 = arith.constant 40 : i32
      %add3A_278 = arith.addi %add3A_277, %add3A_258 : i32
      %add3A_279 = arith.constant 1 : i32
      %add3A_280 = arith.addi %add3A_278, %add3A_279 : i32
      %dma_wait3A_281 = arith.constant 0 : i32
      %dma_wait3A_282 = tpu.memref_slice %arg6[%add3A_280, %dma_wait3A_281] : memref<80x128xi32, #tpu.memory_space<vmem>> -> memref<1x128xi32, #tpu.memory_space<vmem>>
      %dma_wait3A_283 = tpu.memref_squeeze %dma_wait3A_282 : memref<1x128xi32, #tpu.memory_space<vmem>> -> memref<128xi32, #tpu.memory_space<vmem>>
      %dma_wait3A_284 = arith.constant 0 : i32
      %dma_wait3A_285 = arith.constant 0 : i32
      %dma_wait3A_286 = tpu.memref_slice %arg2[%add3A_1, %dma_wait3A_284, %dma_wait3A_285] : memref<4x10000x128xf32, #tpu.memory_space<hbm>> -> memref<1x10000x128xf32, #tpu.memory_space<hbm>>
      %dma_wait3A_287 = tpu.memref_squeeze %dma_wait3A_286 : memref<1x10000x128xf32, #tpu.memory_space<hbm>> -> memref<10000x128xf32, #tpu.memory_space<hbm>>
      %dma_wait3A_288 = arith.constant 0 : i32
      %dma_wait3A_289 = arith.constant 0 : i32
      %dma_wait3A_290 = tpu.memref_slice %dma_wait3A_287[%dma_wait3A_288, %dma_wait3A_289] : memref<10000x128xf32, #tpu.memory_space<hbm>> -> memref<10000x128xf32, #tpu.memory_space<hbm>>
      tpu.wait_indirect_dma semaphore(%arg12 : memref<!tpu.dma_semaphore, #tpu.memory_space<semaphore_mem>>) src(%dma_wait3A_290 : memref<10000x128xf32, #tpu.memory_space<hbm>>) dst(%arg9 : memref<128x128xf32, #tpu.memory_space<vmem>>)
      %add3A_291 = arith.constant 1 : i32
      %add3A_292 = arith.addi %add3A_258, %add3A_291 : i32
      %dma_start3A_293 = arith.constant 0 : i32
      %dma_start3A_294 = tpu.memref_slice %arg7[%add3A_292, %dma_start3A_293] : memref<40x128xi32, #tpu.memory_space<vmem>> -> memref<1x128xi32, #tpu.memory_space<vmem>>
      %dma_start3A_295 = tpu.memref_squeeze %dma_start3A_294 : memref<1x128xi32, #tpu.memory_space<vmem>> -> memref<128xi32, #tpu.memory_space<vmem>>
      %dma_start3A_296 = arith.constant 0 : i32
      %dma_start3A_297 = arith.constant 0 : i32
      %dma_start3A_298 = tpu.memref_slice %arg10[%dma_start3A_296, %dma_start3A_297] : memref<10016x128xf32, #tpu.memory_space<vmem_shared>> -> memref<10016x128xf32, #tpu.memory_space<vmem_shared>>
      tpu.enqueue_indirect_dma source(%arg9 : memref<128x128xf32, #tpu.memory_space<vmem>>) target(%dma_start3A_298 : memref<10016x128xf32, #tpu.memory_space<vmem_shared>>) offsets(%dma_start3A_295 : memref<128xi32, #tpu.memory_space<vmem>>) semaphore(%arg14 : memref<!tpu.dma_semaphore, #tpu.memory_space<semaphore_mem>>) {add = true}
      %dma_wait3A_299 = arith.constant 0 : i32
      %dma_wait3A_300 = tpu.memref_slice %arg7[%add3A_258, %dma_wait3A_299] : memref<40x128xi32, #tpu.memory_space<vmem>> -> memref<1x128xi32, #tpu.memory_space<vmem>>
      %dma_wait3A_301 = tpu.memref_squeeze %dma_wait3A_300 : memref<1x128xi32, #tpu.memory_space<vmem>> -> memref<128xi32, #tpu.memory_space<vmem>>
      %dma_wait3A_302 = arith.constant 0 : i32
      %dma_wait3A_303 = arith.constant 0 : i32
      %dma_wait3A_304 = tpu.memref_slice %arg10[%dma_wait3A_302, %dma_wait3A_303] : memref<10016x128xf32, #tpu.memory_space<vmem_shared>> -> memref<10016x128xf32, #tpu.memory_space<vmem_shared>>
      tpu.wait_indirect_dma semaphore(%arg13 : memref<!tpu.dma_semaphore, #tpu.memory_space<semaphore_mem>>) src(%arg8 : memref<128x128xf32, #tpu.memory_space<vmem>>) dst(%dma_wait3A_304 : memref<10016x128xf32, #tpu.memory_space<vmem_shared>>)
      %add3A_305 = arith.constant 40 : i32
      %add3A_306 = arith.addi %add3A_305, %add3A_258 : i32
      %add3A_307 = arith.constant 2 : i32
      %add3A_308 = arith.addi %add3A_306, %add3A_307 : i32
      %dma_start3A_309 = arith.constant 0 : i32
      %dma_start3A_310 = tpu.memref_slice %arg6[%add3A_308, %dma_start3A_309] : memref<80x128xi32, #tpu.memory_space<vmem>> -> memref<1x128xi32, #tpu.memory_space<vmem>>
      %dma_start3A_311 = tpu.memref_squeeze %dma_start3A_310 : memref<1x128xi32, #tpu.memory_space<vmem>> -> memref<128xi32, #tpu.memory_space<vmem>>
      %dma_start3A_312 = arith.constant 0 : i32
      %dma_start3A_313 = arith.constant 0 : i32
      %dma_start3A_314 = tpu.memref_slice %arg2[%add3A_1, %dma_start3A_312, %dma_start3A_313] : memref<4x10000x128xf32, #tpu.memory_space<hbm>> -> memref<1x10000x128xf32, #tpu.memory_space<hbm>>
      %dma_start3A_315 = tpu.memref_squeeze %dma_start3A_314 : memref<1x10000x128xf32, #tpu.memory_space<hbm>> -> memref<10000x128xf32, #tpu.memory_space<hbm>>
      %dma_start3A_316 = arith.constant 0 : i32
      %dma_start3A_317 = arith.constant 0 : i32
      %dma_start3A_318 = tpu.memref_slice %dma_start3A_315[%dma_start3A_316, %dma_start3A_317] : memref<10000x128xf32, #tpu.memory_space<hbm>> -> memref<10000x128xf32, #tpu.memory_space<hbm>>
      tpu.enqueue_indirect_dma source(%dma_start3A_318 : memref<10000x128xf32, #tpu.memory_space<hbm>>) target(%arg8 : memref<128x128xf32, #tpu.memory_space<vmem>>) offsets(%dma_start3A_311 : memref<128xi32, #tpu.memory_space<vmem>>) semaphore(%arg11 : memref<!tpu.dma_semaphore, #tpu.memory_space<semaphore_mem>>)
      %add3A_319 = arith.constant 1 : i32
      %add3A_320 = arith.addi %add3A_258, %add3A_319 : i32
      %dma_wait3A_321 = arith.constant 0 : i32
      %dma_wait3A_322 = tpu.memref_slice %arg7[%add3A_320, %dma_wait3A_321] : memref<40x128xi32, #tpu.memory_space<vmem>> -> memref<1x128xi32, #tpu.memory_space<vmem>>
      %dma_wait3A_323 = tpu.memref_squeeze %dma_wait3A_322 : memref<1x128xi32, #tpu.memory_space<vmem>> -> memref<128xi32, #tpu.memory_space<vmem>>
      %dma_wait3A_324 = arith.constant 0 : i32
      %dma_wait3A_325 = arith.constant 0 : i32
      %dma_wait3A_326 = tpu.memref_slice %arg10[%dma_wait3A_324, %dma_wait3A_325] : memref<10016x128xf32, #tpu.memory_space<vmem_shared>> -> memref<10016x128xf32, #tpu.memory_space<vmem_shared>>
      tpu.wait_indirect_dma semaphore(%arg14 : memref<!tpu.dma_semaphore, #tpu.memory_space<semaphore_mem>>) src(%arg9 : memref<128x128xf32, #tpu.memory_space<vmem>>) dst(%dma_wait3A_326 : memref<10016x128xf32, #tpu.memory_space<vmem_shared>>)
      %add3A_327 = arith.constant 40 : i32
      %add3A_328 = arith.addi %add3A_327, %add3A_258 : i32
      %add3A_329 = arith.constant 3 : i32
      %add3A_330 = arith.addi %add3A_328, %add3A_329 : i32
      %dma_start3A_331 = arith.constant 0 : i32
      %dma_start3A_332 = tpu.memref_slice %arg6[%add3A_330, %dma_start3A_331] : memref<80x128xi32, #tpu.memory_space<vmem>> -> memref<1x128xi32, #tpu.memory_space<vmem>>
      %dma_start3A_333 = tpu.memref_squeeze %dma_start3A_332 : memref<1x128xi32, #tpu.memory_space<vmem>> -> memref<128xi32, #tpu.memory_space<vmem>>
      %dma_start3A_334 = arith.constant 0 : i32
      %dma_start3A_335 = arith.constant 0 : i32
      %dma_start3A_336 = tpu.memref_slice %arg2[%add3A_1, %dma_start3A_334, %dma_start3A_335] : memref<4x10000x128xf32, #tpu.memory_space<hbm>> -> memref<1x10000x128xf32, #tpu.memory_space<hbm>>
      %dma_start3A_337 = tpu.memref_squeeze %dma_start3A_336 : memref<1x10000x128xf32, #tpu.memory_space<hbm>> -> memref<10000x128xf32, #tpu.memory_space<hbm>>
      %dma_start3A_338 = arith.constant 0 : i32
      %dma_start3A_339 = arith.constant 0 : i32
      %dma_start3A_340 = tpu.memref_slice %dma_start3A_337[%dma_start3A_338, %dma_start3A_339] : memref<10000x128xf32, #tpu.memory_space<hbm>> -> memref<10000x128xf32, #tpu.memory_space<hbm>>
      tpu.enqueue_indirect_dma source(%dma_start3A_340 : memref<10000x128xf32, #tpu.memory_space<hbm>>) target(%arg9 : memref<128x128xf32, #tpu.memory_space<vmem>>) offsets(%dma_start3A_333 : memref<128xi32, #tpu.memory_space<vmem>>) semaphore(%arg12 : memref<!tpu.dma_semaphore, #tpu.memory_space<semaphore_mem>>)
    }
    %scan3A_89 = arith.constant 19 : i32
    %dma_wait3A_90 = arith.constant 78 : i32
    %dma_wait3A_91 = arith.constant 0 : i32
    %dma_wait3A_92 = tpu.memref_slice %arg6[%dma_wait3A_90, %dma_wait3A_91] : memref<80x128xi32, #tpu.memory_space<vmem>> -> memref<1x128xi32, #tpu.memory_space<vmem>>
    %dma_wait3A_93 = tpu.memref_squeeze %dma_wait3A_92 : memref<1x128xi32, #tpu.memory_space<vmem>> -> memref<128xi32, #tpu.memory_space<vmem>>
    %dma_wait3A_94 = arith.constant 0 : i32
    %dma_wait3A_95 = arith.constant 0 : i32
    %dma_wait3A_96 = tpu.memref_slice %arg2[%add3A_1, %dma_wait3A_94, %dma_wait3A_95] : memref<4x10000x128xf32, #tpu.memory_space<hbm>> -> memref<1x10000x128xf32, #tpu.memory_space<hbm>>
    %dma_wait3A_97 = tpu.memref_squeeze %dma_wait3A_96 : memref<1x10000x128xf32, #tpu.memory_space<hbm>> -> memref<10000x128xf32, #tpu.memory_space<hbm>>
    %dma_wait3A_98 = arith.constant 0 : i32
    %dma_wait3A_99 = arith.constant 0 : i32
    %dma_wait3A_100 = tpu.memref_slice %dma_wait3A_97[%dma_wait3A_98, %dma_wait3A_99] : memref<10000x128xf32, #tpu.memory_space<hbm>> -> memref<10000x128xf32, #tpu.memory_space<hbm>>
    tpu.wait_indirect_dma semaphore(%arg11 : memref<!tpu.dma_semaphore, #tpu.memory_space<semaphore_mem>>) src(%dma_wait3A_100 : memref<10000x128xf32, #tpu.memory_space<hbm>>) dst(%arg8 : memref<128x128xf32, #tpu.memory_space<vmem>>)
    %run_scoped3A_101 = arith.constant 38 : i32
    "tpu.region"() ({
      %run_scoped3A_254 = tpu.sem_alloc : memref<!tpu.dma_semaphore, #tpu.memory_space<semaphore_mem>>
      %dma_start3A_255 = arith.constant 0 : i32
      %dma_start3A_256 = tpu.memref_slice %arg7[%run_scoped3A_101, %dma_start3A_255] : memref<40x128xi32, #tpu.memory_space<vmem>> -> memref<1x128xi32, #tpu.memory_space<vmem>>
      %dma_start3A_257 = tpu.memref_squeeze %dma_start3A_256 : memref<1x128xi32, #tpu.memory_space<vmem>> -> memref<128xi32, #tpu.memory_space<vmem>>
      %dma_start3A_258 = arith.constant 0 : i32
      %dma_start3A_259 = arith.constant 0 : i32
      %dma_start3A_260 = tpu.memref_slice %arg10[%dma_start3A_258, %dma_start3A_259] : memref<10016x128xf32, #tpu.memory_space<vmem_shared>> -> memref<10016x128xf32, #tpu.memory_space<vmem_shared>>
      tpu.enqueue_indirect_dma source(%arg8 : memref<128x128xf32, #tpu.memory_space<vmem>>) target(%dma_start3A_260 : memref<10016x128xf32, #tpu.memory_space<vmem_shared>>) offsets(%dma_start3A_257 : memref<128xi32, #tpu.memory_space<vmem>>) semaphore(%run_scoped3A_254 : memref<!tpu.dma_semaphore, #tpu.memory_space<semaphore_mem>>) {add = true}
      %dma_wait3A_261 = arith.constant 0 : i32
      %dma_wait3A_262 = tpu.memref_slice %arg7[%run_scoped3A_101, %dma_wait3A_261] : memref<40x128xi32, #tpu.memory_space<vmem>> -> memref<1x128xi32, #tpu.memory_space<vmem>>
      %dma_wait3A_263 = tpu.memref_squeeze %dma_wait3A_262 : memref<1x128xi32, #tpu.memory_space<vmem>> -> memref<128xi32, #tpu.memory_space<vmem>>
      %dma_wait3A_264 = arith.constant 0 : i32
      %dma_wait3A_265 = arith.constant 0 : i32
      %dma_wait3A_266 = tpu.memref_slice %arg10[%dma_wait3A_264, %dma_wait3A_265] : memref<10016x128xf32, #tpu.memory_space<vmem_shared>> -> memref<10016x128xf32, #tpu.memory_space<vmem_shared>>
      tpu.wait_indirect_dma semaphore(%run_scoped3A_254 : memref<!tpu.dma_semaphore, #tpu.memory_space<semaphore_mem>>) src(%arg8 : memref<128x128xf32, #tpu.memory_space<vmem>>) dst(%dma_wait3A_266 : memref<10016x128xf32, #tpu.memory_space<vmem_shared>>)
      tpu.yield
    }) : () -> ()
    %dma_wait3A_102 = arith.constant 79 : i32
    %dma_wait3A_103 = arith.constant 0 : i32
    %dma_wait3A_104 = tpu.memref_slice %arg6[%dma_wait3A_102, %dma_wait3A_103] : memref<80x128xi32, #tpu.memory_space<vmem>> -> memref<1x128xi32, #tpu.memory_space<vmem>>
    %dma_wait3A_105 = tpu.memref_squeeze %dma_wait3A_104 : memref<1x128xi32, #tpu.memory_space<vmem>> -> memref<128xi32, #tpu.memory_space<vmem>>
    %dma_wait3A_106 = arith.constant 0 : i32
    %dma_wait3A_107 = arith.constant 0 : i32
    %dma_wait3A_108 = tpu.memref_slice %arg2[%add3A_1, %dma_wait3A_106, %dma_wait3A_107] : memref<4x10000x128xf32, #tpu.memory_space<hbm>> -> memref<1x10000x128xf32, #tpu.memory_space<hbm>>
    %dma_wait3A_109 = tpu.memref_squeeze %dma_wait3A_108 : memref<1x10000x128xf32, #tpu.memory_space<hbm>> -> memref<10000x128xf32, #tpu.memory_space<hbm>>
    %dma_wait3A_110 = arith.constant 0 : i32
    %dma_wait3A_111 = arith.constant 0 : i32
    %dma_wait3A_112 = tpu.memref_slice %dma_wait3A_109[%dma_wait3A_110, %dma_wait3A_111] : memref<10000x128xf32, #tpu.memory_space<hbm>> -> memref<10000x128xf32, #tpu.memory_space<hbm>>
    tpu.wait_indirect_dma semaphore(%arg12 : memref<!tpu.dma_semaphore, #tpu.memory_space<semaphore_mem>>) src(%dma_wait3A_112 : memref<10000x128xf32, #tpu.memory_space<hbm>>) dst(%arg9 : memref<128x128xf32, #tpu.memory_space<vmem>>)
    %run_scoped3A_113 = arith.constant 39 : i32
    "tpu.region"() ({
      %run_scoped3A_254 = tpu.sem_alloc : memref<!tpu.dma_semaphore, #tpu.memory_space<semaphore_mem>>
      %dma_start3A_255 = arith.constant 0 : i32
      %dma_start3A_256 = tpu.memref_slice %arg7[%run_scoped3A_113, %dma_start3A_255] : memref<40x128xi32, #tpu.memory_space<vmem>> -> memref<1x128xi32, #tpu.memory_space<vmem>>
      %dma_start3A_257 = tpu.memref_squeeze %dma_start3A_256 : memref<1x128xi32, #tpu.memory_space<vmem>> -> memref<128xi32, #tpu.memory_space<vmem>>
      %dma_start3A_258 = arith.constant 0 : i32
      %dma_start3A_259 = arith.constant 0 : i32
      %dma_start3A_260 = tpu.memref_slice %arg10[%dma_start3A_258, %dma_start3A_259] : memref<10016x128xf32, #tpu.memory_space<vmem_shared>> -> memref<10016x128xf32, #tpu.memory_space<vmem_shared>>
      tpu.enqueue_indirect_dma source(%arg9 : memref<128x128xf32, #tpu.memory_space<vmem>>) target(%dma_start3A_260 : memref<10016x128xf32, #tpu.memory_space<vmem_shared>>) offsets(%dma_start3A_257 : memref<128xi32, #tpu.memory_space<vmem>>) semaphore(%run_scoped3A_254 : memref<!tpu.dma_semaphore, #tpu.memory_space<semaphore_mem>>) {add = true}
      %dma_wait3A_261 = arith.constant 0 : i32
      %dma_wait3A_262 = tpu.memref_slice %arg7[%run_scoped3A_113, %dma_wait3A_261] : memref<40x128xi32, #tpu.memory_space<vmem>> -> memref<1x128xi32, #tpu.memory_space<vmem>>
      %dma_wait3A_263 = tpu.memref_squeeze %dma_wait3A_262 : memref<1x128xi32, #tpu.memory_space<vmem>> -> memref<128xi32, #tpu.memory_space<vmem>>
      %dma_wait3A_264 = arith.constant 0 : i32
      %dma_wait3A_265 = arith.constant 0 : i32
      %dma_wait3A_266 = tpu.memref_slice %arg10[%dma_wait3A_264, %dma_wait3A_265] : memref<10016x128xf32, #tpu.memory_space<vmem_shared>> -> memref<10016x128xf32, #tpu.memory_space<vmem_shared>>
      tpu.wait_indirect_dma semaphore(%run_scoped3A_254 : memref<!tpu.dma_semaphore, #tpu.memory_space<semaphore_mem>>) src(%arg9 : memref<128x128xf32, #tpu.memory_space<vmem>>) dst(%dma_wait3A_266 : memref<10016x128xf32, #tpu.memory_space<vmem_shared>>)
      tpu.yield
    }) : () -> ()
    %barrier3A_114 = arith.constant 0 : index
    tpu.barrier barrier_id(%barrier3A_114)
    %mul3A_115 = arith.constant 624 : i32
    %mul3A_116 = arith.muli %arg1, %mul3A_115 : i32
    %mul3A_117 = arith.constant 624 : i32
    %mul3A_118 = arith.muli %arg1, %mul3A_117 : i32
    "tpu.region"() ({
      %run_scoped3A_254 = tpu.sem_alloc : memref<!tpu.dma_semaphore, #tpu.memory_space<semaphore_mem>>
      %dma_start3A_255 = arith.constant 0 : i32
      %dma_start3A_256 = arith.constant 0 : i32
      %dma_start3A_257 = tpu.memref_slice %arg5[%add3A_1, %dma_start3A_255, %dma_start3A_256] : memref<4x10000x128xf32, #tpu.memory_space<hbm>> -> memref<1x10000x128xf32, #tpu.memory_space<hbm>>
      %dma_start3A_258 = tpu.memref_squeeze %dma_start3A_257 : memref<1x10000x128xf32, #tpu.memory_space<hbm>> -> memref<10000x128xf32, #tpu.memory_space<hbm>>
      %dma_start3A_259 = arith.constant 0 : i32
      %dma_start3A_260 = tpu.memref_slice %dma_start3A_258[%mul3A_118, %dma_start3A_259] : memref<10000x128xf32, #tpu.memory_space<hbm>> -> memref<624x128xf32, #tpu.memory_space<hbm>>
      %dma_start3A_261 = arith.constant 0 : i32
      %dma_start3A_262 = tpu.memref_slice %arg10[%mul3A_116, %dma_start3A_261] : memref<10016x128xf32, #tpu.memory_space<vmem_shared>> -> memref<624x128xf32, #tpu.memory_space<vmem_shared>>
      tpu.enqueue_dma source(%dma_start3A_262 : memref<624x128xf32, #tpu.memory_space<vmem_shared>>) target(%dma_start3A_260 : memref<624x128xf32, #tpu.memory_space<hbm>>) target_semaphore(%run_scoped3A_254 : memref<!tpu.dma_semaphore, #tpu.memory_space<semaphore_mem>>)
      %dma_wait3A_263 = arith.constant 0 : i32
      %dma_wait3A_264 = arith.constant 0 : i32
      %dma_wait3A_265 = tpu.memref_slice %arg5[%add3A_1, %dma_wait3A_263, %dma_wait3A_264] : memref<4x10000x128xf32, #tpu.memory_space<hbm>> -> memref<1x10000x128xf32, #tpu.memory_space<hbm>>
      %dma_wait3A_266 = tpu.memref_squeeze %dma_wait3A_265 : memref<1x10000x128xf32, #tpu.memory_space<hbm>> -> memref<10000x128xf32, #tpu.memory_space<hbm>>
      %dma_wait3A_267 = arith.constant 0 : i32
      %dma_wait3A_268 = tpu.memref_slice %dma_wait3A_266[%mul3A_118, %dma_wait3A_267] : memref<10000x128xf32, #tpu.memory_space<hbm>> -> memref<624x128xf32, #tpu.memory_space<hbm>>
      %dma_wait3A_269 = arith.constant 0 : i32
      %dma_wait3A_270 = tpu.memref_slice %arg10[%mul3A_116, %dma_wait3A_269] : memref<10016x128xf32, #tpu.memory_space<vmem_shared>> -> memref<624x128xf32, #tpu.memory_space<vmem_shared>>
      tpu.wait_dma2 semaphore(%run_scoped3A_254 : memref<!tpu.dma_semaphore, #tpu.memory_space<semaphore_mem>>) src(%dma_wait3A_270 : memref<624x128xf32, #tpu.memory_space<vmem_shared>>) dst(%dma_wait3A_268 : memref<624x128xf32, #tpu.memory_space<hbm>>)
      tpu.yield
    }) : () -> ()
    %eq3A = arith.constant 0 : i32
    %eq3A_119 = arith.cmpi eq, %arg1, %eq3A : i32
    %convert_element_type3A = arith.extui %eq3A_119 : i1 to i32
    %cond3A = arith.constant 0 : i32
    %cond3A_120 = arith.cmpi ne, %convert_element_type3A, %cond3A : i32
    scf.if %cond3A_120 {
      "tpu.region"() ({
        %run_scoped3A_254 = tpu.sem_alloc : memref<!tpu.dma_semaphore, #tpu.memory_space<semaphore_mem>>
        %dma_start3A_255 = arith.constant 0 : i32
        %dma_start3A_256 = arith.constant 0 : i32
        %dma_start3A_257 = tpu.memref_slice %arg5[%add3A_1, %dma_start3A_255, %dma_start3A_256] : memref<4x10000x128xf32, #tpu.memory_space<hbm>> -> memref<1x10000x128xf32, #tpu.memory_space<hbm>>
        %dma_start3A_258 = tpu.memref_squeeze %dma_start3A_257 : memref<1x10000x128xf32, #tpu.memory_space<hbm>> -> memref<10000x128xf32, #tpu.memory_space<hbm>>
        %dma_start3A_259 = arith.constant 9984 : i32
        %dma_start3A_260 = arith.constant 0 : i32
        %dma_start3A_261 = tpu.memref_slice %dma_start3A_258[%dma_start3A_259, %dma_start3A_260] : memref<10000x128xf32, #tpu.memory_space<hbm>> -> memref<16x128xf32, #tpu.memory_space<hbm>>
        %dma_start3A_262 = arith.constant 9984 : i32
        %dma_start3A_263 = arith.constant 0 : i32
        %dma_start3A_264 = tpu.memref_slice %arg10[%dma_start3A_262, %dma_start3A_263] : memref<10016x128xf32, #tpu.memory_space<vmem_shared>> -> memref<16x128xf32, #tpu.memory_space<vmem_shared>>
        tpu.enqueue_dma source(%dma_start3A_264 : memref<16x128xf32, #tpu.memory_space<vmem_shared>>) target(%dma_start3A_261 : memref<16x128xf32, #tpu.memory_space<hbm>>) target_semaphore(%run_scoped3A_254 : memref<!tpu.dma_semaphore, #tpu.memory_space<semaphore_mem>>)
        %dma_wait3A_265 = arith.constant 0 : i32
        %dma_wait3A_266 = arith.constant 0 : i32
        %dma_wait3A_267 = tpu.memref_slice %arg5[%add3A_1, %dma_wait3A_265, %dma_wait3A_266] : memref<4x10000x128xf32, #tpu.memory_space<hbm>> -> memref<1x10000x128xf32, #tpu.memory_space<hbm>>
        %dma_wait3A_268 = tpu.memref_squeeze %dma_wait3A_267 : memref<1x10000x128xf32, #tpu.memory_space<hbm>> -> memref<10000x128xf32, #tpu.memory_space<hbm>>
        %dma_wait3A_269 = arith.constant 9984 : i32
        %dma_wait3A_270 = arith.constant 0 : i32
        %dma_wait3A_271 = tpu.memref_slice %dma_wait3A_268[%dma_wait3A_269, %dma_wait3A_270] : memref<10000x128xf32, #tpu.memory_space<hbm>> -> memref<16x128xf32, #tpu.memory_space<hbm>>
        %dma_wait3A_272 = arith.constant 9984 : i32
        %dma_wait3A_273 = arith.constant 0 : i32
        %dma_wait3A_274 = tpu.memref_slice %arg10[%dma_wait3A_272, %dma_wait3A_273] : memref<10016x128xf32, #tpu.memory_space<vmem_shared>> -> memref<16x128xf32, #tpu.memory_space<vmem_shared>>
        tpu.wait_dma2 semaphore(%run_scoped3A_254 : memref<!tpu.dma_semaphore, #tpu.memory_space<semaphore_mem>>) src(%dma_wait3A_274 : memref<16x128xf32, #tpu.memory_space<vmem_shared>>) dst(%dma_wait3A_271 : memref<16x128xf32, #tpu.memory_space<hbm>>)
        tpu.yield
      }) : () -> ()
    } else {
    }
    %barrier3A_121 = arith.constant 0 : index
    tpu.barrier barrier_id(%barrier3A_121)
    %mul3A_122 = arith.constant 2 : i32
    %mul3A_123 = arith.muli %arg0, %mul3A_122 : i32
    %add3A_124 = arith.constant 1 : i32
    %add3A_125 = arith.addi %mul3A_123, %add3A_124 : i32
    %scan3A_126 = arith.constant 0 : i32
    %scan3A_127 = arith.constant 128 : i32
    %scan3A_128 = arith.addi %scan3A_126, %scan3A_127 : i32
    %scan3A_129 = arith.constant 1 : i32
    scf.for %scan3A_254 = %scan3A_126 to %scan3A_128 step %scan3A_129  : i32 {
      %mul3A_255 = arith.constant 1 : i32
      %mul3A_256 = arith.muli %scan3A_254, %mul3A_255 : i32
      %add3A_257 = arith.constant 0 : i32
      %add3A_258 = arith.addi %add3A_257, %mul3A_256 : i32
      %scan3A_259 = arith.constant 0 : i32
      %scan3A_260 = arith.constant 8 : i32
      %scan3A_261 = arith.addi %scan3A_259, %scan3A_260 : i32
      %scan3A_262 = arith.constant 1 : i32
      scf.for %scan3A_264 = %scan3A_259 to %scan3A_261 step %scan3A_262  : i32 {
        %mul3A_265 = arith.constant 16 : i32
        %mul3A_266 = arith.muli %scan3A_264, %mul3A_265 : i32
        %add3A_267 = arith.constant 0 : i32
        %add3A_268 = arith.addi %add3A_267, %mul3A_266 : i32
        %broadcast_in_dim3A = arith.constant 0.000000e+00 : f32
        %broadcast_in_dim3A_269 = vector.broadcast %broadcast_in_dim3A : f32 to vector<16xf32>
        %swap3A = arith.index_cast %add3A_258 : i32 to index
        %swap3A_270 = arith.index_cast %add3A_268 : i32 to index
        %swap3A_271 = tpu.vector_load %arg8[%swap3A, %swap3A_270] {strides = array<i32>} : memref<128x128xf32, #tpu.memory_space<vmem>>, vector<1x16xf32>,
        %swap3A_272 = vector.shape_cast %swap3A_271 : vector<1x16xf32> to vector<16xf32>
        %swap3A_273 = vector.shape_cast %broadcast_in_dim3A_269 : vector<16xf32> to vector<1x16xf32>
        tpu.vector_store %arg8[%swap3A, %swap3A_270], %swap3A_273 {strides = array<i32>} : memref<128x128xf32, #tpu.memory_space<vmem>>, vector<1x16xf32>,
      }
      %scan3A_263 = arith.constant 8 : i32
    }
    %scan3A_130 = arith.constant 128 : i32
    %scan3A_131 = arith.constant 0 : i32
    %scan3A_132 = arith.constant 4 : i32
    %scan3A_133 = arith.addi %scan3A_131, %scan3A_132 : i32
    %scan3A_134 = arith.constant 1 : i32
    scf.for %scan3A_254 = %scan3A_131 to %scan3A_133 step %scan3A_134  : i32 {
      %mul3A_255 = arith.constant 1 : i32
      %mul3A_256 = arith.muli %scan3A_254, %mul3A_255 : i32
      %add3A_257 = arith.constant 0 : i32
      %add3A_258 = arith.addi %add3A_257, %mul3A_256 : i32
      %mul3A_259 = arith.constant 626 : i32
      %mul3A_260 = arith.muli %arg1, %mul3A_259 : i32
      %mul3A_261 = arith.constant 128 : i32
      %mul3A_262 = arith.muli %add3A_258, %mul3A_261 : i32
      %add3A_263 = arith.addi %mul3A_260, %mul3A_262 : i32
      "tpu.region"() ({
        %run_scoped3A_264 = tpu.sem_alloc : memref<!tpu.dma_semaphore, #tpu.memory_space<semaphore_mem>>
        %dma_start3A_265 = arith.constant 0 : i32
        %dma_start3A_266 = tpu.memref_slice %arg10[%add3A_263, %dma_start3A_265] : memref<10016x128xf32, #tpu.memory_space<vmem_shared>> -> memref<128x128xf32, #tpu.memory_space<vmem_shared>>
        %dma_start3A_267 = arith.constant 0 : i32
        %dma_start3A_268 = tpu.memref_slice %arg10[%add3A_263, %dma_start3A_267] : memref<10016x128xf32, #tpu.memory_space<vmem_shared>> -> memref<128x128xf32, #tpu.memory_space<vmem_shared>>
        tpu.enqueue_dma source(%arg8 : memref<128x128xf32, #tpu.memory_space<vmem>>) target(%dma_start3A_268 : memref<128x128xf32, #tpu.memory_space<vmem_shared>>) target_semaphore(%run_scoped3A_264 : memref<!tpu.dma_semaphore, #tpu.memory_space<semaphore_mem>>)
        %dma_wait3A_269 = arith.constant 0 : i32
        %dma_wait3A_270 = tpu.memref_slice %arg10[%add3A_263, %dma_wait3A_269] : memref<10016x128xf32, #tpu.memory_space<vmem_shared>> -> memref<128x128xf32, #tpu.memory_space<vmem_shared>>
        %dma_wait3A_271 = arith.constant 0 : i32
        %dma_wait3A_272 = tpu.memref_slice %arg10[%add3A_263, %dma_wait3A_271] : memref<10016x128xf32, #tpu.memory_space<vmem_shared>> -> memref<128x128xf32, #tpu.memory_space<vmem_shared>>
        tpu.wait_dma2 semaphore(%run_scoped3A_264 : memref<!tpu.dma_semaphore, #tpu.memory_space<semaphore_mem>>) src(%arg8 : memref<128x128xf32, #tpu.memory_space<vmem>>) dst(%dma_wait3A_272 : memref<128x128xf32, #tpu.memory_space<vmem_shared>>)
        tpu.yield
      }) : () -> ()
    }
    %scan3A_135 = arith.constant 4 : i32
    %mul3A_136 = arith.constant 626 : i32
    %mul3A_137 = arith.muli %arg1, %mul3A_136 : i32
    %add3A_138 = arith.constant 512 : i32
    %add3A_139 = arith.addi %mul3A_137, %add3A_138 : i32
    "tpu.region"() ({
      %run_scoped3A_254 = tpu.sem_alloc : memref<!tpu.dma_semaphore, #tpu.memory_space<semaphore_mem>>
      %dma_start3A_255 = arith.constant 0 : i32
      %dma_start3A_256 = arith.constant 0 : i32
      %dma_start3A_257 = tpu.memref_slice %arg8[%dma_start3A_255, %dma_start3A_256] : memref<128x128xf32, #tpu.memory_space<vmem>> -> memref<114x128xf32, #tpu.memory_space<vmem>>
      %dma_start3A_258 = arith.constant 0 : i32
      %dma_start3A_259 = tpu.memref_slice %arg10[%add3A_139, %dma_start3A_258] : memref<10016x128xf32, #tpu.memory_space<vmem_shared>> -> memref<114x128xf32, #tpu.memory_space<vmem_shared>>
      %dma_start3A_260 = arith.constant 0 : i32
      %dma_start3A_261 = tpu.memref_slice %arg10[%add3A_139, %dma_start3A_260] : memref<10016x128xf32, #tpu.memory_space<vmem_shared>> -> memref<114x128xf32, #tpu.memory_space<vmem_shared>>
      %dma_start3A_262 = arith.constant 0 : i32
      %dma_start3A_263 = arith.constant 0 : i32
      %dma_start3A_264 = tpu.memref_slice %arg8[%dma_start3A_262, %dma_start3A_263] : memref<128x128xf32, #tpu.memory_space<vmem>> -> memref<114x128xf32, #tpu.memory_space<vmem>>
      tpu.enqueue_dma source(%dma_start3A_264 : memref<114x128xf32, #tpu.memory_space<vmem>>) target(%dma_start3A_261 : memref<114x128xf32, #tpu.memory_space<vmem_shared>>) target_semaphore(%run_scoped3A_254 : memref<!tpu.dma_semaphore, #tpu.memory_space<semaphore_mem>>)
      %dma_wait3A_265 = arith.constant 0 : i32
      %dma_wait3A_266 = arith.constant 0 : i32
      %dma_wait3A_267 = tpu.memref_slice %arg8[%dma_wait3A_265, %dma_wait3A_266] : memref<128x128xf32, #tpu.memory_space<vmem>> -> memref<114x128xf32, #tpu.memory_space<vmem>>
      %dma_wait3A_268 = arith.constant 0 : i32
      %dma_wait3A_269 = tpu.memref_slice %arg10[%add3A_139, %dma_wait3A_268] : memref<10016x128xf32, #tpu.memory_space<vmem_shared>> -> memref<114x128xf32, #tpu.memory_space<vmem_shared>>
      %dma_wait3A_270 = arith.constant 0 : i32
      %dma_wait3A_271 = tpu.memref_slice %arg10[%add3A_139, %dma_wait3A_270] : memref<10016x128xf32, #tpu.memory_space<vmem_shared>> -> memref<114x128xf32, #tpu.memory_space<vmem_shared>>
      %dma_wait3A_272 = arith.constant 0 : i32
      %dma_wait3A_273 = arith.constant 0 : i32
      %dma_wait3A_274 = tpu.memref_slice %arg8[%dma_wait3A_272, %dma_wait3A_273] : memref<128x128xf32, #tpu.memory_space<vmem>> -> memref<114x128xf32, #tpu.memory_space<vmem>>
      tpu.wait_dma2 semaphore(%run_scoped3A_254 : memref<!tpu.dma_semaphore, #tpu.memory_space<semaphore_mem>>) src(%dma_wait3A_274 : memref<114x128xf32, #tpu.memory_space<vmem>>) dst(%dma_wait3A_271 : memref<114x128xf32, #tpu.memory_space<vmem_shared>>)
      tpu.yield
    }) : () -> ()
    %barrier3A_140 = arith.constant 0 : index
    tpu.barrier barrier_id(%barrier3A_140)
    "tpu.region"() ({
      %run_scoped3A_254 = tpu.sem_alloc : memref<!tpu.dma_semaphore, #tpu.memory_space<semaphore_mem>>
      %dma_start3A_255 = arith.constant 0 : i32
      %dma_start3A_256 = arith.constant 0 : i32
      %dma_start3A_257 = tpu.memref_slice %arg4[%arg1, %dma_start3A_255, %dma_start3A_256] : memref<16x80x128xi32, #tpu.memory_space<hbm>> -> memref<1x80x128xi32, #tpu.memory_space<hbm>>
      %dma_start3A_258 = tpu.memref_squeeze %dma_start3A_257 : memref<1x80x128xi32, #tpu.memory_space<hbm>> -> memref<80x128xi32, #tpu.memory_space<hbm>>
      %dma_start3A_259 = arith.constant 0 : i32
      %dma_start3A_260 = arith.constant 0 : i32
      %dma_start3A_261 = tpu.memref_slice %dma_start3A_258[%dma_start3A_259, %dma_start3A_260] : memref<80x128xi32, #tpu.memory_space<hbm>> -> memref<40x128xi32, #tpu.memory_space<hbm>>
      %dma_start3A_262 = arith.constant 0 : i32
      %dma_start3A_263 = arith.constant 0 : i32
      %dma_start3A_264 = tpu.memref_slice %arg4[%arg1, %dma_start3A_262, %dma_start3A_263] : memref<16x80x128xi32, #tpu.memory_space<hbm>> -> memref<1x80x128xi32, #tpu.memory_space<hbm>>
      %dma_start3A_265 = tpu.memref_squeeze %dma_start3A_264 : memref<1x80x128xi32, #tpu.memory_space<hbm>> -> memref<80x128xi32, #tpu.memory_space<hbm>>
      %dma_start3A_266 = arith.constant 0 : i32
      %dma_start3A_267 = arith.constant 0 : i32
      %dma_start3A_268 = tpu.memref_slice %dma_start3A_265[%dma_start3A_266, %dma_start3A_267] : memref<80x128xi32, #tpu.memory_space<hbm>> -> memref<40x128xi32, #tpu.memory_space<hbm>>
      tpu.enqueue_dma source(%dma_start3A_268 : memref<40x128xi32, #tpu.memory_space<hbm>>) target(%arg7 : memref<40x128xi32, #tpu.memory_space<vmem>>) target_semaphore(%run_scoped3A_254 : memref<!tpu.dma_semaphore, #tpu.memory_space<semaphore_mem>>)
      %dma_wait3A_269 = arith.constant 0 : i32
      %dma_wait3A_270 = arith.constant 0 : i32
      %dma_wait3A_271 = tpu.memref_slice %arg4[%arg1, %dma_wait3A_269, %dma_wait3A_270] : memref<16x80x128xi32, #tpu.memory_space<hbm>> -> memref<1x80x128xi32, #tpu.memory_space<hbm>>
      %dma_wait3A_272 = tpu.memref_squeeze %dma_wait3A_271 : memref<1x80x128xi32, #tpu.memory_space<hbm>> -> memref<80x128xi32, #tpu.memory_space<hbm>>
      %dma_wait3A_273 = arith.constant 0 : i32
      %dma_wait3A_274 = arith.constant 0 : i32
      %dma_wait3A_275 = tpu.memref_slice %dma_wait3A_272[%dma_wait3A_273, %dma_wait3A_274] : memref<80x128xi32, #tpu.memory_space<hbm>> -> memref<40x128xi32, #tpu.memory_space<hbm>>
      %dma_wait3A_276 = arith.constant 0 : i32
      %dma_wait3A_277 = arith.constant 0 : i32
      %dma_wait3A_278 = tpu.memref_slice %arg4[%arg1, %dma_wait3A_276, %dma_wait3A_277] : memref<16x80x128xi32, #tpu.memory_space<hbm>> -> memref<1x80x128xi32, #tpu.memory_space<hbm>>
      %dma_wait3A_279 = tpu.memref_squeeze %dma_wait3A_278 : memref<1x80x128xi32, #tpu.memory_space<hbm>> -> memref<80x128xi32, #tpu.memory_space<hbm>>
      %dma_wait3A_280 = arith.constant 0 : i32
      %dma_wait3A_281 = arith.constant 0 : i32
      %dma_wait3A_282 = tpu.memref_slice %dma_wait3A_279[%dma_wait3A_280, %dma_wait3A_281] : memref<80x128xi32, #tpu.memory_space<hbm>> -> memref<40x128xi32, #tpu.memory_space<hbm>>
      tpu.wait_dma2 semaphore(%run_scoped3A_254 : memref<!tpu.dma_semaphore, #tpu.memory_space<semaphore_mem>>) src(%dma_wait3A_282 : memref<40x128xi32, #tpu.memory_space<hbm>>) dst(%arg7 : memref<40x128xi32, #tpu.memory_space<vmem>>)
      tpu.yield
    }) : () -> ()
    %dma_start3A_141 = arith.constant 0 : i32
    %dma_start3A_142 = arith.constant 0 : i32
    %dma_start3A_143 = tpu.memref_slice %arg6[%dma_start3A_141, %dma_start3A_142] : memref<80x128xi32, #tpu.memory_space<vmem>> -> memref<1x128xi32, #tpu.memory_space<vmem>>
    %dma_start3A_144 = tpu.memref_squeeze %dma_start3A_143 : memref<1x128xi32, #tpu.memory_space<vmem>> -> memref<128xi32, #tpu.memory_space<vmem>>
    %dma_start3A_145 = arith.constant 0 : i32
    %dma_start3A_146 = arith.constant 0 : i32
    %dma_start3A_147 = tpu.memref_slice %arg2[%add3A_125, %dma_start3A_145, %dma_start3A_146] : memref<4x10000x128xf32, #tpu.memory_space<hbm>> -> memref<1x10000x128xf32, #tpu.memory_space<hbm>>
    %dma_start3A_148 = tpu.memref_squeeze %dma_start3A_147 : memref<1x10000x128xf32, #tpu.memory_space<hbm>> -> memref<10000x128xf32, #tpu.memory_space<hbm>>
    %dma_start3A_149 = arith.constant 0 : i32
    %dma_start3A_150 = arith.constant 0 : i32
    %dma_start3A_151 = tpu.memref_slice %dma_start3A_148[%dma_start3A_149, %dma_start3A_150] : memref<10000x128xf32, #tpu.memory_space<hbm>> -> memref<10000x128xf32, #tpu.memory_space<hbm>>
    tpu.enqueue_indirect_dma source(%dma_start3A_151 : memref<10000x128xf32, #tpu.memory_space<hbm>>) target(%arg8 : memref<128x128xf32, #tpu.memory_space<vmem>>) offsets(%dma_start3A_144 : memref<128xi32, #tpu.memory_space<vmem>>) semaphore(%arg11 : memref<!tpu.dma_semaphore, #tpu.memory_space<semaphore_mem>>)
    %dma_start3A_152 = arith.constant 1 : i32
    %dma_start3A_153 = arith.constant 0 : i32
    %dma_start3A_154 = tpu.memref_slice %arg6[%dma_start3A_152, %dma_start3A_153] : memref<80x128xi32, #tpu.memory_space<vmem>> -> memref<1x128xi32, #tpu.memory_space<vmem>>
    %dma_start3A_155 = tpu.memref_squeeze %dma_start3A_154 : memref<1x128xi32, #tpu.memory_space<vmem>> -> memref<128xi32, #tpu.memory_space<vmem>>
    %dma_start3A_156 = arith.constant 0 : i32
    %dma_start3A_157 = arith.constant 0 : i32
    %dma_start3A_158 = tpu.memref_slice %arg2[%add3A_125, %dma_start3A_156, %dma_start3A_157] : memref<4x10000x128xf32, #tpu.memory_space<hbm>> -> memref<1x10000x128xf32, #tpu.memory_space<hbm>>
    %dma_start3A_159 = tpu.memref_squeeze %dma_start3A_158 : memref<1x10000x128xf32, #tpu.memory_space<hbm>> -> memref<10000x128xf32, #tpu.memory_space<hbm>>
    %dma_start3A_160 = arith.constant 0 : i32
    %dma_start3A_161 = arith.constant 0 : i32
    %dma_start3A_162 = tpu.memref_slice %dma_start3A_159[%dma_start3A_160, %dma_start3A_161] : memref<10000x128xf32, #tpu.memory_space<hbm>> -> memref<10000x128xf32, #tpu.memory_space<hbm>>
    tpu.enqueue_indirect_dma source(%dma_start3A_162 : memref<10000x128xf32, #tpu.memory_space<hbm>>) target(%arg9 : memref<128x128xf32, #tpu.memory_space<vmem>>) offsets(%dma_start3A_155 : memref<128xi32, #tpu.memory_space<vmem>>) semaphore(%arg12 : memref<!tpu.dma_semaphore, #tpu.memory_space<semaphore_mem>>)
    %scan3A_163 = arith.constant 0 : i32
    %scan3A_164 = arith.constant 19 : i32
    %scan3A_165 = arith.addi %scan3A_163, %scan3A_164 : i32
    %scan3A_166 = arith.constant 1 : i32
    scf.for %scan3A_254 = %scan3A_163 to %scan3A_165 step %scan3A_166  : i32 {
      %mul3A_255 = arith.constant 2 : i32
      %mul3A_256 = arith.muli %scan3A_254, %mul3A_255 : i32
      %add3A_257 = arith.constant 0 : i32
      %add3A_258 = arith.addi %add3A_257, %mul3A_256 : i32
      %add3A_259 = arith.constant 0 : i32
      %add3A_260 = arith.addi %add3A_259, %add3A_258 : i32
      %dma_wait3A_261 = arith.constant 0 : i32
      %dma_wait3A_262 = tpu.memref_slice %arg6[%add3A_260, %dma_wait3A_261] : memref<80x128xi32, #tpu.memory_space<vmem>> -> memref<1x128xi32, #tpu.memory_space<vmem>>
      %dma_wait3A_263 = tpu.memref_squeeze %dma_wait3A_262 : memref<1x128xi32, #tpu.memory_space<vmem>> -> memref<128xi32, #tpu.memory_space<vmem>>
      %dma_wait3A_264 = arith.constant 0 : i32
      %dma_wait3A_265 = arith.constant 0 : i32
      %dma_wait3A_266 = tpu.memref_slice %arg2[%add3A_125, %dma_wait3A_264, %dma_wait3A_265] : memref<4x10000x128xf32, #tpu.memory_space<hbm>> -> memref<1x10000x128xf32, #tpu.memory_space<hbm>>
      %dma_wait3A_267 = tpu.memref_squeeze %dma_wait3A_266 : memref<1x10000x128xf32, #tpu.memory_space<hbm>> -> memref<10000x128xf32, #tpu.memory_space<hbm>>
      %dma_wait3A_268 = arith.constant 0 : i32
      %dma_wait3A_269 = arith.constant 0 : i32
      %dma_wait3A_270 = tpu.memref_slice %dma_wait3A_267[%dma_wait3A_268, %dma_wait3A_269] : memref<10000x128xf32, #tpu.memory_space<hbm>> -> memref<10000x128xf32, #tpu.memory_space<hbm>>
      tpu.wait_indirect_dma semaphore(%arg11 : memref<!tpu.dma_semaphore, #tpu.memory_space<semaphore_mem>>) src(%dma_wait3A_270 : memref<10000x128xf32, #tpu.memory_space<hbm>>) dst(%arg8 : memref<128x128xf32, #tpu.memory_space<vmem>>)
      %dma_start3A_271 = arith.constant 0 : i32
      %dma_start3A_272 = tpu.memref_slice %arg7[%add3A_258, %dma_start3A_271] : memref<40x128xi32, #tpu.memory_space<vmem>> -> memref<1x128xi32, #tpu.memory_space<vmem>>
      %dma_start3A_273 = tpu.memref_squeeze %dma_start3A_272 : memref<1x128xi32, #tpu.memory_space<vmem>> -> memref<128xi32, #tpu.memory_space<vmem>>
      %dma_start3A_274 = arith.constant 0 : i32
      %dma_start3A_275 = arith.constant 0 : i32
      %dma_start3A_276 = tpu.memref_slice %arg10[%dma_start3A_274, %dma_start3A_275] : memref<10016x128xf32, #tpu.memory_space<vmem_shared>> -> memref<10016x128xf32, #tpu.memory_space<vmem_shared>>
      tpu.enqueue_indirect_dma source(%arg8 : memref<128x128xf32, #tpu.memory_space<vmem>>) target(%dma_start3A_276 : memref<10016x128xf32, #tpu.memory_space<vmem_shared>>) offsets(%dma_start3A_273 : memref<128xi32, #tpu.memory_space<vmem>>) semaphore(%arg13 : memref<!tpu.dma_semaphore, #tpu.memory_space<semaphore_mem>>) {add = true}
      %add3A_277 = arith.constant 0 : i32
      %add3A_278 = arith.addi %add3A_277, %add3A_258 : i32
      %add3A_279 = arith.constant 1 : i32
      %add3A_280 = arith.addi %add3A_278, %add3A_279 : i32
      %dma_wait3A_281 = arith.constant 0 : i32
      %dma_wait3A_282 = tpu.memref_slice %arg6[%add3A_280, %dma_wait3A_281] : memref<80x128xi32, #tpu.memory_space<vmem>> -> memref<1x128xi32, #tpu.memory_space<vmem>>
      %dma_wait3A_283 = tpu.memref_squeeze %dma_wait3A_282 : memref<1x128xi32, #tpu.memory_space<vmem>> -> memref<128xi32, #tpu.memory_space<vmem>>
      %dma_wait3A_284 = arith.constant 0 : i32
      %dma_wait3A_285 = arith.constant 0 : i32
      %dma_wait3A_286 = tpu.memref_slice %arg2[%add3A_125, %dma_wait3A_284, %dma_wait3A_285] : memref<4x10000x128xf32, #tpu.memory_space<hbm>> -> memref<1x10000x128xf32, #tpu.memory_space<hbm>>
      %dma_wait3A_287 = tpu.memref_squeeze %dma_wait3A_286 : memref<1x10000x128xf32, #tpu.memory_space<hbm>> -> memref<10000x128xf32, #tpu.memory_space<hbm>>
      %dma_wait3A_288 = arith.constant 0 : i32
      %dma_wait3A_289 = arith.constant 0 : i32
      %dma_wait3A_290 = tpu.memref_slice %dma_wait3A_287[%dma_wait3A_288, %dma_wait3A_289] : memref<10000x128xf32, #tpu.memory_space<hbm>> -> memref<10000x128xf32, #tpu.memory_space<hbm>>
      tpu.wait_indirect_dma semaphore(%arg12 : memref<!tpu.dma_semaphore, #tpu.memory_space<semaphore_mem>>) src(%dma_wait3A_290 : memref<10000x128xf32, #tpu.memory_space<hbm>>) dst(%arg9 : memref<128x128xf32, #tpu.memory_space<vmem>>)
      %add3A_291 = arith.constant 1 : i32
      %add3A_292 = arith.addi %add3A_258, %add3A_291 : i32
      %dma_start3A_293 = arith.constant 0 : i32
      %dma_start3A_294 = tpu.memref_slice %arg7[%add3A_292, %dma_start3A_293] : memref<40x128xi32, #tpu.memory_space<vmem>> -> memref<1x128xi32, #tpu.memory_space<vmem>>
      %dma_start3A_295 = tpu.memref_squeeze %dma_start3A_294 : memref<1x128xi32, #tpu.memory_space<vmem>> -> memref<128xi32, #tpu.memory_space<vmem>>
      %dma_start3A_296 = arith.constant 0 : i32
      %dma_start3A_297 = arith.constant 0 : i32
      %dma_start3A_298 = tpu.memref_slice %arg10[%dma_start3A_296, %dma_start3A_297] : memref<10016x128xf32, #tpu.memory_space<vmem_shared>> -> memref<10016x128xf32, #tpu.memory_space<vmem_shared>>
      tpu.enqueue_indirect_dma source(%arg9 : memref<128x128xf32, #tpu.memory_space<vmem>>) target(%dma_start3A_298 : memref<10016x128xf32, #tpu.memory_space<vmem_shared>>) offsets(%dma_start3A_295 : memref<128xi32, #tpu.memory_space<vmem>>) semaphore(%arg14 : memref<!tpu.dma_semaphore, #tpu.memory_space<semaphore_mem>>) {add = true}
      %dma_wait3A_299 = arith.constant 0 : i32
      %dma_wait3A_300 = tpu.memref_slice %arg7[%add3A_258, %dma_wait3A_299] : memref<40x128xi32, #tpu.memory_space<vmem>> -> memref<1x128xi32, #tpu.memory_space<vmem>>
      %dma_wait3A_301 = tpu.memref_squeeze %dma_wait3A_300 : memref<1x128xi32, #tpu.memory_space<vmem>> -> memref<128xi32, #tpu.memory_space<vmem>>
      %dma_wait3A_302 = arith.constant 0 : i32
      %dma_wait3A_303 = arith.constant 0 : i32
      %dma_wait3A_304 = tpu.memref_slice %arg10[%dma_wait3A_302, %dma_wait3A_303] : memref<10016x128xf32, #tpu.memory_space<vmem_shared>> -> memref<10016x128xf32, #tpu.memory_space<vmem_shared>>
      tpu.wait_indirect_dma semaphore(%arg13 : memref<!tpu.dma_semaphore, #tpu.memory_space<semaphore_mem>>) src(%arg8 : memref<128x128xf32, #tpu.memory_space<vmem>>) dst(%dma_wait3A_304 : memref<10016x128xf32, #tpu.memory_space<vmem_shared>>)
      %add3A_305 = arith.constant 0 : i32
      %add3A_306 = arith.addi %add3A_305, %add3A_258 : i32
      %add3A_307 = arith.constant 2 : i32
      %add3A_308 = arith.addi %add3A_306, %add3A_307 : i32
      %dma_start3A_309 = arith.constant 0 : i32
      %dma_start3A_310 = tpu.memref_slice %arg6[%add3A_308, %dma_start3A_309] : memref<80x128xi32, #tpu.memory_space<vmem>> -> memref<1x128xi32, #tpu.memory_space<vmem>>
      %dma_start3A_311 = tpu.memref_squeeze %dma_start3A_310 : memref<1x128xi32, #tpu.memory_space<vmem>> -> memref<128xi32, #tpu.memory_space<vmem>>
      %dma_start3A_312 = arith.constant 0 : i32
      %dma_start3A_313 = arith.constant 0 : i32
      %dma_start3A_314 = tpu.memref_slice %arg2[%add3A_125, %dma_start3A_312, %dma_start3A_313] : memref<4x10000x128xf32, #tpu.memory_space<hbm>> -> memref<1x10000x128xf32, #tpu.memory_space<hbm>>
      %dma_start3A_315 = tpu.memref_squeeze %dma_start3A_314 : memref<1x10000x128xf32, #tpu.memory_space<hbm>> -> memref<10000x128xf32, #tpu.memory_space<hbm>>
      %dma_start3A_316 = arith.constant 0 : i32
      %dma_start3A_317 = arith.constant 0 : i32
      %dma_start3A_318 = tpu.memref_slice %dma_start3A_315[%dma_start3A_316, %dma_start3A_317] : memref<10000x128xf32, #tpu.memory_space<hbm>> -> memref<10000x128xf32, #tpu.memory_space<hbm>>
      tpu.enqueue_indirect_dma source(%dma_start3A_318 : memref<10000x128xf32, #tpu.memory_space<hbm>>) target(%arg8 : memref<128x128xf32, #tpu.memory_space<vmem>>) offsets(%dma_start3A_311 : memref<128xi32, #tpu.memory_space<vmem>>) semaphore(%arg11 : memref<!tpu.dma_semaphore, #tpu.memory_space<semaphore_mem>>)
      %add3A_319 = arith.constant 1 : i32
      %add3A_320 = arith.addi %add3A_258, %add3A_319 : i32
      %dma_wait3A_321 = arith.constant 0 : i32
      %dma_wait3A_322 = tpu.memref_slice %arg7[%add3A_320, %dma_wait3A_321] : memref<40x128xi32, #tpu.memory_space<vmem>> -> memref<1x128xi32, #tpu.memory_space<vmem>>
      %dma_wait3A_323 = tpu.memref_squeeze %dma_wait3A_322 : memref<1x128xi32, #tpu.memory_space<vmem>> -> memref<128xi32, #tpu.memory_space<vmem>>
      %dma_wait3A_324 = arith.constant 0 : i32
      %dma_wait3A_325 = arith.constant 0 : i32
      %dma_wait3A_326 = tpu.memref_slice %arg10[%dma_wait3A_324, %dma_wait3A_325] : memref<10016x128xf32, #tpu.memory_space<vmem_shared>> -> memref<10016x128xf32, #tpu.memory_space<vmem_shared>>
      tpu.wait_indirect_dma semaphore(%arg14 : memref<!tpu.dma_semaphore, #tpu.memory_space<semaphore_mem>>) src(%arg9 : memref<128x128xf32, #tpu.memory_space<vmem>>) dst(%dma_wait3A_326 : memref<10016x128xf32, #tpu.memory_space<vmem_shared>>)
      %add3A_327 = arith.constant 0 : i32
      %add3A_328 = arith.addi %add3A_327, %add3A_258 : i32
      %add3A_329 = arith.constant 3 : i32
      %add3A_330 = arith.addi %add3A_328, %add3A_329 : i32
      %dma_start3A_331 = arith.constant 0 : i32
      %dma_start3A_332 = tpu.memref_slice %arg6[%add3A_330, %dma_start3A_331] : memref<80x128xi32, #tpu.memory_space<vmem>> -> memref<1x128xi32, #tpu.memory_space<vmem>>
      %dma_start3A_333 = tpu.memref_squeeze %dma_start3A_332 : memref<1x128xi32, #tpu.memory_space<vmem>> -> memref<128xi32, #tpu.memory_space<vmem>>
      %dma_start3A_334 = arith.constant 0 : i32
      %dma_start3A_335 = arith.constant 0 : i32
      %dma_start3A_336 = tpu.memref_slice %arg2[%add3A_125, %dma_start3A_334, %dma_start3A_335] : memref<4x10000x128xf32, #tpu.memory_space<hbm>> -> memref<1x10000x128xf32, #tpu.memory_space<hbm>>
      %dma_start3A_337 = tpu.memref_squeeze %dma_start3A_336 : memref<1x10000x128xf32, #tpu.memory_space<hbm>> -> memref<10000x128xf32, #tpu.memory_space<hbm>>
      %dma_start3A_338 = arith.constant 0 : i32
      %dma_start3A_339 = arith.constant 0 : i32
      %dma_start3A_340 = tpu.memref_slice %dma_start3A_337[%dma_start3A_338, %dma_start3A_339] : memref<10000x128xf32, #tpu.memory_space<hbm>> -> memref<10000x128xf32, #tpu.memory_space<hbm>>
      tpu.enqueue_indirect_dma source(%dma_start3A_340 : memref<10000x128xf32, #tpu.memory_space<hbm>>) target(%arg9 : memref<128x128xf32, #tpu.memory_space<vmem>>) offsets(%dma_start3A_333 : memref<128xi32, #tpu.memory_space<vmem>>) semaphore(%arg12 : memref<!tpu.dma_semaphore, #tpu.memory_space<semaphore_mem>>)
    }
    %scan3A_167 = arith.constant 19 : i32
    %dma_wait3A_168 = arith.constant 38 : i32
    %dma_wait3A_169 = arith.constant 0 : i32
    %dma_wait3A_170 = tpu.memref_slice %arg6[%dma_wait3A_168, %dma_wait3A_169] : memref<80x128xi32, #tpu.memory_space<vmem>> -> memref<1x128xi32, #tpu.memory_space<vmem>>
    %dma_wait3A_171 = tpu.memref_squeeze %dma_wait3A_170 : memref<1x128xi32, #tpu.memory_space<vmem>> -> memref<128xi32, #tpu.memory_space<vmem>>
    %dma_wait3A_172 = arith.constant 0 : i32
    %dma_wait3A_173 = arith.constant 0 : i32
    %dma_wait3A_174 = tpu.memref_slice %arg2[%add3A_125, %dma_wait3A_172, %dma_wait3A_173] : memref<4x10000x128xf32, #tpu.memory_space<hbm>> -> memref<1x10000x128xf32, #tpu.memory_space<hbm>>
    %dma_wait3A_175 = tpu.memref_squeeze %dma_wait3A_174 : memref<1x10000x128xf32, #tpu.memory_space<hbm>> -> memref<10000x128xf32, #tpu.memory_space<hbm>>
    %dma_wait3A_176 = arith.constant 0 : i32
    %dma_wait3A_177 = arith.constant 0 : i32
    %dma_wait3A_178 = tpu.memref_slice %dma_wait3A_175[%dma_wait3A_176, %dma_wait3A_177] : memref<10000x128xf32, #tpu.memory_space<hbm>> -> memref<10000x128xf32, #tpu.memory_space<hbm>>
    tpu.wait_indirect_dma semaphore(%arg11 : memref<!tpu.dma_semaphore, #tpu.memory_space<semaphore_mem>>) src(%dma_wait3A_178 : memref<10000x128xf32, #tpu.memory_space<hbm>>) dst(%arg8 : memref<128x128xf32, #tpu.memory_space<vmem>>)
    %run_scoped3A_179 = arith.constant 38 : i32
    "tpu.region"() ({
      %run_scoped3A_254 = tpu.sem_alloc : memref<!tpu.dma_semaphore, #tpu.memory_space<semaphore_mem>>
      %dma_start3A_255 = arith.constant 0 : i32
      %dma_start3A_256 = tpu.memref_slice %arg7[%run_scoped3A_179, %dma_start3A_255] : memref<40x128xi32, #tpu.memory_space<vmem>> -> memref<1x128xi32, #tpu.memory_space<vmem>>
      %dma_start3A_257 = tpu.memref_squeeze %dma_start3A_256 : memref<1x128xi32, #tpu.memory_space<vmem>> -> memref<128xi32, #tpu.memory_space<vmem>>
      %dma_start3A_258 = arith.constant 0 : i32
      %dma_start3A_259 = arith.constant 0 : i32
      %dma_start3A_260 = tpu.memref_slice %arg10[%dma_start3A_258, %dma_start3A_259] : memref<10016x128xf32, #tpu.memory_space<vmem_shared>> -> memref<10016x128xf32, #tpu.memory_space<vmem_shared>>
      tpu.enqueue_indirect_dma source(%arg8 : memref<128x128xf32, #tpu.memory_space<vmem>>) target(%dma_start3A_260 : memref<10016x128xf32, #tpu.memory_space<vmem_shared>>) offsets(%dma_start3A_257 : memref<128xi32, #tpu.memory_space<vmem>>) semaphore(%run_scoped3A_254 : memref<!tpu.dma_semaphore, #tpu.memory_space<semaphore_mem>>) {add = true}
      %dma_wait3A_261 = arith.constant 0 : i32
      %dma_wait3A_262 = tpu.memref_slice %arg7[%run_scoped3A_179, %dma_wait3A_261] : memref<40x128xi32, #tpu.memory_space<vmem>> -> memref<1x128xi32, #tpu.memory_space<vmem>>
      %dma_wait3A_263 = tpu.memref_squeeze %dma_wait3A_262 : memref<1x128xi32, #tpu.memory_space<vmem>> -> memref<128xi32, #tpu.memory_space<vmem>>
      %dma_wait3A_264 = arith.constant 0 : i32
      %dma_wait3A_265 = arith.constant 0 : i32
      %dma_wait3A_266 = tpu.memref_slice %arg10[%dma_wait3A_264, %dma_wait3A_265] : memref<10016x128xf32, #tpu.memory_space<vmem_shared>> -> memref<10016x128xf32, #tpu.memory_space<vmem_shared>>
      tpu.wait_indirect_dma semaphore(%run_scoped3A_254 : memref<!tpu.dma_semaphore, #tpu.memory_space<semaphore_mem>>) src(%arg8 : memref<128x128xf32, #tpu.memory_space<vmem>>) dst(%dma_wait3A_266 : memref<10016x128xf32, #tpu.memory_space<vmem_shared>>)
      tpu.yield
    }) : () -> ()
    %dma_wait3A_180 = arith.constant 39 : i32
    %dma_wait3A_181 = arith.constant 0 : i32
    %dma_wait3A_182 = tpu.memref_slice %arg6[%dma_wait3A_180, %dma_wait3A_181] : memref<80x128xi32, #tpu.memory_space<vmem>> -> memref<1x128xi32, #tpu.memory_space<vmem>>
    %dma_wait3A_183 = tpu.memref_squeeze %dma_wait3A_182 : memref<1x128xi32, #tpu.memory_space<vmem>> -> memref<128xi32, #tpu.memory_space<vmem>>
    %dma_wait3A_184 = arith.constant 0 : i32
    %dma_wait3A_185 = arith.constant 0 : i32
    %dma_wait3A_186 = tpu.memref_slice %arg2[%add3A_125, %dma_wait3A_184, %dma_wait3A_185] : memref<4x10000x128xf32, #tpu.memory_space<hbm>> -> memref<1x10000x128xf32, #tpu.memory_space<hbm>>
    %dma_wait3A_187 = tpu.memref_squeeze %dma_wait3A_186 : memref<1x10000x128xf32, #tpu.memory_space<hbm>> -> memref<10000x128xf32, #tpu.memory_space<hbm>>
    %dma_wait3A_188 = arith.constant 0 : i32
    %dma_wait3A_189 = arith.constant 0 : i32
    %dma_wait3A_190 = tpu.memref_slice %dma_wait3A_187[%dma_wait3A_188, %dma_wait3A_189] : memref<10000x128xf32, #tpu.memory_space<hbm>> -> memref<10000x128xf32, #tpu.memory_space<hbm>>
    tpu.wait_indirect_dma semaphore(%arg12 : memref<!tpu.dma_semaphore, #tpu.memory_space<semaphore_mem>>) src(%dma_wait3A_190 : memref<10000x128xf32, #tpu.memory_space<hbm>>) dst(%arg9 : memref<128x128xf32, #tpu.memory_space<vmem>>)
    %run_scoped3A_191 = arith.constant 39 : i32
    "tpu.region"() ({
      %run_scoped3A_254 = tpu.sem_alloc : memref<!tpu.dma_semaphore, #tpu.memory_space<semaphore_mem>>
      %dma_start3A_255 = arith.constant 0 : i32
      %dma_start3A_256 = tpu.memref_slice %arg7[%run_scoped3A_191, %dma_start3A_255] : memref<40x128xi32, #tpu.memory_space<vmem>> -> memref<1x128xi32, #tpu.memory_space<vmem>>
      %dma_start3A_257 = tpu.memref_squeeze %dma_start3A_256 : memref<1x128xi32, #tpu.memory_space<vmem>> -> memref<128xi32, #tpu.memory_space<vmem>>
      %dma_start3A_258 = arith.constant 0 : i32
      %dma_start3A_259 = arith.constant 0 : i32
      %dma_start3A_260 = tpu.memref_slice %arg10[%dma_start3A_258, %dma_start3A_259] : memref<10016x128xf32, #tpu.memory_space<vmem_shared>> -> memref<10016x128xf32, #tpu.memory_space<vmem_shared>>
      tpu.enqueue_indirect_dma source(%arg9 : memref<128x128xf32, #tpu.memory_space<vmem>>) target(%dma_start3A_260 : memref<10016x128xf32, #tpu.memory_space<vmem_shared>>) offsets(%dma_start3A_257 : memref<128xi32, #tpu.memory_space<vmem>>) semaphore(%run_scoped3A_254 : memref<!tpu.dma_semaphore, #tpu.memory_space<semaphore_mem>>) {add = true}
      %dma_wait3A_261 = arith.constant 0 : i32
      %dma_wait3A_262 = tpu.memref_slice %arg7[%run_scoped3A_191, %dma_wait3A_261] : memref<40x128xi32, #tpu.memory_space<vmem>> -> memref<1x128xi32, #tpu.memory_space<vmem>>
      %dma_wait3A_263 = tpu.memref_squeeze %dma_wait3A_262 : memref<1x128xi32, #tpu.memory_space<vmem>> -> memref<128xi32, #tpu.memory_space<vmem>>
      %dma_wait3A_264 = arith.constant 0 : i32
      %dma_wait3A_265 = arith.constant 0 : i32
      %dma_wait3A_266 = tpu.memref_slice %arg10[%dma_wait3A_264, %dma_wait3A_265] : memref<10016x128xf32, #tpu.memory_space<vmem_shared>> -> memref<10016x128xf32, #tpu.memory_space<vmem_shared>>
      tpu.wait_indirect_dma semaphore(%run_scoped3A_254 : memref<!tpu.dma_semaphore, #tpu.memory_space<semaphore_mem>>) src(%arg9 : memref<128x128xf32, #tpu.memory_space<vmem>>) dst(%dma_wait3A_266 : memref<10016x128xf32, #tpu.memory_space<vmem_shared>>)
      tpu.yield
    }) : () -> ()
    "tpu.region"() ({
      %run_scoped3A_254 = tpu.sem_alloc : memref<!tpu.dma_semaphore, #tpu.memory_space<semaphore_mem>>
      %dma_start3A_255 = arith.constant 0 : i32
      %dma_start3A_256 = arith.constant 0 : i32
      %dma_start3A_257 = tpu.memref_slice %arg4[%arg1, %dma_start3A_255, %dma_start3A_256] : memref<16x80x128xi32, #tpu.memory_space<hbm>> -> memref<1x80x128xi32, #tpu.memory_space<hbm>>
      %dma_start3A_258 = tpu.memref_squeeze %dma_start3A_257 : memref<1x80x128xi32, #tpu.memory_space<hbm>> -> memref<80x128xi32, #tpu.memory_space<hbm>>
      %dma_start3A_259 = arith.constant 40 : i32
      %dma_start3A_260 = arith.constant 0 : i32
      %dma_start3A_261 = tpu.memref_slice %dma_start3A_258[%dma_start3A_259, %dma_start3A_260] : memref<80x128xi32, #tpu.memory_space<hbm>> -> memref<40x128xi32, #tpu.memory_space<hbm>>
      %dma_start3A_262 = arith.constant 0 : i32
      %dma_start3A_263 = arith.constant 0 : i32
      %dma_start3A_264 = tpu.memref_slice %arg4[%arg1, %dma_start3A_262, %dma_start3A_263] : memref<16x80x128xi32, #tpu.memory_space<hbm>> -> memref<1x80x128xi32, #tpu.memory_space<hbm>>
      %dma_start3A_265 = tpu.memref_squeeze %dma_start3A_264 : memref<1x80x128xi32, #tpu.memory_space<hbm>> -> memref<80x128xi32, #tpu.memory_space<hbm>>
      %dma_start3A_266 = arith.constant 40 : i32
      %dma_start3A_267 = arith.constant 0 : i32
      %dma_start3A_268 = tpu.memref_slice %dma_start3A_265[%dma_start3A_266, %dma_start3A_267] : memref<80x128xi32, #tpu.memory_space<hbm>> -> memref<40x128xi32, #tpu.memory_space<hbm>>
      tpu.enqueue_dma source(%dma_start3A_268 : memref<40x128xi32, #tpu.memory_space<hbm>>) target(%arg7 : memref<40x128xi32, #tpu.memory_space<vmem>>) target_semaphore(%run_scoped3A_254 : memref<!tpu.dma_semaphore, #tpu.memory_space<semaphore_mem>>)
      %dma_wait3A_269 = arith.constant 0 : i32
      %dma_wait3A_270 = arith.constant 0 : i32
      %dma_wait3A_271 = tpu.memref_slice %arg4[%arg1, %dma_wait3A_269, %dma_wait3A_270] : memref<16x80x128xi32, #tpu.memory_space<hbm>> -> memref<1x80x128xi32, #tpu.memory_space<hbm>>
      %dma_wait3A_272 = tpu.memref_squeeze %dma_wait3A_271 : memref<1x80x128xi32, #tpu.memory_space<hbm>> -> memref<80x128xi32, #tpu.memory_space<hbm>>
      %dma_wait3A_273 = arith.constant 40 : i32
      %dma_wait3A_274 = arith.constant 0 : i32
      %dma_wait3A_275 = tpu.memref_slice %dma_wait3A_272[%dma_wait3A_273, %dma_wait3A_274] : memref<80x128xi32, #tpu.memory_space<hbm>> -> memref<40x128xi32, #tpu.memory_space<hbm>>
      %dma_wait3A_276 = arith.constant 0 : i32
      %dma_wait3A_277 = arith.constant 0 : i32
      %dma_wait3A_278 = tpu.memref_slice %arg4[%arg1, %dma_wait3A_276, %dma_wait3A_277] : memref<16x80x128xi32, #tpu.memory_space<hbm>> -> memref<1x80x128xi32, #tpu.memory_space<hbm>>
      %dma_wait3A_279 = tpu.memref_squeeze %dma_wait3A_278 : memref<1x80x128xi32, #tpu.memory_space<hbm>> -> memref<80x128xi32, #tpu.memory_space<hbm>>
      %dma_wait3A_280 = arith.constant 40 : i32
      %dma_wait3A_281 = arith.constant 0 : i32
      %dma_wait3A_282 = tpu.memref_slice %dma_wait3A_279[%dma_wait3A_280, %dma_wait3A_281] : memref<80x128xi32, #tpu.memory_space<hbm>> -> memref<40x128xi32, #tpu.memory_space<hbm>>
      tpu.wait_dma2 semaphore(%run_scoped3A_254 : memref<!tpu.dma_semaphore, #tpu.memory_space<semaphore_mem>>) src(%dma_wait3A_282 : memref<40x128xi32, #tpu.memory_space<hbm>>) dst(%arg7 : memref<40x128xi32, #tpu.memory_space<vmem>>)
      tpu.yield
    }) : () -> ()
    %dma_start3A_192 = arith.constant 40 : i32
    %dma_start3A_193 = arith.constant 0 : i32
    %dma_start3A_194 = tpu.memref_slice %arg6[%dma_start3A_192, %dma_start3A_193] : memref<80x128xi32, #tpu.memory_space<vmem>> -> memref<1x128xi32, #tpu.memory_space<vmem>>
    %dma_start3A_195 = tpu.memref_squeeze %dma_start3A_194 : memref<1x128xi32, #tpu.memory_space<vmem>> -> memref<128xi32, #tpu.memory_space<vmem>>
    %dma_start3A_196 = arith.constant 0 : i32
    %dma_start3A_197 = arith.constant 0 : i32
    %dma_start3A_198 = tpu.memref_slice %arg2[%add3A_125, %dma_start3A_196, %dma_start3A_197] : memref<4x10000x128xf32, #tpu.memory_space<hbm>> -> memref<1x10000x128xf32, #tpu.memory_space<hbm>>
    %dma_start3A_199 = tpu.memref_squeeze %dma_start3A_198 : memref<1x10000x128xf32, #tpu.memory_space<hbm>> -> memref<10000x128xf32, #tpu.memory_space<hbm>>
    %dma_start3A_200 = arith.constant 0 : i32
    %dma_start3A_201 = arith.constant 0 : i32
    %dma_start3A_202 = tpu.memref_slice %dma_start3A_199[%dma_start3A_200, %dma_start3A_201] : memref<10000x128xf32, #tpu.memory_space<hbm>> -> memref<10000x128xf32, #tpu.memory_space<hbm>>
    tpu.enqueue_indirect_dma source(%dma_start3A_202 : memref<10000x128xf32, #tpu.memory_space<hbm>>) target(%arg8 : memref<128x128xf32, #tpu.memory_space<vmem>>) offsets(%dma_start3A_195 : memref<128xi32, #tpu.memory_space<vmem>>) semaphore(%arg11 : memref<!tpu.dma_semaphore, #tpu.memory_space<semaphore_mem>>)
    %dma_start3A_203 = arith.constant 41 : i32
    %dma_start3A_204 = arith.constant 0 : i32
    %dma_start3A_205 = tpu.memref_slice %arg6[%dma_start3A_203, %dma_start3A_204] : memref<80x128xi32, #tpu.memory_space<vmem>> -> memref<1x128xi32, #tpu.memory_space<vmem>>
    %dma_start3A_206 = tpu.memref_squeeze %dma_start3A_205 : memref<1x128xi32, #tpu.memory_space<vmem>> -> memref<128xi32, #tpu.memory_space<vmem>>
    %dma_start3A_207 = arith.constant 0 : i32
    %dma_start3A_208 = arith.constant 0 : i32
    %dma_start3A_209 = tpu.memref_slice %arg2[%add3A_125, %dma_start3A_207, %dma_start3A_208] : memref<4x10000x128xf32, #tpu.memory_space<hbm>> -> memref<1x10000x128xf32, #tpu.memory_space<hbm>>
    %dma_start3A_210 = tpu.memref_squeeze %dma_start3A_209 : memref<1x10000x128xf32, #tpu.memory_space<hbm>> -> memref<10000x128xf32, #tpu.memory_space<hbm>>
    %dma_start3A_211 = arith.constant 0 : i32
    %dma_start3A_212 = arith.constant 0 : i32
    %dma_start3A_213 = tpu.memref_slice %dma_start3A_210[%dma_start3A_211, %dma_start3A_212] : memref<10000x128xf32, #tpu.memory_space<hbm>> -> memref<10000x128xf32, #tpu.memory_space<hbm>>
    tpu.enqueue_indirect_dma source(%dma_start3A_213 : memref<10000x128xf32, #tpu.memory_space<hbm>>) target(%arg9 : memref<128x128xf32, #tpu.memory_space<vmem>>) offsets(%dma_start3A_206 : memref<128xi32, #tpu.memory_space<vmem>>) semaphore(%arg12 : memref<!tpu.dma_semaphore, #tpu.memory_space<semaphore_mem>>)
    %scan3A_214 = arith.constant 0 : i32
    %scan3A_215 = arith.constant 19 : i32
    %scan3A_216 = arith.addi %scan3A_214, %scan3A_215 : i32
    %scan3A_217 = arith.constant 1 : i32
    scf.for %scan3A_254 = %scan3A_214 to %scan3A_216 step %scan3A_217  : i32 {
      %mul3A_255 = arith.constant 2 : i32
      %mul3A_256 = arith.muli %scan3A_254, %mul3A_255 : i32
      %add3A_257 = arith.constant 0 : i32
      %add3A_258 = arith.addi %add3A_257, %mul3A_256 : i32
      %add3A_259 = arith.constant 40 : i32
      %add3A_260 = arith.addi %add3A_259, %add3A_258 : i32
      %dma_wait3A_261 = arith.constant 0 : i32
      %dma_wait3A_262 = tpu.memref_slice %arg6[%add3A_260, %dma_wait3A_261] : memref<80x128xi32, #tpu.memory_space<vmem>> -> memref<1x128xi32, #tpu.memory_space<vmem>>
      %dma_wait3A_263 = tpu.memref_squeeze %dma_wait3A_262 : memref<1x128xi32, #tpu.memory_space<vmem>> -> memref<128xi32, #tpu.memory_space<vmem>>
      %dma_wait3A_264 = arith.constant 0 : i32
      %dma_wait3A_265 = arith.constant 0 : i32
      %dma_wait3A_266 = tpu.memref_slice %arg2[%add3A_125, %dma_wait3A_264, %dma_wait3A_265] : memref<4x10000x128xf32, #tpu.memory_space<hbm>> -> memref<1x10000x128xf32, #tpu.memory_space<hbm>>
      %dma_wait3A_267 = tpu.memref_squeeze %dma_wait3A_266 : memref<1x10000x128xf32, #tpu.memory_space<hbm>> -> memref<10000x128xf32, #tpu.memory_space<hbm>>
      %dma_wait3A_268 = arith.constant 0 : i32
      %dma_wait3A_269 = arith.constant 0 : i32
      %dma_wait3A_270 = tpu.memref_slice %dma_wait3A_267[%dma_wait3A_268, %dma_wait3A_269] : memref<10000x128xf32, #tpu.memory_space<hbm>> -> memref<10000x128xf32, #tpu.memory_space<hbm>>
      tpu.wait_indirect_dma semaphore(%arg11 : memref<!tpu.dma_semaphore, #tpu.memory_space<semaphore_mem>>) src(%dma_wait3A_270 : memref<10000x128xf32, #tpu.memory_space<hbm>>) dst(%arg8 : memref<128x128xf32, #tpu.memory_space<vmem>>)
      %dma_start3A_271 = arith.constant 0 : i32
      %dma_start3A_272 = tpu.memref_slice %arg7[%add3A_258, %dma_start3A_271] : memref<40x128xi32, #tpu.memory_space<vmem>> -> memref<1x128xi32, #tpu.memory_space<vmem>>
      %dma_start3A_273 = tpu.memref_squeeze %dma_start3A_272 : memref<1x128xi32, #tpu.memory_space<vmem>> -> memref<128xi32, #tpu.memory_space<vmem>>
      %dma_start3A_274 = arith.constant 0 : i32
      %dma_start3A_275 = arith.constant 0 : i32
      %dma_start3A_276 = tpu.memref_slice %arg10[%dma_start3A_274, %dma_start3A_275] : memref<10016x128xf32, #tpu.memory_space<vmem_shared>> -> memref<10016x128xf32, #tpu.memory_space<vmem_shared>>
      tpu.enqueue_indirect_dma source(%arg8 : memref<128x128xf32, #tpu.memory_space<vmem>>) target(%dma_start3A_276 : memref<10016x128xf32, #tpu.memory_space<vmem_shared>>) offsets(%dma_start3A_273 : memref<128xi32, #tpu.memory_space<vmem>>) semaphore(%arg13 : memref<!tpu.dma_semaphore, #tpu.memory_space<semaphore_mem>>) {add = true}
      %add3A_277 = arith.constant 40 : i32
      %add3A_278 = arith.addi %add3A_277, %add3A_258 : i32
      %add3A_279 = arith.constant 1 : i32
      %add3A_280 = arith.addi %add3A_278, %add3A_279 : i32
      %dma_wait3A_281 = arith.constant 0 : i32
      %dma_wait3A_282 = tpu.memref_slice %arg6[%add3A_280, %dma_wait3A_281] : memref<80x128xi32, #tpu.memory_space<vmem>> -> memref<1x128xi32, #tpu.memory_space<vmem>>
      %dma_wait3A_283 = tpu.memref_squeeze %dma_wait3A_282 : memref<1x128xi32, #tpu.memory_space<vmem>> -> memref<128xi32, #tpu.memory_space<vmem>>
      %dma_wait3A_284 = arith.constant 0 : i32
      %dma_wait3A_285 = arith.constant 0 : i32
      %dma_wait3A_286 = tpu.memref_slice %arg2[%add3A_125, %dma_wait3A_284, %dma_wait3A_285] : memref<4x10000x128xf32, #tpu.memory_space<hbm>> -> memref<1x10000x128xf32, #tpu.memory_space<hbm>>
      %dma_wait3A_287 = tpu.memref_squeeze %dma_wait3A_286 : memref<1x10000x128xf32, #tpu.memory_space<hbm>> -> memref<10000x128xf32, #tpu.memory_space<hbm>>
      %dma_wait3A_288 = arith.constant 0 : i32
      %dma_wait3A_289 = arith.constant 0 : i32
      %dma_wait3A_290 = tpu.memref_slice %dma_wait3A_287[%dma_wait3A_288, %dma_wait3A_289] : memref<10000x128xf32, #tpu.memory_space<hbm>> -> memref<10000x128xf32, #tpu.memory_space<hbm>>
      tpu.wait_indirect_dma semaphore(%arg12 : memref<!tpu.dma_semaphore, #tpu.memory_space<semaphore_mem>>) src(%dma_wait3A_290 : memref<10000x128xf32, #tpu.memory_space<hbm>>) dst(%arg9 : memref<128x128xf32, #tpu.memory_space<vmem>>)
      %add3A_291 = arith.constant 1 : i32
      %add3A_292 = arith.addi %add3A_258, %add3A_291 : i32
      %dma_start3A_293 = arith.constant 0 : i32
      %dma_start3A_294 = tpu.memref_slice %arg7[%add3A_292, %dma_start3A_293] : memref<40x128xi32, #tpu.memory_space<vmem>> -> memref<1x128xi32, #tpu.memory_space<vmem>>
      %dma_start3A_295 = tpu.memref_squeeze %dma_start3A_294 : memref<1x128xi32, #tpu.memory_space<vmem>> -> memref<128xi32, #tpu.memory_space<vmem>>
      %dma_start3A_296 = arith.constant 0 : i32
      %dma_start3A_297 = arith.constant 0 : i32
      %dma_start3A_298 = tpu.memref_slice %arg10[%dma_start3A_296, %dma_start3A_297] : memref<10016x128xf32, #tpu.memory_space<vmem_shared>> -> memref<10016x128xf32, #tpu.memory_space<vmem_shared>>
      tpu.enqueue_indirect_dma source(%arg9 : memref<128x128xf32, #tpu.memory_space<vmem>>) target(%dma_start3A_298 : memref<10016x128xf32, #tpu.memory_space<vmem_shared>>) offsets(%dma_start3A_295 : memref<128xi32, #tpu.memory_space<vmem>>) semaphore(%arg14 : memref<!tpu.dma_semaphore, #tpu.memory_space<semaphore_mem>>) {add = true}
      %dma_wait3A_299 = arith.constant 0 : i32
      %dma_wait3A_300 = tpu.memref_slice %arg7[%add3A_258, %dma_wait3A_299] : memref<40x128xi32, #tpu.memory_space<vmem>> -> memref<1x128xi32, #tpu.memory_space<vmem>>
      %dma_wait3A_301 = tpu.memref_squeeze %dma_wait3A_300 : memref<1x128xi32, #tpu.memory_space<vmem>> -> memref<128xi32, #tpu.memory_space<vmem>>
      %dma_wait3A_302 = arith.constant 0 : i32
      %dma_wait3A_303 = arith.constant 0 : i32
      %dma_wait3A_304 = tpu.memref_slice %arg10[%dma_wait3A_302, %dma_wait3A_303] : memref<10016x128xf32, #tpu.memory_space<vmem_shared>> -> memref<10016x128xf32, #tpu.memory_space<vmem_shared>>
      tpu.wait_indirect_dma semaphore(%arg13 : memref<!tpu.dma_semaphore, #tpu.memory_space<semaphore_mem>>) src(%arg8 : memref<128x128xf32, #tpu.memory_space<vmem>>) dst(%dma_wait3A_304 : memref<10016x128xf32, #tpu.memory_space<vmem_shared>>)
      %add3A_305 = arith.constant 40 : i32
      %add3A_306 = arith.addi %add3A_305, %add3A_258 : i32
      %add3A_307 = arith.constant 2 : i32
      %add3A_308 = arith.addi %add3A_306, %add3A_307 : i32
      %dma_start3A_309 = arith.constant 0 : i32
      %dma_start3A_310 = tpu.memref_slice %arg6[%add3A_308, %dma_start3A_309] : memref<80x128xi32, #tpu.memory_space<vmem>> -> memref<1x128xi32, #tpu.memory_space<vmem>>
      %dma_start3A_311 = tpu.memref_squeeze %dma_start3A_310 : memref<1x128xi32, #tpu.memory_space<vmem>> -> memref<128xi32, #tpu.memory_space<vmem>>
      %dma_start3A_312 = arith.constant 0 : i32
      %dma_start3A_313 = arith.constant 0 : i32
      %dma_start3A_314 = tpu.memref_slice %arg2[%add3A_125, %dma_start3A_312, %dma_start3A_313] : memref<4x10000x128xf32, #tpu.memory_space<hbm>> -> memref<1x10000x128xf32, #tpu.memory_space<hbm>>
      %dma_start3A_315 = tpu.memref_squeeze %dma_start3A_314 : memref<1x10000x128xf32, #tpu.memory_space<hbm>> -> memref<10000x128xf32, #tpu.memory_space<hbm>>
      %dma_start3A_316 = arith.constant 0 : i32
      %dma_start3A_317 = arith.constant 0 : i32
      %dma_start3A_318 = tpu.memref_slice %dma_start3A_315[%dma_start3A_316, %dma_start3A_317] : memref<10000x128xf32, #tpu.memory_space<hbm>> -> memref<10000x128xf32, #tpu.memory_space<hbm>>
      tpu.enqueue_indirect_dma source(%dma_start3A_318 : memref<10000x128xf32, #tpu.memory_space<hbm>>) target(%arg8 : memref<128x128xf32, #tpu.memory_space<vmem>>) offsets(%dma_start3A_311 : memref<128xi32, #tpu.memory_space<vmem>>) semaphore(%arg11 : memref<!tpu.dma_semaphore, #tpu.memory_space<semaphore_mem>>)
      %add3A_319 = arith.constant 1 : i32
      %add3A_320 = arith.addi %add3A_258, %add3A_319 : i32
      %dma_wait3A_321 = arith.constant 0 : i32
      %dma_wait3A_322 = tpu.memref_slice %arg7[%add3A_320, %dma_wait3A_321] : memref<40x128xi32, #tpu.memory_space<vmem>> -> memref<1x128xi32, #tpu.memory_space<vmem>>
      %dma_wait3A_323 = tpu.memref_squeeze %dma_wait3A_322 : memref<1x128xi32, #tpu.memory_space<vmem>> -> memref<128xi32, #tpu.memory_space<vmem>>
      %dma_wait3A_324 = arith.constant 0 : i32
      %dma_wait3A_325 = arith.constant 0 : i32
      %dma_wait3A_326 = tpu.memref_slice %arg10[%dma_wait3A_324, %dma_wait3A_325] : memref<10016x128xf32, #tpu.memory_space<vmem_shared>> -> memref<10016x128xf32, #tpu.memory_space<vmem_shared>>
      tpu.wait_indirect_dma semaphore(%arg14 : memref<!tpu.dma_semaphore, #tpu.memory_space<semaphore_mem>>) src(%arg9 : memref<128x128xf32, #tpu.memory_space<vmem>>) dst(%dma_wait3A_326 : memref<10016x128xf32, #tpu.memory_space<vmem_shared>>)
      %add3A_327 = arith.constant 40 : i32
      %add3A_328 = arith.addi %add3A_327, %add3A_258 : i32
      %add3A_329 = arith.constant 3 : i32
      %add3A_330 = arith.addi %add3A_328, %add3A_329 : i32
      %dma_start3A_331 = arith.constant 0 : i32
      %dma_start3A_332 = tpu.memref_slice %arg6[%add3A_330, %dma_start3A_331] : memref<80x128xi32, #tpu.memory_space<vmem>> -> memref<1x128xi32, #tpu.memory_space<vmem>>
      %dma_start3A_333 = tpu.memref_squeeze %dma_start3A_332 : memref<1x128xi32, #tpu.memory_space<vmem>> -> memref<128xi32, #tpu.memory_space<vmem>>
      %dma_start3A_334 = arith.constant 0 : i32
      %dma_start3A_335 = arith.constant 0 : i32
      %dma_start3A_336 = tpu.memref_slice %arg2[%add3A_125, %dma_start3A_334, %dma_start3A_335] : memref<4x10000x128xf32, #tpu.memory_space<hbm>> -> memref<1x10000x128xf32, #tpu.memory_space<hbm>>
      %dma_start3A_337 = tpu.memref_squeeze %dma_start3A_336 : memref<1x10000x128xf32, #tpu.memory_space<hbm>> -> memref<10000x128xf32, #tpu.memory_space<hbm>>
      %dma_start3A_338 = arith.constant 0 : i32
      %dma_start3A_339 = arith.constant 0 : i32
      %dma_start3A_340 = tpu.memref_slice %dma_start3A_337[%dma_start3A_338, %dma_start3A_339] : memref<10000x128xf32, #tpu.memory_space<hbm>> -> memref<10000x128xf32, #tpu.memory_space<hbm>>
      tpu.enqueue_indirect_dma source(%dma_start3A_340 : memref<10000x128xf32, #tpu.memory_space<hbm>>) target(%arg9 : memref<128x128xf32, #tpu.memory_space<vmem>>) offsets(%dma_start3A_333 : memref<128xi32, #tpu.memory_space<vmem>>) semaphore(%arg12 : memref<!tpu.dma_semaphore, #tpu.memory_space<semaphore_mem>>)
    }
    %scan3A_218 = arith.constant 19 : i32
    %dma_wait3A_219 = arith.constant 78 : i32
    %dma_wait3A_220 = arith.constant 0 : i32
    %dma_wait3A_221 = tpu.memref_slice %arg6[%dma_wait3A_219, %dma_wait3A_220] : memref<80x128xi32, #tpu.memory_space<vmem>> -> memref<1x128xi32, #tpu.memory_space<vmem>>
    %dma_wait3A_222 = tpu.memref_squeeze %dma_wait3A_221 : memref<1x128xi32, #tpu.memory_space<vmem>> -> memref<128xi32, #tpu.memory_space<vmem>>
    %dma_wait3A_223 = arith.constant 0 : i32
    %dma_wait3A_224 = arith.constant 0 : i32
    %dma_wait3A_225 = tpu.memref_slice %arg2[%add3A_125, %dma_wait3A_223, %dma_wait3A_224] : memref<4x10000x128xf32, #tpu.memory_space<hbm>> -> memref<1x10000x128xf32, #tpu.memory_space<hbm>>
    %dma_wait3A_226 = tpu.memref_squeeze %dma_wait3A_225 : memref<1x10000x128xf32, #tpu.memory_space<hbm>> -> memref<10000x128xf32, #tpu.memory_space<hbm>>
    %dma_wait3A_227 = arith.constant 0 : i32
    %dma_wait3A_228 = arith.constant 0 : i32
    %dma_wait3A_229 = tpu.memref_slice %dma_wait3A_226[%dma_wait3A_227, %dma_wait3A_228] : memref<10000x128xf32, #tpu.memory_space<hbm>> -> memref<10000x128xf32, #tpu.memory_space<hbm>>
    tpu.wait_indirect_dma semaphore(%arg11 : memref<!tpu.dma_semaphore, #tpu.memory_space<semaphore_mem>>) src(%dma_wait3A_229 : memref<10000x128xf32, #tpu.memory_space<hbm>>) dst(%arg8 : memref<128x128xf32, #tpu.memory_space<vmem>>)
    %run_scoped3A_230 = arith.constant 38 : i32
    "tpu.region"() ({
      %run_scoped3A_254 = tpu.sem_alloc : memref<!tpu.dma_semaphore, #tpu.memory_space<semaphore_mem>>
      %dma_start3A_255 = arith.constant 0 : i32
      %dma_start3A_256 = tpu.memref_slice %arg7[%run_scoped3A_230, %dma_start3A_255] : memref<40x128xi32, #tpu.memory_space<vmem>> -> memref<1x128xi32, #tpu.memory_space<vmem>>
      %dma_start3A_257 = tpu.memref_squeeze %dma_start3A_256 : memref<1x128xi32, #tpu.memory_space<vmem>> -> memref<128xi32, #tpu.memory_space<vmem>>
      %dma_start3A_258 = arith.constant 0 : i32
      %dma_start3A_259 = arith.constant 0 : i32
      %dma_start3A_260 = tpu.memref_slice %arg10[%dma_start3A_258, %dma_start3A_259] : memref<10016x128xf32, #tpu.memory_space<vmem_shared>> -> memref<10016x128xf32, #tpu.memory_space<vmem_shared>>
      tpu.enqueue_indirect_dma source(%arg8 : memref<128x128xf32, #tpu.memory_space<vmem>>) target(%dma_start3A_260 : memref<10016x128xf32, #tpu.memory_space<vmem_shared>>) offsets(%dma_start3A_257 : memref<128xi32, #tpu.memory_space<vmem>>) semaphore(%run_scoped3A_254 : memref<!tpu.dma_semaphore, #tpu.memory_space<semaphore_mem>>) {add = true}
      %dma_wait3A_261 = arith.constant 0 : i32
      %dma_wait3A_262 = tpu.memref_slice %arg7[%run_scoped3A_230, %dma_wait3A_261] : memref<40x128xi32, #tpu.memory_space<vmem>> -> memref<1x128xi32, #tpu.memory_space<vmem>>
      %dma_wait3A_263 = tpu.memref_squeeze %dma_wait3A_262 : memref<1x128xi32, #tpu.memory_space<vmem>> -> memref<128xi32, #tpu.memory_space<vmem>>
      %dma_wait3A_264 = arith.constant 0 : i32
      %dma_wait3A_265 = arith.constant 0 : i32
      %dma_wait3A_266 = tpu.memref_slice %arg10[%dma_wait3A_264, %dma_wait3A_265] : memref<10016x128xf32, #tpu.memory_space<vmem_shared>> -> memref<10016x128xf32, #tpu.memory_space<vmem_shared>>
      tpu.wait_indirect_dma semaphore(%run_scoped3A_254 : memref<!tpu.dma_semaphore, #tpu.memory_space<semaphore_mem>>) src(%arg8 : memref<128x128xf32, #tpu.memory_space<vmem>>) dst(%dma_wait3A_266 : memref<10016x128xf32, #tpu.memory_space<vmem_shared>>)
      tpu.yield
    }) : () -> ()
    %dma_wait3A_231 = arith.constant 79 : i32
    %dma_wait3A_232 = arith.constant 0 : i32
    %dma_wait3A_233 = tpu.memref_slice %arg6[%dma_wait3A_231, %dma_wait3A_232] : memref<80x128xi32, #tpu.memory_space<vmem>> -> memref<1x128xi32, #tpu.memory_space<vmem>>
    %dma_wait3A_234 = tpu.memref_squeeze %dma_wait3A_233 : memref<1x128xi32, #tpu.memory_space<vmem>> -> memref<128xi32, #tpu.memory_space<vmem>>
    %dma_wait3A_235 = arith.constant 0 : i32
    %dma_wait3A_236 = arith.constant 0 : i32
    %dma_wait3A_237 = tpu.memref_slice %arg2[%add3A_125, %dma_wait3A_235, %dma_wait3A_236] : memref<4x10000x128xf32, #tpu.memory_space<hbm>> -> memref<1x10000x128xf32, #tpu.memory_space<hbm>>
    %dma_wait3A_238 = tpu.memref_squeeze %dma_wait3A_237 : memref<1x10000x128xf32, #tpu.memory_space<hbm>> -> memref<10000x128xf32, #tpu.memory_space<hbm>>
    %dma_wait3A_239 = arith.constant 0 : i32
    %dma_wait3A_240 = arith.constant 0 : i32
    %dma_wait3A_241 = tpu.memref_slice %dma_wait3A_238[%dma_wait3A_239, %dma_wait3A_240] : memref<10000x128xf32, #tpu.memory_space<hbm>> -> memref<10000x128xf32, #tpu.memory_space<hbm>>
    tpu.wait_indirect_dma semaphore(%arg12 : memref<!tpu.dma_semaphore, #tpu.memory_space<semaphore_mem>>) src(%dma_wait3A_241 : memref<10000x128xf32, #tpu.memory_space<hbm>>) dst(%arg9 : memref<128x128xf32, #tpu.memory_space<vmem>>)
    %run_scoped3A_242 = arith.constant 39 : i32
    "tpu.region"() ({
      %run_scoped3A_254 = tpu.sem_alloc : memref<!tpu.dma_semaphore, #tpu.memory_space<semaphore_mem>>
      %dma_start3A_255 = arith.constant 0 : i32
      %dma_start3A_256 = tpu.memref_slice %arg7[%run_scoped3A_242, %dma_start3A_255] : memref<40x128xi32, #tpu.memory_space<vmem>> -> memref<1x128xi32, #tpu.memory_space<vmem>>
      %dma_start3A_257 = tpu.memref_squeeze %dma_start3A_256 : memref<1x128xi32, #tpu.memory_space<vmem>> -> memref<128xi32, #tpu.memory_space<vmem>>
      %dma_start3A_258 = arith.constant 0 : i32
      %dma_start3A_259 = arith.constant 0 : i32
      %dma_start3A_260 = tpu.memref_slice %arg10[%dma_start3A_258, %dma_start3A_259] : memref<10016x128xf32, #tpu.memory_space<vmem_shared>> -> memref<10016x128xf32, #tpu.memory_space<vmem_shared>>
      tpu.enqueue_indirect_dma source(%arg9 : memref<128x128xf32, #tpu.memory_space<vmem>>) target(%dma_start3A_260 : memref<10016x128xf32, #tpu.memory_space<vmem_shared>>) offsets(%dma_start3A_257 : memref<128xi32, #tpu.memory_space<vmem>>) semaphore(%run_scoped3A_254 : memref<!tpu.dma_semaphore, #tpu.memory_space<semaphore_mem>>) {add = true}
      %dma_wait3A_261 = arith.constant 0 : i32
      %dma_wait3A_262 = tpu.memref_slice %arg7[%run_scoped3A_242, %dma_wait3A_261] : memref<40x128xi32, #tpu.memory_space<vmem>> -> memref<1x128xi32, #tpu.memory_space<vmem>>
      %dma_wait3A_263 = tpu.memref_squeeze %dma_wait3A_262 : memref<1x128xi32, #tpu.memory_space<vmem>> -> memref<128xi32, #tpu.memory_space<vmem>>
      %dma_wait3A_264 = arith.constant 0 : i32
      %dma_wait3A_265 = arith.constant 0 : i32
      %dma_wait3A_266 = tpu.memref_slice %arg10[%dma_wait3A_264, %dma_wait3A_265] : memref<10016x128xf32, #tpu.memory_space<vmem_shared>> -> memref<10016x128xf32, #tpu.memory_space<vmem_shared>>
      tpu.wait_indirect_dma semaphore(%run_scoped3A_254 : memref<!tpu.dma_semaphore, #tpu.memory_space<semaphore_mem>>) src(%arg9 : memref<128x128xf32, #tpu.memory_space<vmem>>) dst(%dma_wait3A_266 : memref<10016x128xf32, #tpu.memory_space<vmem_shared>>)
      tpu.yield
    }) : () -> ()
    %barrier3A_243 = arith.constant 0 : index
    tpu.barrier barrier_id(%barrier3A_243)
    %mul3A_244 = arith.constant 624 : i32
    %mul3A_245 = arith.muli %arg1, %mul3A_244 : i32
    %mul3A_246 = arith.constant 624 : i32
    %mul3A_247 = arith.muli %arg1, %mul3A_246 : i32
    "tpu.region"() ({
      %run_scoped3A_254 = tpu.sem_alloc : memref<!tpu.dma_semaphore, #tpu.memory_space<semaphore_mem>>
      %dma_start3A_255 = arith.constant 0 : i32
      %dma_start3A_256 = arith.constant 0 : i32
      %dma_start3A_257 = tpu.memref_slice %arg5[%add3A_125, %dma_start3A_255, %dma_start3A_256] : memref<4x10000x128xf32, #tpu.memory_space<hbm>> -> memref<1x10000x128xf32, #tpu.memory_space<hbm>>
      %dma_start3A_258 = tpu.memref_squeeze %dma_start3A_257 : memref<1x10000x128xf32, #tpu.memory_space<hbm>> -> memref<10000x128xf32, #tpu.memory_space<hbm>>
      %dma_start3A_259 = arith.constant 0 : i32
      %dma_start3A_260 = tpu.memref_slice %dma_start3A_258[%mul3A_247, %dma_start3A_259] : memref<10000x128xf32, #tpu.memory_space<hbm>> -> memref<624x128xf32, #tpu.memory_space<hbm>>
      %dma_start3A_261 = arith.constant 0 : i32
      %dma_start3A_262 = tpu.memref_slice %arg10[%mul3A_245, %dma_start3A_261] : memref<10016x128xf32, #tpu.memory_space<vmem_shared>> -> memref<624x128xf32, #tpu.memory_space<vmem_shared>>
      tpu.enqueue_dma source(%dma_start3A_262 : memref<624x128xf32, #tpu.memory_space<vmem_shared>>) target(%dma_start3A_260 : memref<624x128xf32, #tpu.memory_space<hbm>>) target_semaphore(%run_scoped3A_254 : memref<!tpu.dma_semaphore, #tpu.memory_space<semaphore_mem>>)
      %dma_wait3A_263 = arith.constant 0 : i32
      %dma_wait3A_264 = arith.constant 0 : i32
      %dma_wait3A_265 = tpu.memref_slice %arg5[%add3A_125, %dma_wait3A_263, %dma_wait3A_264] : memref<4x10000x128xf32, #tpu.memory_space<hbm>> -> memref<1x10000x128xf32, #tpu.memory_space<hbm>>
      %dma_wait3A_266 = tpu.memref_squeeze %dma_wait3A_265 : memref<1x10000x128xf32, #tpu.memory_space<hbm>> -> memref<10000x128xf32, #tpu.memory_space<hbm>>
      %dma_wait3A_267 = arith.constant 0 : i32
      %dma_wait3A_268 = tpu.memref_slice %dma_wait3A_266[%mul3A_247, %dma_wait3A_267] : memref<10000x128xf32, #tpu.memory_space<hbm>> -> memref<624x128xf32, #tpu.memory_space<hbm>>
      %dma_wait3A_269 = arith.constant 0 : i32
      %dma_wait3A_270 = tpu.memref_slice %arg10[%mul3A_245, %dma_wait3A_269] : memref<10016x128xf32, #tpu.memory_space<vmem_shared>> -> memref<624x128xf32, #tpu.memory_space<vmem_shared>>
      tpu.wait_dma2 semaphore(%run_scoped3A_254 : memref<!tpu.dma_semaphore, #tpu.memory_space<semaphore_mem>>) src(%dma_wait3A_270 : memref<624x128xf32, #tpu.memory_space<vmem_shared>>) dst(%dma_wait3A_268 : memref<624x128xf32, #tpu.memory_space<hbm>>)
      tpu.yield
    }) : () -> ()
    %eq3A_248 = arith.constant 0 : i32
    %eq3A_249 = arith.cmpi eq, %arg1, %eq3A_248 : i32
    %convert_element_type3A_250 = arith.extui %eq3A_249 : i1 to i32
    %cond3A_251 = arith.constant 0 : i32
    %cond3A_252 = arith.cmpi ne, %convert_element_type3A_250, %cond3A_251 : i32
    scf.if %cond3A_252 {
      "tpu.region"() ({
        %run_scoped3A_254 = tpu.sem_alloc : memref<!tpu.dma_semaphore, #tpu.memory_space<semaphore_mem>>
        %dma_start3A_255 = arith.constant 0 : i32
        %dma_start3A_256 = arith.constant 0 : i32
        %dma_start3A_257 = tpu.memref_slice %arg5[%add3A_125, %dma_start3A_255, %dma_start3A_256] : memref<4x10000x128xf32, #tpu.memory_space<hbm>> -> memref<1x10000x128xf32, #tpu.memory_space<hbm>>
        %dma_start3A_258 = tpu.memref_squeeze %dma_start3A_257 : memref<1x10000x128xf32, #tpu.memory_space<hbm>> -> memref<10000x128xf32, #tpu.memory_space<hbm>>
        %dma_start3A_259 = arith.constant 9984 : i32
        %dma_start3A_260 = arith.constant 0 : i32
        %dma_start3A_261 = tpu.memref_slice %dma_start3A_258[%dma_start3A_259, %dma_start3A_260] : memref<10000x128xf32, #tpu.memory_space<hbm>> -> memref<16x128xf32, #tpu.memory_space<hbm>>
        %dma_start3A_262 = arith.constant 9984 : i32
        %dma_start3A_263 = arith.constant 0 : i32
        %dma_start3A_264 = tpu.memref_slice %arg10[%dma_start3A_262, %dma_start3A_263] : memref<10016x128xf32, #tpu.memory_space<vmem_shared>> -> memref<16x128xf32, #tpu.memory_space<vmem_shared>>
        tpu.enqueue_dma source(%dma_start3A_264 : memref<16x128xf32, #tpu.memory_space<vmem_shared>>) target(%dma_start3A_261 : memref<16x128xf32, #tpu.memory_space<hbm>>) target_semaphore(%run_scoped3A_254 : memref<!tpu.dma_semaphore, #tpu.memory_space<semaphore_mem>>)
        %dma_wait3A_265 = arith.constant 0 : i32
        %dma_wait3A_266 = arith.constant 0 : i32
        %dma_wait3A_267 = tpu.memref_slice %arg5[%add3A_125, %dma_wait3A_265, %dma_wait3A_266] : memref<4x10000x128xf32, #tpu.memory_space<hbm>> -> memref<1x10000x128xf32, #tpu.memory_space<hbm>>
        %dma_wait3A_268 = tpu.memref_squeeze %dma_wait3A_267 : memref<1x10000x128xf32, #tpu.memory_space<hbm>> -> memref<10000x128xf32, #tpu.memory_space<hbm>>
        %dma_wait3A_269 = arith.constant 9984 : i32
        %dma_wait3A_270 = arith.constant 0 : i32
        %dma_wait3A_271 = tpu.memref_slice %dma_wait3A_268[%dma_wait3A_269, %dma_wait3A_270] : memref<10000x128xf32, #tpu.memory_space<hbm>> -> memref<16x128xf32, #tpu.memory_space<hbm>>
        %dma_wait3A_272 = arith.constant 9984 : i32
        %dma_wait3A_273 = arith.constant 0 : i32
        %dma_wait3A_274 = tpu.memref_slice %arg10[%dma_wait3A_272, %dma_wait3A_273] : memref<10016x128xf32, #tpu.memory_space<vmem_shared>> -> memref<16x128xf32, #tpu.memory_space<vmem_shared>>
        tpu.wait_dma2 semaphore(%run_scoped3A_254 : memref<!tpu.dma_semaphore, #tpu.memory_space<semaphore_mem>>) src(%dma_wait3A_274 : memref<16x128xf32, #tpu.memory_space<vmem_shared>>) dst(%dma_wait3A_271 : memref<16x128xf32, #tpu.memory_space<hbm>>)
        tpu.yield
      }) : () -> ()
    } else {
    }
    %barrier3A_253 = arith.constant 0 : index
    tpu.barrier barrier_id(%barrier3A_253)
    return
  }
}

#map = affine_map<(d0, d1) -> (0, 0, 0)>
#map1 = affine_map<(d0, d1) -> (0, 0)>
module attributes {stable_mosaic.version = 14 : i64} {
  func.func @k(%arg0: i32, %arg1: i32, %arg2: memref<16x80x128xi32, #tpu.memory_space<hbm>>, %arg3: memref<2x10240xf32, #tpu.memory_space<hbm>>, %arg4: memref<40x128xi32, #tpu.memory_space<vmem>>, %arg5: memref<10240xf32, #tpu.memory_space<vmem>>, %arg6: memref<16x640xf32, #tpu.memory_space<vmem>>, %arg7: memref<16x10240xf32, #tpu.memory_space<vmem_shared>>) attributes {dimension_semantics = [#tpu.dimension_semantics<core_parallel>, #tpu.dimension_semantics<subcore_parallel>], iteration_bounds = array<i64: 2, 16>, scalar_prefetch = 0 : i64, scratch_operands = 4 : i64, tpu.core_type = #tpu.core_type<sc_vector_subcore>, window_params = [{transform_indices = #map}, {transform_indices = #map1}]} {
    %mul3A = arith.constant 40 : i32
    %mul3A_0 = arith.muli %arg0, %mul3A : i32
    "tpu.region"() ({
      %run_scoped3A_20 = tpu.sem_alloc : memref<!tpu.dma_semaphore, #tpu.memory_space<semaphore_mem>>
      %dma_start3A = arith.constant 0 : i32
      %dma_start3A_21 = arith.constant 0 : i32
      %dma_start3A_22 = tpu.memref_slice %arg2[%arg1, %dma_start3A, %dma_start3A_21] : memref<16x80x128xi32, #tpu.memory_space<hbm>> -> memref<1x80x128xi32, #tpu.memory_space<hbm>>
      %dma_start3A_23 = tpu.memref_squeeze %dma_start3A_22 : memref<1x80x128xi32, #tpu.memory_space<hbm>> -> memref<80x128xi32, #tpu.memory_space<hbm>>
      %dma_start3A_24 = arith.constant 0 : i32
      %dma_start3A_25 = tpu.memref_slice %dma_start3A_23[%mul3A_0, %dma_start3A_24] : memref<80x128xi32, #tpu.memory_space<hbm>> -> memref<40x128xi32, #tpu.memory_space<hbm>>
      %dma_start3A_26 = arith.constant 0 : i32
      %dma_start3A_27 = arith.constant 0 : i32
      %dma_start3A_28 = tpu.memref_slice %arg2[%arg1, %dma_start3A_26, %dma_start3A_27] : memref<16x80x128xi32, #tpu.memory_space<hbm>> -> memref<1x80x128xi32, #tpu.memory_space<hbm>>
      %dma_start3A_29 = tpu.memref_squeeze %dma_start3A_28 : memref<1x80x128xi32, #tpu.memory_space<hbm>> -> memref<80x128xi32, #tpu.memory_space<hbm>>
      %dma_start3A_30 = arith.constant 0 : i32
      %dma_start3A_31 = tpu.memref_slice %dma_start3A_29[%mul3A_0, %dma_start3A_30] : memref<80x128xi32, #tpu.memory_space<hbm>> -> memref<40x128xi32, #tpu.memory_space<hbm>>
      tpu.enqueue_dma source(%dma_start3A_31 : memref<40x128xi32, #tpu.memory_space<hbm>>) target(%arg4 : memref<40x128xi32, #tpu.memory_space<vmem>>) target_semaphore(%run_scoped3A_20 : memref<!tpu.dma_semaphore, #tpu.memory_space<semaphore_mem>>)
      %dma_wait3A = arith.constant 0 : i32
      %dma_wait3A_32 = arith.constant 0 : i32
      %dma_wait3A_33 = tpu.memref_slice %arg2[%arg1, %dma_wait3A, %dma_wait3A_32] : memref<16x80x128xi32, #tpu.memory_space<hbm>> -> memref<1x80x128xi32, #tpu.memory_space<hbm>>
      %dma_wait3A_34 = tpu.memref_squeeze %dma_wait3A_33 : memref<1x80x128xi32, #tpu.memory_space<hbm>> -> memref<80x128xi32, #tpu.memory_space<hbm>>
      %dma_wait3A_35 = arith.constant 0 : i32
      %dma_wait3A_36 = tpu.memref_slice %dma_wait3A_34[%mul3A_0, %dma_wait3A_35] : memref<80x128xi32, #tpu.memory_space<hbm>> -> memref<40x128xi32, #tpu.memory_space<hbm>>
      %dma_wait3A_37 = arith.constant 0 : i32
      %dma_wait3A_38 = arith.constant 0 : i32
      %dma_wait3A_39 = tpu.memref_slice %arg2[%arg1, %dma_wait3A_37, %dma_wait3A_38] : memref<16x80x128xi32, #tpu.memory_space<hbm>> -> memref<1x80x128xi32, #tpu.memory_space<hbm>>
      %dma_wait3A_40 = tpu.memref_squeeze %dma_wait3A_39 : memref<1x80x128xi32, #tpu.memory_space<hbm>> -> memref<80x128xi32, #tpu.memory_space<hbm>>
      %dma_wait3A_41 = arith.constant 0 : i32
      %dma_wait3A_42 = tpu.memref_slice %dma_wait3A_40[%mul3A_0, %dma_wait3A_41] : memref<80x128xi32, #tpu.memory_space<hbm>> -> memref<40x128xi32, #tpu.memory_space<hbm>>
      tpu.wait_dma2 semaphore(%run_scoped3A_20 : memref<!tpu.dma_semaphore, #tpu.memory_space<semaphore_mem>>) src(%dma_wait3A_42 : memref<40x128xi32, #tpu.memory_space<hbm>>) dst(%arg4 : memref<40x128xi32, #tpu.memory_space<vmem>>)
      tpu.yield
    }) : () -> ()
    %scan3A = arith.constant 0 : i32
    %scan3A_1 = arith.constant 640 : i32
    %scan3A_2 = arith.addi %scan3A, %scan3A_1 : i32
    %scan3A_3 = arith.constant 1 : i32
    scf.for %scan3A_20 = %scan3A to %scan3A_2 step %scan3A_3  : i32 {
      %mul3A_21 = arith.constant 16 : i32
      %mul3A_22 = arith.muli %scan3A_20, %mul3A_21 : i32
      %add3A = arith.constant 0 : i32
      %add3A_23 = arith.addi %add3A, %mul3A_22 : i32
      %broadcast_in_dim3A_24 = arith.constant 0.000000e+00 : f32
      %broadcast_in_dim3A_25 = vector.broadcast %broadcast_in_dim3A_24 : f32 to vector<16xf32>
      %swap3A = arith.index_cast %add3A_23 : i32 to index
      %swap3A_26 = tpu.vector_load %arg5[%swap3A] {strides = array<i32>} : memref<10240xf32, #tpu.memory_space<vmem>>, vector<16xf32>,
      tpu.vector_store %arg5[%swap3A], %broadcast_in_dim3A_25 {strides = array<i32>} : memref<10240xf32, #tpu.memory_space<vmem>>, vector<16xf32>,
    }
    %scan3A_4 = arith.constant 640 : i32
    %broadcast_in_dim3A = arith.constant 1.000000e+00 : f32
    %broadcast_in_dim3A_5 = vector.broadcast %broadcast_in_dim3A : f32 to vector<16xf32>
    %scan3A_6 = arith.constant 0 : i32
    %scan3A_7 = arith.constant 40 : i32
    %scan3A_8 = arith.addi %scan3A_6, %scan3A_7 : i32
    %scan3A_9 = arith.constant 1 : i32
    scf.for %scan3A_20 = %scan3A_6 to %scan3A_8 step %scan3A_9  : i32 {
      %mul3A_21 = arith.constant 1 : i32
      %mul3A_22 = arith.muli %scan3A_20, %mul3A_21 : i32
      %add3A = arith.constant 0 : i32
      %add3A_23 = arith.addi %add3A, %mul3A_22 : i32
      %scan3A_24 = arith.constant 0 : i32
      %scan3A_25 = arith.constant 8 : i32
      %scan3A_26 = arith.addi %scan3A_24, %scan3A_25 : i32
      %scan3A_27 = arith.constant 1 : i32
      scf.for %scan3A_29 = %scan3A_24 to %scan3A_26 step %scan3A_27  : i32 {
        %mul3A_30 = arith.constant 16 : i32
        %mul3A_31 = arith.muli %scan3A_29, %mul3A_30 : i32
        %add3A_32 = arith.constant 0 : i32
        %add3A_33 = arith.addi %add3A_32, %mul3A_31 : i32
        %get3A = arith.index_cast %add3A_23 : i32 to index
        %get3A_34 = arith.index_cast %add3A_33 : i32 to index
        %get3A_35 = tpu.vector_load %arg4[%get3A, %get3A_34] {strides = array<i32>} : memref<40x128xi32, #tpu.memory_space<vmem>>, vector<16xi32>,
        tpu.vector_store_idx %arg5[%get3A_35], %broadcast_in_dim3A_5 {add = true} : memref<10240xf32, #tpu.memory_space<vmem>>[vector<16xi32>], vector<16xf32>,
      }
      %scan3A_28 = arith.constant 8 : i32
    }
    %scan3A_10 = arith.constant 40 : i32
    "tpu.region"() ({
      %run_scoped3A_20 = tpu.sem_alloc : memref<!tpu.dma_semaphore, #tpu.memory_space<semaphore_mem>>
      %dma_start3A = arith.constant 0 : i32
      %dma_start3A_21 = tpu.memref_slice %arg7[%arg1, %dma_start3A] : memref<16x10240xf32, #tpu.memory_space<vmem_shared>> -> memref<1x10240xf32, #tpu.memory_space<vmem_shared>>
      %dma_start3A_22 = tpu.memref_squeeze %dma_start3A_21 : memref<1x10240xf32, #tpu.memory_space<vmem_shared>> -> memref<10240xf32, #tpu.memory_space<vmem_shared>>
      %dma_start3A_23 = arith.constant 0 : i32
      %dma_start3A_24 = tpu.memref_slice %arg7[%arg1, %dma_start3A_23] : memref<16x10240xf32, #tpu.memory_space<vmem_shared>> -> memref<1x10240xf32, #tpu.memory_space<vmem_shared>>
      %dma_start3A_25 = tpu.memref_squeeze %dma_start3A_24 : memref<1x10240xf32, #tpu.memory_space<vmem_shared>> -> memref<10240xf32, #tpu.memory_space<vmem_shared>>
      tpu.enqueue_dma source(%arg5 : memref<10240xf32, #tpu.memory_space<vmem>>) target(%dma_start3A_25 : memref<10240xf32, #tpu.memory_space<vmem_shared>>) target_semaphore(%run_scoped3A_20 : memref<!tpu.dma_semaphore, #tpu.memory_space<semaphore_mem>>)
      %dma_wait3A = arith.constant 0 : i32
      %dma_wait3A_26 = tpu.memref_slice %arg7[%arg1, %dma_wait3A] : memref<16x10240xf32, #tpu.memory_space<vmem_shared>> -> memref<1x10240xf32, #tpu.memory_space<vmem_shared>>
      %dma_wait3A_27 = tpu.memref_squeeze %dma_wait3A_26 : memref<1x10240xf32, #tpu.memory_space<vmem_shared>> -> memref<10240xf32, #tpu.memory_space<vmem_shared>>
      %dma_wait3A_28 = arith.constant 0 : i32
      %dma_wait3A_29 = tpu.memref_slice %arg7[%arg1, %dma_wait3A_28] : memref<16x10240xf32, #tpu.memory_space<vmem_shared>> -> memref<1x10240xf32, #tpu.memory_space<vmem_shared>>
      %dma_wait3A_30 = tpu.memref_squeeze %dma_wait3A_29 : memref<1x10240xf32, #tpu.memory_space<vmem_shared>> -> memref<10240xf32, #tpu.memory_space<vmem_shared>>
      tpu.wait_dma2 semaphore(%run_scoped3A_20 : memref<!tpu.dma_semaphore, #tpu.memory_space<semaphore_mem>>) src(%arg5 : memref<10240xf32, #tpu.memory_space<vmem>>) dst(%dma_wait3A_30 : memref<10240xf32, #tpu.memory_space<vmem_shared>>)
      tpu.yield
    }) : () -> ()
    %barrier3A = arith.constant 0 : index
    tpu.barrier barrier_id(%barrier3A)
    %mul3A_11 = arith.constant 640 : i32
    %mul3A_12 = arith.muli %arg1, %mul3A_11 : i32
    "tpu.region"() ({
      %run_scoped3A_20 = tpu.sem_alloc : memref<!tpu.dma_semaphore, #tpu.memory_space<semaphore_mem>>
      %dma_start3A = arith.constant 0 : i32
      %dma_start3A_21 = tpu.memref_slice %arg7[%dma_start3A, %mul3A_12] : memref<16x10240xf32, #tpu.memory_space<vmem_shared>> -> memref<16x640xf32, #tpu.memory_space<vmem_shared>>
      %dma_start3A_22 = arith.constant 0 : i32
      %dma_start3A_23 = tpu.memref_slice %arg7[%dma_start3A_22, %mul3A_12] : memref<16x10240xf32, #tpu.memory_space<vmem_shared>> -> memref<16x640xf32, #tpu.memory_space<vmem_shared>>
      tpu.enqueue_dma source(%dma_start3A_23 : memref<16x640xf32, #tpu.memory_space<vmem_shared>>) target(%arg6 : memref<16x640xf32, #tpu.memory_space<vmem>>) target_semaphore(%run_scoped3A_20 : memref<!tpu.dma_semaphore, #tpu.memory_space<semaphore_mem>>)
      %dma_wait3A = arith.constant 0 : i32
      %dma_wait3A_24 = tpu.memref_slice %arg7[%dma_wait3A, %mul3A_12] : memref<16x10240xf32, #tpu.memory_space<vmem_shared>> -> memref<16x640xf32, #tpu.memory_space<vmem_shared>>
      %dma_wait3A_25 = arith.constant 0 : i32
      %dma_wait3A_26 = tpu.memref_slice %arg7[%dma_wait3A_25, %mul3A_12] : memref<16x10240xf32, #tpu.memory_space<vmem_shared>> -> memref<16x640xf32, #tpu.memory_space<vmem_shared>>
      tpu.wait_dma2 semaphore(%run_scoped3A_20 : memref<!tpu.dma_semaphore, #tpu.memory_space<semaphore_mem>>) src(%dma_wait3A_26 : memref<16x640xf32, #tpu.memory_space<vmem_shared>>) dst(%arg6 : memref<16x640xf32, #tpu.memory_space<vmem>>)
      tpu.yield
    }) : () -> ()
    %scan3A_13 = arith.constant 0 : i32
    %scan3A_14 = arith.constant 40 : i32
    %scan3A_15 = arith.addi %scan3A_13, %scan3A_14 : i32
    %scan3A_16 = arith.constant 1 : i32
    scf.for %scan3A_20 = %scan3A_13 to %scan3A_15 step %scan3A_16  : i32 {
      %mul3A_21 = arith.constant 16 : i32
      %mul3A_22 = arith.muli %scan3A_20, %mul3A_21 : i32
      %add3A = arith.constant 0 : i32
      %add3A_23 = arith.addi %add3A, %mul3A_22 : i32
      %get3A = arith.constant 0 : i32
      %get3A_24 = arith.index_cast %get3A : i32 to index
      %get3A_25 = arith.index_cast %add3A_23 : i32 to index
      %get3A_26 = tpu.vector_load %arg6[%get3A_24, %get3A_25] {strides = array<i32>} : memref<16x640xf32, #tpu.memory_space<vmem>>, vector<16xf32>,
      %get3A_27 = arith.constant 1 : i32
      %get3A_28 = arith.index_cast %get3A_27 : i32 to index
      %get3A_29 = arith.index_cast %add3A_23 : i32 to index
      %get3A_30 = tpu.vector_load %arg6[%get3A_28, %get3A_29] {strides = array<i32>} : memref<16x640xf32, #tpu.memory_space<vmem>>, vector<16xf32>,
      %add3A_31 = arith.addf %get3A_26, %get3A_30 : vector<16xf32>
      %get3A_32 = arith.constant 2 : i32
      %get3A_33 = arith.index_cast %get3A_32 : i32 to index
      %get3A_34 = arith.index_cast %add3A_23 : i32 to index
      %get3A_35 = tpu.vector_load %arg6[%get3A_33, %get3A_34] {strides = array<i32>} : memref<16x640xf32, #tpu.memory_space<vmem>>, vector<16xf32>,
      %add3A_36 = arith.addf %add3A_31, %get3A_35 : vector<16xf32>
      %get3A_37 = arith.constant 3 : i32
      %get3A_38 = arith.index_cast %get3A_37 : i32 to index
      %get3A_39 = arith.index_cast %add3A_23 : i32 to index
      %get3A_40 = tpu.vector_load %arg6[%get3A_38, %get3A_39] {strides = array<i32>} : memref<16x640xf32, #tpu.memory_space<vmem>>, vector<16xf32>,
      %add3A_41 = arith.addf %add3A_36, %get3A_40 : vector<16xf32>
      %get3A_42 = arith.constant 4 : i32
      %get3A_43 = arith.index_cast %get3A_42 : i32 to index
      %get3A_44 = arith.index_cast %add3A_23 : i32 to index
      %get3A_45 = tpu.vector_load %arg6[%get3A_43, %get3A_44] {strides = array<i32>} : memref<16x640xf32, #tpu.memory_space<vmem>>, vector<16xf32>,
      %add3A_46 = arith.addf %add3A_41, %get3A_45 : vector<16xf32>
      %get3A_47 = arith.constant 5 : i32
      %get3A_48 = arith.index_cast %get3A_47 : i32 to index
      %get3A_49 = arith.index_cast %add3A_23 : i32 to index
      %get3A_50 = tpu.vector_load %arg6[%get3A_48, %get3A_49] {strides = array<i32>} : memref<16x640xf32, #tpu.memory_space<vmem>>, vector<16xf32>,
      %add3A_51 = arith.addf %add3A_46, %get3A_50 : vector<16xf32>
      %get3A_52 = arith.constant 6 : i32
      %get3A_53 = arith.index_cast %get3A_52 : i32 to index
      %get3A_54 = arith.index_cast %add3A_23 : i32 to index
      %get3A_55 = tpu.vector_load %arg6[%get3A_53, %get3A_54] {strides = array<i32>} : memref<16x640xf32, #tpu.memory_space<vmem>>, vector<16xf32>,
      %add3A_56 = arith.addf %add3A_51, %get3A_55 : vector<16xf32>
      %get3A_57 = arith.constant 7 : i32
      %get3A_58 = arith.index_cast %get3A_57 : i32 to index
      %get3A_59 = arith.index_cast %add3A_23 : i32 to index
      %get3A_60 = tpu.vector_load %arg6[%get3A_58, %get3A_59] {strides = array<i32>} : memref<16x640xf32, #tpu.memory_space<vmem>>, vector<16xf32>,
      %add3A_61 = arith.addf %add3A_56, %get3A_60 : vector<16xf32>
      %get3A_62 = arith.constant 8 : i32
      %get3A_63 = arith.index_cast %get3A_62 : i32 to index
      %get3A_64 = arith.index_cast %add3A_23 : i32 to index
      %get3A_65 = tpu.vector_load %arg6[%get3A_63, %get3A_64] {strides = array<i32>} : memref<16x640xf32, #tpu.memory_space<vmem>>, vector<16xf32>,
      %add3A_66 = arith.addf %add3A_61, %get3A_65 : vector<16xf32>
      %get3A_67 = arith.constant 9 : i32
      %get3A_68 = arith.index_cast %get3A_67 : i32 to index
      %get3A_69 = arith.index_cast %add3A_23 : i32 to index
      %get3A_70 = tpu.vector_load %arg6[%get3A_68, %get3A_69] {strides = array<i32>} : memref<16x640xf32, #tpu.memory_space<vmem>>, vector<16xf32>,
      %add3A_71 = arith.addf %add3A_66, %get3A_70 : vector<16xf32>
      %get3A_72 = arith.constant 10 : i32
      %get3A_73 = arith.index_cast %get3A_72 : i32 to index
      %get3A_74 = arith.index_cast %add3A_23 : i32 to index
      %get3A_75 = tpu.vector_load %arg6[%get3A_73, %get3A_74] {strides = array<i32>} : memref<16x640xf32, #tpu.memory_space<vmem>>, vector<16xf32>,
      %add3A_76 = arith.addf %add3A_71, %get3A_75 : vector<16xf32>
      %get3A_77 = arith.constant 11 : i32
      %get3A_78 = arith.index_cast %get3A_77 : i32 to index
      %get3A_79 = arith.index_cast %add3A_23 : i32 to index
      %get3A_80 = tpu.vector_load %arg6[%get3A_78, %get3A_79] {strides = array<i32>} : memref<16x640xf32, #tpu.memory_space<vmem>>, vector<16xf32>,
      %add3A_81 = arith.addf %add3A_76, %get3A_80 : vector<16xf32>
      %get3A_82 = arith.constant 12 : i32
      %get3A_83 = arith.index_cast %get3A_82 : i32 to index
      %get3A_84 = arith.index_cast %add3A_23 : i32 to index
      %get3A_85 = tpu.vector_load %arg6[%get3A_83, %get3A_84] {strides = array<i32>} : memref<16x640xf32, #tpu.memory_space<vmem>>, vector<16xf32>,
      %add3A_86 = arith.addf %add3A_81, %get3A_85 : vector<16xf32>
      %get3A_87 = arith.constant 13 : i32
      %get3A_88 = arith.index_cast %get3A_87 : i32 to index
      %get3A_89 = arith.index_cast %add3A_23 : i32 to index
      %get3A_90 = tpu.vector_load %arg6[%get3A_88, %get3A_89] {strides = array<i32>} : memref<16x640xf32, #tpu.memory_space<vmem>>, vector<16xf32>,
      %add3A_91 = arith.addf %add3A_86, %get3A_90 : vector<16xf32>
      %get3A_92 = arith.constant 14 : i32
      %get3A_93 = arith.index_cast %get3A_92 : i32 to index
      %get3A_94 = arith.index_cast %add3A_23 : i32 to index
      %get3A_95 = tpu.vector_load %arg6[%get3A_93, %get3A_94] {strides = array<i32>} : memref<16x640xf32, #tpu.memory_space<vmem>>, vector<16xf32>,
      %add3A_96 = arith.addf %add3A_91, %get3A_95 : vector<16xf32>
      %get3A_97 = arith.constant 15 : i32
      %get3A_98 = arith.index_cast %get3A_97 : i32 to index
      %get3A_99 = arith.index_cast %add3A_23 : i32 to index
      %get3A_100 = tpu.vector_load %arg6[%get3A_98, %get3A_99] {strides = array<i32>} : memref<16x640xf32, #tpu.memory_space<vmem>>, vector<16xf32>,
      %add3A_101 = arith.addf %add3A_96, %get3A_100 : vector<16xf32>
      %swap3A = arith.constant 0 : i32
      %swap3A_102 = arith.index_cast %swap3A : i32 to index
      %swap3A_103 = arith.index_cast %add3A_23 : i32 to index
      %swap3A_104 = tpu.vector_load %arg6[%swap3A_102, %swap3A_103] {strides = array<i32>} : memref<16x640xf32, #tpu.memory_space<vmem>>, vector<16xf32>,
      tpu.vector_store %arg6[%swap3A_102, %swap3A_103], %add3A_101 {strides = array<i32>} : memref<16x640xf32, #tpu.memory_space<vmem>>, vector<16xf32>,
    }
    %scan3A_17 = arith.constant 40 : i32
    %mul3A_18 = arith.constant 640 : i32
    %mul3A_19 = arith.muli %arg1, %mul3A_18 : i32
    %run_scoped3A = arith.constant 0 : i32
    "tpu.region"() ({
      %run_scoped3A_20 = tpu.sem_alloc : memref<!tpu.dma_semaphore, #tpu.memory_space<semaphore_mem>>
      %dma_start3A = arith.constant 0 : i32
      %dma_start3A_21 = tpu.memref_slice %arg6[%run_scoped3A, %dma_start3A] : memref<16x640xf32, #tpu.memory_space<vmem>> -> memref<1x640xf32, #tpu.memory_space<vmem>>
      %dma_start3A_22 = tpu.memref_squeeze %dma_start3A_21 : memref<1x640xf32, #tpu.memory_space<vmem>> -> memref<640xf32, #tpu.memory_space<vmem>>
      %dma_start3A_23 = arith.constant 0 : i32
      %dma_start3A_24 = tpu.memref_slice %arg3[%arg0, %dma_start3A_23] : memref<2x10240xf32, #tpu.memory_space<hbm>> -> memref<1x10240xf32, #tpu.memory_space<hbm>>
      %dma_start3A_25 = tpu.memref_squeeze %dma_start3A_24 : memref<1x10240xf32, #tpu.memory_space<hbm>> -> memref<10240xf32, #tpu.memory_space<hbm>>
      %dma_start3A_26 = tpu.memref_slice %dma_start3A_25[%mul3A_19] : memref<10240xf32, #tpu.memory_space<hbm>> -> memref<640xf32, #tpu.memory_space<hbm>>
      %dma_start3A_27 = arith.constant 0 : i32
      %dma_start3A_28 = tpu.memref_slice %arg3[%arg0, %dma_start3A_27] : memref<2x10240xf32, #tpu.memory_space<hbm>> -> memref<1x10240xf32, #tpu.memory_space<hbm>>
      %dma_start3A_29 = tpu.memref_squeeze %dma_start3A_28 : memref<1x10240xf32, #tpu.memory_space<hbm>> -> memref<10240xf32, #tpu.memory_space<hbm>>
      %dma_start3A_30 = tpu.memref_slice %dma_start3A_29[%mul3A_19] : memref<10240xf32, #tpu.memory_space<hbm>> -> memref<640xf32, #tpu.memory_space<hbm>>
      %dma_start3A_31 = arith.constant 0 : i32
      %dma_start3A_32 = tpu.memref_slice %arg6[%run_scoped3A, %dma_start3A_31] : memref<16x640xf32, #tpu.memory_space<vmem>> -> memref<1x640xf32, #tpu.memory_space<vmem>>
      %dma_start3A_33 = tpu.memref_squeeze %dma_start3A_32 : memref<1x640xf32, #tpu.memory_space<vmem>> -> memref<640xf32, #tpu.memory_space<vmem>>
      tpu.enqueue_dma source(%dma_start3A_33 : memref<640xf32, #tpu.memory_space<vmem>>) target(%dma_start3A_30 : memref<640xf32, #tpu.memory_space<hbm>>) target_semaphore(%run_scoped3A_20 : memref<!tpu.dma_semaphore, #tpu.memory_space<semaphore_mem>>)
      %dma_wait3A = arith.constant 0 : i32
      %dma_wait3A_34 = tpu.memref_slice %arg6[%run_scoped3A, %dma_wait3A] : memref<16x640xf32, #tpu.memory_space<vmem>> -> memref<1x640xf32, #tpu.memory_space<vmem>>
      %dma_wait3A_35 = tpu.memref_squeeze %dma_wait3A_34 : memref<1x640xf32, #tpu.memory_space<vmem>> -> memref<640xf32, #tpu.memory_space<vmem>>
      %dma_wait3A_36 = arith.constant 0 : i32
      %dma_wait3A_37 = tpu.memref_slice %arg3[%arg0, %dma_wait3A_36] : memref<2x10240xf32, #tpu.memory_space<hbm>> -> memref<1x10240xf32, #tpu.memory_space<hbm>>
      %dma_wait3A_38 = tpu.memref_squeeze %dma_wait3A_37 : memref<1x10240xf32, #tpu.memory_space<hbm>> -> memref<10240xf32, #tpu.memory_space<hbm>>
      %dma_wait3A_39 = tpu.memref_slice %dma_wait3A_38[%mul3A_19] : memref<10240xf32, #tpu.memory_space<hbm>> -> memref<640xf32, #tpu.memory_space<hbm>>
      %dma_wait3A_40 = arith.constant 0 : i32
      %dma_wait3A_41 = tpu.memref_slice %arg3[%arg0, %dma_wait3A_40] : memref<2x10240xf32, #tpu.memory_space<hbm>> -> memref<1x10240xf32, #tpu.memory_space<hbm>>
      %dma_wait3A_42 = tpu.memref_squeeze %dma_wait3A_41 : memref<1x10240xf32, #tpu.memory_space<hbm>> -> memref<10240xf32, #tpu.memory_space<hbm>>
      %dma_wait3A_43 = tpu.memref_slice %dma_wait3A_42[%mul3A_19] : memref<10240xf32, #tpu.memory_space<hbm>> -> memref<640xf32, #tpu.memory_space<hbm>>
      %dma_wait3A_44 = arith.constant 0 : i32
      %dma_wait3A_45 = tpu.memref_slice %arg6[%run_scoped3A, %dma_wait3A_44] : memref<16x640xf32, #tpu.memory_space<vmem>> -> memref<1x640xf32, #tpu.memory_space<vmem>>
      %dma_wait3A_46 = tpu.memref_squeeze %dma_wait3A_45 : memref<1x640xf32, #tpu.memory_space<vmem>> -> memref<640xf32, #tpu.memory_space<vmem>>
      tpu.wait_dma2 semaphore(%run_scoped3A_20 : memref<!tpu.dma_semaphore, #tpu.memory_space<semaphore_mem>>) src(%dma_wait3A_46 : memref<640xf32, #tpu.memory_space<vmem>>) dst(%dma_wait3A_43 : memref<640xf32, #tpu.memory_space<hbm>>)
      tpu.yield
    }) : () -> ()
    return
  }
}

#map = affine_map<(d0, d1) -> (0, 0, 0)>
module attributes {stable_mosaic.version = 14 : i64} {
  func.func @k(%arg0: i32, %arg1: i32, %arg2: memref<2x10000x128xf32, #tpu.memory_space<hbm>>, %arg3: memref<16x80x128xi32, #tpu.memory_space<hbm>>, %arg4: memref<16x80x128xi32, #tpu.memory_space<hbm>>, %arg5: memref<2x10000x128xf32, #tpu.memory_space<hbm>>, %arg6: memref<80x128xi32, #tpu.memory_space<vmem>>, %arg7: memref<40x128xi32, #tpu.memory_space<vmem>>, %arg8: memref<128x128xf32, #tpu.memory_space<vmem>>, %arg9: memref<128x128xf32, #tpu.memory_space<vmem>>, %arg10: memref<10016x128xf32, #tpu.memory_space<vmem_shared>>, %arg11: memref<!tpu.dma_semaphore, #tpu.memory_space<semaphore_mem>>, %arg12: memref<!tpu.dma_semaphore, #tpu.memory_space<semaphore_mem>>, %arg13: memref<!tpu.dma_semaphore, #tpu.memory_space<semaphore_mem>>, %arg14: memref<!tpu.dma_semaphore, #tpu.memory_space<semaphore_mem>>) attributes {dimension_semantics = [#tpu.dimension_semantics<core_parallel>, #tpu.dimension_semantics<subcore_parallel>], iteration_bounds = array<i64: 2, 16>, scalar_prefetch = 0 : i64, scratch_operands = 9 : i64, tpu.core_type = #tpu.core_type<sc_vector_subcore>, window_params = [{transform_indices = #map}, {transform_indices = #map}, {transform_indices = #map}, {transform_indices = #map}]} {
    "tpu.region"() ({
      %run_scoped3A_122 = tpu.sem_alloc : memref<!tpu.dma_semaphore, #tpu.memory_space<semaphore_mem>>
      %dma_start3A_123 = arith.constant 0 : i32
      %dma_start3A_124 = arith.constant 0 : i32
      %dma_start3A_125 = tpu.memref_slice %arg3[%arg1, %dma_start3A_123, %dma_start3A_124] : memref<16x80x128xi32, #tpu.memory_space<hbm>> -> memref<1x80x128xi32, #tpu.memory_space<hbm>>
      %dma_start3A_126 = tpu.memref_squeeze %dma_start3A_125 : memref<1x80x128xi32, #tpu.memory_space<hbm>> -> memref<80x128xi32, #tpu.memory_space<hbm>>
      %dma_start3A_127 = arith.constant 0 : i32
      %dma_start3A_128 = arith.constant 0 : i32
      %dma_start3A_129 = tpu.memref_slice %arg3[%arg1, %dma_start3A_127, %dma_start3A_128] : memref<16x80x128xi32, #tpu.memory_space<hbm>> -> memref<1x80x128xi32, #tpu.memory_space<hbm>>
      %dma_start3A_130 = tpu.memref_squeeze %dma_start3A_129 : memref<1x80x128xi32, #tpu.memory_space<hbm>> -> memref<80x128xi32, #tpu.memory_space<hbm>>
      tpu.enqueue_dma source(%dma_start3A_130 : memref<80x128xi32, #tpu.memory_space<hbm>>) target(%arg6 : memref<80x128xi32, #tpu.memory_space<vmem>>) target_semaphore(%run_scoped3A_122 : memref<!tpu.dma_semaphore, #tpu.memory_space<semaphore_mem>>)
      %dma_wait3A_131 = arith.constant 0 : i32
      %dma_wait3A_132 = arith.constant 0 : i32
      %dma_wait3A_133 = tpu.memref_slice %arg3[%arg1, %dma_wait3A_131, %dma_wait3A_132] : memref<16x80x128xi32, #tpu.memory_space<hbm>> -> memref<1x80x128xi32, #tpu.memory_space<hbm>>
      %dma_wait3A_134 = tpu.memref_squeeze %dma_wait3A_133 : memref<1x80x128xi32, #tpu.memory_space<hbm>> -> memref<80x128xi32, #tpu.memory_space<hbm>>
      %dma_wait3A_135 = arith.constant 0 : i32
      %dma_wait3A_136 = arith.constant 0 : i32
      %dma_wait3A_137 = tpu.memref_slice %arg3[%arg1, %dma_wait3A_135, %dma_wait3A_136] : memref<16x80x128xi32, #tpu.memory_space<hbm>> -> memref<1x80x128xi32, #tpu.memory_space<hbm>>
      %dma_wait3A_138 = tpu.memref_squeeze %dma_wait3A_137 : memref<1x80x128xi32, #tpu.memory_space<hbm>> -> memref<80x128xi32, #tpu.memory_space<hbm>>
      tpu.wait_dma2 semaphore(%run_scoped3A_122 : memref<!tpu.dma_semaphore, #tpu.memory_space<semaphore_mem>>) src(%dma_wait3A_138 : memref<80x128xi32, #tpu.memory_space<hbm>>) dst(%arg6 : memref<80x128xi32, #tpu.memory_space<vmem>>)
      tpu.yield
    }) : () -> ()
    %mul3A = arith.constant 1 : i32
    %mul3A_0 = arith.muli %arg0, %mul3A : i32
    %add3A = arith.constant 0 : i32
    %add3A_1 = arith.addi %mul3A_0, %add3A : i32
    %scan3A = arith.constant 0 : i32
    %scan3A_2 = arith.constant 128 : i32
    %scan3A_3 = arith.addi %scan3A, %scan3A_2 : i32
    %scan3A_4 = arith.constant 1 : i32
    scf.for %scan3A_122 = %scan3A to %scan3A_3 step %scan3A_4  : i32 {
      %mul3A_123 = arith.constant 1 : i32
      %mul3A_124 = arith.muli %scan3A_122, %mul3A_123 : i32
      %add3A_125 = arith.constant 0 : i32
      %add3A_126 = arith.addi %add3A_125, %mul3A_124 : i32
      %scan3A_127 = arith.constant 0 : i32
      %scan3A_128 = arith.constant 8 : i32
      %scan3A_129 = arith.addi %scan3A_127, %scan3A_128 : i32
      %scan3A_130 = arith.constant 1 : i32
      scf.for %scan3A_132 = %scan3A_127 to %scan3A_129 step %scan3A_130  : i32 {
        %mul3A_133 = arith.constant 16 : i32
        %mul3A_134 = arith.muli %scan3A_132, %mul3A_133 : i32
        %add3A_135 = arith.constant 0 : i32
        %add3A_136 = arith.addi %add3A_135, %mul3A_134 : i32
        %broadcast_in_dim3A = arith.constant 0.000000e+00 : f32
        %broadcast_in_dim3A_137 = vector.broadcast %broadcast_in_dim3A : f32 to vector<16xf32>
        %swap3A = arith.index_cast %add3A_126 : i32 to index
        %swap3A_138 = arith.index_cast %add3A_136 : i32 to index
        %swap3A_139 = tpu.vector_load %arg8[%swap3A, %swap3A_138] {strides = array<i32>} : memref<128x128xf32, #tpu.memory_space<vmem>>, vector<1x16xf32>,
        %swap3A_140 = vector.shape_cast %swap3A_139 : vector<1x16xf32> to vector<16xf32>
        %swap3A_141 = vector.shape_cast %broadcast_in_dim3A_137 : vector<16xf32> to vector<1x16xf32>
        tpu.vector_store %arg8[%swap3A, %swap3A_138], %swap3A_141 {strides = array<i32>} : memref<128x128xf32, #tpu.memory_space<vmem>>, vector<1x16xf32>,
      }
      %scan3A_131 = arith.constant 8 : i32
    }
    %scan3A_5 = arith.constant 128 : i32
    %scan3A_6 = arith.constant 0 : i32
    %scan3A_7 = arith.constant 4 : i32
    %scan3A_8 = arith.addi %scan3A_6, %scan3A_7 : i32
    %scan3A_9 = arith.constant 1 : i32
    scf.for %scan3A_122 = %scan3A_6 to %scan3A_8 step %scan3A_9  : i32 {
      %mul3A_123 = arith.constant 1 : i32
      %mul3A_124 = arith.muli %scan3A_122, %mul3A_123 : i32
      %add3A_125 = arith.constant 0 : i32
      %add3A_126 = arith.addi %add3A_125, %mul3A_124 : i32
      %mul3A_127 = arith.constant 626 : i32
      %mul3A_128 = arith.muli %arg1, %mul3A_127 : i32
      %mul3A_129 = arith.constant 128 : i32
      %mul3A_130 = arith.muli %add3A_126, %mul3A_129 : i32
      %add3A_131 = arith.addi %mul3A_128, %mul3A_130 : i32
      "tpu.region"() ({
        %run_scoped3A_132 = tpu.sem_alloc : memref<!tpu.dma_semaphore, #tpu.memory_space<semaphore_mem>>
        %dma_start3A_133 = arith.constant 0 : i32
        %dma_start3A_134 = tpu.memref_slice %arg10[%add3A_131, %dma_start3A_133] : memref<10016x128xf32, #tpu.memory_space<vmem_shared>> -> memref<128x128xf32, #tpu.memory_space<vmem_shared>>
        %dma_start3A_135 = arith.constant 0 : i32
        %dma_start3A_136 = tpu.memref_slice %arg10[%add3A_131, %dma_start3A_135] : memref<10016x128xf32, #tpu.memory_space<vmem_shared>> -> memref<128x128xf32, #tpu.memory_space<vmem_shared>>
        tpu.enqueue_dma source(%arg8 : memref<128x128xf32, #tpu.memory_space<vmem>>) target(%dma_start3A_136 : memref<128x128xf32, #tpu.memory_space<vmem_shared>>) target_semaphore(%run_scoped3A_132 : memref<!tpu.dma_semaphore, #tpu.memory_space<semaphore_mem>>)
        %dma_wait3A_137 = arith.constant 0 : i32
        %dma_wait3A_138 = tpu.memref_slice %arg10[%add3A_131, %dma_wait3A_137] : memref<10016x128xf32, #tpu.memory_space<vmem_shared>> -> memref<128x128xf32, #tpu.memory_space<vmem_shared>>
        %dma_wait3A_139 = arith.constant 0 : i32
        %dma_wait3A_140 = tpu.memref_slice %arg10[%add3A_131, %dma_wait3A_139] : memref<10016x128xf32, #tpu.memory_space<vmem_shared>> -> memref<128x128xf32, #tpu.memory_space<vmem_shared>>
        tpu.wait_dma2 semaphore(%run_scoped3A_132 : memref<!tpu.dma_semaphore, #tpu.memory_space<semaphore_mem>>) src(%arg8 : memref<128x128xf32, #tpu.memory_space<vmem>>) dst(%dma_wait3A_140 : memref<128x128xf32, #tpu.memory_space<vmem_shared>>)
        tpu.yield
      }) : () -> ()
    }
    %scan3A_10 = arith.constant 4 : i32
    %mul3A_11 = arith.constant 626 : i32
    %mul3A_12 = arith.muli %arg1, %mul3A_11 : i32
    %add3A_13 = arith.constant 512 : i32
    %add3A_14 = arith.addi %mul3A_12, %add3A_13 : i32
    "tpu.region"() ({
      %run_scoped3A_122 = tpu.sem_alloc : memref<!tpu.dma_semaphore, #tpu.memory_space<semaphore_mem>>
      %dma_start3A_123 = arith.constant 0 : i32
      %dma_start3A_124 = arith.constant 0 : i32
      %dma_start3A_125 = tpu.memref_slice %arg8[%dma_start3A_123, %dma_start3A_124] : memref<128x128xf32, #tpu.memory_space<vmem>> -> memref<114x128xf32, #tpu.memory_space<vmem>>
      %dma_start3A_126 = arith.constant 0 : i32
      %dma_start3A_127 = tpu.memref_slice %arg10[%add3A_14, %dma_start3A_126] : memref<10016x128xf32, #tpu.memory_space<vmem_shared>> -> memref<114x128xf32, #tpu.memory_space<vmem_shared>>
      %dma_start3A_128 = arith.constant 0 : i32
      %dma_start3A_129 = tpu.memref_slice %arg10[%add3A_14, %dma_start3A_128] : memref<10016x128xf32, #tpu.memory_space<vmem_shared>> -> memref<114x128xf32, #tpu.memory_space<vmem_shared>>
      %dma_start3A_130 = arith.constant 0 : i32
      %dma_start3A_131 = arith.constant 0 : i32
      %dma_start3A_132 = tpu.memref_slice %arg8[%dma_start3A_130, %dma_start3A_131] : memref<128x128xf32, #tpu.memory_space<vmem>> -> memref<114x128xf32, #tpu.memory_space<vmem>>
      tpu.enqueue_dma source(%dma_start3A_132 : memref<114x128xf32, #tpu.memory_space<vmem>>) target(%dma_start3A_129 : memref<114x128xf32, #tpu.memory_space<vmem_shared>>) target_semaphore(%run_scoped3A_122 : memref<!tpu.dma_semaphore, #tpu.memory_space<semaphore_mem>>)
      %dma_wait3A_133 = arith.constant 0 : i32
      %dma_wait3A_134 = arith.constant 0 : i32
      %dma_wait3A_135 = tpu.memref_slice %arg8[%dma_wait3A_133, %dma_wait3A_134] : memref<128x128xf32, #tpu.memory_space<vmem>> -> memref<114x128xf32, #tpu.memory_space<vmem>>
      %dma_wait3A_136 = arith.constant 0 : i32
      %dma_wait3A_137 = tpu.memref_slice %arg10[%add3A_14, %dma_wait3A_136] : memref<10016x128xf32, #tpu.memory_space<vmem_shared>> -> memref<114x128xf32, #tpu.memory_space<vmem_shared>>
      %dma_wait3A_138 = arith.constant 0 : i32
      %dma_wait3A_139 = tpu.memref_slice %arg10[%add3A_14, %dma_wait3A_138] : memref<10016x128xf32, #tpu.memory_space<vmem_shared>> -> memref<114x128xf32, #tpu.memory_space<vmem_shared>>
      %dma_wait3A_140 = arith.constant 0 : i32
      %dma_wait3A_141 = arith.constant 0 : i32
      %dma_wait3A_142 = tpu.memref_slice %arg8[%dma_wait3A_140, %dma_wait3A_141] : memref<128x128xf32, #tpu.memory_space<vmem>> -> memref<114x128xf32, #tpu.memory_space<vmem>>
      tpu.wait_dma2 semaphore(%run_scoped3A_122 : memref<!tpu.dma_semaphore, #tpu.memory_space<semaphore_mem>>) src(%dma_wait3A_142 : memref<114x128xf32, #tpu.memory_space<vmem>>) dst(%dma_wait3A_139 : memref<114x128xf32, #tpu.memory_space<vmem_shared>>)
      tpu.yield
    }) : () -> ()
    %barrier3A = arith.constant 0 : index
    tpu.barrier barrier_id(%barrier3A)
    "tpu.region"() ({
      %run_scoped3A_122 = tpu.sem_alloc : memref<!tpu.dma_semaphore, #tpu.memory_space<semaphore_mem>>
      %dma_start3A_123 = arith.constant 0 : i32
      %dma_start3A_124 = arith.constant 0 : i32
      %dma_start3A_125 = tpu.memref_slice %arg4[%arg1, %dma_start3A_123, %dma_start3A_124] : memref<16x80x128xi32, #tpu.memory_space<hbm>> -> memref<1x80x128xi32, #tpu.memory_space<hbm>>
      %dma_start3A_126 = tpu.memref_squeeze %dma_start3A_125 : memref<1x80x128xi32, #tpu.memory_space<hbm>> -> memref<80x128xi32, #tpu.memory_space<hbm>>
      %dma_start3A_127 = arith.constant 0 : i32
      %dma_start3A_128 = arith.constant 0 : i32
      %dma_start3A_129 = tpu.memref_slice %dma_start3A_126[%dma_start3A_127, %dma_start3A_128] : memref<80x128xi32, #tpu.memory_space<hbm>> -> memref<40x128xi32, #tpu.memory_space<hbm>>
      %dma_start3A_130 = arith.constant 0 : i32
      %dma_start3A_131 = arith.constant 0 : i32
      %dma_start3A_132 = tpu.memref_slice %arg4[%arg1, %dma_start3A_130, %dma_start3A_131] : memref<16x80x128xi32, #tpu.memory_space<hbm>> -> memref<1x80x128xi32, #tpu.memory_space<hbm>>
      %dma_start3A_133 = tpu.memref_squeeze %dma_start3A_132 : memref<1x80x128xi32, #tpu.memory_space<hbm>> -> memref<80x128xi32, #tpu.memory_space<hbm>>
      %dma_start3A_134 = arith.constant 0 : i32
      %dma_start3A_135 = arith.constant 0 : i32
      %dma_start3A_136 = tpu.memref_slice %dma_start3A_133[%dma_start3A_134, %dma_start3A_135] : memref<80x128xi32, #tpu.memory_space<hbm>> -> memref<40x128xi32, #tpu.memory_space<hbm>>
      tpu.enqueue_dma source(%dma_start3A_136 : memref<40x128xi32, #tpu.memory_space<hbm>>) target(%arg7 : memref<40x128xi32, #tpu.memory_space<vmem>>) target_semaphore(%run_scoped3A_122 : memref<!tpu.dma_semaphore, #tpu.memory_space<semaphore_mem>>)
      %dma_wait3A_137 = arith.constant 0 : i32
      %dma_wait3A_138 = arith.constant 0 : i32
      %dma_wait3A_139 = tpu.memref_slice %arg4[%arg1, %dma_wait3A_137, %dma_wait3A_138] : memref<16x80x128xi32, #tpu.memory_space<hbm>> -> memref<1x80x128xi32, #tpu.memory_space<hbm>>
      %dma_wait3A_140 = tpu.memref_squeeze %dma_wait3A_139 : memref<1x80x128xi32, #tpu.memory_space<hbm>> -> memref<80x128xi32, #tpu.memory_space<hbm>>
      %dma_wait3A_141 = arith.constant 0 : i32
      %dma_wait3A_142 = arith.constant 0 : i32
      %dma_wait3A_143 = tpu.memref_slice %dma_wait3A_140[%dma_wait3A_141, %dma_wait3A_142] : memref<80x128xi32, #tpu.memory_space<hbm>> -> memref<40x128xi32, #tpu.memory_space<hbm>>
      %dma_wait3A_144 = arith.constant 0 : i32
      %dma_wait3A_145 = arith.constant 0 : i32
      %dma_wait3A_146 = tpu.memref_slice %arg4[%arg1, %dma_wait3A_144, %dma_wait3A_145] : memref<16x80x128xi32, #tpu.memory_space<hbm>> -> memref<1x80x128xi32, #tpu.memory_space<hbm>>
      %dma_wait3A_147 = tpu.memref_squeeze %dma_wait3A_146 : memref<1x80x128xi32, #tpu.memory_space<hbm>> -> memref<80x128xi32, #tpu.memory_space<hbm>>
      %dma_wait3A_148 = arith.constant 0 : i32
      %dma_wait3A_149 = arith.constant 0 : i32
      %dma_wait3A_150 = tpu.memref_slice %dma_wait3A_147[%dma_wait3A_148, %dma_wait3A_149] : memref<80x128xi32, #tpu.memory_space<hbm>> -> memref<40x128xi32, #tpu.memory_space<hbm>>
      tpu.wait_dma2 semaphore(%run_scoped3A_122 : memref<!tpu.dma_semaphore, #tpu.memory_space<semaphore_mem>>) src(%dma_wait3A_150 : memref<40x128xi32, #tpu.memory_space<hbm>>) dst(%arg7 : memref<40x128xi32, #tpu.memory_space<vmem>>)
      tpu.yield
    }) : () -> ()
    %dma_start3A = arith.constant 0 : i32
    %dma_start3A_15 = arith.constant 0 : i32
    %dma_start3A_16 = tpu.memref_slice %arg6[%dma_start3A, %dma_start3A_15] : memref<80x128xi32, #tpu.memory_space<vmem>> -> memref<1x128xi32, #tpu.memory_space<vmem>>
    %dma_start3A_17 = tpu.memref_squeeze %dma_start3A_16 : memref<1x128xi32, #tpu.memory_space<vmem>> -> memref<128xi32, #tpu.memory_space<vmem>>
    %dma_start3A_18 = arith.constant 0 : i32
    %dma_start3A_19 = arith.constant 0 : i32
    %dma_start3A_20 = tpu.memref_slice %arg2[%add3A_1, %dma_start3A_18, %dma_start3A_19] : memref<2x10000x128xf32, #tpu.memory_space<hbm>> -> memref<1x10000x128xf32, #tpu.memory_space<hbm>>
    %dma_start3A_21 = tpu.memref_squeeze %dma_start3A_20 : memref<1x10000x128xf32, #tpu.memory_space<hbm>> -> memref<10000x128xf32, #tpu.memory_space<hbm>>
    %dma_start3A_22 = arith.constant 0 : i32
    %dma_start3A_23 = arith.constant 0 : i32
    %dma_start3A_24 = tpu.memref_slice %dma_start3A_21[%dma_start3A_22, %dma_start3A_23] : memref<10000x128xf32, #tpu.memory_space<hbm>> -> memref<10000x128xf32, #tpu.memory_space<hbm>>
    tpu.enqueue_indirect_dma source(%dma_start3A_24 : memref<10000x128xf32, #tpu.memory_space<hbm>>) target(%arg8 : memref<128x128xf32, #tpu.memory_space<vmem>>) offsets(%dma_start3A_17 : memref<128xi32, #tpu.memory_space<vmem>>) semaphore(%arg11 : memref<!tpu.dma_semaphore, #tpu.memory_space<semaphore_mem>>)
    %dma_start3A_25 = arith.constant 1 : i32
    %dma_start3A_26 = arith.constant 0 : i32
    %dma_start3A_27 = tpu.memref_slice %arg6[%dma_start3A_25, %dma_start3A_26] : memref<80x128xi32, #tpu.memory_space<vmem>> -> memref<1x128xi32, #tpu.memory_space<vmem>>
    %dma_start3A_28 = tpu.memref_squeeze %dma_start3A_27 : memref<1x128xi32, #tpu.memory_space<vmem>> -> memref<128xi32, #tpu.memory_space<vmem>>
    %dma_start3A_29 = arith.constant 0 : i32
    %dma_start3A_30 = arith.constant 0 : i32
    %dma_start3A_31 = tpu.memref_slice %arg2[%add3A_1, %dma_start3A_29, %dma_start3A_30] : memref<2x10000x128xf32, #tpu.memory_space<hbm>> -> memref<1x10000x128xf32, #tpu.memory_space<hbm>>
    %dma_start3A_32 = tpu.memref_squeeze %dma_start3A_31 : memref<1x10000x128xf32, #tpu.memory_space<hbm>> -> memref<10000x128xf32, #tpu.memory_space<hbm>>
    %dma_start3A_33 = arith.constant 0 : i32
    %dma_start3A_34 = arith.constant 0 : i32
    %dma_start3A_35 = tpu.memref_slice %dma_start3A_32[%dma_start3A_33, %dma_start3A_34] : memref<10000x128xf32, #tpu.memory_space<hbm>> -> memref<10000x128xf32, #tpu.memory_space<hbm>>
    tpu.enqueue_indirect_dma source(%dma_start3A_35 : memref<10000x128xf32, #tpu.memory_space<hbm>>) target(%arg9 : memref<128x128xf32, #tpu.memory_space<vmem>>) offsets(%dma_start3A_28 : memref<128xi32, #tpu.memory_space<vmem>>) semaphore(%arg12 : memref<!tpu.dma_semaphore, #tpu.memory_space<semaphore_mem>>)
    %scan3A_36 = arith.constant 0 : i32
    %scan3A_37 = arith.constant 19 : i32
    %scan3A_38 = arith.addi %scan3A_36, %scan3A_37 : i32
    %scan3A_39 = arith.constant 1 : i32
    scf.for %scan3A_122 = %scan3A_36 to %scan3A_38 step %scan3A_39  : i32 {
      %mul3A_123 = arith.constant 2 : i32
      %mul3A_124 = arith.muli %scan3A_122, %mul3A_123 : i32
      %add3A_125 = arith.constant 0 : i32
      %add3A_126 = arith.addi %add3A_125, %mul3A_124 : i32
      %add3A_127 = arith.constant 0 : i32
      %add3A_128 = arith.addi %add3A_127, %add3A_126 : i32
      %dma_wait3A_129 = arith.constant 0 : i32
      %dma_wait3A_130 = tpu.memref_slice %arg6[%add3A_128, %dma_wait3A_129] : memref<80x128xi32, #tpu.memory_space<vmem>> -> memref<1x128xi32, #tpu.memory_space<vmem>>
      %dma_wait3A_131 = tpu.memref_squeeze %dma_wait3A_130 : memref<1x128xi32, #tpu.memory_space<vmem>> -> memref<128xi32, #tpu.memory_space<vmem>>
      %dma_wait3A_132 = arith.constant 0 : i32
      %dma_wait3A_133 = arith.constant 0 : i32
      %dma_wait3A_134 = tpu.memref_slice %arg2[%add3A_1, %dma_wait3A_132, %dma_wait3A_133] : memref<2x10000x128xf32, #tpu.memory_space<hbm>> -> memref<1x10000x128xf32, #tpu.memory_space<hbm>>
      %dma_wait3A_135 = tpu.memref_squeeze %dma_wait3A_134 : memref<1x10000x128xf32, #tpu.memory_space<hbm>> -> memref<10000x128xf32, #tpu.memory_space<hbm>>
      %dma_wait3A_136 = arith.constant 0 : i32
      %dma_wait3A_137 = arith.constant 0 : i32
      %dma_wait3A_138 = tpu.memref_slice %dma_wait3A_135[%dma_wait3A_136, %dma_wait3A_137] : memref<10000x128xf32, #tpu.memory_space<hbm>> -> memref<10000x128xf32, #tpu.memory_space<hbm>>
      tpu.wait_indirect_dma semaphore(%arg11 : memref<!tpu.dma_semaphore, #tpu.memory_space<semaphore_mem>>) src(%dma_wait3A_138 : memref<10000x128xf32, #tpu.memory_space<hbm>>) dst(%arg8 : memref<128x128xf32, #tpu.memory_space<vmem>>)
      %dma_start3A_139 = arith.constant 0 : i32
      %dma_start3A_140 = tpu.memref_slice %arg7[%add3A_126, %dma_start3A_139] : memref<40x128xi32, #tpu.memory_space<vmem>> -> memref<1x128xi32, #tpu.memory_space<vmem>>
      %dma_start3A_141 = tpu.memref_squeeze %dma_start3A_140 : memref<1x128xi32, #tpu.memory_space<vmem>> -> memref<128xi32, #tpu.memory_space<vmem>>
      %dma_start3A_142 = arith.constant 0 : i32
      %dma_start3A_143 = arith.constant 0 : i32
      %dma_start3A_144 = tpu.memref_slice %arg10[%dma_start3A_142, %dma_start3A_143] : memref<10016x128xf32, #tpu.memory_space<vmem_shared>> -> memref<10016x128xf32, #tpu.memory_space<vmem_shared>>
      tpu.enqueue_indirect_dma source(%arg8 : memref<128x128xf32, #tpu.memory_space<vmem>>) target(%dma_start3A_144 : memref<10016x128xf32, #tpu.memory_space<vmem_shared>>) offsets(%dma_start3A_141 : memref<128xi32, #tpu.memory_space<vmem>>) semaphore(%arg13 : memref<!tpu.dma_semaphore, #tpu.memory_space<semaphore_mem>>) {add = true}
      %add3A_145 = arith.constant 0 : i32
      %add3A_146 = arith.addi %add3A_145, %add3A_126 : i32
      %add3A_147 = arith.constant 1 : i32
      %add3A_148 = arith.addi %add3A_146, %add3A_147 : i32
      %dma_wait3A_149 = arith.constant 0 : i32
      %dma_wait3A_150 = tpu.memref_slice %arg6[%add3A_148, %dma_wait3A_149] : memref<80x128xi32, #tpu.memory_space<vmem>> -> memref<1x128xi32, #tpu.memory_space<vmem>>
      %dma_wait3A_151 = tpu.memref_squeeze %dma_wait3A_150 : memref<1x128xi32, #tpu.memory_space<vmem>> -> memref<128xi32, #tpu.memory_space<vmem>>
      %dma_wait3A_152 = arith.constant 0 : i32
      %dma_wait3A_153 = arith.constant 0 : i32
      %dma_wait3A_154 = tpu.memref_slice %arg2[%add3A_1, %dma_wait3A_152, %dma_wait3A_153] : memref<2x10000x128xf32, #tpu.memory_space<hbm>> -> memref<1x10000x128xf32, #tpu.memory_space<hbm>>
      %dma_wait3A_155 = tpu.memref_squeeze %dma_wait3A_154 : memref<1x10000x128xf32, #tpu.memory_space<hbm>> -> memref<10000x128xf32, #tpu.memory_space<hbm>>
      %dma_wait3A_156 = arith.constant 0 : i32
      %dma_wait3A_157 = arith.constant 0 : i32
      %dma_wait3A_158 = tpu.memref_slice %dma_wait3A_155[%dma_wait3A_156, %dma_wait3A_157] : memref<10000x128xf32, #tpu.memory_space<hbm>> -> memref<10000x128xf32, #tpu.memory_space<hbm>>
      tpu.wait_indirect_dma semaphore(%arg12 : memref<!tpu.dma_semaphore, #tpu.memory_space<semaphore_mem>>) src(%dma_wait3A_158 : memref<10000x128xf32, #tpu.memory_space<hbm>>) dst(%arg9 : memref<128x128xf32, #tpu.memory_space<vmem>>)
      %add3A_159 = arith.constant 1 : i32
      %add3A_160 = arith.addi %add3A_126, %add3A_159 : i32
      %dma_start3A_161 = arith.constant 0 : i32
      %dma_start3A_162 = tpu.memref_slice %arg7[%add3A_160, %dma_start3A_161] : memref<40x128xi32, #tpu.memory_space<vmem>> -> memref<1x128xi32, #tpu.memory_space<vmem>>
      %dma_start3A_163 = tpu.memref_squeeze %dma_start3A_162 : memref<1x128xi32, #tpu.memory_space<vmem>> -> memref<128xi32, #tpu.memory_space<vmem>>
      %dma_start3A_164 = arith.constant 0 : i32
      %dma_start3A_165 = arith.constant 0 : i32
      %dma_start3A_166 = tpu.memref_slice %arg10[%dma_start3A_164, %dma_start3A_165] : memref<10016x128xf32, #tpu.memory_space<vmem_shared>> -> memref<10016x128xf32, #tpu.memory_space<vmem_shared>>
      tpu.enqueue_indirect_dma source(%arg9 : memref<128x128xf32, #tpu.memory_space<vmem>>) target(%dma_start3A_166 : memref<10016x128xf32, #tpu.memory_space<vmem_shared>>) offsets(%dma_start3A_163 : memref<128xi32, #tpu.memory_space<vmem>>) semaphore(%arg14 : memref<!tpu.dma_semaphore, #tpu.memory_space<semaphore_mem>>) {add = true}
      %dma_wait3A_167 = arith.constant 0 : i32
      %dma_wait3A_168 = tpu.memref_slice %arg7[%add3A_126, %dma_wait3A_167] : memref<40x128xi32, #tpu.memory_space<vmem>> -> memref<1x128xi32, #tpu.memory_space<vmem>>
      %dma_wait3A_169 = tpu.memref_squeeze %dma_wait3A_168 : memref<1x128xi32, #tpu.memory_space<vmem>> -> memref<128xi32, #tpu.memory_space<vmem>>
      %dma_wait3A_170 = arith.constant 0 : i32
      %dma_wait3A_171 = arith.constant 0 : i32
      %dma_wait3A_172 = tpu.memref_slice %arg10[%dma_wait3A_170, %dma_wait3A_171] : memref<10016x128xf32, #tpu.memory_space<vmem_shared>> -> memref<10016x128xf32, #tpu.memory_space<vmem_shared>>
      tpu.wait_indirect_dma semaphore(%arg13 : memref<!tpu.dma_semaphore, #tpu.memory_space<semaphore_mem>>) src(%arg8 : memref<128x128xf32, #tpu.memory_space<vmem>>) dst(%dma_wait3A_172 : memref<10016x128xf32, #tpu.memory_space<vmem_shared>>)
      %add3A_173 = arith.constant 0 : i32
      %add3A_174 = arith.addi %add3A_173, %add3A_126 : i32
      %add3A_175 = arith.constant 2 : i32
      %add3A_176 = arith.addi %add3A_174, %add3A_175 : i32
      %dma_start3A_177 = arith.constant 0 : i32
      %dma_start3A_178 = tpu.memref_slice %arg6[%add3A_176, %dma_start3A_177] : memref<80x128xi32, #tpu.memory_space<vmem>> -> memref<1x128xi32, #tpu.memory_space<vmem>>
      %dma_start3A_179 = tpu.memref_squeeze %dma_start3A_178 : memref<1x128xi32, #tpu.memory_space<vmem>> -> memref<128xi32, #tpu.memory_space<vmem>>
      %dma_start3A_180 = arith.constant 0 : i32
      %dma_start3A_181 = arith.constant 0 : i32
      %dma_start3A_182 = tpu.memref_slice %arg2[%add3A_1, %dma_start3A_180, %dma_start3A_181] : memref<2x10000x128xf32, #tpu.memory_space<hbm>> -> memref<1x10000x128xf32, #tpu.memory_space<hbm>>
      %dma_start3A_183 = tpu.memref_squeeze %dma_start3A_182 : memref<1x10000x128xf32, #tpu.memory_space<hbm>> -> memref<10000x128xf32, #tpu.memory_space<hbm>>
      %dma_start3A_184 = arith.constant 0 : i32
      %dma_start3A_185 = arith.constant 0 : i32
      %dma_start3A_186 = tpu.memref_slice %dma_start3A_183[%dma_start3A_184, %dma_start3A_185] : memref<10000x128xf32, #tpu.memory_space<hbm>> -> memref<10000x128xf32, #tpu.memory_space<hbm>>
      tpu.enqueue_indirect_dma source(%dma_start3A_186 : memref<10000x128xf32, #tpu.memory_space<hbm>>) target(%arg8 : memref<128x128xf32, #tpu.memory_space<vmem>>) offsets(%dma_start3A_179 : memref<128xi32, #tpu.memory_space<vmem>>) semaphore(%arg11 : memref<!tpu.dma_semaphore, #tpu.memory_space<semaphore_mem>>)
      %add3A_187 = arith.constant 1 : i32
      %add3A_188 = arith.addi %add3A_126, %add3A_187 : i32
      %dma_wait3A_189 = arith.constant 0 : i32
      %dma_wait3A_190 = tpu.memref_slice %arg7[%add3A_188, %dma_wait3A_189] : memref<40x128xi32, #tpu.memory_space<vmem>> -> memref<1x128xi32, #tpu.memory_space<vmem>>
      %dma_wait3A_191 = tpu.memref_squeeze %dma_wait3A_190 : memref<1x128xi32, #tpu.memory_space<vmem>> -> memref<128xi32, #tpu.memory_space<vmem>>
      %dma_wait3A_192 = arith.constant 0 : i32
      %dma_wait3A_193 = arith.constant 0 : i32
      %dma_wait3A_194 = tpu.memref_slice %arg10[%dma_wait3A_192, %dma_wait3A_193] : memref<10016x128xf32, #tpu.memory_space<vmem_shared>> -> memref<10016x128xf32, #tpu.memory_space<vmem_shared>>
      tpu.wait_indirect_dma semaphore(%arg14 : memref<!tpu.dma_semaphore, #tpu.memory_space<semaphore_mem>>) src(%arg9 : memref<128x128xf32, #tpu.memory_space<vmem>>) dst(%dma_wait3A_194 : memref<10016x128xf32, #tpu.memory_space<vmem_shared>>)
      %add3A_195 = arith.constant 0 : i32
      %add3A_196 = arith.addi %add3A_195, %add3A_126 : i32
      %add3A_197 = arith.constant 3 : i32
      %add3A_198 = arith.addi %add3A_196, %add3A_197 : i32
      %dma_start3A_199 = arith.constant 0 : i32
      %dma_start3A_200 = tpu.memref_slice %arg6[%add3A_198, %dma_start3A_199] : memref<80x128xi32, #tpu.memory_space<vmem>> -> memref<1x128xi32, #tpu.memory_space<vmem>>
      %dma_start3A_201 = tpu.memref_squeeze %dma_start3A_200 : memref<1x128xi32, #tpu.memory_space<vmem>> -> memref<128xi32, #tpu.memory_space<vmem>>
      %dma_start3A_202 = arith.constant 0 : i32
      %dma_start3A_203 = arith.constant 0 : i32
      %dma_start3A_204 = tpu.memref_slice %arg2[%add3A_1, %dma_start3A_202, %dma_start3A_203] : memref<2x10000x128xf32, #tpu.memory_space<hbm>> -> memref<1x10000x128xf32, #tpu.memory_space<hbm>>
      %dma_start3A_205 = tpu.memref_squeeze %dma_start3A_204 : memref<1x10000x128xf32, #tpu.memory_space<hbm>> -> memref<10000x128xf32, #tpu.memory_space<hbm>>
      %dma_start3A_206 = arith.constant 0 : i32
      %dma_start3A_207 = arith.constant 0 : i32
      %dma_start3A_208 = tpu.memref_slice %dma_start3A_205[%dma_start3A_206, %dma_start3A_207] : memref<10000x128xf32, #tpu.memory_space<hbm>> -> memref<10000x128xf32, #tpu.memory_space<hbm>>
      tpu.enqueue_indirect_dma source(%dma_start3A_208 : memref<10000x128xf32, #tpu.memory_space<hbm>>) target(%arg9 : memref<128x128xf32, #tpu.memory_space<vmem>>) offsets(%dma_start3A_201 : memref<128xi32, #tpu.memory_space<vmem>>) semaphore(%arg12 : memref<!tpu.dma_semaphore, #tpu.memory_space<semaphore_mem>>)
    }
    %scan3A_40 = arith.constant 19 : i32
    %dma_wait3A = arith.constant 38 : i32
    %dma_wait3A_41 = arith.constant 0 : i32
    %dma_wait3A_42 = tpu.memref_slice %arg6[%dma_wait3A, %dma_wait3A_41] : memref<80x128xi32, #tpu.memory_space<vmem>> -> memref<1x128xi32, #tpu.memory_space<vmem>>
    %dma_wait3A_43 = tpu.memref_squeeze %dma_wait3A_42 : memref<1x128xi32, #tpu.memory_space<vmem>> -> memref<128xi32, #tpu.memory_space<vmem>>
    %dma_wait3A_44 = arith.constant 0 : i32
    %dma_wait3A_45 = arith.constant 0 : i32
    %dma_wait3A_46 = tpu.memref_slice %arg2[%add3A_1, %dma_wait3A_44, %dma_wait3A_45] : memref<2x10000x128xf32, #tpu.memory_space<hbm>> -> memref<1x10000x128xf32, #tpu.memory_space<hbm>>
    %dma_wait3A_47 = tpu.memref_squeeze %dma_wait3A_46 : memref<1x10000x128xf32, #tpu.memory_space<hbm>> -> memref<10000x128xf32, #tpu.memory_space<hbm>>
    %dma_wait3A_48 = arith.constant 0 : i32
    %dma_wait3A_49 = arith.constant 0 : i32
    %dma_wait3A_50 = tpu.memref_slice %dma_wait3A_47[%dma_wait3A_48, %dma_wait3A_49] : memref<10000x128xf32, #tpu.memory_space<hbm>> -> memref<10000x128xf32, #tpu.memory_space<hbm>>
    tpu.wait_indirect_dma semaphore(%arg11 : memref<!tpu.dma_semaphore, #tpu.memory_space<semaphore_mem>>) src(%dma_wait3A_50 : memref<10000x128xf32, #tpu.memory_space<hbm>>) dst(%arg8 : memref<128x128xf32, #tpu.memory_space<vmem>>)
    %run_scoped3A = arith.constant 38 : i32
    "tpu.region"() ({
      %run_scoped3A_122 = tpu.sem_alloc : memref<!tpu.dma_semaphore, #tpu.memory_space<semaphore_mem>>
      %dma_start3A_123 = arith.constant 0 : i32
      %dma_start3A_124 = tpu.memref_slice %arg7[%run_scoped3A, %dma_start3A_123] : memref<40x128xi32, #tpu.memory_space<vmem>> -> memref<1x128xi32, #tpu.memory_space<vmem>>
      %dma_start3A_125 = tpu.memref_squeeze %dma_start3A_124 : memref<1x128xi32, #tpu.memory_space<vmem>> -> memref<128xi32, #tpu.memory_space<vmem>>
      %dma_start3A_126 = arith.constant 0 : i32
      %dma_start3A_127 = arith.constant 0 : i32
      %dma_start3A_128 = tpu.memref_slice %arg10[%dma_start3A_126, %dma_start3A_127] : memref<10016x128xf32, #tpu.memory_space<vmem_shared>> -> memref<10016x128xf32, #tpu.memory_space<vmem_shared>>
      tpu.enqueue_indirect_dma source(%arg8 : memref<128x128xf32, #tpu.memory_space<vmem>>) target(%dma_start3A_128 : memref<10016x128xf32, #tpu.memory_space<vmem_shared>>) offsets(%dma_start3A_125 : memref<128xi32, #tpu.memory_space<vmem>>) semaphore(%run_scoped3A_122 : memref<!tpu.dma_semaphore, #tpu.memory_space<semaphore_mem>>) {add = true}
      %dma_wait3A_129 = arith.constant 0 : i32
      %dma_wait3A_130 = tpu.memref_slice %arg7[%run_scoped3A, %dma_wait3A_129] : memref<40x128xi32, #tpu.memory_space<vmem>> -> memref<1x128xi32, #tpu.memory_space<vmem>>
      %dma_wait3A_131 = tpu.memref_squeeze %dma_wait3A_130 : memref<1x128xi32, #tpu.memory_space<vmem>> -> memref<128xi32, #tpu.memory_space<vmem>>
      %dma_wait3A_132 = arith.constant 0 : i32
      %dma_wait3A_133 = arith.constant 0 : i32
      %dma_wait3A_134 = tpu.memref_slice %arg10[%dma_wait3A_132, %dma_wait3A_133] : memref<10016x128xf32, #tpu.memory_space<vmem_shared>> -> memref<10016x128xf32, #tpu.memory_space<vmem_shared>>
      tpu.wait_indirect_dma semaphore(%run_scoped3A_122 : memref<!tpu.dma_semaphore, #tpu.memory_space<semaphore_mem>>) src(%arg8 : memref<128x128xf32, #tpu.memory_space<vmem>>) dst(%dma_wait3A_134 : memref<10016x128xf32, #tpu.memory_space<vmem_shared>>)
      tpu.yield
    }) : () -> ()
    %dma_wait3A_51 = arith.constant 39 : i32
    %dma_wait3A_52 = arith.constant 0 : i32
    %dma_wait3A_53 = tpu.memref_slice %arg6[%dma_wait3A_51, %dma_wait3A_52] : memref<80x128xi32, #tpu.memory_space<vmem>> -> memref<1x128xi32, #tpu.memory_space<vmem>>
    %dma_wait3A_54 = tpu.memref_squeeze %dma_wait3A_53 : memref<1x128xi32, #tpu.memory_space<vmem>> -> memref<128xi32, #tpu.memory_space<vmem>>
    %dma_wait3A_55 = arith.constant 0 : i32
    %dma_wait3A_56 = arith.constant 0 : i32
    %dma_wait3A_57 = tpu.memref_slice %arg2[%add3A_1, %dma_wait3A_55, %dma_wait3A_56] : memref<2x10000x128xf32, #tpu.memory_space<hbm>> -> memref<1x10000x128xf32, #tpu.memory_space<hbm>>
    %dma_wait3A_58 = tpu.memref_squeeze %dma_wait3A_57 : memref<1x10000x128xf32, #tpu.memory_space<hbm>> -> memref<10000x128xf32, #tpu.memory_space<hbm>>
    %dma_wait3A_59 = arith.constant 0 : i32
    %dma_wait3A_60 = arith.constant 0 : i32
    %dma_wait3A_61 = tpu.memref_slice %dma_wait3A_58[%dma_wait3A_59, %dma_wait3A_60] : memref<10000x128xf32, #tpu.memory_space<hbm>> -> memref<10000x128xf32, #tpu.memory_space<hbm>>
    tpu.wait_indirect_dma semaphore(%arg12 : memref<!tpu.dma_semaphore, #tpu.memory_space<semaphore_mem>>) src(%dma_wait3A_61 : memref<10000x128xf32, #tpu.memory_space<hbm>>) dst(%arg9 : memref<128x128xf32, #tpu.memory_space<vmem>>)
    %run_scoped3A_62 = arith.constant 39 : i32
    "tpu.region"() ({
      %run_scoped3A_122 = tpu.sem_alloc : memref<!tpu.dma_semaphore, #tpu.memory_space<semaphore_mem>>
      %dma_start3A_123 = arith.constant 0 : i32
      %dma_start3A_124 = tpu.memref_slice %arg7[%run_scoped3A_62, %dma_start3A_123] : memref<40x128xi32, #tpu.memory_space<vmem>> -> memref<1x128xi32, #tpu.memory_space<vmem>>
      %dma_start3A_125 = tpu.memref_squeeze %dma_start3A_124 : memref<1x128xi32, #tpu.memory_space<vmem>> -> memref<128xi32, #tpu.memory_space<vmem>>
      %dma_start3A_126 = arith.constant 0 : i32
      %dma_start3A_127 = arith.constant 0 : i32
      %dma_start3A_128 = tpu.memref_slice %arg10[%dma_start3A_126, %dma_start3A_127] : memref<10016x128xf32, #tpu.memory_space<vmem_shared>> -> memref<10016x128xf32, #tpu.memory_space<vmem_shared>>
      tpu.enqueue_indirect_dma source(%arg9 : memref<128x128xf32, #tpu.memory_space<vmem>>) target(%dma_start3A_128 : memref<10016x128xf32, #tpu.memory_space<vmem_shared>>) offsets(%dma_start3A_125 : memref<128xi32, #tpu.memory_space<vmem>>) semaphore(%run_scoped3A_122 : memref<!tpu.dma_semaphore, #tpu.memory_space<semaphore_mem>>) {add = true}
      %dma_wait3A_129 = arith.constant 0 : i32
      %dma_wait3A_130 = tpu.memref_slice %arg7[%run_scoped3A_62, %dma_wait3A_129] : memref<40x128xi32, #tpu.memory_space<vmem>> -> memref<1x128xi32, #tpu.memory_space<vmem>>
      %dma_wait3A_131 = tpu.memref_squeeze %dma_wait3A_130 : memref<1x128xi32, #tpu.memory_space<vmem>> -> memref<128xi32, #tpu.memory_space<vmem>>
      %dma_wait3A_132 = arith.constant 0 : i32
      %dma_wait3A_133 = arith.constant 0 : i32
      %dma_wait3A_134 = tpu.memref_slice %arg10[%dma_wait3A_132, %dma_wait3A_133] : memref<10016x128xf32, #tpu.memory_space<vmem_shared>> -> memref<10016x128xf32, #tpu.memory_space<vmem_shared>>
      tpu.wait_indirect_dma semaphore(%run_scoped3A_122 : memref<!tpu.dma_semaphore, #tpu.memory_space<semaphore_mem>>) src(%arg9 : memref<128x128xf32, #tpu.memory_space<vmem>>) dst(%dma_wait3A_134 : memref<10016x128xf32, #tpu.memory_space<vmem_shared>>)
      tpu.yield
    }) : () -> ()
    "tpu.region"() ({
      %run_scoped3A_122 = tpu.sem_alloc : memref<!tpu.dma_semaphore, #tpu.memory_space<semaphore_mem>>
      %dma_start3A_123 = arith.constant 0 : i32
      %dma_start3A_124 = arith.constant 0 : i32
      %dma_start3A_125 = tpu.memref_slice %arg4[%arg1, %dma_start3A_123, %dma_start3A_124] : memref<16x80x128xi32, #tpu.memory_space<hbm>> -> memref<1x80x128xi32, #tpu.memory_space<hbm>>
      %dma_start3A_126 = tpu.memref_squeeze %dma_start3A_125 : memref<1x80x128xi32, #tpu.memory_space<hbm>> -> memref<80x128xi32, #tpu.memory_space<hbm>>
      %dma_start3A_127 = arith.constant 40 : i32
      %dma_start3A_128 = arith.constant 0 : i32
      %dma_start3A_129 = tpu.memref_slice %dma_start3A_126[%dma_start3A_127, %dma_start3A_128] : memref<80x128xi32, #tpu.memory_space<hbm>> -> memref<40x128xi32, #tpu.memory_space<hbm>>
      %dma_start3A_130 = arith.constant 0 : i32
      %dma_start3A_131 = arith.constant 0 : i32
      %dma_start3A_132 = tpu.memref_slice %arg4[%arg1, %dma_start3A_130, %dma_start3A_131] : memref<16x80x128xi32, #tpu.memory_space<hbm>> -> memref<1x80x128xi32, #tpu.memory_space<hbm>>
      %dma_start3A_133 = tpu.memref_squeeze %dma_start3A_132 : memref<1x80x128xi32, #tpu.memory_space<hbm>> -> memref<80x128xi32, #tpu.memory_space<hbm>>
      %dma_start3A_134 = arith.constant 40 : i32
      %dma_start3A_135 = arith.constant 0 : i32
      %dma_start3A_136 = tpu.memref_slice %dma_start3A_133[%dma_start3A_134, %dma_start3A_135] : memref<80x128xi32, #tpu.memory_space<hbm>> -> memref<40x128xi32, #tpu.memory_space<hbm>>
      tpu.enqueue_dma source(%dma_start3A_136 : memref<40x128xi32, #tpu.memory_space<hbm>>) target(%arg7 : memref<40x128xi32, #tpu.memory_space<vmem>>) target_semaphore(%run_scoped3A_122 : memref<!tpu.dma_semaphore, #tpu.memory_space<semaphore_mem>>)
      %dma_wait3A_137 = arith.constant 0 : i32
      %dma_wait3A_138 = arith.constant 0 : i32
      %dma_wait3A_139 = tpu.memref_slice %arg4[%arg1, %dma_wait3A_137, %dma_wait3A_138] : memref<16x80x128xi32, #tpu.memory_space<hbm>> -> memref<1x80x128xi32, #tpu.memory_space<hbm>>
      %dma_wait3A_140 = tpu.memref_squeeze %dma_wait3A_139 : memref<1x80x128xi32, #tpu.memory_space<hbm>> -> memref<80x128xi32, #tpu.memory_space<hbm>>
      %dma_wait3A_141 = arith.constant 40 : i32
      %dma_wait3A_142 = arith.constant 0 : i32
      %dma_wait3A_143 = tpu.memref_slice %dma_wait3A_140[%dma_wait3A_141, %dma_wait3A_142] : memref<80x128xi32, #tpu.memory_space<hbm>> -> memref<40x128xi32, #tpu.memory_space<hbm>>
      %dma_wait3A_144 = arith.constant 0 : i32
      %dma_wait3A_145 = arith.constant 0 : i32
      %dma_wait3A_146 = tpu.memref_slice %arg4[%arg1, %dma_wait3A_144, %dma_wait3A_145] : memref<16x80x128xi32, #tpu.memory_space<hbm>> -> memref<1x80x128xi32, #tpu.memory_space<hbm>>
      %dma_wait3A_147 = tpu.memref_squeeze %dma_wait3A_146 : memref<1x80x128xi32, #tpu.memory_space<hbm>> -> memref<80x128xi32, #tpu.memory_space<hbm>>
      %dma_wait3A_148 = arith.constant 40 : i32
      %dma_wait3A_149 = arith.constant 0 : i32
      %dma_wait3A_150 = tpu.memref_slice %dma_wait3A_147[%dma_wait3A_148, %dma_wait3A_149] : memref<80x128xi32, #tpu.memory_space<hbm>> -> memref<40x128xi32, #tpu.memory_space<hbm>>
      tpu.wait_dma2 semaphore(%run_scoped3A_122 : memref<!tpu.dma_semaphore, #tpu.memory_space<semaphore_mem>>) src(%dma_wait3A_150 : memref<40x128xi32, #tpu.memory_space<hbm>>) dst(%arg7 : memref<40x128xi32, #tpu.memory_space<vmem>>)
      tpu.yield
    }) : () -> ()
    %dma_start3A_63 = arith.constant 40 : i32
    %dma_start3A_64 = arith.constant 0 : i32
    %dma_start3A_65 = tpu.memref_slice %arg6[%dma_start3A_63, %dma_start3A_64] : memref<80x128xi32, #tpu.memory_space<vmem>> -> memref<1x128xi32, #tpu.memory_space<vmem>>
    %dma_start3A_66 = tpu.memref_squeeze %dma_start3A_65 : memref<1x128xi32, #tpu.memory_space<vmem>> -> memref<128xi32, #tpu.memory_space<vmem>>
    %dma_start3A_67 = arith.constant 0 : i32
    %dma_start3A_68 = arith.constant 0 : i32
    %dma_start3A_69 = tpu.memref_slice %arg2[%add3A_1, %dma_start3A_67, %dma_start3A_68] : memref<2x10000x128xf32, #tpu.memory_space<hbm>> -> memref<1x10000x128xf32, #tpu.memory_space<hbm>>
    %dma_start3A_70 = tpu.memref_squeeze %dma_start3A_69 : memref<1x10000x128xf32, #tpu.memory_space<hbm>> -> memref<10000x128xf32, #tpu.memory_space<hbm>>
    %dma_start3A_71 = arith.constant 0 : i32
    %dma_start3A_72 = arith.constant 0 : i32
    %dma_start3A_73 = tpu.memref_slice %dma_start3A_70[%dma_start3A_71, %dma_start3A_72] : memref<10000x128xf32, #tpu.memory_space<hbm>> -> memref<10000x128xf32, #tpu.memory_space<hbm>>
    tpu.enqueue_indirect_dma source(%dma_start3A_73 : memref<10000x128xf32, #tpu.memory_space<hbm>>) target(%arg8 : memref<128x128xf32, #tpu.memory_space<vmem>>) offsets(%dma_start3A_66 : memref<128xi32, #tpu.memory_space<vmem>>) semaphore(%arg11 : memref<!tpu.dma_semaphore, #tpu.memory_space<semaphore_mem>>)
    %dma_start3A_74 = arith.constant 41 : i32
    %dma_start3A_75 = arith.constant 0 : i32
    %dma_start3A_76 = tpu.memref_slice %arg6[%dma_start3A_74, %dma_start3A_75] : memref<80x128xi32, #tpu.memory_space<vmem>> -> memref<1x128xi32, #tpu.memory_space<vmem>>
    %dma_start3A_77 = tpu.memref_squeeze %dma_start3A_76 : memref<1x128xi32, #tpu.memory_space<vmem>> -> memref<128xi32, #tpu.memory_space<vmem>>
    %dma_start3A_78 = arith.constant 0 : i32
    %dma_start3A_79 = arith.constant 0 : i32
    %dma_start3A_80 = tpu.memref_slice %arg2[%add3A_1, %dma_start3A_78, %dma_start3A_79] : memref<2x10000x128xf32, #tpu.memory_space<hbm>> -> memref<1x10000x128xf32, #tpu.memory_space<hbm>>
    %dma_start3A_81 = tpu.memref_squeeze %dma_start3A_80 : memref<1x10000x128xf32, #tpu.memory_space<hbm>> -> memref<10000x128xf32, #tpu.memory_space<hbm>>
    %dma_start3A_82 = arith.constant 0 : i32
    %dma_start3A_83 = arith.constant 0 : i32
    %dma_start3A_84 = tpu.memref_slice %dma_start3A_81[%dma_start3A_82, %dma_start3A_83] : memref<10000x128xf32, #tpu.memory_space<hbm>> -> memref<10000x128xf32, #tpu.memory_space<hbm>>
    tpu.enqueue_indirect_dma source(%dma_start3A_84 : memref<10000x128xf32, #tpu.memory_space<hbm>>) target(%arg9 : memref<128x128xf32, #tpu.memory_space<vmem>>) offsets(%dma_start3A_77 : memref<128xi32, #tpu.memory_space<vmem>>) semaphore(%arg12 : memref<!tpu.dma_semaphore, #tpu.memory_space<semaphore_mem>>)
    %scan3A_85 = arith.constant 0 : i32
    %scan3A_86 = arith.constant 19 : i32
    %scan3A_87 = arith.addi %scan3A_85, %scan3A_86 : i32
    %scan3A_88 = arith.constant 1 : i32
    scf.for %scan3A_122 = %scan3A_85 to %scan3A_87 step %scan3A_88  : i32 {
      %mul3A_123 = arith.constant 2 : i32
      %mul3A_124 = arith.muli %scan3A_122, %mul3A_123 : i32
      %add3A_125 = arith.constant 0 : i32
      %add3A_126 = arith.addi %add3A_125, %mul3A_124 : i32
      %add3A_127 = arith.constant 40 : i32
      %add3A_128 = arith.addi %add3A_127, %add3A_126 : i32
      %dma_wait3A_129 = arith.constant 0 : i32
      %dma_wait3A_130 = tpu.memref_slice %arg6[%add3A_128, %dma_wait3A_129] : memref<80x128xi32, #tpu.memory_space<vmem>> -> memref<1x128xi32, #tpu.memory_space<vmem>>
      %dma_wait3A_131 = tpu.memref_squeeze %dma_wait3A_130 : memref<1x128xi32, #tpu.memory_space<vmem>> -> memref<128xi32, #tpu.memory_space<vmem>>
      %dma_wait3A_132 = arith.constant 0 : i32
      %dma_wait3A_133 = arith.constant 0 : i32
      %dma_wait3A_134 = tpu.memref_slice %arg2[%add3A_1, %dma_wait3A_132, %dma_wait3A_133] : memref<2x10000x128xf32, #tpu.memory_space<hbm>> -> memref<1x10000x128xf32, #tpu.memory_space<hbm>>
      %dma_wait3A_135 = tpu.memref_squeeze %dma_wait3A_134 : memref<1x10000x128xf32, #tpu.memory_space<hbm>> -> memref<10000x128xf32, #tpu.memory_space<hbm>>
      %dma_wait3A_136 = arith.constant 0 : i32
      %dma_wait3A_137 = arith.constant 0 : i32
      %dma_wait3A_138 = tpu.memref_slice %dma_wait3A_135[%dma_wait3A_136, %dma_wait3A_137] : memref<10000x128xf32, #tpu.memory_space<hbm>> -> memref<10000x128xf32, #tpu.memory_space<hbm>>
      tpu.wait_indirect_dma semaphore(%arg11 : memref<!tpu.dma_semaphore, #tpu.memory_space<semaphore_mem>>) src(%dma_wait3A_138 : memref<10000x128xf32, #tpu.memory_space<hbm>>) dst(%arg8 : memref<128x128xf32, #tpu.memory_space<vmem>>)
      %dma_start3A_139 = arith.constant 0 : i32
      %dma_start3A_140 = tpu.memref_slice %arg7[%add3A_126, %dma_start3A_139] : memref<40x128xi32, #tpu.memory_space<vmem>> -> memref<1x128xi32, #tpu.memory_space<vmem>>
      %dma_start3A_141 = tpu.memref_squeeze %dma_start3A_140 : memref<1x128xi32, #tpu.memory_space<vmem>> -> memref<128xi32, #tpu.memory_space<vmem>>
      %dma_start3A_142 = arith.constant 0 : i32
      %dma_start3A_143 = arith.constant 0 : i32
      %dma_start3A_144 = tpu.memref_slice %arg10[%dma_start3A_142, %dma_start3A_143] : memref<10016x128xf32, #tpu.memory_space<vmem_shared>> -> memref<10016x128xf32, #tpu.memory_space<vmem_shared>>
      tpu.enqueue_indirect_dma source(%arg8 : memref<128x128xf32, #tpu.memory_space<vmem>>) target(%dma_start3A_144 : memref<10016x128xf32, #tpu.memory_space<vmem_shared>>) offsets(%dma_start3A_141 : memref<128xi32, #tpu.memory_space<vmem>>) semaphore(%arg13 : memref<!tpu.dma_semaphore, #tpu.memory_space<semaphore_mem>>) {add = true}
      %add3A_145 = arith.constant 40 : i32
      %add3A_146 = arith.addi %add3A_145, %add3A_126 : i32
      %add3A_147 = arith.constant 1 : i32
      %add3A_148 = arith.addi %add3A_146, %add3A_147 : i32
      %dma_wait3A_149 = arith.constant 0 : i32
      %dma_wait3A_150 = tpu.memref_slice %arg6[%add3A_148, %dma_wait3A_149] : memref<80x128xi32, #tpu.memory_space<vmem>> -> memref<1x128xi32, #tpu.memory_space<vmem>>
      %dma_wait3A_151 = tpu.memref_squeeze %dma_wait3A_150 : memref<1x128xi32, #tpu.memory_space<vmem>> -> memref<128xi32, #tpu.memory_space<vmem>>
      %dma_wait3A_152 = arith.constant 0 : i32
      %dma_wait3A_153 = arith.constant 0 : i32
      %dma_wait3A_154 = tpu.memref_slice %arg2[%add3A_1, %dma_wait3A_152, %dma_wait3A_153] : memref<2x10000x128xf32, #tpu.memory_space<hbm>> -> memref<1x10000x128xf32, #tpu.memory_space<hbm>>
      %dma_wait3A_155 = tpu.memref_squeeze %dma_wait3A_154 : memref<1x10000x128xf32, #tpu.memory_space<hbm>> -> memref<10000x128xf32, #tpu.memory_space<hbm>>
      %dma_wait3A_156 = arith.constant 0 : i32
      %dma_wait3A_157 = arith.constant 0 : i32
      %dma_wait3A_158 = tpu.memref_slice %dma_wait3A_155[%dma_wait3A_156, %dma_wait3A_157] : memref<10000x128xf32, #tpu.memory_space<hbm>> -> memref<10000x128xf32, #tpu.memory_space<hbm>>
      tpu.wait_indirect_dma semaphore(%arg12 : memref<!tpu.dma_semaphore, #tpu.memory_space<semaphore_mem>>) src(%dma_wait3A_158 : memref<10000x128xf32, #tpu.memory_space<hbm>>) dst(%arg9 : memref<128x128xf32, #tpu.memory_space<vmem>>)
      %add3A_159 = arith.constant 1 : i32
      %add3A_160 = arith.addi %add3A_126, %add3A_159 : i32
      %dma_start3A_161 = arith.constant 0 : i32
      %dma_start3A_162 = tpu.memref_slice %arg7[%add3A_160, %dma_start3A_161] : memref<40x128xi32, #tpu.memory_space<vmem>> -> memref<1x128xi32, #tpu.memory_space<vmem>>
      %dma_start3A_163 = tpu.memref_squeeze %dma_start3A_162 : memref<1x128xi32, #tpu.memory_space<vmem>> -> memref<128xi32, #tpu.memory_space<vmem>>
      %dma_start3A_164 = arith.constant 0 : i32
      %dma_start3A_165 = arith.constant 0 : i32
      %dma_start3A_166 = tpu.memref_slice %arg10[%dma_start3A_164, %dma_start3A_165] : memref<10016x128xf32, #tpu.memory_space<vmem_shared>> -> memref<10016x128xf32, #tpu.memory_space<vmem_shared>>
      tpu.enqueue_indirect_dma source(%arg9 : memref<128x128xf32, #tpu.memory_space<vmem>>) target(%dma_start3A_166 : memref<10016x128xf32, #tpu.memory_space<vmem_shared>>) offsets(%dma_start3A_163 : memref<128xi32, #tpu.memory_space<vmem>>) semaphore(%arg14 : memref<!tpu.dma_semaphore, #tpu.memory_space<semaphore_mem>>) {add = true}
      %dma_wait3A_167 = arith.constant 0 : i32
      %dma_wait3A_168 = tpu.memref_slice %arg7[%add3A_126, %dma_wait3A_167] : memref<40x128xi32, #tpu.memory_space<vmem>> -> memref<1x128xi32, #tpu.memory_space<vmem>>
      %dma_wait3A_169 = tpu.memref_squeeze %dma_wait3A_168 : memref<1x128xi32, #tpu.memory_space<vmem>> -> memref<128xi32, #tpu.memory_space<vmem>>
      %dma_wait3A_170 = arith.constant 0 : i32
      %dma_wait3A_171 = arith.constant 0 : i32
      %dma_wait3A_172 = tpu.memref_slice %arg10[%dma_wait3A_170, %dma_wait3A_171] : memref<10016x128xf32, #tpu.memory_space<vmem_shared>> -> memref<10016x128xf32, #tpu.memory_space<vmem_shared>>
      tpu.wait_indirect_dma semaphore(%arg13 : memref<!tpu.dma_semaphore, #tpu.memory_space<semaphore_mem>>) src(%arg8 : memref<128x128xf32, #tpu.memory_space<vmem>>) dst(%dma_wait3A_172 : memref<10016x128xf32, #tpu.memory_space<vmem_shared>>)
      %add3A_173 = arith.constant 40 : i32
      %add3A_174 = arith.addi %add3A_173, %add3A_126 : i32
      %add3A_175 = arith.constant 2 : i32
      %add3A_176 = arith.addi %add3A_174, %add3A_175 : i32
      %dma_start3A_177 = arith.constant 0 : i32
      %dma_start3A_178 = tpu.memref_slice %arg6[%add3A_176, %dma_start3A_177] : memref<80x128xi32, #tpu.memory_space<vmem>> -> memref<1x128xi32, #tpu.memory_space<vmem>>
      %dma_start3A_179 = tpu.memref_squeeze %dma_start3A_178 : memref<1x128xi32, #tpu.memory_space<vmem>> -> memref<128xi32, #tpu.memory_space<vmem>>
      %dma_start3A_180 = arith.constant 0 : i32
      %dma_start3A_181 = arith.constant 0 : i32
      %dma_start3A_182 = tpu.memref_slice %arg2[%add3A_1, %dma_start3A_180, %dma_start3A_181] : memref<2x10000x128xf32, #tpu.memory_space<hbm>> -> memref<1x10000x128xf32, #tpu.memory_space<hbm>>
      %dma_start3A_183 = tpu.memref_squeeze %dma_start3A_182 : memref<1x10000x128xf32, #tpu.memory_space<hbm>> -> memref<10000x128xf32, #tpu.memory_space<hbm>>
      %dma_start3A_184 = arith.constant 0 : i32
      %dma_start3A_185 = arith.constant 0 : i32
      %dma_start3A_186 = tpu.memref_slice %dma_start3A_183[%dma_start3A_184, %dma_start3A_185] : memref<10000x128xf32, #tpu.memory_space<hbm>> -> memref<10000x128xf32, #tpu.memory_space<hbm>>
      tpu.enqueue_indirect_dma source(%dma_start3A_186 : memref<10000x128xf32, #tpu.memory_space<hbm>>) target(%arg8 : memref<128x128xf32, #tpu.memory_space<vmem>>) offsets(%dma_start3A_179 : memref<128xi32, #tpu.memory_space<vmem>>) semaphore(%arg11 : memref<!tpu.dma_semaphore, #tpu.memory_space<semaphore_mem>>)
      %add3A_187 = arith.constant 1 : i32
      %add3A_188 = arith.addi %add3A_126, %add3A_187 : i32
      %dma_wait3A_189 = arith.constant 0 : i32
      %dma_wait3A_190 = tpu.memref_slice %arg7[%add3A_188, %dma_wait3A_189] : memref<40x128xi32, #tpu.memory_space<vmem>> -> memref<1x128xi32, #tpu.memory_space<vmem>>
      %dma_wait3A_191 = tpu.memref_squeeze %dma_wait3A_190 : memref<1x128xi32, #tpu.memory_space<vmem>> -> memref<128xi32, #tpu.memory_space<vmem>>
      %dma_wait3A_192 = arith.constant 0 : i32
      %dma_wait3A_193 = arith.constant 0 : i32
      %dma_wait3A_194 = tpu.memref_slice %arg10[%dma_wait3A_192, %dma_wait3A_193] : memref<10016x128xf32, #tpu.memory_space<vmem_shared>> -> memref<10016x128xf32, #tpu.memory_space<vmem_shared>>
      tpu.wait_indirect_dma semaphore(%arg14 : memref<!tpu.dma_semaphore, #tpu.memory_space<semaphore_mem>>) src(%arg9 : memref<128x128xf32, #tpu.memory_space<vmem>>) dst(%dma_wait3A_194 : memref<10016x128xf32, #tpu.memory_space<vmem_shared>>)
      %add3A_195 = arith.constant 40 : i32
      %add3A_196 = arith.addi %add3A_195, %add3A_126 : i32
      %add3A_197 = arith.constant 3 : i32
      %add3A_198 = arith.addi %add3A_196, %add3A_197 : i32
      %dma_start3A_199 = arith.constant 0 : i32
      %dma_start3A_200 = tpu.memref_slice %arg6[%add3A_198, %dma_start3A_199] : memref<80x128xi32, #tpu.memory_space<vmem>> -> memref<1x128xi32, #tpu.memory_space<vmem>>
      %dma_start3A_201 = tpu.memref_squeeze %dma_start3A_200 : memref<1x128xi32, #tpu.memory_space<vmem>> -> memref<128xi32, #tpu.memory_space<vmem>>
      %dma_start3A_202 = arith.constant 0 : i32
      %dma_start3A_203 = arith.constant 0 : i32
      %dma_start3A_204 = tpu.memref_slice %arg2[%add3A_1, %dma_start3A_202, %dma_start3A_203] : memref<2x10000x128xf32, #tpu.memory_space<hbm>> -> memref<1x10000x128xf32, #tpu.memory_space<hbm>>
      %dma_start3A_205 = tpu.memref_squeeze %dma_start3A_204 : memref<1x10000x128xf32, #tpu.memory_space<hbm>> -> memref<10000x128xf32, #tpu.memory_space<hbm>>
      %dma_start3A_206 = arith.constant 0 : i32
      %dma_start3A_207 = arith.constant 0 : i32
      %dma_start3A_208 = tpu.memref_slice %dma_start3A_205[%dma_start3A_206, %dma_start3A_207] : memref<10000x128xf32, #tpu.memory_space<hbm>> -> memref<10000x128xf32, #tpu.memory_space<hbm>>
      tpu.enqueue_indirect_dma source(%dma_start3A_208 : memref<10000x128xf32, #tpu.memory_space<hbm>>) target(%arg9 : memref<128x128xf32, #tpu.memory_space<vmem>>) offsets(%dma_start3A_201 : memref<128xi32, #tpu.memory_space<vmem>>) semaphore(%arg12 : memref<!tpu.dma_semaphore, #tpu.memory_space<semaphore_mem>>)
    }
    %scan3A_89 = arith.constant 19 : i32
    %dma_wait3A_90 = arith.constant 78 : i32
    %dma_wait3A_91 = arith.constant 0 : i32
    %dma_wait3A_92 = tpu.memref_slice %arg6[%dma_wait3A_90, %dma_wait3A_91] : memref<80x128xi32, #tpu.memory_space<vmem>> -> memref<1x128xi32, #tpu.memory_space<vmem>>
    %dma_wait3A_93 = tpu.memref_squeeze %dma_wait3A_92 : memref<1x128xi32, #tpu.memory_space<vmem>> -> memref<128xi32, #tpu.memory_space<vmem>>
    %dma_wait3A_94 = arith.constant 0 : i32
    %dma_wait3A_95 = arith.constant 0 : i32
    %dma_wait3A_96 = tpu.memref_slice %arg2[%add3A_1, %dma_wait3A_94, %dma_wait3A_95] : memref<2x10000x128xf32, #tpu.memory_space<hbm>> -> memref<1x10000x128xf32, #tpu.memory_space<hbm>>
    %dma_wait3A_97 = tpu.memref_squeeze %dma_wait3A_96 : memref<1x10000x128xf32, #tpu.memory_space<hbm>> -> memref<10000x128xf32, #tpu.memory_space<hbm>>
    %dma_wait3A_98 = arith.constant 0 : i32
    %dma_wait3A_99 = arith.constant 0 : i32
    %dma_wait3A_100 = tpu.memref_slice %dma_wait3A_97[%dma_wait3A_98, %dma_wait3A_99] : memref<10000x128xf32, #tpu.memory_space<hbm>> -> memref<10000x128xf32, #tpu.memory_space<hbm>>
    tpu.wait_indirect_dma semaphore(%arg11 : memref<!tpu.dma_semaphore, #tpu.memory_space<semaphore_mem>>) src(%dma_wait3A_100 : memref<10000x128xf32, #tpu.memory_space<hbm>>) dst(%arg8 : memref<128x128xf32, #tpu.memory_space<vmem>>)
    %run_scoped3A_101 = arith.constant 38 : i32
    "tpu.region"() ({
      %run_scoped3A_122 = tpu.sem_alloc : memref<!tpu.dma_semaphore, #tpu.memory_space<semaphore_mem>>
      %dma_start3A_123 = arith.constant 0 : i32
      %dma_start3A_124 = tpu.memref_slice %arg7[%run_scoped3A_101, %dma_start3A_123] : memref<40x128xi32, #tpu.memory_space<vmem>> -> memref<1x128xi32, #tpu.memory_space<vmem>>
      %dma_start3A_125 = tpu.memref_squeeze %dma_start3A_124 : memref<1x128xi32, #tpu.memory_space<vmem>> -> memref<128xi32, #tpu.memory_space<vmem>>
      %dma_start3A_126 = arith.constant 0 : i32
      %dma_start3A_127 = arith.constant 0 : i32
      %dma_start3A_128 = tpu.memref_slice %arg10[%dma_start3A_126, %dma_start3A_127] : memref<10016x128xf32, #tpu.memory_space<vmem_shared>> -> memref<10016x128xf32, #tpu.memory_space<vmem_shared>>
      tpu.enqueue_indirect_dma source(%arg8 : memref<128x128xf32, #tpu.memory_space<vmem>>) target(%dma_start3A_128 : memref<10016x128xf32, #tpu.memory_space<vmem_shared>>) offsets(%dma_start3A_125 : memref<128xi32, #tpu.memory_space<vmem>>) semaphore(%run_scoped3A_122 : memref<!tpu.dma_semaphore, #tpu.memory_space<semaphore_mem>>) {add = true}
      %dma_wait3A_129 = arith.constant 0 : i32
      %dma_wait3A_130 = tpu.memref_slice %arg7[%run_scoped3A_101, %dma_wait3A_129] : memref<40x128xi32, #tpu.memory_space<vmem>> -> memref<1x128xi32, #tpu.memory_space<vmem>>
      %dma_wait3A_131 = tpu.memref_squeeze %dma_wait3A_130 : memref<1x128xi32, #tpu.memory_space<vmem>> -> memref<128xi32, #tpu.memory_space<vmem>>
      %dma_wait3A_132 = arith.constant 0 : i32
      %dma_wait3A_133 = arith.constant 0 : i32
      %dma_wait3A_134 = tpu.memref_slice %arg10[%dma_wait3A_132, %dma_wait3A_133] : memref<10016x128xf32, #tpu.memory_space<vmem_shared>> -> memref<10016x128xf32, #tpu.memory_space<vmem_shared>>
      tpu.wait_indirect_dma semaphore(%run_scoped3A_122 : memref<!tpu.dma_semaphore, #tpu.memory_space<semaphore_mem>>) src(%arg8 : memref<128x128xf32, #tpu.memory_space<vmem>>) dst(%dma_wait3A_134 : memref<10016x128xf32, #tpu.memory_space<vmem_shared>>)
      tpu.yield
    }) : () -> ()
    %dma_wait3A_102 = arith.constant 79 : i32
    %dma_wait3A_103 = arith.constant 0 : i32
    %dma_wait3A_104 = tpu.memref_slice %arg6[%dma_wait3A_102, %dma_wait3A_103] : memref<80x128xi32, #tpu.memory_space<vmem>> -> memref<1x128xi32, #tpu.memory_space<vmem>>
    %dma_wait3A_105 = tpu.memref_squeeze %dma_wait3A_104 : memref<1x128xi32, #tpu.memory_space<vmem>> -> memref<128xi32, #tpu.memory_space<vmem>>
    %dma_wait3A_106 = arith.constant 0 : i32
    %dma_wait3A_107 = arith.constant 0 : i32
    %dma_wait3A_108 = tpu.memref_slice %arg2[%add3A_1, %dma_wait3A_106, %dma_wait3A_107] : memref<2x10000x128xf32, #tpu.memory_space<hbm>> -> memref<1x10000x128xf32, #tpu.memory_space<hbm>>
    %dma_wait3A_109 = tpu.memref_squeeze %dma_wait3A_108 : memref<1x10000x128xf32, #tpu.memory_space<hbm>> -> memref<10000x128xf32, #tpu.memory_space<hbm>>
    %dma_wait3A_110 = arith.constant 0 : i32
    %dma_wait3A_111 = arith.constant 0 : i32
    %dma_wait3A_112 = tpu.memref_slice %dma_wait3A_109[%dma_wait3A_110, %dma_wait3A_111] : memref<10000x128xf32, #tpu.memory_space<hbm>> -> memref<10000x128xf32, #tpu.memory_space<hbm>>
    tpu.wait_indirect_dma semaphore(%arg12 : memref<!tpu.dma_semaphore, #tpu.memory_space<semaphore_mem>>) src(%dma_wait3A_112 : memref<10000x128xf32, #tpu.memory_space<hbm>>) dst(%arg9 : memref<128x128xf32, #tpu.memory_space<vmem>>)
    %run_scoped3A_113 = arith.constant 39 : i32
    "tpu.region"() ({
      %run_scoped3A_122 = tpu.sem_alloc : memref<!tpu.dma_semaphore, #tpu.memory_space<semaphore_mem>>
      %dma_start3A_123 = arith.constant 0 : i32
      %dma_start3A_124 = tpu.memref_slice %arg7[%run_scoped3A_113, %dma_start3A_123] : memref<40x128xi32, #tpu.memory_space<vmem>> -> memref<1x128xi32, #tpu.memory_space<vmem>>
      %dma_start3A_125 = tpu.memref_squeeze %dma_start3A_124 : memref<1x128xi32, #tpu.memory_space<vmem>> -> memref<128xi32, #tpu.memory_space<vmem>>
      %dma_start3A_126 = arith.constant 0 : i32
      %dma_start3A_127 = arith.constant 0 : i32
      %dma_start3A_128 = tpu.memref_slice %arg10[%dma_start3A_126, %dma_start3A_127] : memref<10016x128xf32, #tpu.memory_space<vmem_shared>> -> memref<10016x128xf32, #tpu.memory_space<vmem_shared>>
      tpu.enqueue_indirect_dma source(%arg9 : memref<128x128xf32, #tpu.memory_space<vmem>>) target(%dma_start3A_128 : memref<10016x128xf32, #tpu.memory_space<vmem_shared>>) offsets(%dma_start3A_125 : memref<128xi32, #tpu.memory_space<vmem>>) semaphore(%run_scoped3A_122 : memref<!tpu.dma_semaphore, #tpu.memory_space<semaphore_mem>>) {add = true}
      %dma_wait3A_129 = arith.constant 0 : i32
      %dma_wait3A_130 = tpu.memref_slice %arg7[%run_scoped3A_113, %dma_wait3A_129] : memref<40x128xi32, #tpu.memory_space<vmem>> -> memref<1x128xi32, #tpu.memory_space<vmem>>
      %dma_wait3A_131 = tpu.memref_squeeze %dma_wait3A_130 : memref<1x128xi32, #tpu.memory_space<vmem>> -> memref<128xi32, #tpu.memory_space<vmem>>
      %dma_wait3A_132 = arith.constant 0 : i32
      %dma_wait3A_133 = arith.constant 0 : i32
      %dma_wait3A_134 = tpu.memref_slice %arg10[%dma_wait3A_132, %dma_wait3A_133] : memref<10016x128xf32, #tpu.memory_space<vmem_shared>> -> memref<10016x128xf32, #tpu.memory_space<vmem_shared>>
      tpu.wait_indirect_dma semaphore(%run_scoped3A_122 : memref<!tpu.dma_semaphore, #tpu.memory_space<semaphore_mem>>) src(%arg9 : memref<128x128xf32, #tpu.memory_space<vmem>>) dst(%dma_wait3A_134 : memref<10016x128xf32, #tpu.memory_space<vmem_shared>>)
      tpu.yield
    }) : () -> ()
    %barrier3A_114 = arith.constant 0 : index
    tpu.barrier barrier_id(%barrier3A_114)
    %mul3A_115 = arith.constant 624 : i32
    %mul3A_116 = arith.muli %arg1, %mul3A_115 : i32
    %mul3A_117 = arith.constant 624 : i32
    %mul3A_118 = arith.muli %arg1, %mul3A_117 : i32
    "tpu.region"() ({
      %run_scoped3A_122 = tpu.sem_alloc : memref<!tpu.dma_semaphore, #tpu.memory_space<semaphore_mem>>
      %dma_start3A_123 = arith.constant 0 : i32
      %dma_start3A_124 = arith.constant 0 : i32
      %dma_start3A_125 = tpu.memref_slice %arg5[%add3A_1, %dma_start3A_123, %dma_start3A_124] : memref<2x10000x128xf32, #tpu.memory_space<hbm>> -> memref<1x10000x128xf32, #tpu.memory_space<hbm>>
      %dma_start3A_126 = tpu.memref_squeeze %dma_start3A_125 : memref<1x10000x128xf32, #tpu.memory_space<hbm>> -> memref<10000x128xf32, #tpu.memory_space<hbm>>
      %dma_start3A_127 = arith.constant 0 : i32
      %dma_start3A_128 = tpu.memref_slice %dma_start3A_126[%mul3A_118, %dma_start3A_127] : memref<10000x128xf32, #tpu.memory_space<hbm>> -> memref<624x128xf32, #tpu.memory_space<hbm>>
      %dma_start3A_129 = arith.constant 0 : i32
      %dma_start3A_130 = tpu.memref_slice %arg10[%mul3A_116, %dma_start3A_129] : memref<10016x128xf32, #tpu.memory_space<vmem_shared>> -> memref<624x128xf32, #tpu.memory_space<vmem_shared>>
      tpu.enqueue_dma source(%dma_start3A_130 : memref<624x128xf32, #tpu.memory_space<vmem_shared>>) target(%dma_start3A_128 : memref<624x128xf32, #tpu.memory_space<hbm>>) target_semaphore(%run_scoped3A_122 : memref<!tpu.dma_semaphore, #tpu.memory_space<semaphore_mem>>)
      %dma_wait3A_131 = arith.constant 0 : i32
      %dma_wait3A_132 = arith.constant 0 : i32
      %dma_wait3A_133 = tpu.memref_slice %arg5[%add3A_1, %dma_wait3A_131, %dma_wait3A_132] : memref<2x10000x128xf32, #tpu.memory_space<hbm>> -> memref<1x10000x128xf32, #tpu.memory_space<hbm>>
      %dma_wait3A_134 = tpu.memref_squeeze %dma_wait3A_133 : memref<1x10000x128xf32, #tpu.memory_space<hbm>> -> memref<10000x128xf32, #tpu.memory_space<hbm>>
      %dma_wait3A_135 = arith.constant 0 : i32
      %dma_wait3A_136 = tpu.memref_slice %dma_wait3A_134[%mul3A_118, %dma_wait3A_135] : memref<10000x128xf32, #tpu.memory_space<hbm>> -> memref<624x128xf32, #tpu.memory_space<hbm>>
      %dma_wait3A_137 = arith.constant 0 : i32
      %dma_wait3A_138 = tpu.memref_slice %arg10[%mul3A_116, %dma_wait3A_137] : memref<10016x128xf32, #tpu.memory_space<vmem_shared>> -> memref<624x128xf32, #tpu.memory_space<vmem_shared>>
      tpu.wait_dma2 semaphore(%run_scoped3A_122 : memref<!tpu.dma_semaphore, #tpu.memory_space<semaphore_mem>>) src(%dma_wait3A_138 : memref<624x128xf32, #tpu.memory_space<vmem_shared>>) dst(%dma_wait3A_136 : memref<624x128xf32, #tpu.memory_space<hbm>>)
      tpu.yield
    }) : () -> ()
    %eq3A = arith.constant 0 : i32
    %eq3A_119 = arith.cmpi eq, %arg1, %eq3A : i32
    %convert_element_type3A = arith.extui %eq3A_119 : i1 to i32
    %cond3A = arith.constant 0 : i32
    %cond3A_120 = arith.cmpi ne, %convert_element_type3A, %cond3A : i32
    scf.if %cond3A_120 {
      "tpu.region"() ({
        %run_scoped3A_122 = tpu.sem_alloc : memref<!tpu.dma_semaphore, #tpu.memory_space<semaphore_mem>>
        %dma_start3A_123 = arith.constant 0 : i32
        %dma_start3A_124 = arith.constant 0 : i32
        %dma_start3A_125 = tpu.memref_slice %arg5[%add3A_1, %dma_start3A_123, %dma_start3A_124] : memref<2x10000x128xf32, #tpu.memory_space<hbm>> -> memref<1x10000x128xf32, #tpu.memory_space<hbm>>
        %dma_start3A_126 = tpu.memref_squeeze %dma_start3A_125 : memref<1x10000x128xf32, #tpu.memory_space<hbm>> -> memref<10000x128xf32, #tpu.memory_space<hbm>>
        %dma_start3A_127 = arith.constant 9984 : i32
        %dma_start3A_128 = arith.constant 0 : i32
        %dma_start3A_129 = tpu.memref_slice %dma_start3A_126[%dma_start3A_127, %dma_start3A_128] : memref<10000x128xf32, #tpu.memory_space<hbm>> -> memref<16x128xf32, #tpu.memory_space<hbm>>
        %dma_start3A_130 = arith.constant 9984 : i32
        %dma_start3A_131 = arith.constant 0 : i32
        %dma_start3A_132 = tpu.memref_slice %arg10[%dma_start3A_130, %dma_start3A_131] : memref<10016x128xf32, #tpu.memory_space<vmem_shared>> -> memref<16x128xf32, #tpu.memory_space<vmem_shared>>
        tpu.enqueue_dma source(%dma_start3A_132 : memref<16x128xf32, #tpu.memory_space<vmem_shared>>) target(%dma_start3A_129 : memref<16x128xf32, #tpu.memory_space<hbm>>) target_semaphore(%run_scoped3A_122 : memref<!tpu.dma_semaphore, #tpu.memory_space<semaphore_mem>>)
        %dma_wait3A_133 = arith.constant 0 : i32
        %dma_wait3A_134 = arith.constant 0 : i32
        %dma_wait3A_135 = tpu.memref_slice %arg5[%add3A_1, %dma_wait3A_133, %dma_wait3A_134] : memref<2x10000x128xf32, #tpu.memory_space<hbm>> -> memref<1x10000x128xf32, #tpu.memory_space<hbm>>
        %dma_wait3A_136 = tpu.memref_squeeze %dma_wait3A_135 : memref<1x10000x128xf32, #tpu.memory_space<hbm>> -> memref<10000x128xf32, #tpu.memory_space<hbm>>
        %dma_wait3A_137 = arith.constant 9984 : i32
        %dma_wait3A_138 = arith.constant 0 : i32
        %dma_wait3A_139 = tpu.memref_slice %dma_wait3A_136[%dma_wait3A_137, %dma_wait3A_138] : memref<10000x128xf32, #tpu.memory_space<hbm>> -> memref<16x128xf32, #tpu.memory_space<hbm>>
        %dma_wait3A_140 = arith.constant 9984 : i32
        %dma_wait3A_141 = arith.constant 0 : i32
        %dma_wait3A_142 = tpu.memref_slice %arg10[%dma_wait3A_140, %dma_wait3A_141] : memref<10016x128xf32, #tpu.memory_space<vmem_shared>> -> memref<16x128xf32, #tpu.memory_space<vmem_shared>>
        tpu.wait_dma2 semaphore(%run_scoped3A_122 : memref<!tpu.dma_semaphore, #tpu.memory_space<semaphore_mem>>) src(%dma_wait3A_142 : memref<16x128xf32, #tpu.memory_space<vmem_shared>>) dst(%dma_wait3A_139 : memref<16x128xf32, #tpu.memory_space<hbm>>)
        tpu.yield
      }) : () -> ()
    } else {
    }
    %barrier3A_121 = arith.constant 0 : index
    tpu.barrier barrier_id(%barrier3A_121)
    return
  }
}

module attributes {stable_mosaic.version = 14 : i64} {
  func.func @_scale_split_body(%arg0: i32, %arg1: memref<1000x256xf32, #tpu.memory_space<vmem>>, %arg2: memref<1000x1xf32, #tpu.memory_space<vmem>>, %arg3: memref<2x1000x128xf32, #tpu.memory_space<vmem>>) attributes {dimension_semantics = [#tpu.dimension_semantics<arbitrary>], iteration_bounds = array<i64: 10>, scalar_prefetch = 0 : i64, scratch_operands = 0 : i64, tpu.core_type = #tpu.core_type<tc>, window_params = [{transform_indices = @transform_0, window_bounds = array<i64: 1000, 256>}, {transform_indices = @transform_1, window_bounds = array<i64: 1000, 1>}, {transform_indices = @transform_2, window_bounds = array<i64: 2, 1000, 128>}]} {
    %get3A = arith.constant 0 : index
    %get3A_0 = arith.constant 0 : index
    %get3A_1 = vector.load %arg1[%get3A, %get3A_0] : memref<1000x256xf32, #tpu.memory_space<vmem>>, vector<1000x256xf32>
    %get3A_2 = arith.constant 0 : index
    %get3A_3 = arith.constant 0 : index
    %get3A_4 = vector.load %arg2[%get3A_2, %get3A_3] : memref<1000x1xf32, #tpu.memory_space<vmem>>, vector<1000x1xf32>
    %mul3A = vector.broadcast %get3A_4 : vector<1000x1xf32> to vector<1000x256xf32>
    %mul3A_5 = arith.mulf %get3A_1, %mul3A : vector<1000x256xf32>
    %slice3A = vector.extract_strided_slice %mul3A_5 {offsets = [0, 0], sizes = [1000, 128], strides = [1, 1]} : vector<1000x256xf32> to vector<1000x128xf32>
    %swap3A = arith.constant 0 : index
    %swap3A_6 = arith.constant 0 : index
    %swap3A_7 = arith.constant 0 : index
    %swap3A_8 = vector.load %arg3[%swap3A, %swap3A_6, %swap3A_7] : memref<2x1000x128xf32, #tpu.memory_space<vmem>>, vector<1x1000x128xf32>
    %swap3A_9 = vector.shape_cast %swap3A_8 : vector<1x1000x128xf32> to vector<1000x128xf32>
    %swap3A_10 = vector.shape_cast %slice3A : vector<1000x128xf32> to vector<1x1000x128xf32>
    tpu.vector_store %arg3[%swap3A, %swap3A_6, %swap3A_7], %swap3A_10 {strides = array<i32>} : memref<2x1000x128xf32, #tpu.memory_space<vmem>>, vector<1x1000x128xf32>,
    %slice3A_11 = vector.extract_strided_slice %mul3A_5 {offsets = [0, 128], sizes = [1000, 128], strides = [1, 1]} : vector<1000x256xf32> to vector<1000x128xf32>
    %swap3A_12 = arith.constant 1 : index
    %swap3A_13 = arith.constant 0 : index
    %swap3A_14 = arith.constant 0 : index
    %swap3A_15 = vector.load %arg3[%swap3A_12, %swap3A_13, %swap3A_14] : memref<2x1000x128xf32, #tpu.memory_space<vmem>>, vector<1x1000x128xf32>
    %swap3A_16 = vector.shape_cast %swap3A_15 : vector<1x1000x128xf32> to vector<1000x128xf32>
    %swap3A_17 = vector.shape_cast %slice3A_11 : vector<1000x128xf32> to vector<1x1000x128xf32>
    tpu.vector_store %arg3[%swap3A_12, %swap3A_13, %swap3A_14], %swap3A_17 {strides = array<i32>} : memref<2x1000x128xf32, #tpu.memory_space<vmem>>, vector<1x1000x128xf32>,
    return
  }
  func.func @transform_0(%arg0: i32) -> (i32, i32) {
    %c0_i32 = arith.constant 0 : i32
    %c0_i32_0 = arith.constant 0 : i32
    return %arg0, %c0_i32 : i32, i32
  }
  func.func @transform_1(%arg0: i32) -> (i32, i32) {
    %c0_i32 = arith.constant 0 : i32
    %c0_i32_0 = arith.constant 0 : i32
    return %arg0, %c0_i32 : i32, i32
  }
  func.func @transform_2(%arg0: i32) -> (i32, i32, i32) {
    %c0_i32 = arith.constant 0 : i32
    %c0_i32_0 = arith.constant 0 : i32
    %c0_i32_1 = arith.constant 0 : i32
    return %c0_i32, %arg0, %c0_i32_0 : i32, i32, i32
  }
}

module attributes {stable_mosaic.version = 14 : i64} {
  func.func @_mm_stats_body(%arg0: i32, %arg1: memref<2x1000x128xf32, #tpu.memory_space<vmem>>, %arg2: memref<2x1000x128xf32, #tpu.memory_space<vmem>>, %arg3: memref<1000x1xf32, #tpu.memory_space<vmem>>, %arg4: memref<256x512xf32, #tpu.memory_space<vmem>>, %arg5: memref<512xf32, #tpu.memory_space<vmem>>, %arg6: memref<1000x512xf32, #tpu.memory_space<vmem>>, %arg7: memref<8x512xf32, #tpu.memory_space<vmem>>) attributes {dimension_semantics = [#tpu.dimension_semantics<arbitrary>], iteration_bounds = array<i64: 10>, scalar_prefetch = 0 : i64, scratch_operands = 0 : i64, tpu.core_type = #tpu.core_type<tc>, window_params = [{transform_indices = @transform_0, window_bounds = array<i64: 2, 1000, 128>}, {transform_indices = @transform_1, window_bounds = array<i64: 2, 1000, 128>}, {transform_indices = @transform_2, window_bounds = array<i64: 1000, 1>}, {pipeline_mode = #tpu.pipeline_mode<synchronous>, transform_indices = @transform_3, window_bounds = array<i64: 256, 512>}, {pipeline_mode = #tpu.pipeline_mode<synchronous>, transform_indices = @transform_4, window_bounds = array<i64: 512>}, {transform_indices = @transform_5, window_bounds = array<i64: 1000, 512>}, {pipeline_mode = #tpu.pipeline_mode<synchronous>, transform_indices = @transform_6, window_bounds = array<i64: 8, 512>}]} {
    %get3A = arith.constant 0 : index
    %get3A_0 = arith.constant 0 : index
    %get3A_1 = arith.constant 0 : index
    %get3A_2 = vector.load %arg1[%get3A, %get3A_0, %get3A_1] : memref<2x1000x128xf32, #tpu.memory_space<vmem>>, vector<1x1000x128xf32>
    %get3A_3 = vector.shape_cast %get3A_2 : vector<1x1000x128xf32> to vector<1000x128xf32>
    %get3A_4 = arith.constant 0 : index
    %get3A_5 = arith.constant 0 : index
    %get3A_6 = arith.constant 0 : index
    %get3A_7 = vector.load %arg2[%get3A_4, %get3A_5, %get3A_6] : memref<2x1000x128xf32, #tpu.memory_space<vmem>>, vector<1x1000x128xf32>
    %get3A_8 = vector.shape_cast %get3A_7 : vector<1x1000x128xf32> to vector<1000x128xf32>
    %add3A = arith.addf %get3A_3, %get3A_8 : vector<1000x128xf32>
    %get3A_9 = arith.constant 1 : index
    %get3A_10 = arith.constant 0 : index
    %get3A_11 = arith.constant 0 : index
    %get3A_12 = vector.load %arg1[%get3A_9, %get3A_10, %get3A_11] : memref<2x1000x128xf32, #tpu.memory_space<vmem>>, vector<1x1000x128xf32>
    %get3A_13 = vector.shape_cast %get3A_12 : vector<1x1000x128xf32> to vector<1000x128xf32>
    %get3A_14 = arith.constant 1 : index
    %get3A_15 = arith.constant 0 : index
    %get3A_16 = arith.constant 0 : index
    %get3A_17 = vector.load %arg2[%get3A_14, %get3A_15, %get3A_16] : memref<2x1000x128xf32, #tpu.memory_space<vmem>>, vector<1x1000x128xf32>
    %get3A_18 = vector.shape_cast %get3A_17 : vector<1x1000x128xf32> to vector<1000x128xf32>
    %add3A_19 = arith.addf %get3A_13, %get3A_18 : vector<1000x128xf32>
    %concatenate3A = tpu.concatenate %add3A, %add3A_19 in 1 : vector<1000x128xf32>, vector<1000x128xf32> -> vector<1000x256xf32>
    %get3A_20 = arith.constant 0 : index
    %get3A_21 = arith.constant 0 : index
    %get3A_22 = vector.load %arg3[%get3A_20, %get3A_21] : memref<1000x1xf32, #tpu.memory_space<vmem>>, vector<1000x1xf32>
    %mul3A = vector.broadcast %get3A_22 : vector<1000x1xf32> to vector<1000x256xf32>
    %mul3A_23 = arith.mulf %concatenate3A, %mul3A : vector<1000x256xf32>
    %get3A_24 = arith.constant 0 : index
    %get3A_25 = arith.constant 0 : index
    %get3A_26 = vector.load %arg4[%get3A_24, %get3A_25] : memref<256x512xf32, #tpu.memory_space<vmem>>, vector<256x512xf32>
    %dot_general3A = arith.constant dense<0.000000e+00> : vector<1000x512xf32>
    %dot_general3A_27 = tpu.matmul %mul3A_23, %get3A_26, %dot_general3A {dimension_numbers = #tpu.dot_dimension_numbers<[1], [0], [0], [1], [0, 0, 1, 1], [], []>, transpose_lhs_hint = false} : vector<1000x256xf32>, vector<256x512xf32>, vector<1000x512xf32> -> vector<1000x512xf32>
    %get3A_28 = arith.constant 0 : index
    %get3A_29 = vector.load %arg5[%get3A_28] : memref<512xf32, #tpu.memory_space<vmem>>, vector<512xf32>
    %broadcast_in_dim3A = vector.shape_cast %get3A_29 : vector<512xf32> to vector<1x512xf32>
    %add3A_30 = vector.broadcast %broadcast_in_dim3A : vector<1x512xf32> to vector<1000x512xf32>
    %add3A_31 = arith.addf %dot_general3A_27, %add3A_30 : vector<1000x512xf32>
    %swap3A = arith.constant 0 : index
    %swap3A_32 = arith.constant 0 : index
    %swap3A_33 = vector.load %arg6[%swap3A, %swap3A_32] : memref<1000x512xf32, #tpu.memory_space<vmem>>, vector<1000x512xf32>
    tpu.vector_store %arg6[%swap3A, %swap3A_32], %add3A_31 {strides = array<i32>} : memref<1000x512xf32, #tpu.memory_space<vmem>>, vector<1000x512xf32>,
    %eq3A = arith.constant 0 : i32
    %eq3A_34 = arith.cmpi eq, %arg0, %eq3A : i32
    %convert_element_type3A = arith.extui %eq3A_34 : i1 to i32
    %cond3A = arith.constant 0 : i32
    %cond3A_35 = arith.cmpi ne, %convert_element_type3A, %cond3A : i32
    scf.if %cond3A_35 {
      %broadcast_in_dim3A_56 = arith.constant 0.000000e+00 : f32
      %broadcast_in_dim3A_57 = vector.broadcast %broadcast_in_dim3A_56 : f32 to vector<8x512xf32>
      %swap3A_58 = arith.constant 0 : index
      %swap3A_59 = arith.constant 0 : index
      %swap3A_60 = vector.load %arg7[%swap3A_58, %swap3A_59] : memref<8x512xf32, #tpu.memory_space<vmem>>, vector<8x512xf32>
      tpu.vector_store %arg7[%swap3A_58, %swap3A_59], %broadcast_in_dim3A_57 {strides = array<i32>} : memref<8x512xf32, #tpu.memory_space<vmem>>, vector<8x512xf32>,
    } else {
    }
    %get3A_36 = arith.constant 0 : index
    %get3A_37 = arith.constant 0 : index
    %get3A_38 = vector.load %arg7[%get3A_36, %get3A_37] : memref<8x512xf32, #tpu.memory_space<vmem>>, vector<1x512xf32>
    %reduce_sum3A = arith.constant dense<0.000000e+00> : vector<512xf32>
    %reduce_sum3A_39 = vector.multi_reduction <add>, %add3A_31, %reduce_sum3A [0] : vector<1000x512xf32> to vector<512xf32>
    %broadcast_in_dim3A_40 = vector.shape_cast %reduce_sum3A_39 : vector<512xf32> to vector<1x512xf32>
    %add3A_41 = arith.addf %get3A_38, %broadcast_in_dim3A_40 : vector<1x512xf32>
    %swap3A_42 = arith.constant 0 : index
    %swap3A_43 = arith.constant 0 : index
    %swap3A_44 = vector.load %arg7[%swap3A_42, %swap3A_43] : memref<8x512xf32, #tpu.memory_space<vmem>>, vector<1x512xf32>
    tpu.vector_store %arg7[%swap3A_42, %swap3A_43], %add3A_41 {strides = array<i32>} : memref<8x512xf32, #tpu.memory_space<vmem>>, vector<1x512xf32>,
    %get3A_45 = arith.constant 1 : index
    %get3A_46 = arith.constant 0 : index
    %get3A_47 = vector.load %arg7[%get3A_45, %get3A_46] : memref<8x512xf32, #tpu.memory_space<vmem>>, vector<1x512xf32>
    %mul3A_48 = arith.mulf %add3A_31, %add3A_31 : vector<1000x512xf32>
    %reduce_sum3A_49 = arith.constant dense<0.000000e+00> : vector<512xf32>
    %reduce_sum3A_50 = vector.multi_reduction <add>, %mul3A_48, %reduce_sum3A_49 [0] : vector<1000x512xf32> to vector<512xf32>
    %broadcast_in_dim3A_51 = vector.shape_cast %reduce_sum3A_50 : vector<512xf32> to vector<1x512xf32>
    %add3A_52 = arith.addf %get3A_47, %broadcast_in_dim3A_51 : vector<1x512xf32>
    %swap3A_53 = arith.constant 1 : index
    %swap3A_54 = arith.constant 0 : index
    %swap3A_55 = vector.load %arg7[%swap3A_53, %swap3A_54] : memref<8x512xf32, #tpu.memory_space<vmem>>, vector<1x512xf32>
    tpu.vector_store %arg7[%swap3A_53, %swap3A_54], %add3A_52 {strides = array<i32>} : memref<8x512xf32, #tpu.memory_space<vmem>>, vector<1x512xf32>,
    return
  }
  func.func @transform_0(%arg0: i32) -> (i32, i32, i32) {
    %c0_i32 = arith.constant 0 : i32
    %c0_i32_0 = arith.constant 0 : i32
    %c0_i32_1 = arith.constant 0 : i32
    return %c0_i32, %arg0, %c0_i32_0 : i32, i32, i32
  }
  func.func @transform_1(%arg0: i32) -> (i32, i32, i32) {
    %c0_i32 = arith.constant 0 : i32
    %c0_i32_0 = arith.constant 0 : i32
    %c0_i32_1 = arith.constant 0 : i32
    return %c0_i32, %arg0, %c0_i32_0 : i32, i32, i32
  }
  func.func @transform_2(%arg0: i32) -> (i32, i32) {
    %c0_i32 = arith.constant 0 : i32
    %c0_i32_0 = arith.constant 0 : i32
    return %arg0, %c0_i32 : i32, i32
  }
  func.func @transform_3(%arg0: i32) -> (i32, i32) {
    %c0_i32 = arith.constant 0 : i32
    %c0_i32_0 = arith.constant 0 : i32
    %c0_i32_1 = arith.constant 0 : i32
    return %c0_i32, %c0_i32_0 : i32, i32
  }
  func.func @transform_4(%arg0: i32) -> i32 {
    %c0_i32 = arith.constant 0 : i32
    %c0_i32_0 = arith.constant 0 : i32
    return %c0_i32 : i32
  }
  func.func @transform_5(%arg0: i32) -> (i32, i32) {
    %c0_i32 = arith.constant 0 : i32
    %c0_i32_0 = arith.constant 0 : i32
    return %arg0, %c0_i32 : i32, i32
  }
  func.func @transform_6(%arg0: i32) -> (i32, i32) {
    %c0_i32 = arith.constant 0 : i32
    %c0_i32_0 = arith.constant 0 : i32
    %c0_i32_1 = arith.constant 0 : i32
    return %c0_i32, %c0_i32_0 : i32, i32
  }
}

module attributes {stable_mosaic.version = 14 : i64} {
  func.func @_bn_tanh_mm_body(%arg0: i32, %arg1: memref<1000x512xf32, #tpu.memory_space<vmem>>, %arg2: memref<8x512xf32, #tpu.memory_space<vmem>>, %arg3: memref<512xf32, #tpu.memory_space<vmem>>, %arg4: memref<512xf32, #tpu.memory_space<vmem>>, %arg5: memref<1000x1xf32, #tpu.memory_space<vmem>>, %arg6: memref<512x512xf32, #tpu.memory_space<vmem>>, %arg7: memref<4x1000x128xf32, #tpu.memory_space<vmem>>) attributes {dimension_semantics = [#tpu.dimension_semantics<arbitrary>], iteration_bounds = array<i64: 10>, scalar_prefetch = 0 : i64, scratch_operands = 0 : i64, tpu.core_type = #tpu.core_type<tc>, window_params = [{transform_indices = @transform_0, window_bounds = array<i64: 1000, 512>}, {pipeline_mode = #tpu.pipeline_mode<synchronous>, transform_indices = @transform_1, window_bounds = array<i64: 8, 512>}, {pipeline_mode = #tpu.pipeline_mode<synchronous>, transform_indices = @transform_2, window_bounds = array<i64: 512>}, {pipeline_mode = #tpu.pipeline_mode<synchronous>, transform_indices = @transform_3, window_bounds = array<i64: 512>}, {transform_indices = @transform_4, window_bounds = array<i64: 1000, 1>}, {pipeline_mode = #tpu.pipeline_mode<synchronous>, transform_indices = @transform_5, window_bounds = array<i64: 512, 512>}, {transform_indices = @transform_6, window_bounds = array<i64: 4, 1000, 128>}]} {
    %get3A = arith.constant 0 : index
    %get3A_0 = arith.constant 0 : index
    %get3A_1 = vector.load %arg2[%get3A, %get3A_0] : memref<8x512xf32, #tpu.memory_space<vmem>>, vector<1x512xf32>
    %div3A = arith.constant 1.000000e+04 : f32
    %div3A_2 = vector.broadcast %div3A : f32 to vector<1x512xf32>
    %div3A_3 = arith.divf %get3A_1, %div3A_2 : vector<1x512xf32>
    %get3A_4 = arith.constant 1 : index
    %get3A_5 = arith.constant 0 : index
    %get3A_6 = vector.load %arg2[%get3A_4, %get3A_5] : memref<8x512xf32, #tpu.memory_space<vmem>>, vector<1x512xf32>
    %div3A_7 = arith.constant 1.000000e+04 : f32
    %div3A_8 = vector.broadcast %div3A_7 : f32 to vector<1x512xf32>
    %div3A_9 = arith.divf %get3A_6, %div3A_8 : vector<1x512xf32>
    %mul3A = arith.mulf %div3A_3, %div3A_3 : vector<1x512xf32>
    %sub3A = arith.subf %div3A_9, %mul3A : vector<1x512xf32>
    %get3A_10 = arith.constant 0 : index
    %get3A_11 = arith.constant 0 : index
    %get3A_12 = vector.load %arg1[%get3A_10, %get3A_11] : memref<1000x512xf32, #tpu.memory_space<vmem>>, vector<1000x512xf32>
    %sub3A_13 = vector.broadcast %div3A_3 : vector<1x512xf32> to vector<1000x512xf32>
    %sub3A_14 = arith.subf %get3A_12, %sub3A_13 : vector<1000x512xf32>
    %add3A = arith.constant 9.99999974E-6 : f32
    %add3A_15 = vector.broadcast %add3A : f32 to vector<1x512xf32>
    %add3A_16 = arith.addf %sub3A, %add3A_15 : vector<1x512xf32>
    %rsqrt3A = math.rsqrt %add3A_16 : vector<1x512xf32>
    %mul3A_17 = vector.broadcast %rsqrt3A : vector<1x512xf32> to vector<1000x512xf32>
    %mul3A_18 = arith.mulf %sub3A_14, %mul3A_17 : vector<1000x512xf32>
    %get3A_19 = arith.constant 0 : index
    %get3A_20 = vector.load %arg3[%get3A_19] : memref<512xf32, #tpu.memory_space<vmem>>, vector<512xf32>
    %broadcast_in_dim3A = vector.shape_cast %get3A_20 : vector<512xf32> to vector<1x512xf32>
    %mul3A_21 = vector.broadcast %broadcast_in_dim3A : vector<1x512xf32> to vector<1000x512xf32>
    %mul3A_22 = arith.mulf %mul3A_18, %mul3A_21 : vector<1000x512xf32>
    %get3A_23 = arith.constant 0 : index
    %get3A_24 = vector.load %arg4[%get3A_23] : memref<512xf32, #tpu.memory_space<vmem>>, vector<512xf32>
    %broadcast_in_dim3A_25 = vector.shape_cast %get3A_24 : vector<512xf32> to vector<1x512xf32>
    %add3A_26 = vector.broadcast %broadcast_in_dim3A_25 : vector<1x512xf32> to vector<1000x512xf32>
    %add3A_27 = arith.addf %mul3A_22, %add3A_26 : vector<1000x512xf32>
    %tanh3A = math.tanh %add3A_27 : vector<1000x512xf32>
    %get3A_28 = arith.constant 0 : index
    %get3A_29 = arith.constant 0 : index
    %get3A_30 = vector.load %arg5[%get3A_28, %get3A_29] : memref<1000x1xf32, #tpu.memory_space<vmem>>, vector<1000x1xf32>
    %mul3A_31 = vector.broadcast %get3A_30 : vector<1000x1xf32> to vector<1000x512xf32>
    %mul3A_32 = arith.mulf %tanh3A, %mul3A_31 : vector<1000x512xf32>
    %get3A_33 = arith.constant 0 : index
    %get3A_34 = arith.constant 0 : index
    %get3A_35 = vector.load %arg6[%get3A_33, %get3A_34] : memref<512x512xf32, #tpu.memory_space<vmem>>, vector<512x512xf32>
    %dot_general3A = arith.constant dense<0.000000e+00> : vector<1000x512xf32>
    %dot_general3A_36 = tpu.matmul %mul3A_32, %get3A_35, %dot_general3A {dimension_numbers = #tpu.dot_dimension_numbers<[1], [0], [0], [1], [0, 0, 1, 1], [], []>, transpose_lhs_hint = false} : vector<1000x512xf32>, vector<512x512xf32>, vector<1000x512xf32> -> vector<1000x512xf32>
    %slice3A = vector.extract_strided_slice %dot_general3A_36 {offsets = [0, 0], sizes = [1000, 128], strides = [1, 1]} : vector<1000x512xf32> to vector<1000x128xf32>
    %swap3A = arith.constant 0 : index
    %swap3A_37 = arith.constant 0 : index
    %swap3A_38 = arith.constant 0 : index
    %swap3A_39 = vector.load %arg7[%swap3A, %swap3A_37, %swap3A_38] : memref<4x1000x128xf32, #tpu.memory_space<vmem>>, vector<1x1000x128xf32>
    %swap3A_40 = vector.shape_cast %swap3A_39 : vector<1x1000x128xf32> to vector<1000x128xf32>
    %swap3A_41 = vector.shape_cast %slice3A : vector<1000x128xf32> to vector<1x1000x128xf32>
    tpu.vector_store %arg7[%swap3A, %swap3A_37, %swap3A_38], %swap3A_41 {strides = array<i32>} : memref<4x1000x128xf32, #tpu.memory_space<vmem>>, vector<1x1000x128xf32>,
    %slice3A_42 = vector.extract_strided_slice %dot_general3A_36 {offsets = [0, 128], sizes = [1000, 128], strides = [1, 1]} : vector<1000x512xf32> to vector<1000x128xf32>
    %swap3A_43 = arith.constant 1 : index
    %swap3A_44 = arith.constant 0 : index
    %swap3A_45 = arith.constant 0 : index
    %swap3A_46 = vector.load %arg7[%swap3A_43, %swap3A_44, %swap3A_45] : memref<4x1000x128xf32, #tpu.memory_space<vmem>>, vector<1x1000x128xf32>
    %swap3A_47 = vector.shape_cast %swap3A_46 : vector<1x1000x128xf32> to vector<1000x128xf32>
    %swap3A_48 = vector.shape_cast %slice3A_42 : vector<1000x128xf32> to vector<1x1000x128xf32>
    tpu.vector_store %arg7[%swap3A_43, %swap3A_44, %swap3A_45], %swap3A_48 {strides = array<i32>} : memref<4x1000x128xf32, #tpu.memory_space<vmem>>, vector<1x1000x128xf32>,
    %slice3A_49 = vector.extract_strided_slice %dot_general3A_36 {offsets = [0, 256], sizes = [1000, 128], strides = [1, 1]} : vector<1000x512xf32> to vector<1000x128xf32>
    %swap3A_50 = arith.constant 2 : index
    %swap3A_51 = arith.constant 0 : index
    %swap3A_52 = arith.constant 0 : index
    %swap3A_53 = vector.load %arg7[%swap3A_50, %swap3A_51, %swap3A_52] : memref<4x1000x128xf32, #tpu.memory_space<vmem>>, vector<1x1000x128xf32>
    %swap3A_54 = vector.shape_cast %swap3A_53 : vector<1x1000x128xf32> to vector<1000x128xf32>
    %swap3A_55 = vector.shape_cast %slice3A_49 : vector<1000x128xf32> to vector<1x1000x128xf32>
    tpu.vector_store %arg7[%swap3A_50, %swap3A_51, %swap3A_52], %swap3A_55 {strides = array<i32>} : memref<4x1000x128xf32, #tpu.memory_space<vmem>>, vector<1x1000x128xf32>,
    %slice3A_56 = vector.extract_strided_slice %dot_general3A_36 {offsets = [0, 384], sizes = [1000, 128], strides = [1, 1]} : vector<1000x512xf32> to vector<1000x128xf32>
    %swap3A_57 = arith.constant 3 : index
    %swap3A_58 = arith.constant 0 : index
    %swap3A_59 = arith.constant 0 : index
    %swap3A_60 = vector.load %arg7[%swap3A_57, %swap3A_58, %swap3A_59] : memref<4x1000x128xf32, #tpu.memory_space<vmem>>, vector<1x1000x128xf32>
    %swap3A_61 = vector.shape_cast %swap3A_60 : vector<1x1000x128xf32> to vector<1000x128xf32>
    %swap3A_62 = vector.shape_cast %slice3A_56 : vector<1000x128xf32> to vector<1x1000x128xf32>
    tpu.vector_store %arg7[%swap3A_57, %swap3A_58, %swap3A_59], %swap3A_62 {strides = array<i32>} : memref<4x1000x128xf32, #tpu.memory_space<vmem>>, vector<1x1000x128xf32>,
    return
  }
  func.func @transform_0(%arg0: i32) -> (i32, i32) {
    %c0_i32 = arith.constant 0 : i32
    %c0_i32_0 = arith.constant 0 : i32
    return %arg0, %c0_i32 : i32, i32
  }
  func.func @transform_1(%arg0: i32) -> (i32, i32) {
    %c0_i32 = arith.constant 0 : i32
    %c0_i32_0 = arith.constant 0 : i32
    %c0_i32_1 = arith.constant 0 : i32
    return %c0_i32, %c0_i32_0 : i32, i32
  }
  func.func @transform_2(%arg0: i32) -> i32 {
    %c0_i32 = arith.constant 0 : i32
    %c0_i32_0 = arith.constant 0 : i32
    return %c0_i32 : i32
  }
  func.func @transform_3(%arg0: i32) -> i32 {
    %c0_i32 = arith.constant 0 : i32
    %c0_i32_0 = arith.constant 0 : i32
    return %c0_i32 : i32
  }
  func.func @transform_4(%arg0: i32) -> (i32, i32) {
    %c0_i32 = arith.constant 0 : i32
    %c0_i32_0 = arith.constant 0 : i32
    return %arg0, %c0_i32 : i32, i32
  }
  func.func @transform_5(%arg0: i32) -> (i32, i32) {
    %c0_i32 = arith.constant 0 : i32
    %c0_i32_0 = arith.constant 0 : i32
    %c0_i32_1 = arith.constant 0 : i32
    return %c0_i32, %c0_i32_0 : i32, i32
  }
  func.func @transform_6(%arg0: i32) -> (i32, i32, i32) {
    %c0_i32 = arith.constant 0 : i32
    %c0_i32_0 = arith.constant 0 : i32
    %c0_i32_1 = arith.constant 0 : i32
    return %c0_i32, %arg0, %c0_i32_0 : i32, i32, i32
  }
}

module attributes {stable_mosaic.version = 14 : i64} {
  func.func @_combine_stats_body(%arg0: i32, %arg1: memref<4x1000x128xf32, #tpu.memory_space<vmem>>, %arg2: memref<4x1000x128xf32, #tpu.memory_space<vmem>>, %arg3: memref<1000x1xf32, #tpu.memory_space<vmem>>, %arg4: memref<512xf32, #tpu.memory_space<vmem>>, %arg5: memref<1000x512xf32, #tpu.memory_space<vmem>>, %arg6: memref<8x512xf32, #tpu.memory_space<vmem>>) attributes {dimension_semantics = [#tpu.dimension_semantics<arbitrary>], iteration_bounds = array<i64: 10>, scalar_prefetch = 0 : i64, scratch_operands = 0 : i64, tpu.core_type = #tpu.core_type<tc>, window_params = [{transform_indices = @transform_0, window_bounds = array<i64: 4, 1000, 128>}, {transform_indices = @transform_1, window_bounds = array<i64: 4, 1000, 128>}, {transform_indices = @transform_2, window_bounds = array<i64: 1000, 1>}, {pipeline_mode = #tpu.pipeline_mode<synchronous>, transform_indices = @transform_3, window_bounds = array<i64: 512>}, {transform_indices = @transform_4, window_bounds = array<i64: 1000, 512>}, {pipeline_mode = #tpu.pipeline_mode<synchronous>, transform_indices = @transform_5, window_bounds = array<i64: 8, 512>}]} {
    %get3A = arith.constant 0 : index
    %get3A_0 = arith.constant 0 : index
    %get3A_1 = arith.constant 0 : index
    %get3A_2 = vector.load %arg1[%get3A, %get3A_0, %get3A_1] : memref<4x1000x128xf32, #tpu.memory_space<vmem>>, vector<1x1000x128xf32>
    %get3A_3 = vector.shape_cast %get3A_2 : vector<1x1000x128xf32> to vector<1000x128xf32>
    %get3A_4 = arith.constant 0 : index
    %get3A_5 = arith.constant 0 : index
    %get3A_6 = arith.constant 0 : index
    %get3A_7 = vector.load %arg2[%get3A_4, %get3A_5, %get3A_6] : memref<4x1000x128xf32, #tpu.memory_space<vmem>>, vector<1x1000x128xf32>
    %get3A_8 = vector.shape_cast %get3A_7 : vector<1x1000x128xf32> to vector<1000x128xf32>
    %add3A = arith.addf %get3A_3, %get3A_8 : vector<1000x128xf32>
    %get3A_9 = arith.constant 1 : index
    %get3A_10 = arith.constant 0 : index
    %get3A_11 = arith.constant 0 : index
    %get3A_12 = vector.load %arg1[%get3A_9, %get3A_10, %get3A_11] : memref<4x1000x128xf32, #tpu.memory_space<vmem>>, vector<1x1000x128xf32>
    %get3A_13 = vector.shape_cast %get3A_12 : vector<1x1000x128xf32> to vector<1000x128xf32>
    %get3A_14 = arith.constant 1 : index
    %get3A_15 = arith.constant 0 : index
    %get3A_16 = arith.constant 0 : index
    %get3A_17 = vector.load %arg2[%get3A_14, %get3A_15, %get3A_16] : memref<4x1000x128xf32, #tpu.memory_space<vmem>>, vector<1x1000x128xf32>
    %get3A_18 = vector.shape_cast %get3A_17 : vector<1x1000x128xf32> to vector<1000x128xf32>
    %add3A_19 = arith.addf %get3A_13, %get3A_18 : vector<1000x128xf32>
    %get3A_20 = arith.constant 2 : index
    %get3A_21 = arith.constant 0 : index
    %get3A_22 = arith.constant 0 : index
    %get3A_23 = vector.load %arg1[%get3A_20, %get3A_21, %get3A_22] : memref<4x1000x128xf32, #tpu.memory_space<vmem>>, vector<1x1000x128xf32>
    %get3A_24 = vector.shape_cast %get3A_23 : vector<1x1000x128xf32> to vector<1000x128xf32>
    %get3A_25 = arith.constant 2 : index
    %get3A_26 = arith.constant 0 : index
    %get3A_27 = arith.constant 0 : index
    %get3A_28 = vector.load %arg2[%get3A_25, %get3A_26, %get3A_27] : memref<4x1000x128xf32, #tpu.memory_space<vmem>>, vector<1x1000x128xf32>
    %get3A_29 = vector.shape_cast %get3A_28 : vector<1x1000x128xf32> to vector<1000x128xf32>
    %add3A_30 = arith.addf %get3A_24, %get3A_29 : vector<1000x128xf32>
    %get3A_31 = arith.constant 3 : index
    %get3A_32 = arith.constant 0 : index
    %get3A_33 = arith.constant 0 : index
    %get3A_34 = vector.load %arg1[%get3A_31, %get3A_32, %get3A_33] : memref<4x1000x128xf32, #tpu.memory_space<vmem>>, vector<1x1000x128xf32>
    %get3A_35 = vector.shape_cast %get3A_34 : vector<1x1000x128xf32> to vector<1000x128xf32>
    %get3A_36 = arith.constant 3 : index
    %get3A_37 = arith.constant 0 : index
    %get3A_38 = arith.constant 0 : index
    %get3A_39 = vector.load %arg2[%get3A_36, %get3A_37, %get3A_38] : memref<4x1000x128xf32, #tpu.memory_space<vmem>>, vector<1x1000x128xf32>
    %get3A_40 = vector.shape_cast %get3A_39 : vector<1x1000x128xf32> to vector<1000x128xf32>
    %add3A_41 = arith.addf %get3A_35, %get3A_40 : vector<1000x128xf32>
    %concatenate3A = tpu.concatenate %add3A, %add3A_19, %add3A_30, %add3A_41 in 1 : vector<1000x128xf32>, vector<1000x128xf32>, vector<1000x128xf32>, vector<1000x128xf32> -> vector<1000x512xf32>
    %get3A_42 = arith.constant 0 : index
    %get3A_43 = arith.constant 0 : index
    %get3A_44 = vector.load %arg3[%get3A_42, %get3A_43] : memref<1000x1xf32, #tpu.memory_space<vmem>>, vector<1000x1xf32>
    %mul3A = vector.broadcast %get3A_44 : vector<1000x1xf32> to vector<1000x512xf32>
    %mul3A_45 = arith.mulf %concatenate3A, %mul3A : vector<1000x512xf32>
    %get3A_46 = arith.constant 0 : index
    %get3A_47 = vector.load %arg4[%get3A_46] : memref<512xf32, #tpu.memory_space<vmem>>, vector<512xf32>
    %broadcast_in_dim3A = vector.shape_cast %get3A_47 : vector<512xf32> to vector<1x512xf32>
    %add3A_48 = vector.broadcast %broadcast_in_dim3A : vector<1x512xf32> to vector<1000x512xf32>
    %add3A_49 = arith.addf %mul3A_45, %add3A_48 : vector<1000x512xf32>
    %swap3A = arith.constant 0 : index
    %swap3A_50 = arith.constant 0 : index
    %swap3A_51 = vector.load %arg5[%swap3A, %swap3A_50] : memref<1000x512xf32, #tpu.memory_space<vmem>>, vector<1000x512xf32>
    tpu.vector_store %arg5[%swap3A, %swap3A_50], %add3A_49 {strides = array<i32>} : memref<1000x512xf32, #tpu.memory_space<vmem>>, vector<1000x512xf32>,
    %eq3A = arith.constant 0 : i32
    %eq3A_52 = arith.cmpi eq, %arg0, %eq3A : i32
    %convert_element_type3A = arith.extui %eq3A_52 : i1 to i32
    %cond3A = arith.constant 0 : i32
    %cond3A_53 = arith.cmpi ne, %convert_element_type3A, %cond3A : i32
    scf.if %cond3A_53 {
      %broadcast_in_dim3A_74 = arith.constant 0.000000e+00 : f32
      %broadcast_in_dim3A_75 = vector.broadcast %broadcast_in_dim3A_74 : f32 to vector<8x512xf32>
      %swap3A_76 = arith.constant 0 : index
      %swap3A_77 = arith.constant 0 : index
      %swap3A_78 = vector.load %arg6[%swap3A_76, %swap3A_77] : memref<8x512xf32, #tpu.memory_space<vmem>>, vector<8x512xf32>
      tpu.vector_store %arg6[%swap3A_76, %swap3A_77], %broadcast_in_dim3A_75 {strides = array<i32>} : memref<8x512xf32, #tpu.memory_space<vmem>>, vector<8x512xf32>,
    } else {
    }
    %get3A_54 = arith.constant 0 : index
    %get3A_55 = arith.constant 0 : index
    %get3A_56 = vector.load %arg6[%get3A_54, %get3A_55] : memref<8x512xf32, #tpu.memory_space<vmem>>, vector<1x512xf32>
    %reduce_sum3A = arith.constant dense<0.000000e+00> : vector<512xf32>
    %reduce_sum3A_57 = vector.multi_reduction <add>, %add3A_49, %reduce_sum3A [0] : vector<1000x512xf32> to vector<512xf32>
    %broadcast_in_dim3A_58 = vector.shape_cast %reduce_sum3A_57 : vector<512xf32> to vector<1x512xf32>
    %add3A_59 = arith.addf %get3A_56, %broadcast_in_dim3A_58 : vector<1x512xf32>
    %swap3A_60 = arith.constant 0 : index
    %swap3A_61 = arith.constant 0 : index
    %swap3A_62 = vector.load %arg6[%swap3A_60, %swap3A_61] : memref<8x512xf32, #tpu.memory_space<vmem>>, vector<1x512xf32>
    tpu.vector_store %arg6[%swap3A_60, %swap3A_61], %add3A_59 {strides = array<i32>} : memref<8x512xf32, #tpu.memory_space<vmem>>, vector<1x512xf32>,
    %get3A_63 = arith.constant 1 : index
    %get3A_64 = arith.constant 0 : index
    %get3A_65 = vector.load %arg6[%get3A_63, %get3A_64] : memref<8x512xf32, #tpu.memory_space<vmem>>, vector<1x512xf32>
    %mul3A_66 = arith.mulf %add3A_49, %add3A_49 : vector<1000x512xf32>
    %reduce_sum3A_67 = arith.constant dense<0.000000e+00> : vector<512xf32>
    %reduce_sum3A_68 = vector.multi_reduction <add>, %mul3A_66, %reduce_sum3A_67 [0] : vector<1000x512xf32> to vector<512xf32>
    %broadcast_in_dim3A_69 = vector.shape_cast %reduce_sum3A_68 : vector<512xf32> to vector<1x512xf32>
    %add3A_70 = arith.addf %get3A_65, %broadcast_in_dim3A_69 : vector<1x512xf32>
    %swap3A_71 = arith.constant 1 : index
    %swap3A_72 = arith.constant 0 : index
    %swap3A_73 = vector.load %arg6[%swap3A_71, %swap3A_72] : memref<8x512xf32, #tpu.memory_space<vmem>>, vector<1x512xf32>
    tpu.vector_store %arg6[%swap3A_71, %swap3A_72], %add3A_70 {strides = array<i32>} : memref<8x512xf32, #tpu.memory_space<vmem>>, vector<1x512xf32>,
    return
  }
  func.func @transform_0(%arg0: i32) -> (i32, i32, i32) {
    %c0_i32 = arith.constant 0 : i32
    %c0_i32_0 = arith.constant 0 : i32
    %c0_i32_1 = arith.constant 0 : i32
    return %c0_i32, %arg0, %c0_i32_0 : i32, i32, i32
  }
  func.func @transform_1(%arg0: i32) -> (i32, i32, i32) {
    %c0_i32 = arith.constant 0 : i32
    %c0_i32_0 = arith.constant 0 : i32
    %c0_i32_1 = arith.constant 0 : i32
    return %c0_i32, %arg0, %c0_i32_0 : i32, i32, i32
  }
  func.func @transform_2(%arg0: i32) -> (i32, i32) {
    %c0_i32 = arith.constant 0 : i32
    %c0_i32_0 = arith.constant 0 : i32
    return %arg0, %c0_i32 : i32, i32
  }
  func.func @transform_3(%arg0: i32) -> i32 {
    %c0_i32 = arith.constant 0 : i32
    %c0_i32_0 = arith.constant 0 : i32
    return %c0_i32 : i32
  }
  func.func @transform_4(%arg0: i32) -> (i32, i32) {
    %c0_i32 = arith.constant 0 : i32
    %c0_i32_0 = arith.constant 0 : i32
    return %arg0, %c0_i32 : i32, i32
  }
  func.func @transform_5(%arg0: i32) -> (i32, i32) {
    %c0_i32 = arith.constant 0 : i32
    %c0_i32_0 = arith.constant 0 : i32
    %c0_i32_1 = arith.constant 0 : i32
    return %c0_i32, %c0_i32_0 : i32, i32
  }
}

module attributes {stable_mosaic.version = 14 : i64} {
  func.func @_bn_tanh_pool_body(%arg0: i32, %arg1: memref<1000x512xf32, #tpu.memory_space<vmem>>, %arg2: memref<8x512xf32, #tpu.memory_space<vmem>>, %arg3: memref<512xf32, #tpu.memory_space<vmem>>, %arg4: memref<512xf32, #tpu.memory_space<vmem>>, %arg5: memref<1000x1xi32, #tpu.memory_space<vmem>>, %arg6: memref<64x512xf32, #tpu.memory_space<vmem>>, %arg7: memref<64x128xf32, #tpu.memory_space<vmem>>) attributes {dimension_semantics = [#tpu.dimension_semantics<arbitrary>], iteration_bounds = array<i64: 10>, scalar_prefetch = 0 : i64, scratch_operands = 0 : i64, tpu.core_type = #tpu.core_type<tc>, window_params = [{transform_indices = @transform_0, window_bounds = array<i64: 1000, 512>}, {pipeline_mode = #tpu.pipeline_mode<synchronous>, transform_indices = @transform_1, window_bounds = array<i64: 8, 512>}, {pipeline_mode = #tpu.pipeline_mode<synchronous>, transform_indices = @transform_2, window_bounds = array<i64: 512>}, {pipeline_mode = #tpu.pipeline_mode<synchronous>, transform_indices = @transform_3, window_bounds = array<i64: 512>}, {transform_indices = @transform_4, window_bounds = array<i64: 1000, 1>}, {pipeline_mode = #tpu.pipeline_mode<synchronous>, transform_indices = @transform_5, window_bounds = array<i64: 64, 512>}, {pipeline_mode = #tpu.pipeline_mode<synchronous>, transform_indices = @transform_6, window_bounds = array<i64: 64, 128>}]} {
    %get3A = arith.constant 0 : index
    %get3A_0 = arith.constant 0 : index
    %get3A_1 = vector.load %arg2[%get3A, %get3A_0] : memref<8x512xf32, #tpu.memory_space<vmem>>, vector<1x512xf32>
    %div3A = arith.constant 1.000000e+04 : f32
    %div3A_2 = vector.broadcast %div3A : f32 to vector<1x512xf32>
    %div3A_3 = arith.divf %get3A_1, %div3A_2 : vector<1x512xf32>
    %get3A_4 = arith.constant 1 : index
    %get3A_5 = arith.constant 0 : index
    %get3A_6 = vector.load %arg2[%get3A_4, %get3A_5] : memref<8x512xf32, #tpu.memory_space<vmem>>, vector<1x512xf32>
    %div3A_7 = arith.constant 1.000000e+04 : f32
    %div3A_8 = vector.broadcast %div3A_7 : f32 to vector<1x512xf32>
    %div3A_9 = arith.divf %get3A_6, %div3A_8 : vector<1x512xf32>
    %mul3A = arith.mulf %div3A_3, %div3A_3 : vector<1x512xf32>
    %sub3A = arith.subf %div3A_9, %mul3A : vector<1x512xf32>
    %get3A_10 = arith.constant 0 : index
    %get3A_11 = arith.constant 0 : index
    %get3A_12 = vector.load %arg1[%get3A_10, %get3A_11] : memref<1000x512xf32, #tpu.memory_space<vmem>>, vector<1000x512xf32>
    %sub3A_13 = vector.broadcast %div3A_3 : vector<1x512xf32> to vector<1000x512xf32>
    %sub3A_14 = arith.subf %get3A_12, %sub3A_13 : vector<1000x512xf32>
    %add3A = arith.constant 9.99999974E-6 : f32
    %add3A_15 = vector.broadcast %add3A : f32 to vector<1x512xf32>
    %add3A_16 = arith.addf %sub3A, %add3A_15 : vector<1x512xf32>
    %rsqrt3A = math.rsqrt %add3A_16 : vector<1x512xf32>
    %mul3A_17 = vector.broadcast %rsqrt3A : vector<1x512xf32> to vector<1000x512xf32>
    %mul3A_18 = arith.mulf %sub3A_14, %mul3A_17 : vector<1000x512xf32>
    %get3A_19 = arith.constant 0 : index
    %get3A_20 = vector.load %arg3[%get3A_19] : memref<512xf32, #tpu.memory_space<vmem>>, vector<512xf32>
    %broadcast_in_dim3A = vector.shape_cast %get3A_20 : vector<512xf32> to vector<1x512xf32>
    %mul3A_21 = vector.broadcast %broadcast_in_dim3A : vector<1x512xf32> to vector<1000x512xf32>
    %mul3A_22 = arith.mulf %mul3A_18, %mul3A_21 : vector<1000x512xf32>
    %get3A_23 = arith.constant 0 : index
    %get3A_24 = vector.load %arg4[%get3A_23] : memref<512xf32, #tpu.memory_space<vmem>>, vector<512xf32>
    %broadcast_in_dim3A_25 = vector.shape_cast %get3A_24 : vector<512xf32> to vector<1x512xf32>
    %add3A_26 = vector.broadcast %broadcast_in_dim3A_25 : vector<1x512xf32> to vector<1000x512xf32>
    %add3A_27 = arith.addf %mul3A_22, %add3A_26 : vector<1000x512xf32>
    %tanh3A = math.tanh %add3A_27 : vector<1000x512xf32>
    %get3A_28 = arith.constant 0 : index
    %get3A_29 = arith.constant 0 : index
    %get3A_30 = vector.load %arg5[%get3A_28, %get3A_29] : memref<1000x1xi32, #tpu.memory_space<vmem>>, vector<1000x1xi32>
    %iota3A = tpu.iota {dimensions = array<i32: 1>} : vector<1x64xi32>
    %eq3A = vector.broadcast %get3A_30 : vector<1000x1xi32> to vector<1000x64xi32>
    %eq3A_31 = vector.broadcast %iota3A : vector<1x64xi32> to vector<1000x64xi32>
    %eq3A_32 = arith.cmpi eq, %eq3A, %eq3A_31 : vector<1000x64xi32>
    %convert_element_type3A = arith.extui %eq3A_32 : vector<1000x64xi1> to vector<1000x64xi32>
    %convert_element_type3A_33 = arith.sitofp %convert_element_type3A : vector<1000x64xi32> to vector<1000x64xf32>
    %eq3A_34 = arith.constant 0 : i32
    %eq3A_35 = arith.cmpi eq, %arg0, %eq3A_34 : i32
    %convert_element_type3A_36 = arith.extui %eq3A_35 : i1 to i32
    %cond3A = arith.constant 0 : i32
    %cond3A_37 = arith.cmpi ne, %convert_element_type3A_36, %cond3A : i32
    scf.if %cond3A_37 {
      %broadcast_in_dim3A_56 = arith.constant 0.000000e+00 : f32
      %broadcast_in_dim3A_57 = vector.broadcast %broadcast_in_dim3A_56 : f32 to vector<64x512xf32>
      %swap3A_58 = arith.constant 0 : index
      %swap3A_59 = arith.constant 0 : index
      %swap3A_60 = vector.load %arg6[%swap3A_58, %swap3A_59] : memref<64x512xf32, #tpu.memory_space<vmem>>, vector<64x512xf32>
      tpu.vector_store %arg6[%swap3A_58, %swap3A_59], %broadcast_in_dim3A_57 {strides = array<i32>} : memref<64x512xf32, #tpu.memory_space<vmem>>, vector<64x512xf32>,
      %broadcast_in_dim3A_61 = arith.constant 0.000000e+00 : f32
      %broadcast_in_dim3A_62 = vector.broadcast %broadcast_in_dim3A_61 : f32 to vector<64x128xf32>
      %swap3A_63 = arith.constant 0 : index
      %swap3A_64 = arith.constant 0 : index
      %swap3A_65 = vector.load %arg7[%swap3A_63, %swap3A_64] : memref<64x128xf32, #tpu.memory_space<vmem>>, vector<64x128xf32>
      tpu.vector_store %arg7[%swap3A_63, %swap3A_64], %broadcast_in_dim3A_62 {strides = array<i32>} : memref<64x128xf32, #tpu.memory_space<vmem>>, vector<64x128xf32>,
    } else {
    }
    %get3A_38 = arith.constant 0 : index
    %get3A_39 = arith.constant 0 : index
    %get3A_40 = vector.load %arg6[%get3A_38, %get3A_39] : memref<64x512xf32, #tpu.memory_space<vmem>>, vector<64x512xf32>
    %dot_general3A = arith.constant dense<0.000000e+00> : vector<64x512xf32>
    %dot_general3A_41 = tpu.matmul %convert_element_type3A_33, %tanh3A, %dot_general3A {dimension_numbers = #tpu.dot_dimension_numbers<[0], [0], [1], [1], [0, 1, 1, 1], [], []>, transpose_lhs_hint = false} : vector<1000x64xf32>, vector<1000x512xf32>, vector<64x512xf32> -> vector<64x512xf32>
    %add3A_42 = arith.addf %get3A_40, %dot_general3A_41 : vector<64x512xf32>
    %swap3A = arith.constant 0 : index
    %swap3A_43 = arith.constant 0 : index
    %swap3A_44 = vector.load %arg6[%swap3A, %swap3A_43] : memref<64x512xf32, #tpu.memory_space<vmem>>, vector<64x512xf32>
    tpu.vector_store %arg6[%swap3A, %swap3A_43], %add3A_42 {strides = array<i32>} : memref<64x512xf32, #tpu.memory_space<vmem>>, vector<64x512xf32>,
    %get3A_45 = arith.constant 0 : index
    %get3A_46 = arith.constant 0 : index
    %get3A_47 = vector.load %arg7[%get3A_45, %get3A_46] : memref<64x128xf32, #tpu.memory_space<vmem>>, vector<64x128xf32>
    %broadcast_in_dim3A_48 = arith.constant 1.000000e+00 : f32
    %broadcast_in_dim3A_49 = vector.broadcast %broadcast_in_dim3A_48 : f32 to vector<1000x128xf32>
    %dot_general3A_50 = arith.constant dense<0.000000e+00> : vector<64x128xf32>
    %dot_general3A_51 = tpu.matmul %convert_element_type3A_33, %broadcast_in_dim3A_49, %dot_general3A_50 {dimension_numbers = #tpu.dot_dimension_numbers<[0], [0], [1], [1], [0, 1, 1, 1], [], []>, transpose_lhs_hint = false} : vector<1000x64xf32>, vector<1000x128xf32>, vector<64x128xf32> -> vector<64x128xf32>
    %add3A_52 = arith.addf %get3A_47, %dot_general3A_51 : vector<64x128xf32>
    %swap3A_53 = arith.constant 0 : index
    %swap3A_54 = arith.constant 0 : index
    %swap3A_55 = vector.load %arg7[%swap3A_53, %swap3A_54] : memref<64x128xf32, #tpu.memory_space<vmem>>, vector<64x128xf32>
    tpu.vector_store %arg7[%swap3A_53, %swap3A_54], %add3A_52 {strides = array<i32>} : memref<64x128xf32, #tpu.memory_space<vmem>>, vector<64x128xf32>,
    return
  }
  func.func @transform_0(%arg0: i32) -> (i32, i32) {
    %c0_i32 = arith.constant 0 : i32
    %c0_i32_0 = arith.constant 0 : i32
    return %arg0, %c0_i32 : i32, i32
  }
  func.func @transform_1(%arg0: i32) -> (i32, i32) {
    %c0_i32 = arith.constant 0 : i32
    %c0_i32_0 = arith.constant 0 : i32
    %c0_i32_1 = arith.constant 0 : i32
    return %c0_i32, %c0_i32_0 : i32, i32
  }
  func.func @transform_2(%arg0: i32) -> i32 {
    %c0_i32 = arith.constant 0 : i32
    %c0_i32_0 = arith.constant 0 : i32
    return %c0_i32 : i32
  }
  func.func @transform_3(%arg0: i32) -> i32 {
    %c0_i32 = arith.constant 0 : i32
    %c0_i32_0 = arith.constant 0 : i32
    return %c0_i32 : i32
  }
  func.func @transform_4(%arg0: i32) -> (i32, i32) {
    %c0_i32 = arith.constant 0 : i32
    %c0_i32_0 = arith.constant 0 : i32
    return %arg0, %c0_i32 : i32, i32
  }
  func.func @transform_5(%arg0: i32) -> (i32, i32) {
    %c0_i32 = arith.constant 0 : i32
    %c0_i32_0 = arith.constant 0 : i32
    %c0_i32_1 = arith.constant 0 : i32
    return %c0_i32, %c0_i32_0 : i32, i32
  }
  func.func @transform_6(%arg0: i32) -> (i32, i32) {
    %c0_i32 = arith.constant 0 : i32
    %c0_i32_0 = arith.constant 0 : i32
    %c0_i32_1 = arith.constant 0 : i32
    return %c0_i32, %c0_i32_0 : i32, i32
  }
}

module attributes {stable_mosaic.version = 14 : i64} {
  func.func @_head_body(%arg0: memref<64x512xf32, #tpu.memory_space<vmem>>, %arg1: memref<64x128xf32, #tpu.memory_space<vmem>>, %arg2: memref<512x256xf32, #tpu.memory_space<vmem>>, %arg3: memref<256xf32, #tpu.memory_space<vmem>>, %arg4: memref<256xf32, #tpu.memory_space<vmem>>, %arg5: memref<256xf32, #tpu.memory_space<vmem>>, %arg6: memref<256x10xf32, #tpu.memory_space<vmem>>, %arg7: memref<10xf32, #tpu.memory_space<vmem>>, %arg8: memref<10xf32, #tpu.memory_space<vmem>>, %arg9: memref<10xf32, #tpu.memory_space<vmem>>, %arg10: memref<64x10xf32, #tpu.memory_space<vmem>>) attributes {dimension_semantics = [], scalar_prefetch = 0 : i64, scratch_operands = 0 : i64, tpu.core_type = #tpu.core_type<tc>} {
    %get3A = arith.constant 0 : index
    %get3A_0 = arith.constant 0 : index
    %get3A_1 = vector.load %arg0[%get3A, %get3A_0] : memref<64x512xf32, #tpu.memory_space<vmem>>, vector<64x512xf32>
    %get3A_2 = arith.constant 0 : index
    %get3A_3 = arith.constant 0 : index
    %get3A_4 = vector.load %arg1[%get3A_2, %get3A_3] : memref<64x128xf32, #tpu.memory_space<vmem>>, vector<64x1xf32>
    %max3A = arith.constant 1.000000e+00 : f32
    %max3A_5 = vector.broadcast %max3A : f32 to vector<64x1xf32>
    %max3A_6 = arith.maximumf %get3A_4, %max3A_5 : vector<64x1xf32>
    %div3A = vector.broadcast %max3A_6 : vector<64x1xf32> to vector<64x512xf32>
    %div3A_7 = arith.divf %get3A_1, %div3A : vector<64x512xf32>
    %get3A_8 = arith.constant 0 : index
    %get3A_9 = arith.constant 0 : index
    %get3A_10 = vector.load %arg2[%get3A_8, %get3A_9] : memref<512x256xf32, #tpu.memory_space<vmem>>, vector<512x256xf32>
    %dot_general3A = arith.constant dense<0.000000e+00> : vector<64x256xf32>
    %dot_general3A_11 = tpu.matmul %div3A_7, %get3A_10, %dot_general3A {dimension_numbers = #tpu.dot_dimension_numbers<[1], [0], [0], [1], [0, 0, 1, 1], [], []>, transpose_lhs_hint = false} : vector<64x512xf32>, vector<512x256xf32>, vector<64x256xf32> -> vector<64x256xf32>
    %get3A_12 = arith.constant 0 : index
    %get3A_13 = vector.load %arg3[%get3A_12] : memref<256xf32, #tpu.memory_space<vmem>>, vector<256xf32>
    %broadcast_in_dim3A = vector.shape_cast %get3A_13 : vector<256xf32> to vector<1x256xf32>
    %add3A = vector.broadcast %broadcast_in_dim3A : vector<1x256xf32> to vector<64x256xf32>
    %add3A_14 = arith.addf %dot_general3A_11, %add3A : vector<64x256xf32>
    %reduce_sum3A = arith.constant dense<0.000000e+00> : vector<256xf32>
    %reduce_sum3A_15 = vector.multi_reduction <add>, %add3A_14, %reduce_sum3A [0] : vector<64x256xf32> to vector<256xf32>
    %broadcast_in_dim3A_16 = vector.shape_cast %reduce_sum3A_15 : vector<256xf32> to vector<1x256xf32>
    %div3A_17 = arith.constant 6.400000e+01 : f32
    %div3A_18 = vector.broadcast %div3A_17 : f32 to vector<1x256xf32>
    %div3A_19 = arith.divf %broadcast_in_dim3A_16, %div3A_18 : vector<1x256xf32>
    %mul3A = arith.mulf %add3A_14, %add3A_14 : vector<64x256xf32>
    %reduce_sum3A_20 = arith.constant dense<0.000000e+00> : vector<256xf32>
    %reduce_sum3A_21 = vector.multi_reduction <add>, %mul3A, %reduce_sum3A_20 [0] : vector<64x256xf32> to vector<256xf32>
    %broadcast_in_dim3A_22 = vector.shape_cast %reduce_sum3A_21 : vector<256xf32> to vector<1x256xf32>
    %div3A_23 = arith.constant 6.400000e+01 : f32
    %div3A_24 = vector.broadcast %div3A_23 : f32 to vector<1x256xf32>
    %div3A_25 = arith.divf %broadcast_in_dim3A_22, %div3A_24 : vector<1x256xf32>
    %mul3A_26 = arith.mulf %div3A_19, %div3A_19 : vector<1x256xf32>
    %sub3A = arith.subf %div3A_25, %mul3A_26 : vector<1x256xf32>
    %sub3A_27 = vector.broadcast %div3A_19 : vector<1x256xf32> to vector<64x256xf32>
    %sub3A_28 = arith.subf %add3A_14, %sub3A_27 : vector<64x256xf32>
    %add3A_29 = arith.constant 9.99999974E-6 : f32
    %add3A_30 = vector.broadcast %add3A_29 : f32 to vector<1x256xf32>
    %add3A_31 = arith.addf %sub3A, %add3A_30 : vector<1x256xf32>
    %rsqrt3A = math.rsqrt %add3A_31 : vector<1x256xf32>
    %mul3A_32 = vector.broadcast %rsqrt3A : vector<1x256xf32> to vector<64x256xf32>
    %mul3A_33 = arith.mulf %sub3A_28, %mul3A_32 : vector<64x256xf32>
    %get3A_34 = arith.constant 0 : index
    %get3A_35 = vector.load %arg4[%get3A_34] : memref<256xf32, #tpu.memory_space<vmem>>, vector<256xf32>
    %broadcast_in_dim3A_36 = vector.shape_cast %get3A_35 : vector<256xf32> to vector<1x256xf32>
    %mul3A_37 = vector.broadcast %broadcast_in_dim3A_36 : vector<1x256xf32> to vector<64x256xf32>
    %mul3A_38 = arith.mulf %mul3A_33, %mul3A_37 : vector<64x256xf32>
    %get3A_39 = arith.constant 0 : index
    %get3A_40 = vector.load %arg5[%get3A_39] : memref<256xf32, #tpu.memory_space<vmem>>, vector<256xf32>
    %broadcast_in_dim3A_41 = vector.shape_cast %get3A_40 : vector<256xf32> to vector<1x256xf32>
    %add3A_42 = vector.broadcast %broadcast_in_dim3A_41 : vector<1x256xf32> to vector<64x256xf32>
    %add3A_43 = arith.addf %mul3A_38, %add3A_42 : vector<64x256xf32>
    %tanh3A = math.tanh %add3A_43 : vector<64x256xf32>
    %get3A_44 = arith.constant 0 : index
    %get3A_45 = arith.constant 0 : index
    %get3A_46 = vector.load %arg6[%get3A_44, %get3A_45] : memref<256x10xf32, #tpu.memory_space<vmem>>, vector<256x10xf32>
    %dot_general3A_47 = arith.constant dense<0.000000e+00> : vector<64x10xf32>
    %dot_general3A_48 = tpu.matmul %tanh3A, %get3A_46, %dot_general3A_47 {dimension_numbers = #tpu.dot_dimension_numbers<[1], [0], [0], [1], [0, 0, 1, 1], [], []>, transpose_lhs_hint = false} : vector<64x256xf32>, vector<256x10xf32>, vector<64x10xf32> -> vector<64x10xf32>
    %get3A_49 = arith.constant 0 : index
    %get3A_50 = vector.load %arg7[%get3A_49] : memref<10xf32, #tpu.memory_space<vmem>>, vector<10xf32>
    %broadcast_in_dim3A_51 = vector.shape_cast %get3A_50 : vector<10xf32> to vector<1x10xf32>
    %add3A_52 = vector.broadcast %broadcast_in_dim3A_51 : vector<1x10xf32> to vector<64x10xf32>
    %add3A_53 = arith.addf %dot_general3A_48, %add3A_52 : vector<64x10xf32>
    %reduce_sum3A_54 = arith.constant dense<0.000000e+00> : vector<10xf32>
    %reduce_sum3A_55 = vector.multi_reduction <add>, %add3A_53, %reduce_sum3A_54 [0] : vector<64x10xf32> to vector<10xf32>
    %broadcast_in_dim3A_56 = vector.shape_cast %reduce_sum3A_55 : vector<10xf32> to vector<1x10xf32>
    %div3A_57 = arith.constant 6.400000e+01 : f32
    %div3A_58 = vector.broadcast %div3A_57 : f32 to vector<1x10xf32>
    %div3A_59 = arith.divf %broadcast_in_dim3A_56, %div3A_58 : vector<1x10xf32>
    %mul3A_60 = arith.mulf %add3A_53, %add3A_53 : vector<64x10xf32>
    %reduce_sum3A_61 = arith.constant dense<0.000000e+00> : vector<10xf32>
    %reduce_sum3A_62 = vector.multi_reduction <add>, %mul3A_60, %reduce_sum3A_61 [0] : vector<64x10xf32> to vector<10xf32>
    %broadcast_in_dim3A_63 = vector.shape_cast %reduce_sum3A_62 : vector<10xf32> to vector<1x10xf32>
    %div3A_64 = arith.constant 6.400000e+01 : f32
    %div3A_65 = vector.broadcast %div3A_64 : f32 to vector<1x10xf32>
    %div3A_66 = arith.divf %broadcast_in_dim3A_63, %div3A_65 : vector<1x10xf32>
    %mul3A_67 = arith.mulf %div3A_59, %div3A_59 : vector<1x10xf32>
    %sub3A_68 = arith.subf %div3A_66, %mul3A_67 : vector<1x10xf32>
    %sub3A_69 = vector.broadcast %div3A_59 : vector<1x10xf32> to vector<64x10xf32>
    %sub3A_70 = arith.subf %add3A_53, %sub3A_69 : vector<64x10xf32>
    %add3A_71 = arith.constant 9.99999974E-6 : f32
    %add3A_72 = vector.broadcast %add3A_71 : f32 to vector<1x10xf32>
    %add3A_73 = arith.addf %sub3A_68, %add3A_72 : vector<1x10xf32>
    %rsqrt3A_74 = math.rsqrt %add3A_73 : vector<1x10xf32>
    %mul3A_75 = vector.broadcast %rsqrt3A_74 : vector<1x10xf32> to vector<64x10xf32>
    %mul3A_76 = arith.mulf %sub3A_70, %mul3A_75 : vector<64x10xf32>
    %get3A_77 = arith.constant 0 : index
    %get3A_78 = vector.load %arg8[%get3A_77] : memref<10xf32, #tpu.memory_space<vmem>>, vector<10xf32>
    %broadcast_in_dim3A_79 = vector.shape_cast %get3A_78 : vector<10xf32> to vector<1x10xf32>
    %mul3A_80 = vector.broadcast %broadcast_in_dim3A_79 : vector<1x10xf32> to vector<64x10xf32>
    %mul3A_81 = arith.mulf %mul3A_76, %mul3A_80 : vector<64x10xf32>
    %get3A_82 = arith.constant 0 : index
    %get3A_83 = vector.load %arg9[%get3A_82] : memref<10xf32, #tpu.memory_space<vmem>>, vector<10xf32>
    %broadcast_in_dim3A_84 = vector.shape_cast %get3A_83 : vector<10xf32> to vector<1x10xf32>
    %add3A_85 = vector.broadcast %broadcast_in_dim3A_84 : vector<1x10xf32> to vector<64x10xf32>
    %add3A_86 = arith.addf %mul3A_81, %add3A_85 : vector<64x10xf32>
    %reduce_max3A = arith.constant dense<0xFF800000> : vector<64xf32>
    %reduce_max3A_87 = vector.multi_reduction <maximumf>, %add3A_86, %reduce_max3A [1] : vector<64x10xf32> to vector<64xf32>
    %broadcast_in_dim3A_88 = vector.shape_cast %reduce_max3A_87 : vector<64xf32> to vector<64x1xf32>
    %sub3A_89 = vector.broadcast %broadcast_in_dim3A_88 : vector<64x1xf32> to vector<64x10xf32>
    %sub3A_90 = arith.subf %add3A_86, %sub3A_89 : vector<64x10xf32>
    %exp3A = math.exp %sub3A_90 : vector<64x10xf32>
    %reduce_sum3A_91 = arith.constant dense<0.000000e+00> : vector<64xf32>
    %reduce_sum3A_92 = vector.multi_reduction <add>, %exp3A, %reduce_sum3A_91 [1] : vector<64x10xf32> to vector<64xf32>
    %broadcast_in_dim3A_93 = vector.shape_cast %reduce_sum3A_92 : vector<64xf32> to vector<64x1xf32>
    %log3A = math.log %broadcast_in_dim3A_93 : vector<64x1xf32>
    %sub3A_94 = vector.broadcast %log3A : vector<64x1xf32> to vector<64x10xf32>
    %sub3A_95 = arith.subf %sub3A_90, %sub3A_94 : vector<64x10xf32>
    %swap3A = arith.constant 0 : index
    %swap3A_96 = arith.constant 0 : index
    %swap3A_97 = vector.load %arg10[%swap3A, %swap3A_96] : memref<64x10xf32, #tpu.memory_space<vmem>>, vector<64x10xf32>
    tpu.vector_store %arg10[%swap3A, %swap3A_96], %sub3A_95 {strides = array<i32>} : memref<64x10xf32, #tpu.memory_space<vmem>>, vector<64x10xf32>,
    return
  }
}

</mosaic_0001>

<sc_bundles>
// kernel: kernel.11.cloned.1.call-start
scs
__scs_entry_jumppad:
0x0: {  	(pc) =	sbr.rel $0x88, $3  }
0x1: {  	(tag) =	ssettag $0x0;
	lr =	simm.s32 $0x1  }
0x2: {  	[smem:$0x3F8E] =	sst lr;
	_ =	strace $0xD0000000  }
0x3: {  	_ = 	snop  }
0x4: {  	_ = 	snop  }
0x5: {  	_ = 	snop  }
0x6: {  	_ = 	snop  }
0x7: {  	_ = 	snop  }
__scs_overlays_trampoline_lowered:
0x8: {  	[smem:$0x3F9D] =	sst s0  }
0x9: {  	[smem:$0x3F9E] =	sst s1  }
0xa: {  	[smem:$0x3F9F] =	sst s2  }
0xb: {  	[smem:$0x3FA0] =	sst s3  }
0xc: {  	[smem:$0x3FA1] =	sst s4  }
0xd: {  	[smem:$0x3FA2] =	sst s5  }
0xe: {  	[smem:$0x3FA3] =	sst s6  }
0xf: {  	[smem:$0x3FA4] =	sst s7  }
0x10: {  	[smem:$0x3FA5] =	sst s8  }
0x11: {  	[smem:$0x3FA6] =	sst s9;
	s0 =	simm.s32 @!p0 $0x0  }
0x12: {  	s1 =	sld [smem:$0x3F8C];
	s0 =	simm.s32 @p0 $0x1  }
0x13: {  	[smem:$0x3FA7] =	sst s0;
	s0 =	simm.s32 @!p1 $0x0  }
0x14: {  	s2 =	sld [smem:$0x3F8B];
	s0 =	simm.s32 @p1 $0x1  }
0x15: {  	[smem:$0x3FA8] =	sst s0;
	s0 =	simm.s32 @!p2 $0x0  }
0x16: {  	s3 =	sld [smem:$0x3FDB];
	s0 =	simm.s32 @p2 $0x1  }
0x17: {  	s4 =	simm.s32 $0x1BF5;
	[smem:$0x3FAA] =	sst s0  }
0x18: {  	s0 =	sld [smem:$0x3F8D];
	_ =	swait.ge [sflag:s4], $0x0  }
0x19: {  	s7 =	sld [smem:$0x3F8E]  }
0x1a: {  	s8 =	sadd.s32 $0xFFFFE003, lr  }
0x1b: {  	s9 =	sadd.s32 $0xFFFFFEF7, lr;
	s5 =	simm.s32 $0xFFFFFFFF;
	p2 =	slt.u32 s8, $0xFFFFF086  }
0x1c: {  	p1 =	slt.u32 s9, $0xF7A;
	s5 =	simm.s32 @!p2 $0x0  }
0x1d: {  	s5 =	simm.s32 @p1 $0x1;
	p0 =	seq.s32 s7, s2  }
0x1e: {  	s7 =	smul.u32 @!p0 $0xF7A, s2;
	p2 =	seq.s32 @!p0 s5, $0x0  }
0x1f: {  	s9 =	smul.u32 $0xF7A, s1;
	s8 =	simm.s32 @!p0 $0x1BF5;
	p2 =	por !p2, p0  }
0x20: {  	[sflag:s8] =	ssyncset.s32 @!p0 $0xFFFFF086;
	s6 =	sadd.s32 @!p0 s3, s7;
	s7 =	simm.s32 @!p0 $0x108  }
0x21: {  	s3 =	sadd.s32 s3, s9;
	s6 =	sadd.s32 @!p0 $0x88, s6;
	s7 =	simm.s32 @p2 $0x1082  }
0x22: {  	[simem:s7], [sflag:s8] =	dma.local @!p0 [hbm:s6], $0xF7A  }
0x23: {  	s9 =	sor.u32 $0xD0000000, s2;
	s6 =	simm.s32 $0x108;
	_ =	swait.ge @!p0 [sflag:s8], $0x0  }
0x24: {  	s3 =	sadd.s32 $0x88, s3;
	s6 =	simm.s32 @!p1 $0x1082;
	[sflag:s4] =	ssyncset.s32 $0xFFFFF086  }
0x25: {  	[simem:s6], [sflag:s4] =	dma.local [hbm:s3], $0xF7A  }
0x26: {  	[smem:$0x3F8E] =	sst s1;
	(tag) =	ssettag s2;
	_ =	strace s9  }
0x27: {  	s1 =	sld [smem:$0x3F9E]  }
0x28: {  	s2 =	sld [smem:$0x3F9F]  }
0x29: {  	s4 =	sld [smem:$0x3FA1]  }
0x2a: {  	p0 =	seq.s32 s5, $0x0;
	s5 =	sld [smem:$0x3FA2]  }
0x2b: {  	s6 =	sld [smem:$0x3FA3]  }
0x2c: {  	s7 =	sld [smem:$0x3FA4]  }
0x2d: {  	s3 =	simm.s32 $0x108;
	s8 =	sld [smem:$0x3FA5]  }
0x2e: {  	s3 =	simm.s32 @!p0 $0x1082;
	s9 =	sld [smem:$0x3FA6]  }
0x2f: {  	lr =	sadd.s32 s0, s3;
	s0 =	sld [smem:$0x3F9D]  }
0x30: {  	s3 =	sld [smem:$0x3FA0]  }
0x31: {  	[smem:$0x3FA9] =	sst s10  }
0x32: {  	s10 =	sld [smem:$0x3FA7];
	_ =	sdelay $0x3  }
0x33: {  	p0 =	seq.s32 s10, $0x1;
	s10 =	sld [smem:$0x3FA9];
	_ =	sdelay $0x3  }
0x34: {  	[smem:$0x3FA9] =	sst s10  }
0x35: {  	s10 =	sld [smem:$0x3FA8];
	_ =	sdelay $0x3  }
0x36: {  	p1 =	seq.s32 s10, $0x1;
	s10 =	sld [smem:$0x3FA9];
	_ =	sdelay $0x3  }
0x37: {  	[smem:$0x3FA9] =	sst s10  }
0x38: {  	s10 =	sld [smem:$0x3FAA]  }
0x39: {  	_ = 	snop;
	(pc) =	sbr.ind lr, $3  }
0x3a: {  	_ = 	snop  }
0x3b: {  	_ = 	snop  }
0x3c: {  	p2 =	seq.s32 s10, $0x1;
	s10 =	sld [smem:$0x3FA9]  }
0x3d: {  	_ =	shalt  }
0x3e: {  	_ =	shalt  }
0x3f: {  	_ =	shalt  }
0x40: {  	_ =	shalt  }
0x41: {  	_ =	shalt  }
0x42: {  	_ =	shalt  }
0x43: {  	_ =	shalt  }
0x44: {  	_ =	shalt  }
0x45: {  	_ =	shalt  }
0x46: {  	_ =	shalt  }
0x47: {  	_ =	shalt  }
0x48: {  	_ =	shalt  }
0x49: {  	_ =	shalt  }
0x4a: {  	_ =	shalt  }
0x4b: {  	_ =	shalt  }
0x4c: {  	_ =	shalt  }
0x4d: {  	_ =	shalt  }
0x4e: {  	_ =	shalt  }
0x4f: {  	_ =	shalt  }
0x50: {  	_ =	shalt  }
0x51: {  	_ =	shalt  }
0x52: {  	_ =	shalt  }
0x53: {  	_ =	shalt  }
0x54: {  	_ =	shalt  }
0x55: {  	_ =	shalt  }
0x56: {  	_ =	shalt  }
0x57: {  	_ =	shalt  }
0x58: {  	_ =	shalt  }
0x59: {  	_ =	shalt  }
0x5a: {  	_ =	shalt  }
0x5b: {  	_ =	shalt  }
0x5c: {  	_ =	shalt  }
0x5d: {  	_ =	shalt  }
0x5e: {  	_ =	shalt  }
0x5f: {  	_ =	shalt  }
0x60: {  	_ =	shalt  }
0x61: {  	_ =	shalt  }
0x62: {  	_ =	shalt  }
0x63: {  	_ =	shalt  }
0x64: {  	_ =	shalt  }
0x65: {  	_ =	shalt  }
0x66: {  	_ =	shalt  }
0x67: {  	_ =	shalt  }
0x68: {  	_ =	shalt  }
0x69: {  	_ =	shalt  }
0x6a: {  	_ =	shalt  }
0x6b: {  	_ =	shalt  }
0x6c: {  	_ =	shalt  }
0x6d: {  	_ =	shalt  }
0x6e: {  	_ =	shalt  }
0x6f: {  	_ =	shalt  }
0x70: {  	_ =	shalt  }
0x71: {  	_ =	shalt  }
0x72: {  	_ =	shalt  }
0x73: {  	_ =	shalt  }
0x74: {  	_ =	shalt  }
0x75: {  	_ =	shalt  }
0x76: {  	_ =	shalt  }
0x77: {  	_ =	shalt  }
0x78: {  	_ =	shalt  }
0x79: {  	_ =	shalt  }
0x7a: {  	_ =	shalt  }
0x7b: {  	_ =	shalt  }
0x7c: {  	_ =	shalt  }
0x7d: {  	_ =	shalt  }
0x7e: {  	_ =	shalt  }
0x7f: {  	_ =	shalt  }
0x80: {  	_ =	shalt  }
0x81: {  	_ =	shalt  }
0x82: {  	_ =	shalt  }
0x83: {  	_ =	shalt  }
0x84: {  	_ =	shalt  }
0x85: {  	_ =	shalt  }
0x86: {  	_ =	shalt  }
0x87: {  	_ =	shalt  }
.Lfunc_end0:
.L_simem_size_0:
called_computation_lowered:
.L_overlay_start_0:
0x88: {  	s2 =	sld [smem:$0x3FD9]  }
0x89: {  	s3 =	sld [smem:$0x3FFE];
	_ =	sdelay $0x1  }
0x8a: {  	s1 =	srdreg.scid  }
0x8b: {  	s0 =	sand.u32 $0x1, s1  }
0x8c: {  	s16 =	sshll.u32 s0, $0xA;
	s2 =	sadd.s32 s3, s2  }
0x8d: {  	s2 =	sadd.s32 s2, s16  }
0x8e: {  	[smem:$0x3FB5] =	sst s2  }
0x8f: {  	_ = 	snop  }
0x90: {  	(tm) =	ssettm $0x1  }
0x91: {  	s17 =	sld [smem:$0x3FFB];
	_ =	sdelay $0x3  }
0x92: {  	_ =	strace s17  }
0x93: {  	s2 =	sld [smem:$0x3FFC];
	_ =	sdelay $0x3  }
0x94: {  	_ =	strace s2  }
0x95: {  	s2 =	sld [smem:$0x3FFD];
	_ =	sdelay $0x3  }
0x96: {  	_ =	strace s2  }
0x97: {  	_ =	strace $0x8FFFFFFF  }
0x98: {  	s18 =	sld [smem:$0x3FDB];
	_ =	sdelay $0x1  }
0x99: {  	s19 =	simm.s32 $_scs_section_size  }
0x9a: {  	s4 =	simm.s32 $_size__tile_overlayer_lowered;
	s5 =	simm.s32 $_tile_overlayer_lowered  }
0x9b: {  	s22 =	simm.s32 $0x1BFF;
	s21 =	sshll.u32 s5, $0x1;
	s2 =	sadd.s32 s19, s18  }
0x9c: {  	s6 =	simm.s32 $0x0;
	s20 =	sshll.u32 s4, $0x1;
	s4 =	sadd.s32 s21, s2  }
0x9d: {  	[timem:s6], [sflag:s22] =	dma.local [hbm:s4], s20  }
0x9e: {  	_ =	swait.ge [sflag:s22], s20  }
0x9f: {  	s3 =	ssub.s32 $0x0, s20;
	[sflag:s22] =	ssyncset.done $0x0  }
0xa0: {  	[sflag:s22] =	ssyncadd.s32 s3;
	_ =	sdelay $0x1  }
0xa1: {  	s23 =	simm.s32 $0x1B8B  }
0xa2: {  	_ =	swait.ge [sflag:s23], $0x1  }
0xa3: {  	[sflag:s23] =	ssyncset.done $0x0  }
0xa4: {  	s25 =	simm.s32 $0x1B8E;
	s24 =	sld [smem:$0x3FFE];
	[sflag:s23] =	ssyncadd.s32 $0xFFFFFFFF  }
0xa5: {  	s26 =	simm.s32 $execute0_lowered;
	[smem:$0x3FD2] =	sst s25  }
0xa6: {  	s4 =	sshll.u32 s26, $0x1;
	_ =	strace $0x80000046;
	[dreg:$0x1] =	wrdreg $0xFFFFFFFF  }
0xa7: {  	s28 =	simm.s32 $_size_execute0_lowered;
	s2 =	sadd.s32 s2, s4;
	[dreg:$0x0] =	wrdreg $0x0  }
0xa8: {  	s4 =	sshll.u32 s28, $0x1;
	[dreg:$0x2] =	wrdreg s2  }
0xa9: {  	[dreg:$0x3] =	wrdreg s4  }
0xaa: {  	[dreg:$0x4] =	wrdreg $0xC0  }
0xab: {  	_ =	task [dreg:s6], $0x5FFFF  }
0xac: {  	[dreg:$0x1] =	wrdreg $0xFFFFFFFF  }
0xad: {  	[dreg:$0x0] =	wrdreg $0x60  }
0xae: {  	[dreg:$0x2] =	wrdreg s24  }
0xaf: {  	[dreg:$0x3] =	wrdreg $0x64000  }
0xb0: {  	[dreg:$0x4] =	wrdreg $0x9  }
0xb1: {  	_ =	task.clear_ibuf [dreg:s6], $0x5FFFF;
	_ =	strace $0x90000046  }
0xb2: {  	s29 =	simm.s32 $0x9;
	_ =	strace $0x80000048  }
0xb3: {  	_ =	swait.ge [sflag:s29], $0x1  }
0xb4: {  	[sflag:s29] =	ssyncadd.s32 $0xFFFFFFFF  }
0xb5: {  	_ =	strace $0x90000048  }
0xb6: {  	_ =	sfence  }
0xb7: {  	s30 =	sld [smem:$0x0];
	_ =	sdelay $0x2  }
0xb8: {  	s31 =	sshll.u32 s1, $0xD;
	s1 =	sshrl.u32 s1, $0x2  }
0xb9: {  	s3 =	sand.u32 $0x4000, s31;
	s1 =	sadd.s32 s1, s30  }
0xba: {  	s0 =	sor.u32 s3, s0;
	s1 =	sshll.u32 s1, $0x11  }
0xbb: {  	s0 =	sor.u32 s1, s0  }
0xbc: {  	s0 =	sadd.s32 $0x8F2B, s0  }
0xbd: {  	[sflag:s0] =	ssyncadd.remote.s32 $0x1  }
0xbe: {  	_ =	sfence.sel $0xFFFF  }
0xbf: {  	[dreg:$0x0] =	wrdreg $0xFFFFFFFF;
	(pc) =	sbr.abs _section_cstart, $3  }
0xc0: {  	[dreg:$0x1] =	wrdreg $0xFFFFFFFF  }
0xc1: {  	_ =	task.clear_ibuf [dreg:s6], $0x2FFFF;
	_ =	strace $0x9FFFFFFF  }
0xc2: {  	(tm) =	ssettm $0x7FFFFFFF  }
0xc3: {  	_ =	shalt  }
tec
execute0_lowered:
.L_overlay_start_1:
0x0: {  	(tag) =	ssettag $0x1  }
0x1: {  	s3 =	rddreg [dreg:$0x0]  }
0x2: {  	s5 =	rddreg [dreg:$0x1]  }
0x3: {  	s1 =	stileid.u32;
	s0 =	rddreg [dreg:$0x2];
	s2 =	simm.s32 $0x0  }
0x4: {  	s6 =	srdreg.scid;
	s11 =	simm.s32 $0x14000;
	s15 =	simm.s32 $0x4000  }
0x5: {  	s17 =	simm.s32 $0x4400;
	s19 =	simm.s32 $0x4800;
	s20 =	simm.s32 $0x4C00  }
0x6: {  	s21 =	simm.s32 $0x0;
	s4 =	smul.u32 $0x500, s1;
	[smem:$0x7FF] =	sst s2  }
0x7: {  	s6 =	sand.u32 $0x1, s6;
	s9 =	sshrl.u32 s1, $0x3;
	s29 =	smul.u32 $0x5000, s1  }
0x8: {  	s30 =	sshll.u32 s1, $0x7;
	s13 =	smul.u32 $0xA0, s1;
	_ =	strace $0x80000047  }
0x9: {  	s7 =	ssub.s32 $0x2, s6;
	s8 =	smul.u32 $0x280, s6;
	s6 =	sshll.u32 s6, $0x4  }
0xa: {  	s9 =	smul.u32 $0x50000, s9;
	s4 =	sadd.s32 s4, s3;
	s10 =	sshrl.u32 s7, $0x1  }
0xb: {  	s6 =	sadd.s32 s6, s3;
	s31 =	sshrl.u32 s29, $0x2;
	s7 =	ssub.s32 s7, s10  }
0xc: {  	s4 =	sadd.s32 s8, s4;
	s9 =	sshrl.u32 s9, $0x2;
	s8 =	sand.u32 $0x380, s30  }
0xd: {  	s12 =	sadd.s32 $0x8000, s6;
	s10 =	simm.s32 $0x400;
	s9 =	sadd.s32 s9, s5  }
0xe: {  	s3 =	sadd.s32 $0x3000, s4;
	s5 =	sadd.s32 s31, s5;
	s6 =	smax.u32 s7, $0x1  }
0xf: {  	s7 =	simm.s32 $0x1;
	s12 =	sadd.s32 s13, s12;
	s13 =	simm.s32 $0x3C00  }
0x10: {  	s4 =	sadd.s32 s8, s9;
	s8 =	simm.s32 $0x1400;
	s9 =	simm.s32 $0x80  }
0x11: {  	v0 =	vimm.f32 $0.0e+00;
	v1 =	vimm.f32 $1.000000000e+00;
	s14 =	sadd.s32 $0x20, s12;
	s16 =	sadd.s32 $0x40, s12;
	s18 =	sadd.s32 $0x60, s12  }
.LBB2_1:
0x12: {  	[tilespmem:s2], [sflag:$0x1] =	stream.linear.gather [hbm4b:s3+s2], $0x1400, $0x38;
	[tilespmem:$0x8C00] =	vst v63  }
0x13: {  	_ =	swait.ge [sflag:s7], $0x1400  }
0x14: {  	[sflag:s7] =	ssyncset.done $0x0  }
0x15: {  	s22 =	simm.s32 $0x0;
	[sflag:s7] =	ssyncadd.s32 $0xFFFFEC00  }
.LBB2_2:
0x16: {  	p0 =	sne.s32 s22, $0x9FC0  }
.Ltmp0:
0x17: {  	_ = 	snop;
	(pc) =	sbr.rel @p0 .LBB2_2-.Ltmp0, $3  }
0x18: {  	_ =	sdelay $0x1  }
0x19: {  	s23 =	sshra.s32 s22, $0x2  }
0x1a: {  	s22 =	sadd.s32 $0x40, s22;
	[tilespmem:s23+$0x1400] =	vst v0  }
0x1b: {  	s22 =	simm.s32 $0x1C0  }
.LBB2_4:
0x1c: {  	s23 =	sshra.s32 s22, $0x2  }
0x1d: {  	v2 =	vld [tilespmem:s23+$0xFFFFFF90];
	_ =	sdelay $0x7  }
0x1e: {  	[tilespmem:v2+s8+$0x0] =	vst.idx.add.f32.msk $0xffff, v1  }
0x1f: {  	v2 =	vld [tilespmem:s23+$0xFFFFFFA0];
	_ =	sdelay $0x7  }
0x20: {  	[tilespmem:v2+s8+$0x0] =	vst.idx.add.f32.msk $0xffff, v1  }
0x21: {  	v2 =	vld [tilespmem:s23+$0xFFFFFFB0];
	_ =	sdelay $0x7  }
0x22: {  	[tilespmem:v2+s8+$0x0] =	vst.idx.add.f32.msk $0xffff, v1  }
0x23: {  	v2 =	vld [tilespmem:s23+$0xFFFFFFC0];
	_ =	sdelay $0x7  }
0x24: {  	[tilespmem:v2+s8+$0x0] =	vst.idx.add.f32.msk $0xffff, v1  }
0x25: {  	v2 =	vld [tilespmem:s23+$0xFFFFFFD0];
	_ =	sdelay $0x7  }
0x26: {  	[tilespmem:v2+s8+$0x0] =	vst.idx.add.f32.msk $0xffff, v1  }
0x27: {  	v2 =	vld [tilespmem:s23+$0xFFFFFFE0];
	_ =	sdelay $0x7  }
0x28: {  	[tilespmem:v2+s8+$0x0] =	vst.idx.add.f32.msk $0xffff, v1  }
0x29: {  	v2 =	vld [tilespmem:s23+$0xFFFFFFF0];
	_ =	sdelay $0x7  }
0x2a: {  	[tilespmem:v2+s8+$0x0] =	vst.idx.add.f32.msk $0xffff, v1  }
0x2b: {  	v2 =	vld [tilespmem:s23+$0x0];
	_ =	sdelay $0x2  }
0x2c: {  	p0 =	sne.s32 s22, $0x4FC0  }
.Ltmp1:
0x2d: {  	_ = 	snop;
	(pc) =	sbr.rel @p0 .LBB2_4-.Ltmp1, $2  }
0x2e: {  	_ =	sdelay $0x2  }
0x2f: {  	s22 =	sadd.s32 $0x200, s22;
	[tilespmem:v2+s8+$0x0] =	vst.idx.add.f32.msk $0xffff, v1  }
0x30: {  	[spmem:s4] =	stream.strided.scatter [tilespmem:s8], [sflag:$0x1], $0x2800, s10, s9, $0x38;
	[tilespmem:$0x8C00] =	vst v63  }
0x31: {  	_ =	swait.ge [sflag:s7], $0x2800  }
0x32: {  	[sflag:s7] =	ssyncset.done $0x0  }
0x33: {  	[sflag:s7] =	ssyncadd.s32 $0xFFFFD800  }
0x34: {  	[bflag:$0x0] =	sbarrier.arrive $0xFFFF  }
0x35: {  	[tilespmem:s13], [sflag:$0x1] =	stream.strided.gather [spmem:s5], $0x2800, s11, s8, $0x38;
	[tilespmem:$0x8C00] =	vst v63  }
0x36: {  	s23 =	simm.s32 $0x0;
	_ =	swait.ge [sflag:s7], $0x2800  }
0x37: {  	s22 =	sand.u32 $0x70, s23;
	s24 =	sand.u32 $0x1C00, s23;
	[sflag:s7] =	ssyncset.done $0x0  }
0x38: {  	s22 =	sor.u32 s22, s24;
	[sflag:s7] =	ssyncadd.s32 $0xFFFFD800  }
0x39: {  	v2 =	vld [tilespmem:s22+$0x3C80]  }
0x3a: {  	v3 =	vld [tilespmem:s22+$0x3C00];
	_ =	sdelay $0x1  }
0x3b: {  	v4 =	vld [tilespmem:s22+$0x3D00];
	_ =	sdelay $0x1  }
0x3c: {  	v5 =	vld [tilespmem:s22+$0x3D80]  }
0x3d: {  	v2 =	vadd.f32 v2, v3  }
0x3e: {  	v3 =	vld [tilespmem:s22+$0x3E00]  }
0x3f: {  	v2 =	vadd.f32 v4, v2  }
0x40: {  	v56 =	vld [tilespmem:s22+$0x3E80]  }
0x41: {  	v2 =	vadd.f32 v5, v2  }
0x42: {  	s23 =	sor.u32 s23, s23;
	v57 =	vld [tilespmem:s22+$0x3F00]  }
0x43: {  	s23 =	sor.u32 $0x380, s23;
	v2 =	vadd.f32 v3, v2  }
0x44: {  	v3 =	vld [tilespmem:s23+$0x3C00]  }
0x45: {  	v2 =	vadd.f32 v56, v2  }
0x46: {  	v58 =	vld [tilespmem:s22+$0x5000]  }
0x47: {  	v2 =	vadd.f32 v57, v2  }
0x48: {  	v59 =	vld [tilespmem:s22+$0x5080]  }
0x49: {  	v2 =	vadd.f32 v3, v2  }
0x4a: {  	v3 =	vld [tilespmem:s22+$0x5100]  }
0x4b: {  	v2 =	vadd.f32 v58, v2  }
0x4c: {  	v60 =	vld [tilespmem:s22+$0x5180]  }
0x4d: {  	v2 =	vadd.f32 v59, v2  }
0x4e: {  	v61 =	vld [tilespmem:s22+$0x5200]  }
0x4f: {  	v2 =	vadd.f32 v3, v2  }
0x50: {  	v3 =	vld [tilespmem:s22+$0x5280]  }
0x51: {  	v2 =	vadd.f32 v60, v2  }
0x52: {  	v62 =	vld [tilespmem:s22+$0x5300]  }
0x53: {  	v2 =	vadd.f32 v61, v2  }
0x54: {  	v63 =	vld [tilespmem:s22+$0x5380]  }
0x55: {  	v2 =	vadd.f32 v3, v2;
	_ =	sdelay $0x1  }
0x56: {  	v2 =	vadd.f32 v62, v2  }
0x57: {  	s24 =	simm.s32 $0x80;
	s23 =	simm.s32 $0x10  }
0x58: {  	s26 =	sand.u32 $0x1C00, s24;
	s25 =	sand.u32 $0x70, s23;
	v2 =	vadd.f32 v63, v2  }
0x59: {  	s26 =	sor.u32 s25, s26;
	s25 =	simm.s32 $0x20  }
.LBB2_6:
0x5a: {  	p0 =	sne.s32 s25, $0x270;
	v3 =	vld [tilespmem:s26+$0x3C80];
	[tilespmem:s22+$0x3C00] =	vst v2;
	s22 =	smov.u32 s26  }
0x5b: {  	v2 =	vld [tilespmem:s22+$0x3C00];
	_ =	sdelay $0x1  }
0x5c: {  	v4 =	vld [tilespmem:s22+$0x3D00];
	_ =	sdelay $0x1  }
0x5d: {  	v5 =	vld [tilespmem:s22+$0x3D80]  }
0x5e: {  	v2 =	vadd.f32 v3, v2  }
0x5f: {  	v3 =	vld [tilespmem:s22+$0x3E00]  }
0x60: {  	v2 =	vadd.f32 v4, v2  }
0x61: {  	v4 =	vld [tilespmem:s22+$0x3E80]  }
0x62: {  	v2 =	vadd.f32 v5, v2  }
0x63: {  	s26 =	sor.u32 s24, s23;
	s23 =	smov.u32 s25;
	v5 =	vld [tilespmem:s22+$0x3F00]  }
0x64: {  	s26 =	sor.u32 $0x380, s26;
	v2 =	vadd.f32 v3, v2  }
0x65: {  	v3 =	vld [tilespmem:s26+$0x3C00]  }
0x66: {  	v2 =	vadd.f32 v4, v2  }
0x67: {  	v4 =	vld [tilespmem:s22+$0x5000]  }
0x68: {  	v2 =	vadd.f32 v5, v2  }
0x69: {  	v5 =	vld [tilespmem:s22+$0x5080]  }
0x6a: {  	v2 =	vadd.f32 v3, v2  }
0x6b: {  	v3 =	vld [tilespmem:s22+$0x5100]  }
0x6c: {  	v2 =	vadd.f32 v4, v2  }
0x6d: {  	v4 =	vld [tilespmem:s22+$0x5180]  }
0x6e: {  	v2 =	vadd.f32 v5, v2  }
0x6f: {  	v5 =	vld [tilespmem:s22+$0x5200]  }
0x70: {  	v2 =	vadd.f32 v3, v2  }
0x71: {  	v3 =	vld [tilespmem:s22+$0x5280]  }
0x72: {  	v2 =	vadd.f32 v4, v2  }
0x73: {  	v4 =	vld [tilespmem:s22+$0x5300]  }
0x74: {  	v2 =	vadd.f32 v5, v2  }
0x75: {  	v5 =	vld [tilespmem:s22+$0x5380]  }
0x76: {  	v2 =	vadd.f32 v3, v2  }
.Ltmp2:
0x77: {  	(pc) =	sbr.rel @p0 .LBB2_6-.Ltmp2, $4  }
0x78: {  	v2 =	vadd.f32 v4, v2  }
0x79: {  	s24 =	sadd.s32 $0x80, s24  }
0x7a: {  	s28 =	sand.u32 $0x1C00, s24;
	s26 =	sand.u32 $0x70, s25;
	v2 =	vadd.f32 v5, v2  }
0x7b: {  	s25 =	sadd.s32 $0x10, s25;
	s26 =	sor.u32 s26, s28  }
0x7c: {  	v3 =	vld [tilespmem:s26+$0x3C80];
	[tilespmem:s22+$0x3C00] =	vst v2  }
0x7d: {  	v2 =	vld [tilespmem:s26+$0x3C00];
	_ =	sdelay $0x1  }
0x7e: {  	v4 =	vld [tilespmem:s26+$0x3D00];
	_ =	sdelay $0x1  }
0x7f: {  	v5 =	vld [tilespmem:s26+$0x3D80]  }
0x80: {  	v2 =	vadd.f32 v3, v2  }
0x81: {  	v3 =	vld [tilespmem:s26+$0x3E00]  }
0x82: {  	v2 =	vadd.f32 v4, v2  }
0x83: {  	v56 =	vld [tilespmem:s26+$0x3E80]  }
0x84: {  	v2 =	vadd.f32 v5, v2  }
0x85: {  	v57 =	vld [tilespmem:s26+$0x3F00];
	s30 =	sor.u32 s24, s23  }
0x86: {  	s22 =	sor.u32 $0x380, s30;
	v2 =	vadd.f32 v3, v2  }
0x87: {  	v3 =	vld [tilespmem:s22+$0x3C00]  }
0x88: {  	v2 =	vadd.f32 v56, v2  }
0x89: {  	v58 =	vld [tilespmem:s26+$0x5000]  }
0x8a: {  	v2 =	vadd.f32 v57, v2  }
0x8b: {  	v59 =	vld [tilespmem:s26+$0x5080]  }
0x8c: {  	v2 =	vadd.f32 v3, v2  }
0x8d: {  	v3 =	vld [tilespmem:s26+$0x5100]  }
0x8e: {  	v2 =	vadd.f32 v58, v2  }
0x8f: {  	v60 =	vld [tilespmem:s26+$0x5180]  }
0x90: {  	v2 =	vadd.f32 v59, v2  }
0x91: {  	v61 =	vld [tilespmem:s26+$0x5200]  }
0x92: {  	v2 =	vadd.f32 v3, v2  }
0x93: {  	v3 =	vld [tilespmem:s26+$0x5280]  }
0x94: {  	v2 =	vadd.f32 v60, v2  }
0x95: {  	v62 =	vld [tilespmem:s26+$0x5300]  }
0x96: {  	v2 =	vadd.f32 v61, v2  }
0x97: {  	v63 =	vld [tilespmem:s26+$0x5380]  }
0x98: {  	v2 =	vadd.f32 v3, v2;
	_ =	sdelay $0x1  }
0x99: {  	v2 =	vadd.f32 v62, v2;
	_ =	sdelay $0x1  }
0x9a: {  	v2 =	vadd.f32 v63, v2;
	_ =	sdelay $0x1  }
0x9b: {  	[tilespmem:s26+$0x3C00] =	vst v2  }
0x9c: {  	[hbm4b:s12+s2] =	stream.linear.scatter [tilespmem:s13], [sflag:$0x1], $0x80, $0x38;
	[tilespmem:$0x8C00] =	vst v63  }
0x9d: {  	_ = 	snop  }
0x9e: {  	[hbm4b:s14+s2] =	stream.linear.scatter [tilespmem:s15], [sflag:$0x1], $0x80, $0x38;
	[tilespmem:$0x8C00] =	vst v63  }
0x9f: {  	s21 =	sadd.s32 $0x1, s21  }
0xa0: {  	[hbm4b:s16+s2] =	stream.linear.scatter [tilespmem:s17], [sflag:$0x1], $0x80, $0x38;
	[tilespmem:$0x8C00] =	vst v63  }
0xa1: {  	p0 =	sne.s32 s21, s6  }
0xa2: {  	[hbm4b:s18+s2] =	stream.linear.scatter [tilespmem:s19], [sflag:$0x1], $0x80, $0x38;
	[tilespmem:$0x8C00] =	vst v63  }
.Ltmp3:
0xa3: {  	s31 =	sadd.s32 $0x80, s12;
	(pc) =	sbr.rel @p0 .LBB2_1-.Ltmp3, $4  }
0xa4: {  	[hbm4b:s31+s2] =	stream.linear.scatter [tilespmem:s20], [sflag:$0x1], $0x80, $0x38;
	[tilespmem:$0x8C00] =	vst v63  }
0xa5: {  	_ =	swait.ge [sflag:s7], $0x280  }
0xa6: {  	[sflag:s7] =	ssyncset.done $0x0  }
0xa7: {  	[sflag:s7] =	ssyncadd.s32 $0xFFFFFD80  }
0xa8: {  	_ =	sfence.sel $0x180000  }
0xa9: {  	[bflag:$0x0] =	sbarrier.arrive $0xFFFF  }
0xaa: {  	p0 =	sne.s32 s1, $0x0;
	_ =	strace $0x90000047  }
0xab: {  	s0 =	sadd.s32 @!p0 $0x100000, s0;
	[bflag:$0x2] =	sbarrier.arrive $0xFFFF  }
0xac: {  	[sflag:s0] =	ssyncadd.tile.s32 @!p0 $0x1;
	_ =	shalt  }
.Lfunc_end2:
_tile_overlayer_lowered:
.L_overlay_start_2:
0xad: {  	(tag) =	ssettag $0x2  }
0xae: {  	s0 =	rddreg [dreg:$0x0];
	s2 =	stileid.u32  }
0xaf: {  	s1 =	rddreg [dreg:$0x1];
	p0 =	sne.s32 s2, $0x0  }
0xb0: {  	s3 =	rddreg [dreg:$0x2];
	[bflag:$0x3] =	sbarrier.arrive $0xFFFF;
	s2 =	simm.s32 @!p0 $0x1C01  }
0xb1: {  	[timem:s3], [sflag:s2] =	dma.local @!p0 [hbm:s0], s1  }
0xb2: {  	s0 =	simm.s32 @!p0 $0x1  }
0xb3: {  	_ =	swait.ge @!p0 [sflag:s0], s1  }
0xb4: {  	s1 =	ssub.s32 @!p0 $0x0, s1;
	[sflag:s0] =	ssyncset.done @!p0 $0x0  }
0xb5: {  	[sflag:s0] =	ssyncadd.s32 @!p0 s1  }
0xb6: {  	[bflag:$0x3] =	sbarrier.arrive $0xFFFF  }
0xb7: {  	_ =	shalt  }

// kernel: kernel.14.cloned.1.call-start
scs
__scs_entry_jumppad:
0x0: {  	(pc) =	sbr.rel $0x88, $3  }
0x1: {  	(tag) =	ssettag $0x0;
	lr =	simm.s32 $0x1  }
0x2: {  	[smem:$0x3F8E] =	sst lr;
	_ =	strace $0xD0000000  }
0x3: {  	_ = 	snop  }
0x4: {  	_ = 	snop  }
0x5: {  	_ = 	snop  }
0x6: {  	_ = 	snop  }
0x7: {  	_ = 	snop  }
__scs_overlays_trampoline_lowered:
0x8: {  	[smem:$0x3F9D] =	sst s0  }
0x9: {  	[smem:$0x3F9E] =	sst s1  }
0xa: {  	[smem:$0x3F9F] =	sst s2  }
0xb: {  	[smem:$0x3FA0] =	sst s3  }
0xc: {  	[smem:$0x3FA1] =	sst s4  }
0xd: {  	[smem:$0x3FA2] =	sst s5  }
0xe: {  	[smem:$0x3FA3] =	sst s6  }
0xf: {  	[smem:$0x3FA4] =	sst s7  }
0x10: {  	[smem:$0x3FA5] =	sst s8  }
0x11: {  	[smem:$0x3FA6] =	sst s9;
	s0 =	simm.s32 @!p0 $0x0  }
0x12: {  	s1 =	sld [smem:$0x3F8C];
	s0 =	simm.s32 @p0 $0x1  }
0x13: {  	[smem:$0x3FA7] =	sst s0;
	s0 =	simm.s32 @!p1 $0x0  }
0x14: {  	s2 =	sld [smem:$0x3F8B];
	s0 =	simm.s32 @p1 $0x1  }
0x15: {  	[smem:$0x3FA8] =	sst s0;
	s0 =	simm.s32 @!p2 $0x0  }
0x16: {  	s3 =	sld [smem:$0x3FDB];
	s0 =	simm.s32 @p2 $0x1  }
0x17: {  	s4 =	simm.s32 $0x1BF5;
	[smem:$0x3FAA] =	sst s0  }
0x18: {  	s0 =	sld [smem:$0x3F8D];
	_ =	swait.ge [sflag:s4], $0x0  }
0x19: {  	s7 =	sld [smem:$0x3F8E]  }
0x1a: {  	s8 =	sadd.s32 $0xFFFFE003, lr  }
0x1b: {  	s9 =	sadd.s32 $0xFFFFFEF7, lr;
	s5 =	simm.s32 $0xFFFFFFFF;
	p2 =	slt.u32 s8, $0xFFFFF086  }
0x1c: {  	p1 =	slt.u32 s9, $0xF7A;
	s5 =	simm.s32 @!p2 $0x0  }
0x1d: {  	s5 =	simm.s32 @p1 $0x1;
	p0 =	seq.s32 s7, s2  }
0x1e: {  	s7 =	smul.u32 @!p0 $0xF7A, s2;
	p2 =	seq.s32 @!p0 s5, $0x0  }
0x1f: {  	s9 =	smul.u32 $0xF7A, s1;
	s8 =	simm.s32 @!p0 $0x1BF5;
	p2 =	por !p2, p0  }
0x20: {  	[sflag:s8] =	ssyncset.s32 @!p0 $0xFFFFF086;
	s6 =	sadd.s32 @!p0 s3, s7;
	s7 =	simm.s32 @!p0 $0x108  }
0x21: {  	s3 =	sadd.s32 s3, s9;
	s6 =	sadd.s32 @!p0 $0x88, s6;
	s7 =	simm.s32 @p2 $0x1082  }
0x22: {  	[simem:s7], [sflag:s8] =	dma.local @!p0 [hbm:s6], $0xF7A  }
0x23: {  	s9 =	sor.u32 $0xD0000000, s2;
	s6 =	simm.s32 $0x108;
	_ =	swait.ge @!p0 [sflag:s8], $0x0  }
0x24: {  	s3 =	sadd.s32 $0x88, s3;
	s6 =	simm.s32 @!p1 $0x1082;
	[sflag:s4] =	ssyncset.s32 $0xFFFFF086  }
0x25: {  	[simem:s6], [sflag:s4] =	dma.local [hbm:s3], $0xF7A  }
0x26: {  	[smem:$0x3F8E] =	sst s1;
	(tag) =	ssettag s2;
	_ =	strace s9  }
0x27: {  	s1 =	sld [smem:$0x3F9E]  }
0x28: {  	s2 =	sld [smem:$0x3F9F]  }
0x29: {  	s4 =	sld [smem:$0x3FA1]  }
0x2a: {  	p0 =	seq.s32 s5, $0x0;
	s5 =	sld [smem:$0x3FA2]  }
0x2b: {  	s6 =	sld [smem:$0x3FA3]  }
0x2c: {  	s7 =	sld [smem:$0x3FA4]  }
0x2d: {  	s3 =	simm.s32 $0x108;
	s8 =	sld [smem:$0x3FA5]  }
0x2e: {  	s3 =	simm.s32 @!p0 $0x1082;
	s9 =	sld [smem:$0x3FA6]  }
0x2f: {  	lr =	sadd.s32 s0, s3;
	s0 =	sld [smem:$0x3F9D]  }
0x30: {  	s3 =	sld [smem:$0x3FA0]  }
0x31: {  	[smem:$0x3FA9] =	sst s10  }
0x32: {  	s10 =	sld [smem:$0x3FA7];
	_ =	sdelay $0x3  }
0x33: {  	p0 =	seq.s32 s10, $0x1;
	s10 =	sld [smem:$0x3FA9];
	_ =	sdelay $0x3  }
0x34: {  	[smem:$0x3FA9] =	sst s10  }
0x35: {  	s10 =	sld [smem:$0x3FA8];
	_ =	sdelay $0x3  }
0x36: {  	p1 =	seq.s32 s10, $0x1;
	s10 =	sld [smem:$0x3FA9];
	_ =	sdelay $0x3  }
0x37: {  	[smem:$0x3FA9] =	sst s10  }
0x38: {  	s10 =	sld [smem:$0x3FAA]  }
0x39: {  	_ = 	snop;
	(pc) =	sbr.ind lr, $3  }
0x3a: {  	_ = 	snop  }
0x3b: {  	_ = 	snop  }
0x3c: {  	p2 =	seq.s32 s10, $0x1;
	s10 =	sld [smem:$0x3FA9]  }
0x3d: {  	_ =	shalt  }
0x3e: {  	_ =	shalt  }
0x3f: {  	_ =	shalt  }
0x40: {  	_ =	shalt  }
0x41: {  	_ =	shalt  }
0x42: {  	_ =	shalt  }
0x43: {  	_ =	shalt  }
0x44: {  	_ =	shalt  }
0x45: {  	_ =	shalt  }
0x46: {  	_ =	shalt  }
0x47: {  	_ =	shalt  }
0x48: {  	_ =	shalt  }
0x49: {  	_ =	shalt  }
0x4a: {  	_ =	shalt  }
0x4b: {  	_ =	shalt  }
0x4c: {  	_ =	shalt  }
0x4d: {  	_ =	shalt  }
0x4e: {  	_ =	shalt  }
0x4f: {  	_ =	shalt  }
0x50: {  	_ =	shalt  }
0x51: {  	_ =	shalt  }
0x52: {  	_ =	shalt  }
0x53: {  	_ =	shalt  }
0x54: {  	_ =	shalt  }
0x55: {  	_ =	shalt  }
0x56: {  	_ =	shalt  }
0x57: {  	_ =	shalt  }
0x58: {  	_ =	shalt  }
0x59: {  	_ =	shalt  }
0x5a: {  	_ =	shalt  }
0x5b: {  	_ =	shalt  }
0x5c: {  	_ =	shalt  }
0x5d: {  	_ =	shalt  }
0x5e: {  	_ =	shalt  }
0x5f: {  	_ =	shalt  }
0x60: {  	_ =	shalt  }
0x61: {  	_ =	shalt  }
0x62: {  	_ =	shalt  }
0x63: {  	_ =	shalt  }
0x64: {  	_ =	shalt  }
0x65: {  	_ =	shalt  }
0x66: {  	_ =	shalt  }
0x67: {  	_ =	shalt  }
0x68: {  	_ =	shalt  }
0x69: {  	_ =	shalt  }
0x6a: {  	_ =	shalt  }
0x6b: {  	_ =	shalt  }
0x6c: {  	_ =	shalt  }
0x6d: {  	_ =	shalt  }
0x6e: {  	_ =	shalt  }
0x6f: {  	_ =	shalt  }
0x70: {  	_ =	shalt  }
0x71: {  	_ =	shalt  }
0x72: {  	_ =	shalt  }
0x73: {  	_ =	shalt  }
0x74: {  	_ =	shalt  }
0x75: {  	_ =	shalt  }
0x76: {  	_ =	shalt  }
0x77: {  	_ =	shalt  }
0x78: {  	_ =	shalt  }
0x79: {  	_ =	shalt  }
0x7a: {  	_ =	shalt  }
0x7b: {  	_ =	shalt  }
0x7c: {  	_ =	shalt  }
0x7d: {  	_ =	shalt  }
0x7e: {  	_ =	shalt  }
0x7f: {  	_ =	shalt  }
0x80: {  	_ =	shalt  }
0x81: {  	_ =	shalt  }
0x82: {  	_ =	shalt  }
0x83: {  	_ =	shalt  }
0x84: {  	_ =	shalt  }
0x85: {  	_ =	shalt  }
0x86: {  	_ =	shalt  }
0x87: {  	_ =	shalt  }
.Lfunc_end0:
.L_simem_size_0:
called_computation.1_lowered:
.L_overlay_start_0:
0x88: {  	s2 =	sld [smem:$0x3FD9]  }
0x89: {  	s3 =	sld [smem:$0x3FFE];
	_ =	sdelay $0x1  }
0x8a: {  	s1 =	srdreg.scid  }
0x8b: {  	s0 =	sand.u32 $0x1, s1  }
0x8c: {  	s16 =	sshll.u32 s0, $0xA;
	s2 =	sadd.s32 s3, s2  }
0x8d: {  	s2 =	sadd.s32 s2, s16  }
0x8e: {  	[smem:$0x3FB5] =	sst s2  }
0x8f: {  	_ = 	snop  }
0x90: {  	(tm) =	ssettm $0x1  }
0x91: {  	s17 =	sld [smem:$0x3FFB];
	_ =	sdelay $0x3  }
0x92: {  	_ =	strace s17  }
0x93: {  	s2 =	sld [smem:$0x3FFC];
	_ =	sdelay $0x3  }
0x94: {  	_ =	strace s2  }
0x95: {  	s2 =	sld [smem:$0x3FFD];
	_ =	sdelay $0x3  }
0x96: {  	_ =	strace s2  }
0x97: {  	_ =	strace $0x8FFFFFFF  }
0x98: {  	s18 =	sld [smem:$0x3FDB];
	_ =	sdelay $0x1  }
0x99: {  	s19 =	simm.s32 $_scs_section_size  }
0x9a: {  	s4 =	simm.s32 $_size__tile_overlayer_lowered;
	s5 =	simm.s32 $_tile_overlayer_lowered  }
0x9b: {  	s22 =	simm.s32 $0x1BFF;
	s21 =	sshll.u32 s5, $0x1;
	s2 =	sadd.s32 s19, s18  }
0x9c: {  	s6 =	simm.s32 $0x0;
	s20 =	sshll.u32 s4, $0x1;
	s4 =	sadd.s32 s21, s2  }
0x9d: {  	[timem:s6], [sflag:s22] =	dma.local [hbm:s4], s20  }
0x9e: {  	_ =	swait.ge [sflag:s22], s20  }
0x9f: {  	s3 =	ssub.s32 $0x0, s20;
	[sflag:s22] =	ssyncset.done $0x0  }
0xa0: {  	[sflag:s22] =	ssyncadd.s32 s3;
	_ =	sdelay $0x1  }
0xa1: {  	s23 =	simm.s32 $0x1B8B  }
0xa2: {  	_ =	swait.ge [sflag:s23], $0x1  }
0xa3: {  	[sflag:s23] =	ssyncset.done $0x0  }
0xa4: {  	s25 =	simm.s32 $0x1B8E;
	s24 =	sld [smem:$0x3FFE];
	[sflag:s23] =	ssyncadd.s32 $0xFFFFFFFF  }
0xa5: {  	s26 =	simm.s32 $execute0_lowered;
	[smem:$0x3FD2] =	sst s25  }
0xa6: {  	s4 =	sshll.u32 s26, $0x1;
	_ =	strace $0x80000049;
	[dreg:$0x1] =	wrdreg $0xFFFFFFFF  }
0xa7: {  	s28 =	simm.s32 $_size_execute0_lowered;
	s2 =	sadd.s32 s2, s4;
	[dreg:$0x0] =	wrdreg $0x0  }
0xa8: {  	s4 =	sshll.u32 s28, $0x1;
	[dreg:$0x2] =	wrdreg s2  }
0xa9: {  	[dreg:$0x3] =	wrdreg s4  }
0xaa: {  	[dreg:$0x4] =	wrdreg $0xC0  }
0xab: {  	_ =	task [dreg:s6], $0x5FFFF  }
0xac: {  	[dreg:$0x1] =	wrdreg $0xFFFFFFFF  }
0xad: {  	[dreg:$0x0] =	wrdreg $0x60  }
0xae: {  	[dreg:$0x2] =	wrdreg s24  }
0xaf: {  	[dreg:$0x3] =	wrdreg $0xBC000  }
0xb0: {  	[dreg:$0x4] =	wrdreg $0x9  }
0xb1: {  	_ =	task.clear_ibuf [dreg:s6], $0x5FFFF;
	_ =	strace $0x90000049  }
0xb2: {  	s29 =	simm.s32 $0x9;
	_ =	strace $0x8000004B  }
0xb3: {  	_ =	swait.ge [sflag:s29], $0x1  }
0xb4: {  	[sflag:s29] =	ssyncadd.s32 $0xFFFFFFFF  }
0xb5: {  	_ =	strace $0x9000004B  }
0xb6: {  	_ =	sfence  }
0xb7: {  	s30 =	sld [smem:$0x0];
	_ =	sdelay $0x2  }
0xb8: {  	s31 =	sshll.u32 s1, $0xD;
	s1 =	sshrl.u32 s1, $0x2  }
0xb9: {  	s3 =	sand.u32 $0x4000, s31;
	s1 =	sadd.s32 s1, s30  }
0xba: {  	s0 =	sor.u32 s3, s0;
	s1 =	sshll.u32 s1, $0x11  }
0xbb: {  	s0 =	sor.u32 s1, s0  }
0xbc: {  	s0 =	sadd.s32 $0x8F2B, s0  }
0xbd: {  	[sflag:s0] =	ssyncadd.remote.s32 $0x1  }
0xbe: {  	_ =	sfence.sel $0xFFFF  }
0xbf: {  	[dreg:$0x0] =	wrdreg $0xFFFFFFFF;
	(pc) =	sbr.abs _section_cstart, $3  }
0xc0: {  	[dreg:$0x1] =	wrdreg $0xFFFFFFFF  }
0xc1: {  	_ =	task.clear_ibuf [dreg:s6], $0x2FFFF;
	_ =	strace $0x9FFFFFFF  }
0xc2: {  	(tm) =	ssettm $0x7FFFFFFF  }
0xc3: {  	_ =	shalt  }
tec
execute0_lowered:
.L_overlay_start_1:
0x0: {  	(tag) =	ssettag $0x1  }
0x1: {  	s0 =	rddreg [dreg:$0x0]  }
0x2: {  	s1 =	rddreg [dreg:$0x1]  }
0x3: {  	s2 =	stileid.u32;
	s3 =	srdreg.scid;
	s5 =	simm.s32 $0x0  }
0x4: {  	s14 =	simm.s32 $0x5;
	s15 =	simm.s32 $0x3C00;
	s16 =	simm.s32 $0x2800  }
0x5: {  	s17 =	simm.s32 $0x80;
	s18 =	simm.s32 $0x7C00;
	s19 =	simm.s32 $0x1  }
0x6: {  	s20 =	simm.s32 $0x2;
	s21 =	simm.s32 $0x3;
	s22 =	simm.s32 $0x4  }
0x7: {  	s28 =	simm.s32 $0x3B80;
	s29 =	simm.s32 $0x1400;
	s4 =	smul.u32 $0x500, s2  }
0x8: {  	s30 =	simm.s32 $0x1480;
	s31 =	simm.s32 $0x0;
	s6 =	smul.u32 $0x4E400, s2  }
0x9: {  	s3 =	sand.u32 $0x1, s3;
	[smem:$0x7FF] =	sst s5;
	s8 =	smul.u32 $0x4E000, s2  }
0xa: {  	p0 =	sne.s32 s2, $0x0;
	s23 =	smul.u32 $0x27100, s3;
	s3 =	ssub.s32 $0x2, s3  }
0xb: {  	_ =	strace $0x8000004A;
	s7 =	sadd.s32 s4, s0;
	s24 =	sshrl.u32 s3, $0x1  }
0xc: {  	s25 =	sshrl.u32 s6, $0x2;
	s10 =	sshrl.u32 s8, $0x2;
	s0 =	sadd.s32 s23, s0  }
0xd: {  	s3 =	ssub.s32 s3, s24;
	s4 =	sadd.s32 $0x8A00, s7;
	s5 =	sadd.s32 s25, s1  }
0xe: {  	s7 =	sadd.s32 $0x3000, s7;
	s26 =	sadd.s32 s10, s1;
	s23 =	smul.u32 $0x2700, s2  }
0xf: {  	s25 =	sadd.s32 $0x138000, s1;
	s6 =	sadd.s32 $0x10000, s5;
	s8 =	sadd.s32 $0xDA00, s0  }
0x10: {  	s9 =	sadd.s32 $0x5BC00, s0;
	s10 =	smax.u32 s3, $0x1;
	s11 =	sadd.s32 $0x4000, s5  }
0x11: {  	s12 =	sadd.s32 $0x8000, s5;
	s13 =	sadd.s32 $0xC000, s5;
	s24 =	sshrl.u32 s26, $0x3  }
0x12: {  	v0 =	vimm.f32 $0.0e+00;
	s25 =	sshrl.u32 @!p0 s25, $0x3;
	s26 =	simm.s32 $0x3B00;
	s23 =	sadd.s32 s23, s9  }
.LBB2_1:
0x13: {  	s0 =	simm.s32 $0x0  }
0x14: {  	[tilespmem:s0], [sflag:$0x5] =	stream.linear.gather [hbm4b:s4+s0], $0x2800, $0x38;
	[tilespmem:$0x1F500] =	vst v63  }
0x15: {  	_ =	swait.ge [sflag:s14], $0x2800  }
0x16: {  	[sflag:s14] =	ssyncset.done $0x0  }
0x17: {  	s3 =	simm.s32 $0x200;
	s0 =	simm.s32 $0x0;
	[sflag:s14] =	ssyncadd.s32 $0xFFFFD800  }
.LBB2_2:
0x18: {  	p1 =	sne.s32 s3, $0xFE00;
	[tilespmem:s0+$0x3C70] =	vst v0  }
0x19: {  	[tilespmem:s0+$0x3C00] =	vst v0  }
0x1a: {  	[tilespmem:s0+$0x3C10] =	vst v0  }
.Ltmp0:
0x1b: {  	[tilespmem:s0+$0x3C20] =	vst v0;
	(pc) =	sbr.rel @p1 .LBB2_2-.Ltmp0, $4  }
0x1c: {  	[tilespmem:s0+$0x3C30] =	vst v0  }
0x1d: {  	[tilespmem:s0+$0x3C40] =	vst v0  }
0x1e: {  	[tilespmem:s0+$0x3C50] =	vst v0  }
0x1f: {  	[tilespmem:s0+$0x3C60] =	vst v0;
	s0 =	sshra.s32 s3, $0x2;
	s3 =	sadd.s32 $0x200, s3  }
0x20: {  	[tilespmem:s0+$0x3C70] =	vst v0  }
0x21: {  	[tilespmem:s0+$0x3C00] =	vst v0  }
0x22: {  	[tilespmem:s0+$0x3C10] =	vst v0  }
0x23: {  	[tilespmem:s0+$0x3C20] =	vst v0  }
0x24: {  	[tilespmem:s0+$0x3C30] =	vst v0  }
0x25: {  	[tilespmem:s0+$0x3C40] =	vst v0  }
0x26: {  	[tilespmem:s0+$0x3C50] =	vst v0  }
0x27: {  	[tilespmem:s0+$0x3C60] =	vst v0  }
0x28: {  	[spmem:s5] =	stream.linear.scatter [tilespmem:s15], [sflag:$0x5], $0x4000, $0x38;
	[tilespmem:$0x1F500] =	vst v63  }
0x29: {  	_ =	swait.ge [sflag:s14], $0x4000  }
0x2a: {  	[sflag:s14] =	ssyncset.done $0x0  }
0x2b: {  	[sflag:s14] =	ssyncadd.s32 $0xFFFFC000  }
0x2c: {  	[spmem:s11] =	stream.linear.scatter [tilespmem:s15], [sflag:$0x5], $0x4000, $0x38;
	[tilespmem:$0x1F500] =	vst v63  }
0x2d: {  	_ =	swait.ge [sflag:s14], $0x4000  }
0x2e: {  	[sflag:s14] =	ssyncset.done $0x0  }
0x2f: {  	[sflag:s14] =	ssyncadd.s32 $0xFFFFC000  }
0x30: {  	[spmem:s12] =	stream.linear.scatter [tilespmem:s15], [sflag:$0x5], $0x4000, $0x38;
	[tilespmem:$0x1F500] =	vst v63  }
0x31: {  	_ =	swait.ge [sflag:s14], $0x4000  }
0x32: {  	[sflag:s14] =	ssyncset.done $0x0  }
0x33: {  	[sflag:s14] =	ssyncadd.s32 $0xFFFFC000  }
0x34: {  	[spmem:s13] =	stream.linear.scatter [tilespmem:s15], [sflag:$0x5], $0x4000, $0x38;
	[tilespmem:$0x1F500] =	vst v63  }
0x35: {  	_ =	swait.ge [sflag:s14], $0x4000  }
0x36: {  	[sflag:s14] =	ssyncset.done $0x0  }
0x37: {  	[sflag:s14] =	ssyncadd.s32 $0xFFFFC000  }
0x38: {  	[spmem:s6] =	stream.linear.scatter [tilespmem:s15], [sflag:$0x5], $0x3900, $0x38;
	[tilespmem:$0x1F500] =	vst v63  }
0x39: {  	_ =	swait.ge [sflag:s14], $0x3900  }
0x3a: {  	[sflag:s14] =	ssyncset.done $0x0  }
0x3b: {  	[sflag:s14] =	ssyncadd.s32 $0xFFFFC700  }
0x3c: {  	s2 =	simm.s32 $0x0;
	[bflag:$0x0] =	sbarrier.arrive $0xFFFF  }
0x3d: {  	[tilespmem:s16], [sflag:$0x5] =	stream.linear.gather [hbm4b:s7+s2], $0x1400, $0x38;
	[tilespmem:$0x1F500] =	vst v63  }
0x3e: {  	_ =	swait.ge [sflag:s14], $0x1400  }
0x3f: {  	[sflag:s14] =	ssyncset.done $0x0  }
0x40: {  	[sflag:s14] =	ssyncadd.s32 $0xFFFFEC00  }
0x41: {  	[tilespmem:s15], [sflag:$0x1] =	stream.indirect.gather [hbm4b:s8+s17], $0x80, s2, s17, $0xb8;
	[tilespmem:$0x1F500] =	vst v63  }
0x42: {  	_ = 	snop  }
0x43: {  	[tilespmem:s18], [sflag:$0x2] =	stream.indirect.gather [hbm4b:s8+s17], $0x80, s17, s17, $0xb8;
	[tilespmem:$0x1F500] =	vst v63  }
0x44: {  	_ =	swait.ge [sflag:s19], $0x4000  }
0x45: {  	[sflag:s19] =	ssyncset.done $0x0  }
0x46: {  	s3 =	simm.s32 $0x2800;
	[sflag:s19] =	ssyncadd.s32 $0xFFFFC000  }
0x47: {  	[spmem:s1] =	stream.indirect.scatter.add.f32 [tilespmem:s15], [sflag:$0x3], $0x80, s3, s17, $0xb8;
	[tilespmem:$0x1F500] =	vst v63  }
0x48: {  	_ =	swait.ge [sflag:s20], $0x4000  }
0x49: {  	[sflag:s20] =	ssyncset.done $0x0  }
0x4a: {  	s2 =	simm.s32 $0x2880;
	[sflag:s20] =	ssyncadd.s32 $0xFFFFC000  }
0x4b: {  	[spmem:s1] =	stream.indirect.scatter.add.f32 [tilespmem:s18], [sflag:$0x4], $0x80, s2, s17, $0xb8;
	[tilespmem:$0x1F500] =	vst v63  }
0x4c: {  	_ =	swait.ge [sflag:s21], $0x4000  }
0x4d: {  	[sflag:s21] =	ssyncset.done $0x0  }
0x4e: {  	s3 =	simm.s32 $0x100;
	[sflag:s21] =	ssyncadd.s32 $0xFFFFC000  }
0x4f: {  	[tilespmem:s15], [sflag:$0x1] =	stream.indirect.gather [hbm4b:s8+s17], $0x80, s3, s17, $0xb8;
	[tilespmem:$0x1F500] =	vst v63  }
0x50: {  	_ =	swait.ge [sflag:s22], $0x4000  }
0x51: {  	[sflag:s22] =	ssyncset.done $0x0  }
0x52: {  	s0 =	simm.s32 $0x400;
	s3 =	simm.s32 $0x180;
	[sflag:s22] =	ssyncadd.s32 $0xFFFFC000  }
.LBB2_4:
0x53: {  	[tilespmem:s18], [sflag:$0x2] =	stream.indirect.gather [hbm4b:s8+s17], $0x80, s3, s17, $0xb8;
	[tilespmem:$0x1F500] =	vst v63  }
0x54: {  	s3 =	smov.u32 s0  }
0x55: {  	p1 =	sne.s32 s0, $0x4800;
	s0 =	sadd.s32 $0x400, s0;
	_ =	swait.ge [sflag:s19], $0x4000  }
0x56: {  	s3 =	sshra.s32 s3, $0x2;
	[sflag:s19] =	ssyncset.done $0x0  }
0x57: {  	s2 =	sadd.s32 $0x2800, s3;
	[sflag:s19] =	ssyncadd.s32 $0xFFFFC000  }
0x58: {  	[spmem:s1] =	stream.indirect.scatter.add.f32 [tilespmem:s15], [sflag:$0x3], $0x80, s2, s17, $0xb8;
	[tilespmem:$0x1F500] =	vst v63  }
0x59: {  	_ =	swait.ge [sflag:s20], $0x4000  }
0x5a: {  	[sflag:s20] =	ssyncset.done $0x0  }
0x5b: {  	s2 =	sadd.s32 $0x2880, s3;
	[sflag:s20] =	ssyncadd.s32 $0xFFFFC000  }
0x5c: {  	[spmem:s1] =	stream.indirect.scatter.add.f32 [tilespmem:s18], [sflag:$0x4], $0x80, s2, s17, $0xb8;
	[tilespmem:$0x1F500] =	vst v63  }
0x5d: {  	_ =	swait.ge [sflag:s21], $0x4000  }
0x5e: {  	[sflag:s21] =	ssyncset.done $0x0  }
.Ltmp1:
0x5f: {  	s2 =	sadd.s32 $0x100, s3;
	[sflag:s21] =	ssyncadd.s32 $0xFFFFC000;
	(pc) =	sbr.rel @p1 .LBB2_4-.Ltmp1, $4  }
0x60: {  	[tilespmem:s15], [sflag:$0x1] =	stream.indirect.gather [hbm4b:s8+s17], $0x80, s2, s17, $0xb8;
	[tilespmem:$0x1F500] =	vst v63  }
0x61: {  	_ =	swait.ge [sflag:s22], $0x4000  }
0x62: {  	[sflag:s22] =	ssyncset.done $0x0  }
0x63: {  	s3 =	sadd.s32 $0x180, s3;
	[sflag:s22] =	ssyncadd.s32 $0xFFFFC000  }
0x64: {  	[tilespmem:s18], [sflag:$0x2] =	stream.indirect.gather [hbm4b:s8+s17], $0x80, s3, s17, $0xb8;
	[tilespmem:$0x1F500] =	vst v63  }
0x65: {  	_ =	swait.ge [sflag:s19], $0x4000  }
0x66: {  	[sflag:s19] =	ssyncset.done $0x0  }
0x67: {  	[sflag:s19] =	ssyncadd.s32 $0xFFFFC000  }
0x68: {  	[spmem:s1] =	stream.indirect.scatter.add.f32 [tilespmem:s15], [sflag:$0x5], $0x80, s26, s17, $0xb8;
	[tilespmem:$0x1F500] =	vst v63  }
0x69: {  	_ =	swait.ge [sflag:s14], $0x4000  }
0x6a: {  	[sflag:s14] =	ssyncset.done $0x0  }
0x6b: {  	[sflag:s14] =	ssyncadd.s32 $0xFFFFC000  }
0x6c: {  	_ =	swait.ge [sflag:s20], $0x4000  }
0x6d: {  	[sflag:s20] =	ssyncset.done $0x0  }
0x6e: {  	[sflag:s20] =	ssyncadd.s32 $0xFFFFC000  }
0x6f: {  	[spmem:s1] =	stream.indirect.scatter.add.f32 [tilespmem:s18], [sflag:$0x5], $0x80, s28, s17, $0xb8;
	[tilespmem:$0x1F500] =	vst v63  }
0x70: {  	_ =	swait.ge [sflag:s14], $0x4000  }
0x71: {  	[sflag:s14] =	ssyncset.done $0x0  }
0x72: {  	s0 =	sadd.s32 $0x280, s7;
	s2 =	simm.s32 $0x0;
	[sflag:s14] =	ssyncadd.s32 $0xFFFFC000  }
0x73: {  	[tilespmem:s16], [sflag:$0x5] =	stream.linear.gather [hbm4b:s0+s2], $0x1400, $0x38;
	[tilespmem:$0x1F500] =	vst v63  }
0x74: {  	_ =	swait.ge [sflag:s14], $0x1400  }
0x75: {  	[sflag:s14] =	ssyncset.done $0x0  }
0x76: {  	[sflag:s14] =	ssyncadd.s32 $0xFFFFEC00  }
0x77: {  	[tilespmem:s15], [sflag:$0x1] =	stream.indirect.gather [hbm4b:s8+s17], $0x80, s29, s17, $0xb8;
	[tilespmem:$0x1F500] =	vst v63  }
0x78: {  	_ = 	snop  }
0x79: {  	[tilespmem:s18], [sflag:$0x2] =	stream.indirect.gather [hbm4b:s8+s17], $0x80, s30, s17, $0xb8;
	[tilespmem:$0x1F500] =	vst v63  }
0x7a: {  	_ =	swait.ge [sflag:s19], $0x4000  }
0x7b: {  	[sflag:s19] =	ssyncset.done $0x0  }
0x7c: {  	s3 =	simm.s32 $0x2800;
	[sflag:s19] =	ssyncadd.s32 $0xFFFFC000  }
0x7d: {  	[spmem:s1] =	stream.indirect.scatter.add.f32 [tilespmem:s15], [sflag:$0x3], $0x80, s3, s17, $0xb8;
	[tilespmem:$0x1F500] =	vst v63  }
0x7e: {  	_ =	swait.ge [sflag:s20], $0x4000  }
0x7f: {  	[sflag:s20] =	ssyncset.done $0x0  }
0x80: {  	s2 =	simm.s32 $0x2880;
	[sflag:s20] =	ssyncadd.s32 $0xFFFFC000  }
0x81: {  	[spmem:s1] =	stream.indirect.scatter.add.f32 [tilespmem:s18], [sflag:$0x4], $0x80, s2, s17, $0xb8;
	[tilespmem:$0x1F500] =	vst v63  }
0x82: {  	_ =	swait.ge [sflag:s21], $0x4000  }
0x83: {  	[sflag:s21] =	ssyncset.done $0x0  }
0x84: {  	s3 =	simm.s32 $0x1500;
	[sflag:s21] =	ssyncadd.s32 $0xFFFFC000  }
0x85: {  	[tilespmem:s15], [sflag:$0x1] =	stream.indirect.gather [hbm4b:s8+s17], $0x80, s3, s17, $0xb8;
	[tilespmem:$0x1F500] =	vst v63  }
0x86: {  	_ =	swait.ge [sflag:s22], $0x4000  }
0x87: {  	[sflag:s22] =	ssyncset.done $0x0  }
0x88: {  	s0 =	simm.s32 $0x400;
	s3 =	simm.s32 $0x1580;
	[sflag:s22] =	ssyncadd.s32 $0xFFFFC000  }
.LBB2_6:
0x89: {  	[tilespmem:s18], [sflag:$0x2] =	stream.indirect.gather [hbm4b:s8+s17], $0x80, s3, s17, $0xb8;
	[tilespmem:$0x1F500] =	vst v63  }
0x8a: {  	s2 =	smov.u32 s0  }
0x8b: {  	p1 =	sne.s32 s0, $0x4800;
	s0 =	sadd.s32 $0x400, s0;
	_ =	swait.ge [sflag:s19], $0x4000  }
0x8c: {  	s2 =	sshra.s32 s2, $0x2;
	[sflag:s19] =	ssyncset.done $0x0  }
0x8d: {  	s3 =	sadd.s32 $0x2800, s2;
	[sflag:s19] =	ssyncadd.s32 $0xFFFFC000  }
0x8e: {  	[spmem:s1] =	stream.indirect.scatter.add.f32 [tilespmem:s15], [sflag:$0x3], $0x80, s3, s17, $0xb8;
	[tilespmem:$0x1F500] =	vst v63  }
0x8f: {  	_ =	swait.ge [sflag:s20], $0x4000  }
0x90: {  	[sflag:s20] =	ssyncset.done $0x0  }
0x91: {  	s3 =	sadd.s32 $0x2880, s2;
	[sflag:s20] =	ssyncadd.s32 $0xFFFFC000  }
0x92: {  	[spmem:s1] =	stream.indirect.scatter.add.f32 [tilespmem:s18], [sflag:$0x4], $0x80, s3, s17, $0xb8;
	[tilespmem:$0x1F500] =	vst v63  }
0x93: {  	_ =	swait.ge [sflag:s21], $0x4000  }
0x94: {  	[sflag:s21] =	ssyncset.done $0x0  }
.Ltmp2:
0x95: {  	s3 =	sadd.s32 $0x1500, s2;
	[sflag:s21] =	ssyncadd.s32 $0xFFFFC000;
	(pc) =	sbr.rel @p1 .LBB2_6-.Ltmp2, $4  }
0x96: {  	[tilespmem:s15], [sflag:$0x1] =	stream.indirect.gather [hbm4b:s8+s17], $0x80, s3, s17, $0xb8;
	[tilespmem:$0x1F500] =	vst v63  }
0x97: {  	_ =	swait.ge [sflag:s22], $0x4000  }
0x98: {  	[sflag:s22] =	ssyncset.done $0x0  }
0x99: {  	s3 =	sadd.s32 $0x1580, s2;
	[sflag:s22] =	ssyncadd.s32 $0xFFFFC000  }
0x9a: {  	[tilespmem:s18], [sflag:$0x2] =	stream.indirect.gather [hbm4b:s8+s17], $0x80, s3, s17, $0xb8;
	[tilespmem:$0x1F500] =	vst v63  }
0x9b: {  	_ =	swait.ge [sflag:s19], $0x4000  }
0x9c: {  	[sflag:s19] =	ssyncset.done $0x0  }
0x9d: {  	[sflag:s19] =	ssyncadd.s32 $0xFFFFC000  }
0x9e: {  	[spmem:s1] =	stream.indirect.scatter.add.f32 [tilespmem:s15], [sflag:$0x5], $0x80, s26, s17, $0xb8;
	[tilespmem:$0x1F500] =	vst v63  }
0x9f: {  	_ =	swait.ge [sflag:s14], $0x4000  }
0xa0: {  	[sflag:s14] =	ssyncset.done $0x0  }
0xa1: {  	[sflag:s14] =	ssyncadd.s32 $0xFFFFC000  }
0xa2: {  	_ =	swait.ge [sflag:s20], $0x4000  }
0xa3: {  	[sflag:s20] =	ssyncset.done $0x0  }
0xa4: {  	[sflag:s20] =	ssyncadd.s32 $0xFFFFC000  }
0xa5: {  	[spmem:s1] =	stream.indirect.scatter.add.f32 [tilespmem:s18], [sflag:$0x5], $0x80, s28, s17, $0xb8;
	[tilespmem:$0x1F500] =	vst v63  }
0xa6: {  	_ =	swait.ge [sflag:s14], $0x4000  }
0xa7: {  	s0 =	stileid.u32;
	[sflag:s14] =	ssyncset.done $0x0  }
0xa8: {  	s0 =	sshll.u32 s0, $0x6;
	[sflag:s14] =	ssyncadd.s32 $0xFFFFC000  }
0xa9: {  	s0 =	sor.u32 $0x1C05, s0;
	[bflag:$0x0] =	sbarrier.arrive $0xFFFF  }
0xaa: {  	[hbm:s23], [sflag:s0] =	dma.local [spmem:s24], $0x2700  }
0xab: {  	_ =	swait.ge [sflag:s14], $0x2700  }
0xac: {  	[sflag:s14] =	ssyncset.done $0x0  }
0xad: {  	s2 =	sadd.s32 @!p0 $0x27000, s9;
	s31 =	sadd.s32 $0x1, s31;
	[sflag:s14] =	ssyncadd.s32 $0xFFFFD900  }
0xae: {  	[hbm:s2], [sflag:s0] =	dma.local @!p0 [spmem:s25], $0x100  }
0xaf: {  	p1 =	sne.s32 s31, s10;
	s0 =	simm.s32 @!p0 $0x5  }
.Ltmp3:
0xb0: {  	_ =	swait.ge @!p0 [sflag:s0], $0x100;
	(pc) =	sbr.rel @p1 .LBB2_1-.Ltmp3, $3  }
0xb1: {  	[sflag:s0] =	ssyncset.done @!p0 $0x0  }
0xb2: {  	[sflag:s0] =	ssyncadd.s32 @!p0 $0xFFFFFF00  }
0xb3: {  	[bflag:$0x0] =	sbarrier.arrive $0xFFFF;
	_ =	sdelay $0x1  }
0xb4: {  	_ =	sfence.sel $0x180000  }
0xb5: {  	[bflag:$0x0] =	sbarrier.arrive $0xFFFF  }
0xb6: {  	_ =	strace $0x9000004A  }
0xb7: {  	[bflag:$0x2] =	sbarrier.arrive $0xFFFF  }
0xb8: {  	s0 =	rddreg [dreg:$0x2]  }
0xb9: {  	s0 =	sadd.s32 @!p0 $0x100000, s0  }
0xba: {  	[sflag:s0] =	ssyncadd.tile.s32 @!p0 $0x1;
	_ =	shalt  }
.Lfunc_end2:
_tile_overlayer_lowered:
.L_overlay_start_2:
0xbb: {  	(tag) =	ssettag $0x2  }
0xbc: {  	s0 =	rddreg [dreg:$0x0];
	s2 =	stileid.u32  }
0xbd: {  	s1 =	rddreg [dreg:$0x1];
	p0 =	sne.s32 s2, $0x0  }
0xbe: {  	s3 =	rddreg [dreg:$0x2];
	[bflag:$0x3] =	sbarrier.arrive $0xFFFF;
	s2 =	simm.s32 @!p0 $0x1C05  }
0xbf: {  	[timem:s3], [sflag:s2] =	dma.local @!p0 [hbm:s0], s1  }
0xc0: {  	s0 =	simm.s32 @!p0 $0x5  }
0xc1: {  	_ =	swait.ge @!p0 [sflag:s0], s1  }
0xc2: {  	s1 =	ssub.s32 @!p0 $0x0, s1;
	[sflag:s0] =	ssyncset.done @!p0 $0x0  }
0xc3: {  	[sflag:s0] =	ssyncadd.s32 @!p0 s1  }
0xc4: {  	[bflag:$0x3] =	sbarrier.arrive $0xFFFF  }
0xc5: {  	_ =	shalt  }

// kernel: kernel.17.cloned.1.call-start
scs
__scs_entry_jumppad:
0x0: {  	(pc) =	sbr.rel $0x88, $3  }
0x1: {  	(tag) =	ssettag $0x0;
	lr =	simm.s32 $0x1  }
0x2: {  	[smem:$0x3F8E] =	sst lr;
	_ =	strace $0xD0000000  }
0x3: {  	_ = 	snop  }
0x4: {  	_ = 	snop  }
0x5: {  	_ = 	snop  }
0x6: {  	_ = 	snop  }
0x7: {  	_ = 	snop  }
__scs_overlays_trampoline_lowered:
0x8: {  	[smem:$0x3F9D] =	sst s0  }
0x9: {  	[smem:$0x3F9E] =	sst s1  }
0xa: {  	[smem:$0x3F9F] =	sst s2  }
0xb: {  	[smem:$0x3FA0] =	sst s3  }
0xc: {  	[smem:$0x3FA1] =	sst s4  }
0xd: {  	[smem:$0x3FA2] =	sst s5  }
0xe: {  	[smem:$0x3FA3] =	sst s6  }
0xf: {  	[smem:$0x3FA4] =	sst s7  }
0x10: {  	[smem:$0x3FA5] =	sst s8  }
0x11: {  	[smem:$0x3FA6] =	sst s9;
	s0 =	simm.s32 @!p0 $0x0  }
0x12: {  	s1 =	sld [smem:$0x3F8C];
	s0 =	simm.s32 @p0 $0x1  }
0x13: {  	[smem:$0x3FA7] =	sst s0;
	s0 =	simm.s32 @!p1 $0x0  }
0x14: {  	s2 =	sld [smem:$0x3F8B];
	s0 =	simm.s32 @p1 $0x1  }
0x15: {  	[smem:$0x3FA8] =	sst s0;
	s0 =	simm.s32 @!p2 $0x0  }
0x16: {  	s3 =	sld [smem:$0x3FDB];
	s0 =	simm.s32 @p2 $0x1  }
0x17: {  	s4 =	simm.s32 $0x1BF5;
	[smem:$0x3FAA] =	sst s0  }
0x18: {  	s0 =	sld [smem:$0x3F8D];
	_ =	swait.ge [sflag:s4], $0x0  }
0x19: {  	s7 =	sld [smem:$0x3F8E]  }
0x1a: {  	s8 =	sadd.s32 $0xFFFFE003, lr  }
0x1b: {  	s9 =	sadd.s32 $0xFFFFFEF7, lr;
	s5 =	simm.s32 $0xFFFFFFFF;
	p2 =	slt.u32 s8, $0xFFFFF086  }
0x1c: {  	p1 =	slt.u32 s9, $0xF7A;
	s5 =	simm.s32 @!p2 $0x0  }
0x1d: {  	s5 =	simm.s32 @p1 $0x1;
	p0 =	seq.s32 s7, s2  }
0x1e: {  	s7 =	smul.u32 @!p0 $0xF7A, s2;
	p2 =	seq.s32 @!p0 s5, $0x0  }
0x1f: {  	s9 =	smul.u32 $0xF7A, s1;
	s8 =	simm.s32 @!p0 $0x1BF5;
	p2 =	por !p2, p0  }
0x20: {  	[sflag:s8] =	ssyncset.s32 @!p0 $0xFFFFF086;
	s6 =	sadd.s32 @!p0 s3, s7;
	s7 =	simm.s32 @!p0 $0x108  }
0x21: {  	s3 =	sadd.s32 s3, s9;
	s6 =	sadd.s32 @!p0 $0x88, s6;
	s7 =	simm.s32 @p2 $0x1082  }
0x22: {  	[simem:s7], [sflag:s8] =	dma.local @!p0 [hbm:s6], $0xF7A  }
0x23: {  	s9 =	sor.u32 $0xD0000000, s2;
	s6 =	simm.s32 $0x108;
	_ =	swait.ge @!p0 [sflag:s8], $0x0  }
0x24: {  	s3 =	sadd.s32 $0x88, s3;
	s6 =	simm.s32 @!p1 $0x1082;
	[sflag:s4] =	ssyncset.s32 $0xFFFFF086  }
0x25: {  	[simem:s6], [sflag:s4] =	dma.local [hbm:s3], $0xF7A  }
0x26: {  	[smem:$0x3F8E] =	sst s1;
	(tag) =	ssettag s2;
	_ =	strace s9  }
0x27: {  	s1 =	sld [smem:$0x3F9E]  }
0x28: {  	s2 =	sld [smem:$0x3F9F]  }
0x29: {  	s4 =	sld [smem:$0x3FA1]  }
0x2a: {  	p0 =	seq.s32 s5, $0x0;
	s5 =	sld [smem:$0x3FA2]  }
0x2b: {  	s6 =	sld [smem:$0x3FA3]  }
0x2c: {  	s7 =	sld [smem:$0x3FA4]  }
0x2d: {  	s3 =	simm.s32 $0x108;
	s8 =	sld [smem:$0x3FA5]  }
0x2e: {  	s3 =	simm.s32 @!p0 $0x1082;
	s9 =	sld [smem:$0x3FA6]  }
0x2f: {  	lr =	sadd.s32 s0, s3;
	s0 =	sld [smem:$0x3F9D]  }
0x30: {  	s3 =	sld [smem:$0x3FA0]  }
0x31: {  	[smem:$0x3FA9] =	sst s10  }
0x32: {  	s10 =	sld [smem:$0x3FA7];
	_ =	sdelay $0x3  }
0x33: {  	p0 =	seq.s32 s10, $0x1;
	s10 =	sld [smem:$0x3FA9];
	_ =	sdelay $0x3  }
0x34: {  	[smem:$0x3FA9] =	sst s10  }
0x35: {  	s10 =	sld [smem:$0x3FA8];
	_ =	sdelay $0x3  }
0x36: {  	p1 =	seq.s32 s10, $0x1;
	s10 =	sld [smem:$0x3FA9];
	_ =	sdelay $0x3  }
0x37: {  	[smem:$0x3FA9] =	sst s10  }
0x38: {  	s10 =	sld [smem:$0x3FAA]  }
0x39: {  	_ = 	snop;
	(pc) =	sbr.ind lr, $3  }
0x3a: {  	_ = 	snop  }
0x3b: {  	_ = 	snop  }
0x3c: {  	p2 =	seq.s32 s10, $0x1;
	s10 =	sld [smem:$0x3FA9]  }
0x3d: {  	_ =	shalt  }
0x3e: {  	_ =	shalt  }
0x3f: {  	_ =	shalt  }
0x40: {  	_ =	shalt  }
0x41: {  	_ =	shalt  }
0x42: {  	_ =	shalt  }
0x43: {  	_ =	shalt  }
0x44: {  	_ =	shalt  }
0x45: {  	_ =	shalt  }
0x46: {  	_ =	shalt  }
0x47: {  	_ =	shalt  }
0x48: {  	_ =	shalt  }
0x49: {  	_ =	shalt  }
0x4a: {  	_ =	shalt  }
0x4b: {  	_ =	shalt  }
0x4c: {  	_ =	shalt  }
0x4d: {  	_ =	shalt  }
0x4e: {  	_ =	shalt  }
0x4f: {  	_ =	shalt  }
0x50: {  	_ =	shalt  }
0x51: {  	_ =	shalt  }
0x52: {  	_ =	shalt  }
0x53: {  	_ =	shalt  }
0x54: {  	_ =	shalt  }
0x55: {  	_ =	shalt  }
0x56: {  	_ =	shalt  }
0x57: {  	_ =	shalt  }
0x58: {  	_ =	shalt  }
0x59: {  	_ =	shalt  }
0x5a: {  	_ =	shalt  }
0x5b: {  	_ =	shalt  }
0x5c: {  	_ =	shalt  }
0x5d: {  	_ =	shalt  }
0x5e: {  	_ =	shalt  }
0x5f: {  	_ =	shalt  }
0x60: {  	_ =	shalt  }
0x61: {  	_ =	shalt  }
0x62: {  	_ =	shalt  }
0x63: {  	_ =	shalt  }
0x64: {  	_ =	shalt  }
0x65: {  	_ =	shalt  }
0x66: {  	_ =	shalt  }
0x67: {  	_ =	shalt  }
0x68: {  	_ =	shalt  }
0x69: {  	_ =	shalt  }
0x6a: {  	_ =	shalt  }
0x6b: {  	_ =	shalt  }
0x6c: {  	_ =	shalt  }
0x6d: {  	_ =	shalt  }
0x6e: {  	_ =	shalt  }
0x6f: {  	_ =	shalt  }
0x70: {  	_ =	shalt  }
0x71: {  	_ =	shalt  }
0x72: {  	_ =	shalt  }
0x73: {  	_ =	shalt  }
0x74: {  	_ =	shalt  }
0x75: {  	_ =	shalt  }
0x76: {  	_ =	shalt  }
0x77: {  	_ =	shalt  }
0x78: {  	_ =	shalt  }
0x79: {  	_ =	shalt  }
0x7a: {  	_ =	shalt  }
0x7b: {  	_ =	shalt  }
0x7c: {  	_ =	shalt  }
0x7d: {  	_ =	shalt  }
0x7e: {  	_ =	shalt  }
0x7f: {  	_ =	shalt  }
0x80: {  	_ =	shalt  }
0x81: {  	_ =	shalt  }
0x82: {  	_ =	shalt  }
0x83: {  	_ =	shalt  }
0x84: {  	_ =	shalt  }
0x85: {  	_ =	shalt  }
0x86: {  	_ =	shalt  }
0x87: {  	_ =	shalt  }
.Lfunc_end0:
.L_simem_size_0:
called_computation.2_lowered:
.L_overlay_start_0:
0x88: {  	s2 =	sld [smem:$0x3FD9]  }
0x89: {  	s3 =	sld [smem:$0x3FFE];
	_ =	sdelay $0x1  }
0x8a: {  	s1 =	srdreg.scid  }
0x8b: {  	s0 =	sand.u32 $0x1, s1  }
0x8c: {  	s16 =	sshll.u32 s0, $0xA;
	s2 =	sadd.s32 s3, s2  }
0x8d: {  	s2 =	sadd.s32 s2, s16  }
0x8e: {  	[smem:$0x3FB5] =	sst s2  }
0x8f: {  	_ = 	snop  }
0x90: {  	(tm) =	ssettm $0x1  }
0x91: {  	s17 =	sld [smem:$0x3FFB];
	_ =	sdelay $0x3  }
0x92: {  	_ =	strace s17  }
0x93: {  	s2 =	sld [smem:$0x3FFC];
	_ =	sdelay $0x3  }
0x94: {  	_ =	strace s2  }
0x95: {  	s2 =	sld [smem:$0x3FFD];
	_ =	sdelay $0x3  }
0x96: {  	_ =	strace s2  }
0x97: {  	_ =	strace $0x8FFFFFFF  }
0x98: {  	s18 =	sld [smem:$0x3FDB];
	_ =	sdelay $0x1  }
0x99: {  	s19 =	simm.s32 $_scs_section_size  }
0x9a: {  	s4 =	simm.s32 $_size__tile_overlayer_lowered;
	s5 =	simm.s32 $_tile_overlayer_lowered  }
0x9b: {  	s22 =	simm.s32 $0x1BFF;
	s21 =	sshll.u32 s5, $0x1;
	s2 =	sadd.s32 s19, s18  }
0x9c: {  	s6 =	simm.s32 $0x0;
	s20 =	sshll.u32 s4, $0x1;
	s4 =	sadd.s32 s21, s2  }
0x9d: {  	[timem:s6], [sflag:s22] =	dma.local [hbm:s4], s20  }
0x9e: {  	_ =	swait.ge [sflag:s22], s20  }
0x9f: {  	s3 =	ssub.s32 $0x0, s20;
	[sflag:s22] =	ssyncset.done $0x0  }
0xa0: {  	[sflag:s22] =	ssyncadd.s32 s3;
	_ =	sdelay $0x1  }
0xa1: {  	s23 =	simm.s32 $0x1B8B  }
0xa2: {  	_ =	swait.ge [sflag:s23], $0x1  }
0xa3: {  	[sflag:s23] =	ssyncset.done $0x0  }
0xa4: {  	s25 =	simm.s32 $0x1B8E;
	s24 =	sld [smem:$0x3FFE];
	[sflag:s23] =	ssyncadd.s32 $0xFFFFFFFF  }
0xa5: {  	s26 =	simm.s32 $execute0_lowered;
	[smem:$0x3FD2] =	sst s25  }
0xa6: {  	s4 =	sshll.u32 s26, $0x1;
	_ =	strace $0x8000004C;
	[dreg:$0x1] =	wrdreg $0xFFFFFFFF  }
0xa7: {  	s28 =	simm.s32 $_size_execute0_lowered;
	s2 =	sadd.s32 s2, s4;
	[dreg:$0x0] =	wrdreg $0x0  }
0xa8: {  	s4 =	sshll.u32 s28, $0x1;
	[dreg:$0x2] =	wrdreg s2  }
0xa9: {  	[dreg:$0x3] =	wrdreg s4  }
0xaa: {  	[dreg:$0x4] =	wrdreg $0xC0  }
0xab: {  	_ =	task [dreg:s6], $0x5FFFF  }
0xac: {  	[dreg:$0x1] =	wrdreg $0xFFFFFFFF  }
0xad: {  	[dreg:$0x0] =	wrdreg $0x60  }
0xae: {  	[dreg:$0x2] =	wrdreg s24  }
0xaf: {  	[dreg:$0x3] =	wrdreg $0xBC000  }
0xb0: {  	[dreg:$0x4] =	wrdreg $0x9  }
0xb1: {  	_ =	task.clear_ibuf [dreg:s6], $0x5FFFF;
	_ =	strace $0x9000004C  }
0xb2: {  	s29 =	simm.s32 $0x9;
	_ =	strace $0x8000004E  }
0xb3: {  	_ =	swait.ge [sflag:s29], $0x1  }
0xb4: {  	[sflag:s29] =	ssyncadd.s32 $0xFFFFFFFF  }
0xb5: {  	_ =	strace $0x9000004E  }
0xb6: {  	_ =	sfence  }
0xb7: {  	s30 =	sld [smem:$0x0];
	_ =	sdelay $0x2  }
0xb8: {  	s31 =	sshll.u32 s1, $0xD;
	s1 =	sshrl.u32 s1, $0x2  }
0xb9: {  	s3 =	sand.u32 $0x4000, s31;
	s1 =	sadd.s32 s1, s30  }
0xba: {  	s0 =	sor.u32 s3, s0;
	s1 =	sshll.u32 s1, $0x11  }
0xbb: {  	s0 =	sor.u32 s1, s0  }
0xbc: {  	s0 =	sadd.s32 $0x8F2B, s0  }
0xbd: {  	[sflag:s0] =	ssyncadd.remote.s32 $0x1  }
0xbe: {  	_ =	sfence.sel $0xFFFF  }
0xbf: {  	[dreg:$0x0] =	wrdreg $0xFFFFFFFF;
	(pc) =	sbr.abs _section_cstart, $3  }
0xc0: {  	[dreg:$0x1] =	wrdreg $0xFFFFFFFF  }
0xc1: {  	_ =	task.clear_ibuf [dreg:s6], $0x2FFFF;
	_ =	strace $0x9FFFFFFF  }
0xc2: {  	(tm) =	ssettm $0x7FFFFFFF  }
0xc3: {  	_ =	shalt  }
tec
execute0_lowered:
.L_overlay_start_1:
0x0: {  	(tag) =	ssettag $0x1  }
0x1: {  	s0 =	rddreg [dreg:$0x0]  }
0x2: {  	s1 =	rddreg [dreg:$0x1]  }
0x3: {  	s2 =	simm.s32 $0x0;
	s12 =	stileid.u32;
	s3 =	srdreg.scid  }
0x4: {  	s19 =	simm.s32 $0x5;
	s20 =	simm.s32 $0x3C00;
	s28 =	simm.s32 $0x4  }
0x5: {  	s29 =	simm.s32 $0x3B00;
	s30 =	simm.s32 $0x3B80;
	s21 =	smul.u32 $0x500, s12  }
0x6: {  	s31 =	simm.s32 $0x1400;
	[smem:$0x7FF] =	sst s2;
	s4 =	smul.u32 $0x4E400, s12  }
0x7: {  	s5 =	sadd.s32 $0xF8000, s0;
	s3 =	sand.u32 $0x1, s3;
	s11 =	smul.u32 $0x4E000, s12  }
0x8: {  	s25 =	sadd.s32 $0x138000, s1;
	p0 =	sne.s32 s12, $0x0;
	s9 =	smul.u32 $0x4E200, s3  }
0x9: {  	_ =	strace $0x8000004D;
	s6 =	ssub.s32 $0x2, s3;
	s3 =	smul.u32 $0x271000, s3  }
0xa: {  	[dreg:$0x5] =	wrdreg s25;
	s25 =	simm.s32 $0x2;
	s2 =	sadd.s32 s21, s0  }
0xb: {  	s0 =	sadd.s32 $0xDA00, s0;
	s7 =	sshrl.u32 s6, $0x1;
	s4 =	sshrl.u32 s4, $0x2  }
0xc: {  	s23 =	sshrl.u32 s11, $0x2;
	s11 =	smul.u32 $0x2700, s12;
	s21 =	simm.s32 $0x2800  }
0xd: {  	s10 =	ssub.s32 s6, s7;
	s4 =	sadd.s32 s4, s1;
	s22 =	sadd.s32 $0x8A00, s2  }
0xe: {  	s7 =	sadd.s32 $0x3000, s2;
	s8 =	sadd.s32 s5, s9;
	s9 =	sadd.s32 s0, s9  }
0xf: {  	s2 =	sadd.s32 s23, s1;
	s24 =	sshrl.u32 s3, $0x3;
	[dreg:$0x3] =	wrdreg s22  }
0x10: {  	s23 =	simm.s32 $0x7C00;
	s6 =	sadd.s32 $0x10000, s4;
	[dreg:$0x4] =	wrdreg s2  }
0x11: {  	s2 =	sadd.s32 $0x27100, s24;
	s26 =	smax.u32 s10, $0x1;
	s16 =	sadd.s32 $0x4000, s4  }
0x12: {  	s17 =	sadd.s32 $0x8000, s4;
	s18 =	sadd.s32 $0xC000, s4;
	s22 =	simm.s32 $0x80  }
0x13: {  	s24 =	simm.s32 $0x1;
	s13 =	sadd.s32 s5, s2;
	s14 =	sadd.s32 s0, s2  }
0x14: {  	v0 =	vimm.f32 $0.0e+00;
	[dreg:$0x6] =	wrdreg s26;
	s26 =	simm.s32 $0x3;
	s2 =	simm.s32 $0x0  }
.LBB2_1:
0x15: {  	s0 =	simm.s32 $0x0;
	s3 =	rddreg [dreg:$0x3]  }
0x16: {  	[tilespmem:s0], [sflag:$0x5] =	stream.linear.gather [hbm4b:s3+s0], $0x2800, $0x38;
	[tilespmem:$0x1F500] =	vst v63  }
0x17: {  	_ =	swait.ge [sflag:s19], $0x2800  }
0x18: {  	[sflag:s19] =	ssyncset.done $0x0  }
0x19: {  	s5 =	simm.s32 $0x200;
	s3 =	simm.s32 $0x0;
	[sflag:s19] =	ssyncadd.s32 $0xFFFFD800  }
.LBB2_2:
0x1a: {  	p1 =	sne.s32 s5, $0xFE00;
	[tilespmem:s3+$0x3C70] =	vst v0  }
0x1b: {  	[tilespmem:s3+$0x3C00] =	vst v0  }
0x1c: {  	[tilespmem:s3+$0x3C10] =	vst v0  }
.Ltmp0:
0x1d: {  	[tilespmem:s3+$0x3C20] =	vst v0;
	(pc) =	sbr.rel @p1 .LBB2_2-.Ltmp0, $4  }
0x1e: {  	[tilespmem:s3+$0x3C30] =	vst v0  }
0x1f: {  	[tilespmem:s3+$0x3C40] =	vst v0  }
0x20: {  	[tilespmem:s3+$0x3C50] =	vst v0  }
0x21: {  	[tilespmem:s3+$0x3C60] =	vst v0;
	s3 =	sshra.s32 s5, $0x2;
	s5 =	sadd.s32 $0x200, s5  }
0x22: {  	[tilespmem:s3+$0x3C70] =	vst v0  }
0x23: {  	[tilespmem:s3+$0x3C00] =	vst v0  }
0x24: {  	[tilespmem:s3+$0x3C10] =	vst v0  }
0x25: {  	[tilespmem:s3+$0x3C20] =	vst v0  }
0x26: {  	[tilespmem:s3+$0x3C30] =	vst v0  }
0x27: {  	[tilespmem:s3+$0x3C40] =	vst v0  }
0x28: {  	[tilespmem:s3+$0x3C50] =	vst v0  }
0x29: {  	[tilespmem:s3+$0x3C60] =	vst v0  }
0x2a: {  	[spmem:s4] =	stream.linear.scatter [tilespmem:s20], [sflag:$0x5], $0x4000, $0x38;
	[tilespmem:$0x1F500] =	vst v63  }
0x2b: {  	_ =	swait.ge [sflag:s19], $0x4000  }
0x2c: {  	[sflag:s19] =	ssyncset.done $0x0  }
0x2d: {  	[sflag:s19] =	ssyncadd.s32 $0xFFFFC000  }
0x2e: {  	[spmem:s16] =	stream.linear.scatter [tilespmem:s20], [sflag:$0x5], $0x4000, $0x38;
	[tilespmem:$0x1F500] =	vst v63  }
0x2f: {  	_ =	swait.ge [sflag:s19], $0x4000  }
0x30: {  	[sflag:s19] =	ssyncset.done $0x0  }
0x31: {  	[sflag:s19] =	ssyncadd.s32 $0xFFFFC000  }
0x32: {  	[spmem:s17] =	stream.linear.scatter [tilespmem:s20], [sflag:$0x5], $0x4000, $0x38;
	[tilespmem:$0x1F500] =	vst v63  }
0x33: {  	_ =	swait.ge [sflag:s19], $0x4000  }
0x34: {  	[sflag:s19] =	ssyncset.done $0x0  }
0x35: {  	[sflag:s19] =	ssyncadd.s32 $0xFFFFC000  }
0x36: {  	[spmem:s18] =	stream.linear.scatter [tilespmem:s20], [sflag:$0x5], $0x4000, $0x38;
	[tilespmem:$0x1F500] =	vst v63  }
0x37: {  	_ =	swait.ge [sflag:s19], $0x4000  }
0x38: {  	[sflag:s19] =	ssyncset.done $0x0  }
0x39: {  	[sflag:s19] =	ssyncadd.s32 $0xFFFFC000  }
0x3a: {  	[spmem:s6] =	stream.linear.scatter [tilespmem:s20], [sflag:$0x5], $0x3900, $0x38;
	[tilespmem:$0x1F500] =	vst v63  }
0x3b: {  	_ =	swait.ge [sflag:s19], $0x3900  }
0x3c: {  	[sflag:s19] =	ssyncset.done $0x0  }
0x3d: {  	[sflag:s19] =	ssyncadd.s32 $0xFFFFC700  }
0x3e: {  	s5 =	simm.s32 $0x0;
	[bflag:$0x0] =	sbarrier.arrive $0xFFFF  }
0x3f: {  	[tilespmem:s21], [sflag:$0x5] =	stream.linear.gather [hbm4b:s7+s5], $0x1400, $0x38;
	[tilespmem:$0x1F500] =	vst v63  }
0x40: {  	_ =	swait.ge [sflag:s19], $0x1400  }
0x41: {  	[sflag:s19] =	ssyncset.done $0x0  }
0x42: {  	[sflag:s19] =	ssyncadd.s32 $0xFFFFEC00  }
0x43: {  	[tilespmem:s20], [sflag:$0x1] =	stream.indirect.gather [hbm4b:s8+s22], $0x80, s5, s22, $0xb8;
	[tilespmem:$0x1F500] =	vst v63  }
0x44: {  	_ = 	snop  }
0x45: {  	[tilespmem:s23], [sflag:$0x2] =	stream.indirect.gather [hbm4b:s8+s22], $0x80, s22, s22, $0xb8;
	[tilespmem:$0x1F500] =	vst v63  }
0x46: {  	_ =	swait.ge [sflag:s24], $0x4000  }
0x47: {  	[sflag:s24] =	ssyncset.done $0x0  }
0x48: {  	s10 =	simm.s32 $0x2800;
	[sflag:s24] =	ssyncadd.s32 $0xFFFFC000  }
0x49: {  	[spmem:s1] =	stream.indirect.scatter.add.f32 [tilespmem:s20], [sflag:$0x3], $0x80, s10, s22, $0xb8;
	[tilespmem:$0x1F500] =	vst v63  }
0x4a: {  	_ =	swait.ge [sflag:s25], $0x4000  }
0x4b: {  	[sflag:s25] =	ssyncset.done $0x0  }
0x4c: {  	s12 =	simm.s32 $0x2880;
	[sflag:s25] =	ssyncadd.s32 $0xFFFFC000  }
0x4d: {  	[spmem:s1] =	stream.indirect.scatter.add.f32 [tilespmem:s23], [sflag:$0x4], $0x80, s12, s22, $0xb8;
	[tilespmem:$0x1F500] =	vst v63  }
0x4e: {  	_ =	swait.ge [sflag:s26], $0x4000  }
0x4f: {  	[sflag:s26] =	ssyncset.done $0x0  }
0x50: {  	s15 =	simm.s32 $0x100;
	[sflag:s26] =	ssyncadd.s32 $0xFFFFC000  }
0x51: {  	[tilespmem:s20], [sflag:$0x1] =	stream.indirect.gather [hbm4b:s8+s22], $0x80, s15, s22, $0xb8;
	[tilespmem:$0x1F500] =	vst v63  }
0x52: {  	_ =	swait.ge [sflag:s28], $0x4000  }
0x53: {  	[sflag:s28] =	ssyncset.done $0x0  }
0x54: {  	s3 =	simm.s32 $0x400;
	s5 =	simm.s32 $0x180;
	[sflag:s28] =	ssyncadd.s32 $0xFFFFC000  }
.LBB2_4:
0x55: {  	[tilespmem:s23], [sflag:$0x2] =	stream.indirect.gather [hbm4b:s8+s22], $0x80, s5, s22, $0xb8;
	[tilespmem:$0x1F500] =	vst v63  }
0x56: {  	s5 =	smov.u32 s3  }
0x57: {  	p1 =	sne.s32 s3, $0x4800;
	s3 =	sadd.s32 $0x400, s3;
	_ =	swait.ge [sflag:s24], $0x4000  }
0x58: {  	s5 =	sshra.s32 s5, $0x2;
	[sflag:s24] =	ssyncset.done $0x0  }
0x59: {  	s10 =	sadd.s32 $0x2800, s5;
	[sflag:s24] =	ssyncadd.s32 $0xFFFFC000  }
0x5a: {  	[spmem:s1] =	stream.indirect.scatter.add.f32 [tilespmem:s20], [sflag:$0x3], $0x80, s10, s22, $0xb8;
	[tilespmem:$0x1F500] =	vst v63  }
0x5b: {  	_ =	swait.ge [sflag:s25], $0x4000  }
0x5c: {  	[sflag:s25] =	ssyncset.done $0x0  }
0x5d: {  	s10 =	sadd.s32 $0x2880, s5;
	[sflag:s25] =	ssyncadd.s32 $0xFFFFC000  }
0x5e: {  	[spmem:s1] =	stream.indirect.scatter.add.f32 [tilespmem:s23], [sflag:$0x4], $0x80, s10, s22, $0xb8;
	[tilespmem:$0x1F500] =	vst v63  }
0x5f: {  	_ =	swait.ge [sflag:s26], $0x4000  }
0x60: {  	[sflag:s26] =	ssyncset.done $0x0  }
.Ltmp1:
0x61: {  	s10 =	sadd.s32 $0x100, s5;
	[sflag:s26] =	ssyncadd.s32 $0xFFFFC000;
	(pc) =	sbr.rel @p1 .LBB2_4-.Ltmp1, $4  }
0x62: {  	[tilespmem:s20], [sflag:$0x1] =	stream.indirect.gather [hbm4b:s8+s22], $0x80, s10, s22, $0xb8;
	[tilespmem:$0x1F500] =	vst v63  }
0x63: {  	_ =	swait.ge [sflag:s28], $0x4000  }
0x64: {  	[sflag:s28] =	ssyncset.done $0x0  }
0x65: {  	s5 =	sadd.s32 $0x180, s5;
	[sflag:s28] =	ssyncadd.s32 $0xFFFFC000  }
0x66: {  	[tilespmem:s23], [sflag:$0x2] =	stream.indirect.gather [hbm4b:s8+s22], $0x80, s5, s22, $0xb8;
	[tilespmem:$0x1F500] =	vst v63  }
0x67: {  	_ =	swait.ge [sflag:s24], $0x4000  }
0x68: {  	[sflag:s24] =	ssyncset.done $0x0  }
0x69: {  	[sflag:s24] =	ssyncadd.s32 $0xFFFFC000  }
0x6a: {  	[spmem:s1] =	stream.indirect.scatter.add.f32 [tilespmem:s20], [sflag:$0x5], $0x80, s29, s22, $0xb8;
	[tilespmem:$0x1F500] =	vst v63  }
0x6b: {  	_ =	swait.ge [sflag:s19], $0x4000  }
0x6c: {  	[sflag:s19] =	ssyncset.done $0x0  }
0x6d: {  	[sflag:s19] =	ssyncadd.s32 $0xFFFFC000  }
0x6e: {  	_ =	swait.ge [sflag:s25], $0x4000  }
0x6f: {  	[sflag:s25] =	ssyncset.done $0x0  }
0x70: {  	[sflag:s25] =	ssyncadd.s32 $0xFFFFC000  }
0x71: {  	[spmem:s1] =	stream.indirect.scatter.add.f32 [tilespmem:s23], [sflag:$0x5], $0x80, s30, s22, $0xb8;
	[tilespmem:$0x1F500] =	vst v63  }
0x72: {  	_ =	swait.ge [sflag:s19], $0x4000  }
0x73: {  	[sflag:s19] =	ssyncset.done $0x0  }
0x74: {  	s5 =	sadd.s32 $0x280, s7;
	s3 =	simm.s32 $0x0;
	[sflag:s19] =	ssyncadd.s32 $0xFFFFC000  }
0x75: {  	[tilespmem:s21], [sflag:$0x5] =	stream.linear.gather [hbm4b:s5+s3], $0x1400, $0x38;
	[tilespmem:$0x1F500] =	vst v63  }
0x76: {  	_ =	swait.ge [sflag:s19], $0x1400  }
0x77: {  	[sflag:s19] =	ssyncset.done $0x0  }
0x78: {  	[sflag:s19] =	ssyncadd.s32 $0xFFFFEC00  }
0x79: {  	[tilespmem:s20], [sflag:$0x1] =	stream.indirect.gather [hbm4b:s8+s22], $0x80, s31, s22, $0xb8;
	[tilespmem:$0x1F500] =	vst v63  }
0x7a: {  	s0 =	simm.s32 $0x1480  }
0x7b: {  	[tilespmem:s23], [sflag:$0x2] =	stream.indirect.gather [hbm4b:s8+s22], $0x80, s0, s22, $0xb8;
	[tilespmem:$0x1F500] =	vst v63  }
0x7c: {  	_ =	swait.ge [sflag:s24], $0x4000  }
0x7d: {  	[sflag:s24] =	ssyncset.done $0x0  }
0x7e: {  	s12 =	simm.s32 $0x2800;
	[sflag:s24] =	ssyncadd.s32 $0xFFFFC000  }
0x7f: {  	[spmem:s1] =	stream.indirect.scatter.add.f32 [tilespmem:s20], [sflag:$0x3], $0x80, s12, s22, $0xb8;
	[tilespmem:$0x1F500] =	vst v63  }
0x80: {  	_ =	swait.ge [sflag:s25], $0x4000  }
0x81: {  	[sflag:s25] =	ssyncset.done $0x0  }
0x82: {  	s15 =	simm.s32 $0x2880;
	[sflag:s25] =	ssyncadd.s32 $0xFFFFC000  }
0x83: {  	[spmem:s1] =	stream.indirect.scatter.add.f32 [tilespmem:s23], [sflag:$0x4], $0x80, s15, s22, $0xb8;
	[tilespmem:$0x1F500] =	vst v63  }
0x84: {  	_ =	swait.ge [sflag:s26], $0x4000  }
0x85: {  	[sflag:s26] =	ssyncset.done $0x0  }
0x86: {  	s31 =	simm.s32 $0x1500;
	[sflag:s26] =	ssyncadd.s32 $0xFFFFC000  }
0x87: {  	[tilespmem:s20], [sflag:$0x1] =	stream.indirect.gather [hbm4b:s8+s22], $0x80, s31, s22, $0xb8;
	[tilespmem:$0x1F500] =	vst v63  }
0x88: {  	_ =	swait.ge [sflag:s28], $0x4000  }
0x89: {  	[sflag:s28] =	ssyncset.done $0x0  }
0x8a: {  	s10 =	simm.s32 $0x1580;
	s3 =	simm.s32 $0x400;
	[sflag:s28] =	ssyncadd.s32 $0xFFFFC000  }
.LBB2_6:
0x8b: {  	[tilespmem:s23], [sflag:$0x2] =	stream.indirect.gather [hbm4b:s8+s22], $0x80, s10, s22, $0xb8;
	[tilespmem:$0x1F500] =	vst v63  }
0x8c: {  	s10 =	smov.u32 s3  }
0x8d: {  	p1 =	sne.s32 s3, $0x4800;
	s3 =	sadd.s32 $0x400, s3;
	_ =	swait.ge [sflag:s24], $0x4000  }
0x8e: {  	s10 =	sshra.s32 s10, $0x2;
	[sflag:s24] =	ssyncset.done $0x0  }
0x8f: {  	s12 =	sadd.s32 $0x2800, s10;
	[sflag:s24] =	ssyncadd.s32 $0xFFFFC000  }
0x90: {  	[spmem:s1] =	stream.indirect.scatter.add.f32 [tilespmem:s20], [sflag:$0x3], $0x80, s12, s22, $0xb8;
	[tilespmem:$0x1F500] =	vst v63  }
0x91: {  	_ =	swait.ge [sflag:s25], $0x4000  }
0x92: {  	[sflag:s25] =	ssyncset.done $0x0  }
0x93: {  	s12 =	sadd.s32 $0x2880, s10;
	[sflag:s25] =	ssyncadd.s32 $0xFFFFC000  }
0x94: {  	[spmem:s1] =	stream.indirect.scatter.add.f32 [tilespmem:s23], [sflag:$0x4], $0x80, s12, s22, $0xb8;
	[tilespmem:$0x1F500] =	vst v63  }
0x95: {  	_ =	swait.ge [sflag:s26], $0x4000  }
0x96: {  	[sflag:s26] =	ssyncset.done $0x0  }
.Ltmp2:
0x97: {  	s12 =	sadd.s32 $0x1500, s10;
	[sflag:s26] =	ssyncadd.s32 $0xFFFFC000;
	(pc) =	sbr.rel @p1 .LBB2_6-.Ltmp2, $4  }
0x98: {  	[tilespmem:s20], [sflag:$0x1] =	stream.indirect.gather [hbm4b:s8+s22], $0x80, s12, s22, $0xb8;
	[tilespmem:$0x1F500] =	vst v63  }
0x99: {  	_ =	swait.ge [sflag:s28], $0x4000  }
0x9a: {  	[sflag:s28] =	ssyncset.done $0x0  }
0x9b: {  	s10 =	sadd.s32 $0x1580, s10;
	[sflag:s28] =	ssyncadd.s32 $0xFFFFC000  }
0x9c: {  	[tilespmem:s23], [sflag:$0x2] =	stream.indirect.gather [hbm4b:s8+s22], $0x80, s10, s22, $0xb8;
	[tilespmem:$0x1F500] =	vst v63  }
0x9d: {  	_ =	swait.ge [sflag:s24], $0x4000  }
0x9e: {  	[sflag:s24] =	ssyncset.done $0x0  }
0x9f: {  	[sflag:s24] =	ssyncadd.s32 $0xFFFFC000  }
0xa0: {  	[spmem:s1] =	stream.indirect.scatter.add.f32 [tilespmem:s20], [sflag:$0x5], $0x80, s29, s22, $0xb8;
	[tilespmem:$0x1F500] =	vst v63  }
0xa1: {  	_ =	swait.ge [sflag:s19], $0x4000  }
0xa2: {  	[sflag:s19] =	ssyncset.done $0x0  }
0xa3: {  	[sflag:s19] =	ssyncadd.s32 $0xFFFFC000  }
0xa4: {  	_ =	swait.ge [sflag:s25], $0x4000  }
0xa5: {  	[sflag:s25] =	ssyncset.done $0x0  }
0xa6: {  	[sflag:s25] =	ssyncadd.s32 $0xFFFFC000  }
0xa7: {  	[spmem:s1] =	stream.indirect.scatter.add.f32 [tilespmem:s23], [sflag:$0x5], $0x80, s30, s22, $0xb8;
	[tilespmem:$0x1F500] =	vst v63  }
0xa8: {  	_ =	swait.ge [sflag:s19], $0x4000  }
0xa9: {  	[sflag:s19] =	ssyncset.done $0x0  }
0xaa: {  	[sflag:s19] =	ssyncadd.s32 $0xFFFFC000  }
0xab: {  	s0 =	stileid.u32;
	[bflag:$0x0] =	sbarrier.arrive $0xFFFF  }
0xac: {  	s3 =	sshll.u32 s0, $0x6;
	s15 =	rddreg [dreg:$0x4]  }
0xad: {  	s12 =	sadd.s32 s11, s9;
	s3 =	sor.u32 $0x1C05, s3;
	s10 =	sshrl.u32 s15, $0x3  }
0xae: {  	[hbm:s12], [sflag:s3] =	dma.local [spmem:s10], $0x2700  }
0xaf: {  	_ =	swait.ge [sflag:s19], $0x2700  }
0xb0: {  	[sflag:s19] =	ssyncset.done $0x0;
	s0 =	rddreg [dreg:$0x5]  }
0xb1: {  	s15 =	sadd.s32 @!p0 $0x27000, s9;
	[sflag:s19] =	ssyncadd.s32 $0xFFFFD900;
	s12 =	sshrl.u32 @!p0 s0, $0x3  }
0xb2: {  	[hbm:s15], [sflag:s3] =	dma.local @!p0 [spmem:s12], $0x100  }
0xb3: {  	s15 =	simm.s32 @!p0 $0x5  }
0xb4: {  	_ =	swait.ge @!p0 [sflag:s15], $0x100  }
0xb5: {  	[sflag:s15] =	ssyncset.done @!p0 $0x0  }
0xb6: {  	[sflag:s15] =	ssyncadd.s32 @!p0 $0xFFFFFF00  }
0xb7: {  	s31 =	simm.s32 $0x200;
	s15 =	simm.s32 $0x0;
	[bflag:$0x0] =	sbarrier.arrive $0xFFFF  }
.LBB2_8:
0xb8: {  	p1 =	sne.s32 s31, $0xFE00;
	[tilespmem:s15+$0x3C70] =	vst v0  }
0xb9: {  	[tilespmem:s15+$0x3C00] =	vst v0  }
0xba: {  	[tilespmem:s15+$0x3C10] =	vst v0  }
.Ltmp3:
0xbb: {  	[tilespmem:s15+$0x3C20] =	vst v0;
	(pc) =	sbr.rel @p1 .LBB2_8-.Ltmp3, $4  }
0xbc: {  	[tilespmem:s15+$0x3C30] =	vst v0  }
0xbd: {  	[tilespmem:s15+$0x3C40] =	vst v0  }
0xbe: {  	[tilespmem:s15+$0x3C50] =	vst v0  }
0xbf: {  	[tilespmem:s15+$0x3C60] =	vst v0;
	s15 =	sshra.s32 s31, $0x2;
	s31 =	sadd.s32 $0x200, s31  }
0xc0: {  	[tilespmem:s15+$0x3C70] =	vst v0  }
0xc1: {  	[tilespmem:s15+$0x3C00] =	vst v0  }
0xc2: {  	[tilespmem:s15+$0x3C10] =	vst v0  }
0xc3: {  	[tilespmem:s15+$0x3C20] =	vst v0  }
0xc4: {  	[tilespmem:s15+$0x3C30] =	vst v0  }
0xc5: {  	[tilespmem:s15+$0x3C40] =	vst v0  }
0xc6: {  	[tilespmem:s15+$0x3C50] =	vst v0  }
0xc7: {  	[tilespmem:s15+$0x3C60] =	vst v0  }
0xc8: {  	[spmem:s4] =	stream.linear.scatter [tilespmem:s20], [sflag:$0x5], $0x4000, $0x38;
	[tilespmem:$0x1F500] =	vst v63  }
0xc9: {  	_ =	swait.ge [sflag:s19], $0x4000  }
0xca: {  	[sflag:s19] =	ssyncset.done $0x0  }
0xcb: {  	[sflag:s19] =	ssyncadd.s32 $0xFFFFC000  }
0xcc: {  	[spmem:s16] =	stream.linear.scatter [tilespmem:s20], [sflag:$0x5], $0x4000, $0x38;
	[tilespmem:$0x1F500] =	vst v63  }
0xcd: {  	_ =	swait.ge [sflag:s19], $0x4000  }
0xce: {  	[sflag:s19] =	ssyncset.done $0x0  }
0xcf: {  	[sflag:s19] =	ssyncadd.s32 $0xFFFFC000  }
0xd0: {  	[spmem:s17] =	stream.linear.scatter [tilespmem:s20], [sflag:$0x5], $0x4000, $0x38;
	[tilespmem:$0x1F500] =	vst v63  }
0xd1: {  	_ =	swait.ge [sflag:s19], $0x4000  }
0xd2: {  	[sflag:s19] =	ssyncset.done $0x0  }
0xd3: {  	[sflag:s19] =	ssyncadd.s32 $0xFFFFC000  }
0xd4: {  	[spmem:s18] =	stream.linear.scatter [tilespmem:s20], [sflag:$0x5], $0x4000, $0x38;
	[tilespmem:$0x1F500] =	vst v63  }
0xd5: {  	_ =	swait.ge [sflag:s19], $0x4000  }
0xd6: {  	[sflag:s19] =	ssyncset.done $0x0  }
0xd7: {  	[sflag:s19] =	ssyncadd.s32 $0xFFFFC000  }
0xd8: {  	[spmem:s6] =	stream.linear.scatter [tilespmem:s20], [sflag:$0x5], $0x3900, $0x38;
	[tilespmem:$0x1F500] =	vst v63  }
0xd9: {  	_ =	swait.ge [sflag:s19], $0x3900  }
0xda: {  	[sflag:s19] =	ssyncset.done $0x0  }
0xdb: {  	[sflag:s19] =	ssyncadd.s32 $0xFFFFC700  }
0xdc: {  	s0 =	simm.s32 $0x0;
	[bflag:$0x0] =	sbarrier.arrive $0xFFFF  }
0xdd: {  	[tilespmem:s21], [sflag:$0x5] =	stream.linear.gather [hbm4b:s7+s0], $0x1400, $0x38;
	[tilespmem:$0x1F500] =	vst v63  }
0xde: {  	_ =	swait.ge [sflag:s19], $0x1400  }
0xdf: {  	[sflag:s19] =	ssyncset.done $0x0  }
0xe0: {  	[sflag:s19] =	ssyncadd.s32 $0xFFFFEC00  }
0xe1: {  	[tilespmem:s20], [sflag:$0x1] =	stream.indirect.gather [hbm4b:s13+s22], $0x80, s0, s22, $0xb8;
	[tilespmem:$0x1F500] =	vst v63  }
0xe2: {  	_ = 	snop  }
0xe3: {  	[tilespmem:s23], [sflag:$0x2] =	stream.indirect.gather [hbm4b:s13+s22], $0x80, s22, s22, $0xb8;
	[tilespmem:$0x1F500] =	vst v63  }
0xe4: {  	_ =	swait.ge [sflag:s24], $0x4000  }
0xe5: {  	[sflag:s24] =	ssyncset.done $0x0  }
0xe6: {  	s0 =	simm.s32 $0x2800;
	[sflag:s24] =	ssyncadd.s32 $0xFFFFC000  }
0xe7: {  	[spmem:s1] =	stream.indirect.scatter.add.f32 [tilespmem:s20], [sflag:$0x3], $0x80, s0, s22, $0xb8;
	[tilespmem:$0x1F500] =	vst v63  }
0xe8: {  	_ =	swait.ge [sflag:s25], $0x4000  }
0xe9: {  	[sflag:s25] =	ssyncset.done $0x0  }
0xea: {  	s0 =	simm.s32 $0x2880;
	[sflag:s25] =	ssyncadd.s32 $0xFFFFC000  }
0xeb: {  	[spmem:s1] =	stream.indirect.scatter.add.f32 [tilespmem:s23], [sflag:$0x4], $0x80, s0, s22, $0xb8;
	[tilespmem:$0x1F500] =	vst v63  }
0xec: {  	_ =	swait.ge [sflag:s26], $0x4000  }
0xed: {  	[sflag:s26] =	ssyncset.done $0x0  }
0xee: {  	s0 =	simm.s32 $0x100;
	[sflag:s26] =	ssyncadd.s32 $0xFFFFC000  }
0xef: {  	[tilespmem:s20], [sflag:$0x1] =	stream.indirect.gather [hbm4b:s13+s22], $0x80, s0, s22, $0xb8;
	[tilespmem:$0x1F500] =	vst v63  }
0xf0: {  	_ =	swait.ge [sflag:s28], $0x4000  }
0xf1: {  	[sflag:s28] =	ssyncset.done $0x0  }
0xf2: {  	s15 =	simm.s32 $0x400;
	s31 =	simm.s32 $0x180;
	[sflag:s28] =	ssyncadd.s32 $0xFFFFC000  }
.LBB2_10:
0xf3: {  	[tilespmem:s23], [sflag:$0x2] =	stream.indirect.gather [hbm4b:s13+s22], $0x80, s31, s22, $0xb8;
	[tilespmem:$0x1F500] =	vst v63  }
0xf4: {  	s31 =	smov.u32 s15  }
0xf5: {  	p1 =	sne.s32 s15, $0x4800;
	s15 =	sadd.s32 $0x400, s15;
	_ =	swait.ge [sflag:s24], $0x4000  }
0xf6: {  	s31 =	sshra.s32 s31, $0x2;
	[sflag:s24] =	ssyncset.done $0x0  }
0xf7: {  	s0 =	sadd.s32 $0x2800, s31;
	[sflag:s24] =	ssyncadd.s32 $0xFFFFC000  }
0xf8: {  	[spmem:s1] =	stream.indirect.scatter.add.f32 [tilespmem:s20], [sflag:$0x3], $0x80, s0, s22, $0xb8;
	[tilespmem:$0x1F500] =	vst v63  }
0xf9: {  	_ =	swait.ge [sflag:s25], $0x4000  }
0xfa: {  	[sflag:s25] =	ssyncset.done $0x0  }
0xfb: {  	s0 =	sadd.s32 $0x2880, s31;
	[sflag:s25] =	ssyncadd.s32 $0xFFFFC000  }
0xfc: {  	[spmem:s1] =	stream.indirect.scatter.add.f32 [tilespmem:s23], [sflag:$0x4], $0x80, s0, s22, $0xb8;
	[tilespmem:$0x1F500] =	vst v63  }
0xfd: {  	_ =	swait.ge [sflag:s26], $0x4000  }
0xfe: {  	[sflag:s26] =	ssyncset.done $0x0  }
.Ltmp4:
0xff: {  	s0 =	sadd.s32 $0x100, s31;
	[sflag:s26] =	ssyncadd.s32 $0xFFFFC000;
	(pc) =	sbr.rel @p1 .LBB2_10-.Ltmp4, $4  }
0x100: {  	[tilespmem:s20], [sflag:$0x1] =	stream.indirect.gather [hbm4b:s13+s22], $0x80, s0, s22, $0xb8;
	[tilespmem:$0x1F500] =	vst v63  }
0x101: {  	_ =	swait.ge [sflag:s28], $0x4000  }
0x102: {  	[sflag:s28] =	ssyncset.done $0x0  }
0x103: {  	s31 =	sadd.s32 $0x180, s31;
	[sflag:s28] =	ssyncadd.s32 $0xFFFFC000  }
0x104: {  	[tilespmem:s23], [sflag:$0x2] =	stream.indirect.gather [hbm4b:s13+s22], $0x80, s31, s22, $0xb8;
	[tilespmem:$0x1F500] =	vst v63  }
0x105: {  	_ =	swait.ge [sflag:s24], $0x4000  }
0x106: {  	[sflag:s24] =	ssyncset.done $0x0  }
0x107: {  	[sflag:s24] =	ssyncadd.s32 $0xFFFFC000  }
0x108: {  	[spmem:s1] =	stream.indirect.scatter.add.f32 [tilespmem:s20], [sflag:$0x5], $0x80, s29, s22, $0xb8;
	[tilespmem:$0x1F500] =	vst v63  }
0x109: {  	_ =	swait.ge [sflag:s19], $0x4000  }
0x10a: {  	[sflag:s19] =	ssyncset.done $0x0  }
0x10b: {  	[sflag:s19] =	ssyncadd.s32 $0xFFFFC000  }
0x10c: {  	_ =	swait.ge [sflag:s25], $0x4000  }
0x10d: {  	[sflag:s25] =	ssyncset.done $0x0  }
0x10e: {  	[sflag:s25] =	ssyncadd.s32 $0xFFFFC000  }
0x10f: {  	[spmem:s1] =	stream.indirect.scatter.add.f32 [tilespmem:s23], [sflag:$0x5], $0x80, s30, s22, $0xb8;
	[tilespmem:$0x1F500] =	vst v63  }
0x110: {  	_ =	swait.ge [sflag:s19], $0x4000  }
0x111: {  	[sflag:s19] =	ssyncset.done $0x0  }
0x112: {  	s0 =	simm.s32 $0x0;
	[sflag:s19] =	ssyncadd.s32 $0xFFFFC000  }
0x113: {  	[tilespmem:s21], [sflag:$0x5] =	stream.linear.gather [hbm4b:s5+s0], $0x1400, $0x38;
	[tilespmem:$0x1F500] =	vst v63  }
0x114: {  	_ =	swait.ge [sflag:s19], $0x1400  }
0x115: {  	[sflag:s19] =	ssyncset.done $0x0  }
0x116: {  	s31 =	simm.s32 $0x1400;
	[sflag:s19] =	ssyncadd.s32 $0xFFFFEC00  }
0x117: {  	[tilespmem:s20], [sflag:$0x1] =	stream.indirect.gather [hbm4b:s13+s22], $0x80, s31, s22, $0xb8;
	[tilespmem:$0x1F500] =	vst v63  }
0x118: {  	s5 =	simm.s32 $0x1480  }
0x119: {  	[tilespmem:s23], [sflag:$0x2] =	stream.indirect.gather [hbm4b:s13+s22], $0x80, s5, s22, $0xb8;
	[tilespmem:$0x1F500] =	vst v63  }
0x11a: {  	_ =	swait.ge [sflag:s24], $0x4000  }
0x11b: {  	[sflag:s24] =	ssyncset.done $0x0  }
0x11c: {  	s15 =	simm.s32 $0x2800;
	[sflag:s24] =	ssyncadd.s32 $0xFFFFC000  }
0x11d: {  	[spmem:s1] =	stream.indirect.scatter.add.f32 [tilespmem:s20], [sflag:$0x3], $0x80, s15, s22, $0xb8;
	[tilespmem:$0x1F500] =	vst v63  }
0x11e: {  	_ =	swait.ge [sflag:s25], $0x4000  }
0x11f: {  	[sflag:s25] =	ssyncset.done $0x0  }
0x120: {  	s5 =	simm.s32 $0x2880;
	[sflag:s25] =	ssyncadd.s32 $0xFFFFC000  }
0x121: {  	[spmem:s1] =	stream.indirect.scatter.add.f32 [tilespmem:s23], [sflag:$0x4], $0x80, s5, s22, $0xb8;
	[tilespmem:$0x1F500] =	vst v63  }
0x122: {  	_ =	swait.ge [sflag:s26], $0x4000  }
0x123: {  	[sflag:s26] =	ssyncset.done $0x0  }
0x124: {  	s15 =	simm.s32 $0x1500;
	[sflag:s26] =	ssyncadd.s32 $0xFFFFC000  }
0x125: {  	[tilespmem:s20], [sflag:$0x1] =	stream.indirect.gather [hbm4b:s13+s22], $0x80, s15, s22, $0xb8;
	[tilespmem:$0x1F500] =	vst v63  }
0x126: {  	_ =	swait.ge [sflag:s28], $0x4000  }
0x127: {  	[sflag:s28] =	ssyncset.done $0x0  }
0x128: {  	s5 =	simm.s32 $0x400;
	s15 =	simm.s32 $0x1580;
	[sflag:s28] =	ssyncadd.s32 $0xFFFFC000  }
.LBB2_12:
0x129: {  	[tilespmem:s23], [sflag:$0x2] =	stream.indirect.gather [hbm4b:s13+s22], $0x80, s15, s22, $0xb8;
	[tilespmem:$0x1F500] =	vst v63  }
0x12a: {  	s0 =	smov.u32 s5  }
0x12b: {  	p1 =	sne.s32 s5, $0x4800;
	s5 =	sadd.s32 $0x400, s5;
	_ =	swait.ge [sflag:s24], $0x4000  }
0x12c: {  	s0 =	sshra.s32 s0, $0x2;
	[sflag:s24] =	ssyncset.done $0x0  }
0x12d: {  	s15 =	sadd.s32 $0x2800, s0;
	[sflag:s24] =	ssyncadd.s32 $0xFFFFC000  }
0x12e: {  	[spmem:s1] =	stream.indirect.scatter.add.f32 [tilespmem:s20], [sflag:$0x3], $0x80, s15, s22, $0xb8;
	[tilespmem:$0x1F500] =	vst v63  }
0x12f: {  	_ =	swait.ge [sflag:s25], $0x4000  }
0x130: {  	[sflag:s25] =	ssyncset.done $0x0  }
0x131: {  	s15 =	sadd.s32 $0x2880, s0;
	[sflag:s25] =	ssyncadd.s32 $0xFFFFC000  }
0x132: {  	[spmem:s1] =	stream.indirect.scatter.add.f32 [tilespmem:s23], [sflag:$0x4], $0x80, s15, s22, $0xb8;
	[tilespmem:$0x1F500] =	vst v63  }
0x133: {  	_ =	swait.ge [sflag:s26], $0x4000  }
0x134: {  	[sflag:s26] =	ssyncset.done $0x0  }
.Ltmp5:
0x135: {  	s15 =	sadd.s32 $0x1500, s0;
	[sflag:s26] =	ssyncadd.s32 $0xFFFFC000;
	(pc) =	sbr.rel @p1 .LBB2_12-.Ltmp5, $4  }
0x136: {  	[tilespmem:s20], [sflag:$0x1] =	stream.indirect.gather [hbm4b:s13+s22], $0x80, s15, s22, $0xb8;
	[tilespmem:$0x1F500] =	vst v63  }
0x137: {  	_ =	swait.ge [sflag:s28], $0x4000  }
0x138: {  	[sflag:s28] =	ssyncset.done $0x0  }
0x139: {  	s15 =	sadd.s32 $0x1580, s0;
	[sflag:s28] =	ssyncadd.s32 $0xFFFFC000  }
0x13a: {  	[tilespmem:s23], [sflag:$0x2] =	stream.indirect.gather [hbm4b:s13+s22], $0x80, s15, s22, $0xb8;
	[tilespmem:$0x1F500] =	vst v63  }
0x13b: {  	_ =	swait.ge [sflag:s24], $0x4000  }
0x13c: {  	[sflag:s24] =	ssyncset.done $0x0  }
0x13d: {  	[sflag:s24] =	ssyncadd.s32 $0xFFFFC000  }
0x13e: {  	[spmem:s1] =	stream.indirect.scatter.add.f32 [tilespmem:s20], [sflag:$0x5], $0x80, s29, s22, $0xb8;
	[tilespmem:$0x1F500] =	vst v63  }
0x13f: {  	_ =	swait.ge [sflag:s19], $0x4000  }
0x140: {  	[sflag:s19] =	ssyncset.done $0x0  }
0x141: {  	[sflag:s19] =	ssyncadd.s32 $0xFFFFC000  }
0x142: {  	_ =	swait.ge [sflag:s25], $0x4000  }
0x143: {  	[sflag:s25] =	ssyncset.done $0x0  }
0x144: {  	[sflag:s25] =	ssyncadd.s32 $0xFFFFC000  }
0x145: {  	[spmem:s1] =	stream.indirect.scatter.add.f32 [tilespmem:s23], [sflag:$0x5], $0x80, s30, s22, $0xb8;
	[tilespmem:$0x1F500] =	vst v63  }
0x146: {  	_ =	swait.ge [sflag:s19], $0x4000  }
0x147: {  	[sflag:s19] =	ssyncset.done $0x0  }
0x148: {  	[sflag:s19] =	ssyncadd.s32 $0xFFFFC000  }
0x149: {  	s0 =	sadd.s32 s11, s14;
	[bflag:$0x0] =	sbarrier.arrive $0xFFFF  }
0x14a: {  	[hbm:s0], [sflag:s3] =	dma.local [spmem:s10], $0x2700  }
0x14b: {  	_ =	swait.ge [sflag:s19], $0x2700  }
0x14c: {  	[sflag:s19] =	ssyncset.done $0x0  }
0x14d: {  	s0 =	sadd.s32 @!p0 $0x27000, s14;
	[sflag:s19] =	ssyncadd.s32 $0xFFFFD900  }
0x14e: {  	[hbm:s0], [sflag:s3] =	dma.local @!p0 [spmem:s12], $0x100  }
0x14f: {  	s0 =	simm.s32 @!p0 $0x5  }
0x150: {  	_ =	swait.ge @!p0 [sflag:s0], $0x100  }
0x151: {  	s2 =	sadd.s32 $0x1, s2;
	s15 =	rddreg [dreg:$0x6]  }
0x152: {  	p1 =	sne.s32 s2, s15  }
.Ltmp6:
0x153: {  	_ = 	snop;
	(pc) =	sbr.rel @p1 .LBB2_1-.Ltmp6, $3  }
0x154: {  	[sflag:s0] =	ssyncset.done @!p0 $0x0  }
0x155: {  	[sflag:s0] =	ssyncadd.s32 @!p0 $0xFFFFFF00  }
0x156: {  	[bflag:$0x0] =	sbarrier.arrive $0xFFFF;
	_ =	sdelay $0x1  }
0x157: {  	_ =	sfence.sel $0x180000  }
0x158: {  	[bflag:$0x0] =	sbarrier.arrive $0xFFFF  }
0x159: {  	_ =	strace $0x9000004D  }
0x15a: {  	[bflag:$0x2] =	sbarrier.arrive $0xFFFF  }
0x15b: {  	s0 =	rddreg [dreg:$0x2]  }
0x15c: {  	s0 =	sadd.s32 @!p0 $0x100000, s0  }
0x15d: {  	[sflag:s0] =	ssyncadd.tile.s32 @!p0 $0x1;
	_ =	shalt  }
.Lfunc_end2:
_tile_overlayer_lowered:
.L_overlay_start_2:
0x15e: {  	(tag) =	ssettag $0x2  }
0x15f: {  	s0 =	rddreg [dreg:$0x0];
	s2 =	stileid.u32  }
0x160: {  	s1 =	rddreg [dreg:$0x1];
	p0 =	sne.s32 s2, $0x0  }
0x161: {  	s3 =	rddreg [dreg:$0x2];
	[bflag:$0x3] =	sbarrier.arrive $0xFFFF;
	s2 =	simm.s32 @!p0 $0x1C05  }
0x162: {  	[timem:s3], [sflag:s2] =	dma.local @!p0 [hbm:s0], s1  }
0x163: {  	s0 =	simm.s32 @!p0 $0x5  }
0x164: {  	_ =	swait.ge @!p0 [sflag:s0], s1  }
0x165: {  	s1 =	ssub.s32 @!p0 $0x0, s1;
	[sflag:s0] =	ssyncset.done @!p0 $0x0  }
0x166: {  	[sflag:s0] =	ssyncadd.s32 @!p0 s1  }
0x167: {  	[bflag:$0x3] =	sbarrier.arrive $0xFFFF  }
0x168: {  	_ =	shalt  }

</sc_bundles>
